<compile_context>
chip_gen: v7x
topology: tpu7x:2x2x1
jax: 0.10.2.dev20260603
libtpu: 0.0.44.dev20260713+nightly
codegen_flags: <defaults>
</compile_context>

<pallas_src>
import functools

import jax
import jax.numpy as jnp
from jax import lax
from jax.experimental import pallas as pl
from jax.experimental.pallas import tpu as pltpu
from jax.experimental.pallas import tpu_sc as plsc

NC = 2
NS = 16
L = 16
NW = NC * NS

C = 64


def _edge_mlp_body(ea_ref, w1_ref, b1_ref, w2_ref, b2_ref, o_ref):
    ea = ea_ref[...].astype(jnp.bfloat16)
    h = jnp.dot(ea, w1_ref[...], preferred_element_type=jnp.float32)
    h = jnp.maximum(h + b1_ref[...], 0.0).astype(jnp.bfloat16)
    o_ref[...] = (
        jnp.dot(h, w2_ref[...], preferred_element_type=jnp.float32) + b2_ref[...]
    )


def _out_body(x_ref, p_ref, ws_ref, wn_ref, bs_ref, bn_ref, o_ref):
    agg = p_ref[0] + p_ref[1]
    acc = jnp.dot(x_ref[...], ws_ref[...], preferred_element_type=jnp.float32)
    acc += jnp.dot(agg, wn_ref[...], preferred_element_type=jnp.float32)
    o_ref[...] = jnp.maximum(acc + bs_ref[...] + bn_ref[...], 0.0)


def _make_sc_scatter(n_pad, d, e_pad, trash_row):
    ew = e_pad // NW
    nchunk = ew // C
    half = nchunk // 2
    rows_per_tile = n_pad // NS
    gpd = d // L
    mesh = plsc.VectorSubcoreMesh(
        core_axis_name="c", subcore_axis_name="s", num_cores=NC, num_subcores=NS
    )

    @functools.partial(
        pl.kernel,
        out_type=jax.ShapeDtypeStruct((NC, n_pad, d), jnp.float32),
        mesh=mesh,
        scratch_types=[
            pltpu.VMEM((2, 2, C), jnp.int32),
            pltpu.VMEM((2, C, d), jnp.float32),
            pltpu.VMEM((2, C, d), jnp.float32),
            pltpu.VMEM((2, C, d), jnp.float32),
            pltpu.VMEM((2, C), jnp.int32),
            pltpu.VMEM_SHARED((n_pad, d), jnp.float32),
            pltpu.SemaphoreType.DMA,
            pltpu.SemaphoreType.DMA,
            pltpu.SemaphoreType.DMA,
            pltpu.SemaphoreType.DMA,
            pltpu.SemaphoreType.DMA,
            pltpu.SemaphoreType.DMA,
            pltpu.SemaphoreType.DMA,
            pltpu.SemaphoreType.DMA,
        ],
    )
    def sc_fn(x_hbm, idxg_hbm, w_hbm, part_hbm,
              idx_v, rows_v, w_v, msg_v, dstb_v, agg_sh,
              si0, si1, sg0, sg1, sw0, sw1, ss0, ss1):
        cid = lax.axis_index("c")
        sid = lax.axis_index("s")
        wid = sid * NC + cid
        g0 = wid * nchunk
        si = (si0, si1)
        sg = (sg0, sg1)
        sw = (sw0, sw1)
        ss = (ss0, ss1)

        zero = jnp.zeros((L,), jnp.float32)

        def zrow(r, _):
            for g in range(gpd):
                msg_v[0, r, pl.ds(g * L, L)] = zero
            return 0

        lax.fori_loop(0, C, zrow, 0)

        r0 = sid * rows_per_tile
        off = 0
        while off < rows_per_tile:
            nn = min(C, rows_per_tile - off)
            pltpu.sync_copy(msg_v.at[0].at[pl.ds(0, nn)],
                            agg_sh.at[pl.ds(r0 + off, nn)])
            off += nn
        plsc.subcore_barrier()

        def wait_idx(q):
            pltpu.make_async_copy(idxg_hbm.at[g0], idx_v.at[q], si[q]).wait()

        def wait_gw(p):
            pltpu.make_async_copy(x_hbm.at[idx_v.at[p, 0]], rows_v.at[p],
                                  sg[p]).wait()
            pltpu.make_async_copy(w_hbm.at[pl.ds(0, C)], w_v.at[p],
                                  sw[p]).wait()

        def drain_scatter(p):
            pltpu.make_async_copy(
                msg_v.at[p], agg_sh.at[dstb_v.at[p]], ss[p]).wait()

        def issue_gw(j, q):
            pltpu.async_copy(x_hbm.at[idx_v.at[q, 0]], rows_v.at[q], sg[q])
            pltpu.async_copy(w_hbm.at[pl.ds((g0 + j) * C, C)], w_v.at[q],
                             sw[q])

        def copy_dst(p):
            for g in range(C // L):
                sl = pl.ds(g * L, L)
                dstb_v[p, sl] = idx_v[p, 1, sl]

        def compute(p):
            def row(r2, _):
                for u in range(2):
                    r = 2 * r2 + u
                    for g in range(gpd):
                        sl = pl.ds(g * L, L)
                        msg_v[p, r, sl] = rows_v[p, r, sl] * w_v[p, r, sl]
                return 0

            lax.fori_loop(0, C // 2, row, 0)

        def chunk(j, p, q, drain, prefetch, sync_scatter):
            if prefetch:
                wait_idx(q)
                issue_gw(j + 1, q)
            wait_gw(p)
            if drain:
                drain_scatter(p)
            copy_dst(p)
            if prefetch:
                pltpu.async_copy(idxg_hbm.at[g0 + j + 2], idx_v.at[p], si[p])
            compute(p)
            if sync_scatter:
                pltpu.sync_copy(msg_v.at[p], agg_sh.at[dstb_v.at[p]],
                                add=True)
            else:
                pltpu.async_copy(msg_v.at[p], agg_sh.at[dstb_v.at[p]], ss[p],
                                 add=True)

        pltpu.sync_copy(idxg_hbm.at[g0], idx_v.at[0])
        pltpu.async_copy(idxg_hbm.at[g0 + 1], idx_v.at[1], si1)
        issue_gw(0, 0)

        chunk(0, 0, 1, drain=False, prefetch=True, sync_scatter=False)
        chunk(1, 1, 0, drain=False, prefetch=True, sync_scatter=False)

        def body(t, _):
            chunk(2 * t, 0, 1, drain=True, prefetch=True, sync_scatter=False)
            chunk(2 * t + 1, 1, 0, drain=True, prefetch=True,
                  sync_scatter=False)
            return 0

        lax.fori_loop(1, half - 1, body, 0)

        chunk(nchunk - 2, 0, 1, drain=True, prefetch=False, sync_scatter=True)
        pltpu.make_async_copy(idxg_hbm.at[g0], idx_v.at[1], si1).wait()
        issue_gw(nchunk - 1, 1)
        chunk(nchunk - 1, 1, 0, drain=True, prefetch=False, sync_scatter=True)

        plsc.subcore_barrier()
        pltpu.sync_copy(agg_sh.at[pl.ds(r0, rows_per_tile)],
                        part_hbm.at[cid, pl.ds(r0, rows_per_tile)])

    return sc_fn


def kernel(x, edge_index, edge_attr, W1, b1, W2, b2, Ws, bs, Wn, bn):
    n, d = x.shape
    e, ed = edge_attr.shape

    unit = 2 * NW * C
    e_pad = ((e + unit - 1) // unit) * unit
    pad = e_pad - e
    n_pad = (n // (NS * 8) + 1) * (NS * 8)

    src = edge_index[0]
    dst = edge_index[1]
    if pad:
        ar = jnp.arange(pad, dtype=jnp.int32)
        src = jnp.concatenate([src, ar % n])
        dst = jnp.concatenate([dst, n + ar % (n_pad - n)])
    idxg = jnp.stack([src.reshape(-1, C), dst.reshape(-1, C)], axis=1)

    be = 1280
    assert e % be == 0
    grid_e = e // be
    w = pl.pallas_call(
        _edge_mlp_body,
        grid=(grid_e,),
        in_specs=[
            pl.BlockSpec((be, ed), lambda i: (i, 0)),
            pl.BlockSpec((ed, d), lambda i: (0, 0)),
            pl.BlockSpec((1, d), lambda i: (0, 0)),
            pl.BlockSpec((d, d), lambda i: (0, 0)),
            pl.BlockSpec((1, d), lambda i: (0, 0)),
        ],
        out_specs=pl.BlockSpec((be, d), lambda i: (i, 0)),
        out_shape=jax.ShapeDtypeStruct((e_pad, d), jnp.float32),
    )(edge_attr, W1.astype(jnp.bfloat16), b1.reshape(1, d),
      W2.astype(jnp.bfloat16), b2.reshape(1, d))

    parts = _make_sc_scatter(n_pad, d, e_pad, n)(x, idxg, w)

    bn_rows = 1000
    grid_n = n // bn_rows
    out = pl.pallas_call(
        _out_body,
        grid=(grid_n,),
        in_specs=[
            pl.BlockSpec((bn_rows, d), lambda i: (i, 0)),
            pl.BlockSpec((NC, bn_rows, d), lambda i: (0, i, 0)),
            pl.BlockSpec((d, d), lambda i: (0, 0)),
            pl.BlockSpec((d, d), lambda i: (0, 0)),
            pl.BlockSpec((1, d), lambda i: (0, 0)),
            pl.BlockSpec((1, d), lambda i: (0, 0)),
        ],
        out_specs=pl.BlockSpec((bn_rows, d), lambda i: (i, 0)),
        out_shape=jax.ShapeDtypeStruct((n, d), jnp.float32),
    )(x, parts, Ws, Wn, bs.reshape(1, d), bn.reshape(1, d))
    return out

# --- scband reference (transcript-rebuilt; emitter-appended) ---
"""Pipeline reference for scband-edge-conv-layer-39737037423416 (READ-ONLY COPY).

The authoritative reference and input builder live on the scoring server;
editing this copy changes nothing except your own understanding.
"""

import jax, jax.numpy as jnp
import numpy as np

N, E, D, ED = 10000, 320000, 128, 17

def setup_inputs(seed: int = 0) -> dict:
    key = jax.random.key(seed)
    ks = jax.random.split(key, 12)
    x = jax.random.normal(ks[0], (N, D), dtype=jnp.float32)
    edge_index = jax.random.randint(ks[1], (2, E), 0, N, dtype=jnp.int32)
    edge_attr = jax.random.uniform(ks[2], (E, ED), dtype=jnp.float32)
    s1 = 1.0 / np.sqrt(ED)
    s2 = 1.0 / np.sqrt(D)
    W1 = jax.random.normal(ks[3], (ED, D), dtype=jnp.float32) * s1
    b1 = jnp.zeros((D,), dtype=jnp.float32)
    W2 = jax.random.normal(ks[4], (D, D), dtype=jnp.float32) * s2
    b2 = jnp.zeros((D,), dtype=jnp.float32)
    Ws = jax.random.normal(ks[5], (D, D), dtype=jnp.float32) * s2
    bs = jnp.zeros((D,), dtype=jnp.float32)
    Wn = jax.random.normal(ks[6], (D, D), dtype=jnp.float32) * s2
    bn = jnp.zeros((D,), dtype=jnp.float32)
    return {"x": x, "edge_index": edge_index, "edge_attr": edge_attr,
            "W1": W1, "b1": b1, "W2": W2, "b2": b2,
            "Ws": Ws, "bs": bs, "Wn": Wn, "bn": bn}

def reference(x, edge_index, edge_attr, W1, b1, W2, b2, Ws, bs, Wn, bn):
    src = edge_index[0]
    dst = edge_index[1]
    # edge_mlp: Linear -> ReLU -> Linear
    h = jnp.maximum(edge_attr @ W1 + b1, 0.0)
    w = h @ W2 + b2
    # message = edge weight * gathered source features
    msg = w * jnp.take(x, src, axis=0)
    # scatter-add aggregation into dst nodes
    agg = jnp.zeros_like(x).at[dst].add(msg)
    # out = ReLU(self_lin(x) + neigh_lin(agg))
    return jnp.maximum(x @ Ws + bs + agg @ Wn + bn, 0.0)

if __name__ == "__main__":
    import jax
    _d = setup_inputs()
    print(jax.jit(kernel)(*tuple(_d.values())))

</pallas_src>

<mosaic_0001>
#map = affine_map<(d0, d1) -> (0, 0)>
#map1 = affine_map<(d0, d1) -> (0, 0, 0)>
module attributes {stable_mosaic.version = 14 : i64} {
  func.func @sc_fn(%arg0: i32, %arg1: i32, %arg2: memref<10000x128xf32, #tpu.memory_space<hbm>>, %arg3: memref<5056x2x64xi32, #tpu.memory_space<hbm>>, %arg4: memref<323584x128xf32, #tpu.memory_space<hbm>>, %arg5: memref<2x10112x128xf32, #tpu.memory_space<hbm>>, %arg6: memref<2x2x64xi32, #tpu.memory_space<vmem>>, %arg7: memref<2x64x128xf32, #tpu.memory_space<vmem>>, %arg8: memref<2x64x128xf32, #tpu.memory_space<vmem>>, %arg9: memref<2x64x128xf32, #tpu.memory_space<vmem>>, %arg10: memref<2x64xi32, #tpu.memory_space<vmem>>, %arg11: memref<10112x128xf32, #tpu.memory_space<vmem_shared>>, %arg12: memref<!tpu.dma_semaphore, #tpu.memory_space<semaphore_mem>>, %arg13: memref<!tpu.dma_semaphore, #tpu.memory_space<semaphore_mem>>, %arg14: memref<!tpu.dma_semaphore, #tpu.memory_space<semaphore_mem>>, %arg15: memref<!tpu.dma_semaphore, #tpu.memory_space<semaphore_mem>>, %arg16: memref<!tpu.dma_semaphore, #tpu.memory_space<semaphore_mem>>, %arg17: memref<!tpu.dma_semaphore, #tpu.memory_space<semaphore_mem>>, %arg18: memref<!tpu.dma_semaphore, #tpu.memory_space<semaphore_mem>>, %arg19: memref<!tpu.dma_semaphore, #tpu.memory_space<semaphore_mem>>) attributes {dimension_semantics = [#tpu.dimension_semantics<core_parallel>, #tpu.dimension_semantics<subcore_parallel>], iteration_bounds = array<i64: 2, 16>, scalar_prefetch = 0 : i64, scratch_operands = 14 : i64, tpu.core_type = #tpu.core_type<sc_vector_subcore>, window_params = [{transform_indices = #map}, {transform_indices = #map1}, {transform_indices = #map}, {transform_indices = #map1}]} {
    %mul3A = arith.constant 2 : i32
    %mul3A_0 = arith.muli %arg1, %mul3A : i32
    %add3A = arith.addi %mul3A_0, %arg0 : i32
    %mul3A_1 = arith.constant 158 : i32
    %mul3A_2 = arith.muli %add3A, %mul3A_1 : i32
    %broadcast_in_dim3A = arith.constant 0.000000e+00 : f32
    %broadcast_in_dim3A_3 = vector.broadcast %broadcast_in_dim3A : f32 to vector<16xf32>
    %scan3A = arith.constant 0 : i32
    %scan3A_4 = arith.constant 0 : i32
    %scan3A_5 = arith.constant 64 : i32
    %scan3A_6 = arith.addi %scan3A_4, %scan3A_5 : i32
    %scan3A_7 = arith.constant 1 : i32
    %scan3A_8 = scf.for %scan3A_678 = %scan3A_4 to %scan3A_6 step %scan3A_7 iter_args(%scan3A_679 = %scan3A) -> (i32)  : i32 {
      %swap3A_680 = arith.constant 0 : i32
      %swap3A_681 = arith.index_cast %swap3A_680 : i32 to index
      %swap3A_682 = arith.index_cast %scan3A_678 : i32 to index
      %swap3A_683 = arith.constant 0 : index
      %swap3A_684 = tpu.vector_load %arg9[%swap3A_681, %swap3A_682, %swap3A_683] {strides = array<i32>} : memref<2x64x128xf32, #tpu.memory_space<vmem>>, vector<1x1x16xf32>,
      %swap3A_685 = vector.shape_cast %swap3A_684 : vector<1x1x16xf32> to vector<16xf32>
      %swap3A_686 = vector.shape_cast %broadcast_in_dim3A_3 : vector<16xf32> to vector<1x1x16xf32>
      tpu.vector_store %arg9[%swap3A_681, %swap3A_682, %swap3A_683], %swap3A_686 {strides = array<i32>} : memref<2x64x128xf32, #tpu.memory_space<vmem>>, vector<1x1x16xf32>,
      %swap3A_687 = arith.constant 0 : i32
      %swap3A_688 = arith.index_cast %swap3A_687 : i32 to index
      %swap3A_689 = arith.index_cast %scan3A_678 : i32 to index
      %swap3A_690 = arith.constant 16 : index
      %swap3A_691 = tpu.vector_load %arg9[%swap3A_688, %swap3A_689, %swap3A_690] {strides = array<i32>} : memref<2x64x128xf32, #tpu.memory_space<vmem>>, vector<1x1x16xf32>,
      %swap3A_692 = vector.shape_cast %swap3A_691 : vector<1x1x16xf32> to vector<16xf32>
      %swap3A_693 = vector.shape_cast %broadcast_in_dim3A_3 : vector<16xf32> to vector<1x1x16xf32>
      tpu.vector_store %arg9[%swap3A_688, %swap3A_689, %swap3A_690], %swap3A_693 {strides = array<i32>} : memref<2x64x128xf32, #tpu.memory_space<vmem>>, vector<1x1x16xf32>,
      %swap3A_694 = arith.constant 0 : i32
      %swap3A_695 = arith.index_cast %swap3A_694 : i32 to index
      %swap3A_696 = arith.index_cast %scan3A_678 : i32 to index
      %swap3A_697 = arith.constant 32 : index
      %swap3A_698 = tpu.vector_load %arg9[%swap3A_695, %swap3A_696, %swap3A_697] {strides = array<i32>} : memref<2x64x128xf32, #tpu.memory_space<vmem>>, vector<1x1x16xf32>,
      %swap3A_699 = vector.shape_cast %swap3A_698 : vector<1x1x16xf32> to vector<16xf32>
      %swap3A_700 = vector.shape_cast %broadcast_in_dim3A_3 : vector<16xf32> to vector<1x1x16xf32>
      tpu.vector_store %arg9[%swap3A_695, %swap3A_696, %swap3A_697], %swap3A_700 {strides = array<i32>} : memref<2x64x128xf32, #tpu.memory_space<vmem>>, vector<1x1x16xf32>,
      %swap3A_701 = arith.constant 0 : i32
      %swap3A_702 = arith.index_cast %swap3A_701 : i32 to index
      %swap3A_703 = arith.index_cast %scan3A_678 : i32 to index
      %swap3A_704 = arith.constant 48 : index
      %swap3A_705 = tpu.vector_load %arg9[%swap3A_702, %swap3A_703, %swap3A_704] {strides = array<i32>} : memref<2x64x128xf32, #tpu.memory_space<vmem>>, vector<1x1x16xf32>,
      %swap3A_706 = vector.shape_cast %swap3A_705 : vector<1x1x16xf32> to vector<16xf32>
      %swap3A_707 = vector.shape_cast %broadcast_in_dim3A_3 : vector<16xf32> to vector<1x1x16xf32>
      tpu.vector_store %arg9[%swap3A_702, %swap3A_703, %swap3A_704], %swap3A_707 {strides = array<i32>} : memref<2x64x128xf32, #tpu.memory_space<vmem>>, vector<1x1x16xf32>,
      %swap3A_708 = arith.constant 0 : i32
      %swap3A_709 = arith.index_cast %swap3A_708 : i32 to index
      %swap3A_710 = arith.index_cast %scan3A_678 : i32 to index
      %swap3A_711 = arith.constant 64 : index
      %swap3A_712 = tpu.vector_load %arg9[%swap3A_709, %swap3A_710, %swap3A_711] {strides = array<i32>} : memref<2x64x128xf32, #tpu.memory_space<vmem>>, vector<1x1x16xf32>,
      %swap3A_713 = vector.shape_cast %swap3A_712 : vector<1x1x16xf32> to vector<16xf32>
      %swap3A_714 = vector.shape_cast %broadcast_in_dim3A_3 : vector<16xf32> to vector<1x1x16xf32>
      tpu.vector_store %arg9[%swap3A_709, %swap3A_710, %swap3A_711], %swap3A_714 {strides = array<i32>} : memref<2x64x128xf32, #tpu.memory_space<vmem>>, vector<1x1x16xf32>,
      %swap3A_715 = arith.constant 0 : i32
      %swap3A_716 = arith.index_cast %swap3A_715 : i32 to index
      %swap3A_717 = arith.index_cast %scan3A_678 : i32 to index
      %swap3A_718 = arith.constant 80 : index
      %swap3A_719 = tpu.vector_load %arg9[%swap3A_716, %swap3A_717, %swap3A_718] {strides = array<i32>} : memref<2x64x128xf32, #tpu.memory_space<vmem>>, vector<1x1x16xf32>,
      %swap3A_720 = vector.shape_cast %swap3A_719 : vector<1x1x16xf32> to vector<16xf32>
      %swap3A_721 = vector.shape_cast %broadcast_in_dim3A_3 : vector<16xf32> to vector<1x1x16xf32>
      tpu.vector_store %arg9[%swap3A_716, %swap3A_717, %swap3A_718], %swap3A_721 {strides = array<i32>} : memref<2x64x128xf32, #tpu.memory_space<vmem>>, vector<1x1x16xf32>,
      %swap3A_722 = arith.constant 0 : i32
      %swap3A_723 = arith.index_cast %swap3A_722 : i32 to index
      %swap3A_724 = arith.index_cast %scan3A_678 : i32 to index
      %swap3A_725 = arith.constant 96 : index
      %swap3A_726 = tpu.vector_load %arg9[%swap3A_723, %swap3A_724, %swap3A_725] {strides = array<i32>} : memref<2x64x128xf32, #tpu.memory_space<vmem>>, vector<1x1x16xf32>,
      %swap3A_727 = vector.shape_cast %swap3A_726 : vector<1x1x16xf32> to vector<16xf32>
      %swap3A_728 = vector.shape_cast %broadcast_in_dim3A_3 : vector<16xf32> to vector<1x1x16xf32>
      tpu.vector_store %arg9[%swap3A_723, %swap3A_724, %swap3A_725], %swap3A_728 {strides = array<i32>} : memref<2x64x128xf32, #tpu.memory_space<vmem>>, vector<1x1x16xf32>,
      %swap3A_729 = arith.constant 0 : i32
      %swap3A_730 = arith.index_cast %swap3A_729 : i32 to index
      %swap3A_731 = arith.index_cast %scan3A_678 : i32 to index
      %swap3A_732 = arith.constant 112 : index
      %swap3A_733 = tpu.vector_load %arg9[%swap3A_730, %swap3A_731, %swap3A_732] {strides = array<i32>} : memref<2x64x128xf32, #tpu.memory_space<vmem>>, vector<1x1x16xf32>,
      %swap3A_734 = vector.shape_cast %swap3A_733 : vector<1x1x16xf32> to vector<16xf32>
      %swap3A_735 = vector.shape_cast %broadcast_in_dim3A_3 : vector<16xf32> to vector<1x1x16xf32>
      tpu.vector_store %arg9[%swap3A_730, %swap3A_731, %swap3A_732], %swap3A_735 {strides = array<i32>} : memref<2x64x128xf32, #tpu.memory_space<vmem>>, vector<1x1x16xf32>,
      %scan3A_736 = arith.constant 0 : i32
      scf.yield %scan3A_736 : i32
    }
    %scan3A_9 = arith.constant 64 : i32
    %mul3A_10 = arith.constant 632 : i32
    %mul3A_11 = arith.muli %arg1, %mul3A_10 : i32
    %add3A_12 = arith.constant 0 : i32
    %add3A_13 = arith.addi %mul3A_11, %add3A_12 : i32
    %run_scoped3A = arith.constant 0 : i32
    "tpu.region"() ({
      %run_scoped3A_678 = tpu.sem_alloc : memref<!tpu.dma_semaphore, #tpu.memory_space<semaphore_mem>>
      %dma_start3A_679 = arith.constant 0 : i32
      %dma_start3A_680 = arith.constant 0 : i32
      %dma_start3A_681 = tpu.memref_slice %arg9[%run_scoped3A, %dma_start3A_679, %dma_start3A_680] : memref<2x64x128xf32, #tpu.memory_space<vmem>> -> memref<1x64x128xf32, #tpu.memory_space<vmem>>
      %dma_start3A_682 = tpu.memref_squeeze %dma_start3A_681 : memref<1x64x128xf32, #tpu.memory_space<vmem>> -> memref<64x128xf32, #tpu.memory_space<vmem>>
      %dma_start3A_683 = arith.constant 0 : i32
      %dma_start3A_684 = arith.constant 0 : i32
      %dma_start3A_685 = tpu.memref_slice %dma_start3A_682[%dma_start3A_683, %dma_start3A_684] : memref<64x128xf32, #tpu.memory_space<vmem>> -> memref<64x128xf32, #tpu.memory_space<vmem>>
      %dma_start3A_686 = arith.constant 0 : i32
      %dma_start3A_687 = tpu.memref_slice %arg11[%add3A_13, %dma_start3A_686] : memref<10112x128xf32, #tpu.memory_space<vmem_shared>> -> memref<64x128xf32, #tpu.memory_space<vmem_shared>>
      %dma_start3A_688 = arith.constant 0 : i32
      %dma_start3A_689 = tpu.memref_slice %arg11[%add3A_13, %dma_start3A_688] : memref<10112x128xf32, #tpu.memory_space<vmem_shared>> -> memref<64x128xf32, #tpu.memory_space<vmem_shared>>
      %dma_start3A_690 = arith.constant 0 : i32
      %dma_start3A_691 = arith.constant 0 : i32
      %dma_start3A_692 = tpu.memref_slice %arg9[%run_scoped3A, %dma_start3A_690, %dma_start3A_691] : memref<2x64x128xf32, #tpu.memory_space<vmem>> -> memref<1x64x128xf32, #tpu.memory_space<vmem>>
      %dma_start3A_693 = tpu.memref_squeeze %dma_start3A_692 : memref<1x64x128xf32, #tpu.memory_space<vmem>> -> memref<64x128xf32, #tpu.memory_space<vmem>>
      %dma_start3A_694 = arith.constant 0 : i32
      %dma_start3A_695 = arith.constant 0 : i32
      %dma_start3A_696 = tpu.memref_slice %dma_start3A_693[%dma_start3A_694, %dma_start3A_695] : memref<64x128xf32, #tpu.memory_space<vmem>> -> memref<64x128xf32, #tpu.memory_space<vmem>>
      tpu.enqueue_dma source(%dma_start3A_696 : memref<64x128xf32, #tpu.memory_space<vmem>>) target(%dma_start3A_689 : memref<64x128xf32, #tpu.memory_space<vmem_shared>>) target_semaphore(%run_scoped3A_678 : memref<!tpu.dma_semaphore, #tpu.memory_space<semaphore_mem>>)
      %dma_wait3A_697 = arith.constant 0 : i32
      %dma_wait3A_698 = arith.constant 0 : i32
      %dma_wait3A_699 = tpu.memref_slice %arg9[%run_scoped3A, %dma_wait3A_697, %dma_wait3A_698] : memref<2x64x128xf32, #tpu.memory_space<vmem>> -> memref<1x64x128xf32, #tpu.memory_space<vmem>>
      %dma_wait3A_700 = tpu.memref_squeeze %dma_wait3A_699 : memref<1x64x128xf32, #tpu.memory_space<vmem>> -> memref<64x128xf32, #tpu.memory_space<vmem>>
      %dma_wait3A_701 = arith.constant 0 : i32
      %dma_wait3A_702 = arith.constant 0 : i32
      %dma_wait3A_703 = tpu.memref_slice %dma_wait3A_700[%dma_wait3A_701, %dma_wait3A_702] : memref<64x128xf32, #tpu.memory_space<vmem>> -> memref<64x128xf32, #tpu.memory_space<vmem>>
      %dma_wait3A_704 = arith.constant 0 : i32
      %dma_wait3A_705 = tpu.memref_slice %arg11[%add3A_13, %dma_wait3A_704] : memref<10112x128xf32, #tpu.memory_space<vmem_shared>> -> memref<64x128xf32, #tpu.memory_space<vmem_shared>>
      %dma_wait3A_706 = arith.constant 0 : i32
      %dma_wait3A_707 = tpu.memref_slice %arg11[%add3A_13, %dma_wait3A_706] : memref<10112x128xf32, #tpu.memory_space<vmem_shared>> -> memref<64x128xf32, #tpu.memory_space<vmem_shared>>
      %dma_wait3A_708 = arith.constant 0 : i32
      %dma_wait3A_709 = arith.constant 0 : i32
      %dma_wait3A_710 = tpu.memref_slice %arg9[%run_scoped3A, %dma_wait3A_708, %dma_wait3A_709] : memref<2x64x128xf32, #tpu.memory_space<vmem>> -> memref<1x64x128xf32, #tpu.memory_space<vmem>>
      %dma_wait3A_711 = tpu.memref_squeeze %dma_wait3A_710 : memref<1x64x128xf32, #tpu.memory_space<vmem>> -> memref<64x128xf32, #tpu.memory_space<vmem>>
      %dma_wait3A_712 = arith.constant 0 : i32
      %dma_wait3A_713 = arith.constant 0 : i32
      %dma_wait3A_714 = tpu.memref_slice %dma_wait3A_711[%dma_wait3A_712, %dma_wait3A_713] : memref<64x128xf32, #tpu.memory_space<vmem>> -> memref<64x128xf32, #tpu.memory_space<vmem>>
      tpu.wait_dma2 semaphore(%run_scoped3A_678 : memref<!tpu.dma_semaphore, #tpu.memory_space<semaphore_mem>>) src(%dma_wait3A_714 : memref<64x128xf32, #tpu.memory_space<vmem>>) dst(%dma_wait3A_707 : memref<64x128xf32, #tpu.memory_space<vmem_shared>>)
      tpu.yield
    }) : () -> ()
    %add3A_14 = arith.constant 64 : i32
    %add3A_15 = arith.addi %mul3A_11, %add3A_14 : i32
    %run_scoped3A_16 = arith.constant 0 : i32
    "tpu.region"() ({
      %run_scoped3A_678 = tpu.sem_alloc : memref<!tpu.dma_semaphore, #tpu.memory_space<semaphore_mem>>
      %dma_start3A_679 = arith.constant 0 : i32
      %dma_start3A_680 = arith.constant 0 : i32
      %dma_start3A_681 = tpu.memref_slice %arg9[%run_scoped3A_16, %dma_start3A_679, %dma_start3A_680] : memref<2x64x128xf32, #tpu.memory_space<vmem>> -> memref<1x64x128xf32, #tpu.memory_space<vmem>>
      %dma_start3A_682 = tpu.memref_squeeze %dma_start3A_681 : memref<1x64x128xf32, #tpu.memory_space<vmem>> -> memref<64x128xf32, #tpu.memory_space<vmem>>
      %dma_start3A_683 = arith.constant 0 : i32
      %dma_start3A_684 = arith.constant 0 : i32
      %dma_start3A_685 = tpu.memref_slice %dma_start3A_682[%dma_start3A_683, %dma_start3A_684] : memref<64x128xf32, #tpu.memory_space<vmem>> -> memref<64x128xf32, #tpu.memory_space<vmem>>
      %dma_start3A_686 = arith.constant 0 : i32
      %dma_start3A_687 = tpu.memref_slice %arg11[%add3A_15, %dma_start3A_686] : memref<10112x128xf32, #tpu.memory_space<vmem_shared>> -> memref<64x128xf32, #tpu.memory_space<vmem_shared>>
      %dma_start3A_688 = arith.constant 0 : i32
      %dma_start3A_689 = tpu.memref_slice %arg11[%add3A_15, %dma_start3A_688] : memref<10112x128xf32, #tpu.memory_space<vmem_shared>> -> memref<64x128xf32, #tpu.memory_space<vmem_shared>>
      %dma_start3A_690 = arith.constant 0 : i32
      %dma_start3A_691 = arith.constant 0 : i32
      %dma_start3A_692 = tpu.memref_slice %arg9[%run_scoped3A_16, %dma_start3A_690, %dma_start3A_691] : memref<2x64x128xf32, #tpu.memory_space<vmem>> -> memref<1x64x128xf32, #tpu.memory_space<vmem>>
      %dma_start3A_693 = tpu.memref_squeeze %dma_start3A_692 : memref<1x64x128xf32, #tpu.memory_space<vmem>> -> memref<64x128xf32, #tpu.memory_space<vmem>>
      %dma_start3A_694 = arith.constant 0 : i32
      %dma_start3A_695 = arith.constant 0 : i32
      %dma_start3A_696 = tpu.memref_slice %dma_start3A_693[%dma_start3A_694, %dma_start3A_695] : memref<64x128xf32, #tpu.memory_space<vmem>> -> memref<64x128xf32, #tpu.memory_space<vmem>>
      tpu.enqueue_dma source(%dma_start3A_696 : memref<64x128xf32, #tpu.memory_space<vmem>>) target(%dma_start3A_689 : memref<64x128xf32, #tpu.memory_space<vmem_shared>>) target_semaphore(%run_scoped3A_678 : memref<!tpu.dma_semaphore, #tpu.memory_space<semaphore_mem>>)
      %dma_wait3A_697 = arith.constant 0 : i32
      %dma_wait3A_698 = arith.constant 0 : i32
      %dma_wait3A_699 = tpu.memref_slice %arg9[%run_scoped3A_16, %dma_wait3A_697, %dma_wait3A_698] : memref<2x64x128xf32, #tpu.memory_space<vmem>> -> memref<1x64x128xf32, #tpu.memory_space<vmem>>
      %dma_wait3A_700 = tpu.memref_squeeze %dma_wait3A_699 : memref<1x64x128xf32, #tpu.memory_space<vmem>> -> memref<64x128xf32, #tpu.memory_space<vmem>>
      %dma_wait3A_701 = arith.constant 0 : i32
      %dma_wait3A_702 = arith.constant 0 : i32
      %dma_wait3A_703 = tpu.memref_slice %dma_wait3A_700[%dma_wait3A_701, %dma_wait3A_702] : memref<64x128xf32, #tpu.memory_space<vmem>> -> memref<64x128xf32, #tpu.memory_space<vmem>>
      %dma_wait3A_704 = arith.constant 0 : i32
      %dma_wait3A_705 = tpu.memref_slice %arg11[%add3A_15, %dma_wait3A_704] : memref<10112x128xf32, #tpu.memory_space<vmem_shared>> -> memref<64x128xf32, #tpu.memory_space<vmem_shared>>
      %dma_wait3A_706 = arith.constant 0 : i32
      %dma_wait3A_707 = tpu.memref_slice %arg11[%add3A_15, %dma_wait3A_706] : memref<10112x128xf32, #tpu.memory_space<vmem_shared>> -> memref<64x128xf32, #tpu.memory_space<vmem_shared>>
      %dma_wait3A_708 = arith.constant 0 : i32
      %dma_wait3A_709 = arith.constant 0 : i32
      %dma_wait3A_710 = tpu.memref_slice %arg9[%run_scoped3A_16, %dma_wait3A_708, %dma_wait3A_709] : memref<2x64x128xf32, #tpu.memory_space<vmem>> -> memref<1x64x128xf32, #tpu.memory_space<vmem>>
      %dma_wait3A_711 = tpu.memref_squeeze %dma_wait3A_710 : memref<1x64x128xf32, #tpu.memory_space<vmem>> -> memref<64x128xf32, #tpu.memory_space<vmem>>
      %dma_wait3A_712 = arith.constant 0 : i32
      %dma_wait3A_713 = arith.constant 0 : i32
      %dma_wait3A_714 = tpu.memref_slice %dma_wait3A_711[%dma_wait3A_712, %dma_wait3A_713] : memref<64x128xf32, #tpu.memory_space<vmem>> -> memref<64x128xf32, #tpu.memory_space<vmem>>
      tpu.wait_dma2 semaphore(%run_scoped3A_678 : memref<!tpu.dma_semaphore, #tpu.memory_space<semaphore_mem>>) src(%dma_wait3A_714 : memref<64x128xf32, #tpu.memory_space<vmem>>) dst(%dma_wait3A_707 : memref<64x128xf32, #tpu.memory_space<vmem_shared>>)
      tpu.yield
    }) : () -> ()
    %add3A_17 = arith.constant 128 : i32
    %add3A_18 = arith.addi %mul3A_11, %add3A_17 : i32
    %run_scoped3A_19 = arith.constant 0 : i32
    "tpu.region"() ({
      %run_scoped3A_678 = tpu.sem_alloc : memref<!tpu.dma_semaphore, #tpu.memory_space<semaphore_mem>>
      %dma_start3A_679 = arith.constant 0 : i32
      %dma_start3A_680 = arith.constant 0 : i32
      %dma_start3A_681 = tpu.memref_slice %arg9[%run_scoped3A_19, %dma_start3A_679, %dma_start3A_680] : memref<2x64x128xf32, #tpu.memory_space<vmem>> -> memref<1x64x128xf32, #tpu.memory_space<vmem>>
      %dma_start3A_682 = tpu.memref_squeeze %dma_start3A_681 : memref<1x64x128xf32, #tpu.memory_space<vmem>> -> memref<64x128xf32, #tpu.memory_space<vmem>>
      %dma_start3A_683 = arith.constant 0 : i32
      %dma_start3A_684 = arith.constant 0 : i32
      %dma_start3A_685 = tpu.memref_slice %dma_start3A_682[%dma_start3A_683, %dma_start3A_684] : memref<64x128xf32, #tpu.memory_space<vmem>> -> memref<64x128xf32, #tpu.memory_space<vmem>>
      %dma_start3A_686 = arith.constant 0 : i32
      %dma_start3A_687 = tpu.memref_slice %arg11[%add3A_18, %dma_start3A_686] : memref<10112x128xf32, #tpu.memory_space<vmem_shared>> -> memref<64x128xf32, #tpu.memory_space<vmem_shared>>
      %dma_start3A_688 = arith.constant 0 : i32
      %dma_start3A_689 = tpu.memref_slice %arg11[%add3A_18, %dma_start3A_688] : memref<10112x128xf32, #tpu.memory_space<vmem_shared>> -> memref<64x128xf32, #tpu.memory_space<vmem_shared>>
      %dma_start3A_690 = arith.constant 0 : i32
      %dma_start3A_691 = arith.constant 0 : i32
      %dma_start3A_692 = tpu.memref_slice %arg9[%run_scoped3A_19, %dma_start3A_690, %dma_start3A_691] : memref<2x64x128xf32, #tpu.memory_space<vmem>> -> memref<1x64x128xf32, #tpu.memory_space<vmem>>
      %dma_start3A_693 = tpu.memref_squeeze %dma_start3A_692 : memref<1x64x128xf32, #tpu.memory_space<vmem>> -> memref<64x128xf32, #tpu.memory_space<vmem>>
      %dma_start3A_694 = arith.constant 0 : i32
      %dma_start3A_695 = arith.constant 0 : i32
      %dma_start3A_696 = tpu.memref_slice %dma_start3A_693[%dma_start3A_694, %dma_start3A_695] : memref<64x128xf32, #tpu.memory_space<vmem>> -> memref<64x128xf32, #tpu.memory_space<vmem>>
      tpu.enqueue_dma source(%dma_start3A_696 : memref<64x128xf32, #tpu.memory_space<vmem>>) target(%dma_start3A_689 : memref<64x128xf32, #tpu.memory_space<vmem_shared>>) target_semaphore(%run_scoped3A_678 : memref<!tpu.dma_semaphore, #tpu.memory_space<semaphore_mem>>)
      %dma_wait3A_697 = arith.constant 0 : i32
      %dma_wait3A_698 = arith.constant 0 : i32
      %dma_wait3A_699 = tpu.memref_slice %arg9[%run_scoped3A_19, %dma_wait3A_697, %dma_wait3A_698] : memref<2x64x128xf32, #tpu.memory_space<vmem>> -> memref<1x64x128xf32, #tpu.memory_space<vmem>>
      %dma_wait3A_700 = tpu.memref_squeeze %dma_wait3A_699 : memref<1x64x128xf32, #tpu.memory_space<vmem>> -> memref<64x128xf32, #tpu.memory_space<vmem>>
      %dma_wait3A_701 = arith.constant 0 : i32
      %dma_wait3A_702 = arith.constant 0 : i32
      %dma_wait3A_703 = tpu.memref_slice %dma_wait3A_700[%dma_wait3A_701, %dma_wait3A_702] : memref<64x128xf32, #tpu.memory_space<vmem>> -> memref<64x128xf32, #tpu.memory_space<vmem>>
      %dma_wait3A_704 = arith.constant 0 : i32
      %dma_wait3A_705 = tpu.memref_slice %arg11[%add3A_18, %dma_wait3A_704] : memref<10112x128xf32, #tpu.memory_space<vmem_shared>> -> memref<64x128xf32, #tpu.memory_space<vmem_shared>>
      %dma_wait3A_706 = arith.constant 0 : i32
      %dma_wait3A_707 = tpu.memref_slice %arg11[%add3A_18, %dma_wait3A_706] : memref<10112x128xf32, #tpu.memory_space<vmem_shared>> -> memref<64x128xf32, #tpu.memory_space<vmem_shared>>
      %dma_wait3A_708 = arith.constant 0 : i32
      %dma_wait3A_709 = arith.constant 0 : i32
      %dma_wait3A_710 = tpu.memref_slice %arg9[%run_scoped3A_19, %dma_wait3A_708, %dma_wait3A_709] : memref<2x64x128xf32, #tpu.memory_space<vmem>> -> memref<1x64x128xf32, #tpu.memory_space<vmem>>
      %dma_wait3A_711 = tpu.memref_squeeze %dma_wait3A_710 : memref<1x64x128xf32, #tpu.memory_space<vmem>> -> memref<64x128xf32, #tpu.memory_space<vmem>>
      %dma_wait3A_712 = arith.constant 0 : i32
      %dma_wait3A_713 = arith.constant 0 : i32
      %dma_wait3A_714 = tpu.memref_slice %dma_wait3A_711[%dma_wait3A_712, %dma_wait3A_713] : memref<64x128xf32, #tpu.memory_space<vmem>> -> memref<64x128xf32, #tpu.memory_space<vmem>>
      tpu.wait_dma2 semaphore(%run_scoped3A_678 : memref<!tpu.dma_semaphore, #tpu.memory_space<semaphore_mem>>) src(%dma_wait3A_714 : memref<64x128xf32, #tpu.memory_space<vmem>>) dst(%dma_wait3A_707 : memref<64x128xf32, #tpu.memory_space<vmem_shared>>)
      tpu.yield
    }) : () -> ()
    %add3A_20 = arith.constant 192 : i32
    %add3A_21 = arith.addi %mul3A_11, %add3A_20 : i32
    %run_scoped3A_22 = arith.constant 0 : i32
    "tpu.region"() ({
      %run_scoped3A_678 = tpu.sem_alloc : memref<!tpu.dma_semaphore, #tpu.memory_space<semaphore_mem>>
      %dma_start3A_679 = arith.constant 0 : i32
      %dma_start3A_680 = arith.constant 0 : i32
      %dma_start3A_681 = tpu.memref_slice %arg9[%run_scoped3A_22, %dma_start3A_679, %dma_start3A_680] : memref<2x64x128xf32, #tpu.memory_space<vmem>> -> memref<1x64x128xf32, #tpu.memory_space<vmem>>
      %dma_start3A_682 = tpu.memref_squeeze %dma_start3A_681 : memref<1x64x128xf32, #tpu.memory_space<vmem>> -> memref<64x128xf32, #tpu.memory_space<vmem>>
      %dma_start3A_683 = arith.constant 0 : i32
      %dma_start3A_684 = arith.constant 0 : i32
      %dma_start3A_685 = tpu.memref_slice %dma_start3A_682[%dma_start3A_683, %dma_start3A_684] : memref<64x128xf32, #tpu.memory_space<vmem>> -> memref<64x128xf32, #tpu.memory_space<vmem>>
      %dma_start3A_686 = arith.constant 0 : i32
      %dma_start3A_687 = tpu.memref_slice %arg11[%add3A_21, %dma_start3A_686] : memref<10112x128xf32, #tpu.memory_space<vmem_shared>> -> memref<64x128xf32, #tpu.memory_space<vmem_shared>>
      %dma_start3A_688 = arith.constant 0 : i32
      %dma_start3A_689 = tpu.memref_slice %arg11[%add3A_21, %dma_start3A_688] : memref<10112x128xf32, #tpu.memory_space<vmem_shared>> -> memref<64x128xf32, #tpu.memory_space<vmem_shared>>
      %dma_start3A_690 = arith.constant 0 : i32
      %dma_start3A_691 = arith.constant 0 : i32
      %dma_start3A_692 = tpu.memref_slice %arg9[%run_scoped3A_22, %dma_start3A_690, %dma_start3A_691] : memref<2x64x128xf32, #tpu.memory_space<vmem>> -> memref<1x64x128xf32, #tpu.memory_space<vmem>>
      %dma_start3A_693 = tpu.memref_squeeze %dma_start3A_692 : memref<1x64x128xf32, #tpu.memory_space<vmem>> -> memref<64x128xf32, #tpu.memory_space<vmem>>
      %dma_start3A_694 = arith.constant 0 : i32
      %dma_start3A_695 = arith.constant 0 : i32
      %dma_start3A_696 = tpu.memref_slice %dma_start3A_693[%dma_start3A_694, %dma_start3A_695] : memref<64x128xf32, #tpu.memory_space<vmem>> -> memref<64x128xf32, #tpu.memory_space<vmem>>
      tpu.enqueue_dma source(%dma_start3A_696 : memref<64x128xf32, #tpu.memory_space<vmem>>) target(%dma_start3A_689 : memref<64x128xf32, #tpu.memory_space<vmem_shared>>) target_semaphore(%run_scoped3A_678 : memref<!tpu.dma_semaphore, #tpu.memory_space<semaphore_mem>>)
      %dma_wait3A_697 = arith.constant 0 : i32
      %dma_wait3A_698 = arith.constant 0 : i32
      %dma_wait3A_699 = tpu.memref_slice %arg9[%run_scoped3A_22, %dma_wait3A_697, %dma_wait3A_698] : memref<2x64x128xf32, #tpu.memory_space<vmem>> -> memref<1x64x128xf32, #tpu.memory_space<vmem>>
      %dma_wait3A_700 = tpu.memref_squeeze %dma_wait3A_699 : memref<1x64x128xf32, #tpu.memory_space<vmem>> -> memref<64x128xf32, #tpu.memory_space<vmem>>
      %dma_wait3A_701 = arith.constant 0 : i32
      %dma_wait3A_702 = arith.constant 0 : i32
      %dma_wait3A_703 = tpu.memref_slice %dma_wait3A_700[%dma_wait3A_701, %dma_wait3A_702] : memref<64x128xf32, #tpu.memory_space<vmem>> -> memref<64x128xf32, #tpu.memory_space<vmem>>
      %dma_wait3A_704 = arith.constant 0 : i32
      %dma_wait3A_705 = tpu.memref_slice %arg11[%add3A_21, %dma_wait3A_704] : memref<10112x128xf32, #tpu.memory_space<vmem_shared>> -> memref<64x128xf32, #tpu.memory_space<vmem_shared>>
      %dma_wait3A_706 = arith.constant 0 : i32
      %dma_wait3A_707 = tpu.memref_slice %arg11[%add3A_21, %dma_wait3A_706] : memref<10112x128xf32, #tpu.memory_space<vmem_shared>> -> memref<64x128xf32, #tpu.memory_space<vmem_shared>>
      %dma_wait3A_708 = arith.constant 0 : i32
      %dma_wait3A_709 = arith.constant 0 : i32
      %dma_wait3A_710 = tpu.memref_slice %arg9[%run_scoped3A_22, %dma_wait3A_708, %dma_wait3A_709] : memref<2x64x128xf32, #tpu.memory_space<vmem>> -> memref<1x64x128xf32, #tpu.memory_space<vmem>>
      %dma_wait3A_711 = tpu.memref_squeeze %dma_wait3A_710 : memref<1x64x128xf32, #tpu.memory_space<vmem>> -> memref<64x128xf32, #tpu.memory_space<vmem>>
      %dma_wait3A_712 = arith.constant 0 : i32
      %dma_wait3A_713 = arith.constant 0 : i32
      %dma_wait3A_714 = tpu.memref_slice %dma_wait3A_711[%dma_wait3A_712, %dma_wait3A_713] : memref<64x128xf32, #tpu.memory_space<vmem>> -> memref<64x128xf32, #tpu.memory_space<vmem>>
      tpu.wait_dma2 semaphore(%run_scoped3A_678 : memref<!tpu.dma_semaphore, #tpu.memory_space<semaphore_mem>>) src(%dma_wait3A_714 : memref<64x128xf32, #tpu.memory_space<vmem>>) dst(%dma_wait3A_707 : memref<64x128xf32, #tpu.memory_space<vmem_shared>>)
      tpu.yield
    }) : () -> ()
    %add3A_23 = arith.constant 256 : i32
    %add3A_24 = arith.addi %mul3A_11, %add3A_23 : i32
    %run_scoped3A_25 = arith.constant 0 : i32
    "tpu.region"() ({
      %run_scoped3A_678 = tpu.sem_alloc : memref<!tpu.dma_semaphore, #tpu.memory_space<semaphore_mem>>
      %dma_start3A_679 = arith.constant 0 : i32
      %dma_start3A_680 = arith.constant 0 : i32
      %dma_start3A_681 = tpu.memref_slice %arg9[%run_scoped3A_25, %dma_start3A_679, %dma_start3A_680] : memref<2x64x128xf32, #tpu.memory_space<vmem>> -> memref<1x64x128xf32, #tpu.memory_space<vmem>>
      %dma_start3A_682 = tpu.memref_squeeze %dma_start3A_681 : memref<1x64x128xf32, #tpu.memory_space<vmem>> -> memref<64x128xf32, #tpu.memory_space<vmem>>
      %dma_start3A_683 = arith.constant 0 : i32
      %dma_start3A_684 = arith.constant 0 : i32
      %dma_start3A_685 = tpu.memref_slice %dma_start3A_682[%dma_start3A_683, %dma_start3A_684] : memref<64x128xf32, #tpu.memory_space<vmem>> -> memref<64x128xf32, #tpu.memory_space<vmem>>
      %dma_start3A_686 = arith.constant 0 : i32
      %dma_start3A_687 = tpu.memref_slice %arg11[%add3A_24, %dma_start3A_686] : memref<10112x128xf32, #tpu.memory_space<vmem_shared>> -> memref<64x128xf32, #tpu.memory_space<vmem_shared>>
      %dma_start3A_688 = arith.constant 0 : i32
      %dma_start3A_689 = tpu.memref_slice %arg11[%add3A_24, %dma_start3A_688] : memref<10112x128xf32, #tpu.memory_space<vmem_shared>> -> memref<64x128xf32, #tpu.memory_space<vmem_shared>>
      %dma_start3A_690 = arith.constant 0 : i32
      %dma_start3A_691 = arith.constant 0 : i32
      %dma_start3A_692 = tpu.memref_slice %arg9[%run_scoped3A_25, %dma_start3A_690, %dma_start3A_691] : memref<2x64x128xf32, #tpu.memory_space<vmem>> -> memref<1x64x128xf32, #tpu.memory_space<vmem>>
      %dma_start3A_693 = tpu.memref_squeeze %dma_start3A_692 : memref<1x64x128xf32, #tpu.memory_space<vmem>> -> memref<64x128xf32, #tpu.memory_space<vmem>>
      %dma_start3A_694 = arith.constant 0 : i32
      %dma_start3A_695 = arith.constant 0 : i32
      %dma_start3A_696 = tpu.memref_slice %dma_start3A_693[%dma_start3A_694, %dma_start3A_695] : memref<64x128xf32, #tpu.memory_space<vmem>> -> memref<64x128xf32, #tpu.memory_space<vmem>>
      tpu.enqueue_dma source(%dma_start3A_696 : memref<64x128xf32, #tpu.memory_space<vmem>>) target(%dma_start3A_689 : memref<64x128xf32, #tpu.memory_space<vmem_shared>>) target_semaphore(%run_scoped3A_678 : memref<!tpu.dma_semaphore, #tpu.memory_space<semaphore_mem>>)
      %dma_wait3A_697 = arith.constant 0 : i32
      %dma_wait3A_698 = arith.constant 0 : i32
      %dma_wait3A_699 = tpu.memref_slice %arg9[%run_scoped3A_25, %dma_wait3A_697, %dma_wait3A_698] : memref<2x64x128xf32, #tpu.memory_space<vmem>> -> memref<1x64x128xf32, #tpu.memory_space<vmem>>
      %dma_wait3A_700 = tpu.memref_squeeze %dma_wait3A_699 : memref<1x64x128xf32, #tpu.memory_space<vmem>> -> memref<64x128xf32, #tpu.memory_space<vmem>>
      %dma_wait3A_701 = arith.constant 0 : i32
      %dma_wait3A_702 = arith.constant 0 : i32
      %dma_wait3A_703 = tpu.memref_slice %dma_wait3A_700[%dma_wait3A_701, %dma_wait3A_702] : memref<64x128xf32, #tpu.memory_space<vmem>> -> memref<64x128xf32, #tpu.memory_space<vmem>>
      %dma_wait3A_704 = arith.constant 0 : i32
      %dma_wait3A_705 = tpu.memref_slice %arg11[%add3A_24, %dma_wait3A_704] : memref<10112x128xf32, #tpu.memory_space<vmem_shared>> -> memref<64x128xf32, #tpu.memory_space<vmem_shared>>
      %dma_wait3A_706 = arith.constant 0 : i32
      %dma_wait3A_707 = tpu.memref_slice %arg11[%add3A_24, %dma_wait3A_706] : memref<10112x128xf32, #tpu.memory_space<vmem_shared>> -> memref<64x128xf32, #tpu.memory_space<vmem_shared>>
      %dma_wait3A_708 = arith.constant 0 : i32
      %dma_wait3A_709 = arith.constant 0 : i32
      %dma_wait3A_710 = tpu.memref_slice %arg9[%run_scoped3A_25, %dma_wait3A_708, %dma_wait3A_709] : memref<2x64x128xf32, #tpu.memory_space<vmem>> -> memref<1x64x128xf32, #tpu.memory_space<vmem>>
      %dma_wait3A_711 = tpu.memref_squeeze %dma_wait3A_710 : memref<1x64x128xf32, #tpu.memory_space<vmem>> -> memref<64x128xf32, #tpu.memory_space<vmem>>
      %dma_wait3A_712 = arith.constant 0 : i32
      %dma_wait3A_713 = arith.constant 0 : i32
      %dma_wait3A_714 = tpu.memref_slice %dma_wait3A_711[%dma_wait3A_712, %dma_wait3A_713] : memref<64x128xf32, #tpu.memory_space<vmem>> -> memref<64x128xf32, #tpu.memory_space<vmem>>
      tpu.wait_dma2 semaphore(%run_scoped3A_678 : memref<!tpu.dma_semaphore, #tpu.memory_space<semaphore_mem>>) src(%dma_wait3A_714 : memref<64x128xf32, #tpu.memory_space<vmem>>) dst(%dma_wait3A_707 : memref<64x128xf32, #tpu.memory_space<vmem_shared>>)
      tpu.yield
    }) : () -> ()
    %add3A_26 = arith.constant 320 : i32
    %add3A_27 = arith.addi %mul3A_11, %add3A_26 : i32
    %run_scoped3A_28 = arith.constant 0 : i32
    "tpu.region"() ({
      %run_scoped3A_678 = tpu.sem_alloc : memref<!tpu.dma_semaphore, #tpu.memory_space<semaphore_mem>>
      %dma_start3A_679 = arith.constant 0 : i32
      %dma_start3A_680 = arith.constant 0 : i32
      %dma_start3A_681 = tpu.memref_slice %arg9[%run_scoped3A_28, %dma_start3A_679, %dma_start3A_680] : memref<2x64x128xf32, #tpu.memory_space<vmem>> -> memref<1x64x128xf32, #tpu.memory_space<vmem>>
      %dma_start3A_682 = tpu.memref_squeeze %dma_start3A_681 : memref<1x64x128xf32, #tpu.memory_space<vmem>> -> memref<64x128xf32, #tpu.memory_space<vmem>>
      %dma_start3A_683 = arith.constant 0 : i32
      %dma_start3A_684 = arith.constant 0 : i32
      %dma_start3A_685 = tpu.memref_slice %dma_start3A_682[%dma_start3A_683, %dma_start3A_684] : memref<64x128xf32, #tpu.memory_space<vmem>> -> memref<64x128xf32, #tpu.memory_space<vmem>>
      %dma_start3A_686 = arith.constant 0 : i32
      %dma_start3A_687 = tpu.memref_slice %arg11[%add3A_27, %dma_start3A_686] : memref<10112x128xf32, #tpu.memory_space<vmem_shared>> -> memref<64x128xf32, #tpu.memory_space<vmem_shared>>
      %dma_start3A_688 = arith.constant 0 : i32
      %dma_start3A_689 = tpu.memref_slice %arg11[%add3A_27, %dma_start3A_688] : memref<10112x128xf32, #tpu.memory_space<vmem_shared>> -> memref<64x128xf32, #tpu.memory_space<vmem_shared>>
      %dma_start3A_690 = arith.constant 0 : i32
      %dma_start3A_691 = arith.constant 0 : i32
      %dma_start3A_692 = tpu.memref_slice %arg9[%run_scoped3A_28, %dma_start3A_690, %dma_start3A_691] : memref<2x64x128xf32, #tpu.memory_space<vmem>> -> memref<1x64x128xf32, #tpu.memory_space<vmem>>
      %dma_start3A_693 = tpu.memref_squeeze %dma_start3A_692 : memref<1x64x128xf32, #tpu.memory_space<vmem>> -> memref<64x128xf32, #tpu.memory_space<vmem>>
      %dma_start3A_694 = arith.constant 0 : i32
      %dma_start3A_695 = arith.constant 0 : i32
      %dma_start3A_696 = tpu.memref_slice %dma_start3A_693[%dma_start3A_694, %dma_start3A_695] : memref<64x128xf32, #tpu.memory_space<vmem>> -> memref<64x128xf32, #tpu.memory_space<vmem>>
      tpu.enqueue_dma source(%dma_start3A_696 : memref<64x128xf32, #tpu.memory_space<vmem>>) target(%dma_start3A_689 : memref<64x128xf32, #tpu.memory_space<vmem_shared>>) target_semaphore(%run_scoped3A_678 : memref<!tpu.dma_semaphore, #tpu.memory_space<semaphore_mem>>)
      %dma_wait3A_697 = arith.constant 0 : i32
      %dma_wait3A_698 = arith.constant 0 : i32
      %dma_wait3A_699 = tpu.memref_slice %arg9[%run_scoped3A_28, %dma_wait3A_697, %dma_wait3A_698] : memref<2x64x128xf32, #tpu.memory_space<vmem>> -> memref<1x64x128xf32, #tpu.memory_space<vmem>>
      %dma_wait3A_700 = tpu.memref_squeeze %dma_wait3A_699 : memref<1x64x128xf32, #tpu.memory_space<vmem>> -> memref<64x128xf32, #tpu.memory_space<vmem>>
      %dma_wait3A_701 = arith.constant 0 : i32
      %dma_wait3A_702 = arith.constant 0 : i32
      %dma_wait3A_703 = tpu.memref_slice %dma_wait3A_700[%dma_wait3A_701, %dma_wait3A_702] : memref<64x128xf32, #tpu.memory_space<vmem>> -> memref<64x128xf32, #tpu.memory_space<vmem>>
      %dma_wait3A_704 = arith.constant 0 : i32
      %dma_wait3A_705 = tpu.memref_slice %arg11[%add3A_27, %dma_wait3A_704] : memref<10112x128xf32, #tpu.memory_space<vmem_shared>> -> memref<64x128xf32, #tpu.memory_space<vmem_shared>>
      %dma_wait3A_706 = arith.constant 0 : i32
      %dma_wait3A_707 = tpu.memref_slice %arg11[%add3A_27, %dma_wait3A_706] : memref<10112x128xf32, #tpu.memory_space<vmem_shared>> -> memref<64x128xf32, #tpu.memory_space<vmem_shared>>
      %dma_wait3A_708 = arith.constant 0 : i32
      %dma_wait3A_709 = arith.constant 0 : i32
      %dma_wait3A_710 = tpu.memref_slice %arg9[%run_scoped3A_28, %dma_wait3A_708, %dma_wait3A_709] : memref<2x64x128xf32, #tpu.memory_space<vmem>> -> memref<1x64x128xf32, #tpu.memory_space<vmem>>
      %dma_wait3A_711 = tpu.memref_squeeze %dma_wait3A_710 : memref<1x64x128xf32, #tpu.memory_space<vmem>> -> memref<64x128xf32, #tpu.memory_space<vmem>>
      %dma_wait3A_712 = arith.constant 0 : i32
      %dma_wait3A_713 = arith.constant 0 : i32
      %dma_wait3A_714 = tpu.memref_slice %dma_wait3A_711[%dma_wait3A_712, %dma_wait3A_713] : memref<64x128xf32, #tpu.memory_space<vmem>> -> memref<64x128xf32, #tpu.memory_space<vmem>>
      tpu.wait_dma2 semaphore(%run_scoped3A_678 : memref<!tpu.dma_semaphore, #tpu.memory_space<semaphore_mem>>) src(%dma_wait3A_714 : memref<64x128xf32, #tpu.memory_space<vmem>>) dst(%dma_wait3A_707 : memref<64x128xf32, #tpu.memory_space<vmem_shared>>)
      tpu.yield
    }) : () -> ()
    %add3A_29 = arith.constant 384 : i32
    %add3A_30 = arith.addi %mul3A_11, %add3A_29 : i32
    %run_scoped3A_31 = arith.constant 0 : i32
    "tpu.region"() ({
      %run_scoped3A_678 = tpu.sem_alloc : memref<!tpu.dma_semaphore, #tpu.memory_space<semaphore_mem>>
      %dma_start3A_679 = arith.constant 0 : i32
      %dma_start3A_680 = arith.constant 0 : i32
      %dma_start3A_681 = tpu.memref_slice %arg9[%run_scoped3A_31, %dma_start3A_679, %dma_start3A_680] : memref<2x64x128xf32, #tpu.memory_space<vmem>> -> memref<1x64x128xf32, #tpu.memory_space<vmem>>
      %dma_start3A_682 = tpu.memref_squeeze %dma_start3A_681 : memref<1x64x128xf32, #tpu.memory_space<vmem>> -> memref<64x128xf32, #tpu.memory_space<vmem>>
      %dma_start3A_683 = arith.constant 0 : i32
      %dma_start3A_684 = arith.constant 0 : i32
      %dma_start3A_685 = tpu.memref_slice %dma_start3A_682[%dma_start3A_683, %dma_start3A_684] : memref<64x128xf32, #tpu.memory_space<vmem>> -> memref<64x128xf32, #tpu.memory_space<vmem>>
      %dma_start3A_686 = arith.constant 0 : i32
      %dma_start3A_687 = tpu.memref_slice %arg11[%add3A_30, %dma_start3A_686] : memref<10112x128xf32, #tpu.memory_space<vmem_shared>> -> memref<64x128xf32, #tpu.memory_space<vmem_shared>>
      %dma_start3A_688 = arith.constant 0 : i32
      %dma_start3A_689 = tpu.memref_slice %arg11[%add3A_30, %dma_start3A_688] : memref<10112x128xf32, #tpu.memory_space<vmem_shared>> -> memref<64x128xf32, #tpu.memory_space<vmem_shared>>
      %dma_start3A_690 = arith.constant 0 : i32
      %dma_start3A_691 = arith.constant 0 : i32
      %dma_start3A_692 = tpu.memref_slice %arg9[%run_scoped3A_31, %dma_start3A_690, %dma_start3A_691] : memref<2x64x128xf32, #tpu.memory_space<vmem>> -> memref<1x64x128xf32, #tpu.memory_space<vmem>>
      %dma_start3A_693 = tpu.memref_squeeze %dma_start3A_692 : memref<1x64x128xf32, #tpu.memory_space<vmem>> -> memref<64x128xf32, #tpu.memory_space<vmem>>
      %dma_start3A_694 = arith.constant 0 : i32
      %dma_start3A_695 = arith.constant 0 : i32
      %dma_start3A_696 = tpu.memref_slice %dma_start3A_693[%dma_start3A_694, %dma_start3A_695] : memref<64x128xf32, #tpu.memory_space<vmem>> -> memref<64x128xf32, #tpu.memory_space<vmem>>
      tpu.enqueue_dma source(%dma_start3A_696 : memref<64x128xf32, #tpu.memory_space<vmem>>) target(%dma_start3A_689 : memref<64x128xf32, #tpu.memory_space<vmem_shared>>) target_semaphore(%run_scoped3A_678 : memref<!tpu.dma_semaphore, #tpu.memory_space<semaphore_mem>>)
      %dma_wait3A_697 = arith.constant 0 : i32
      %dma_wait3A_698 = arith.constant 0 : i32
      %dma_wait3A_699 = tpu.memref_slice %arg9[%run_scoped3A_31, %dma_wait3A_697, %dma_wait3A_698] : memref<2x64x128xf32, #tpu.memory_space<vmem>> -> memref<1x64x128xf32, #tpu.memory_space<vmem>>
      %dma_wait3A_700 = tpu.memref_squeeze %dma_wait3A_699 : memref<1x64x128xf32, #tpu.memory_space<vmem>> -> memref<64x128xf32, #tpu.memory_space<vmem>>
      %dma_wait3A_701 = arith.constant 0 : i32
      %dma_wait3A_702 = arith.constant 0 : i32
      %dma_wait3A_703 = tpu.memref_slice %dma_wait3A_700[%dma_wait3A_701, %dma_wait3A_702] : memref<64x128xf32, #tpu.memory_space<vmem>> -> memref<64x128xf32, #tpu.memory_space<vmem>>
      %dma_wait3A_704 = arith.constant 0 : i32
      %dma_wait3A_705 = tpu.memref_slice %arg11[%add3A_30, %dma_wait3A_704] : memref<10112x128xf32, #tpu.memory_space<vmem_shared>> -> memref<64x128xf32, #tpu.memory_space<vmem_shared>>
      %dma_wait3A_706 = arith.constant 0 : i32
      %dma_wait3A_707 = tpu.memref_slice %arg11[%add3A_30, %dma_wait3A_706] : memref<10112x128xf32, #tpu.memory_space<vmem_shared>> -> memref<64x128xf32, #tpu.memory_space<vmem_shared>>
      %dma_wait3A_708 = arith.constant 0 : i32
      %dma_wait3A_709 = arith.constant 0 : i32
      %dma_wait3A_710 = tpu.memref_slice %arg9[%run_scoped3A_31, %dma_wait3A_708, %dma_wait3A_709] : memref<2x64x128xf32, #tpu.memory_space<vmem>> -> memref<1x64x128xf32, #tpu.memory_space<vmem>>
      %dma_wait3A_711 = tpu.memref_squeeze %dma_wait3A_710 : memref<1x64x128xf32, #tpu.memory_space<vmem>> -> memref<64x128xf32, #tpu.memory_space<vmem>>
      %dma_wait3A_712 = arith.constant 0 : i32
      %dma_wait3A_713 = arith.constant 0 : i32
      %dma_wait3A_714 = tpu.memref_slice %dma_wait3A_711[%dma_wait3A_712, %dma_wait3A_713] : memref<64x128xf32, #tpu.memory_space<vmem>> -> memref<64x128xf32, #tpu.memory_space<vmem>>
      tpu.wait_dma2 semaphore(%run_scoped3A_678 : memref<!tpu.dma_semaphore, #tpu.memory_space<semaphore_mem>>) src(%dma_wait3A_714 : memref<64x128xf32, #tpu.memory_space<vmem>>) dst(%dma_wait3A_707 : memref<64x128xf32, #tpu.memory_space<vmem_shared>>)
      tpu.yield
    }) : () -> ()
    %add3A_32 = arith.constant 448 : i32
    %add3A_33 = arith.addi %mul3A_11, %add3A_32 : i32
    %run_scoped3A_34 = arith.constant 0 : i32
    "tpu.region"() ({
      %run_scoped3A_678 = tpu.sem_alloc : memref<!tpu.dma_semaphore, #tpu.memory_space<semaphore_mem>>
      %dma_start3A_679 = arith.constant 0 : i32
      %dma_start3A_680 = arith.constant 0 : i32
      %dma_start3A_681 = tpu.memref_slice %arg9[%run_scoped3A_34, %dma_start3A_679, %dma_start3A_680] : memref<2x64x128xf32, #tpu.memory_space<vmem>> -> memref<1x64x128xf32, #tpu.memory_space<vmem>>
      %dma_start3A_682 = tpu.memref_squeeze %dma_start3A_681 : memref<1x64x128xf32, #tpu.memory_space<vmem>> -> memref<64x128xf32, #tpu.memory_space<vmem>>
      %dma_start3A_683 = arith.constant 0 : i32
      %dma_start3A_684 = arith.constant 0 : i32
      %dma_start3A_685 = tpu.memref_slice %dma_start3A_682[%dma_start3A_683, %dma_start3A_684] : memref<64x128xf32, #tpu.memory_space<vmem>> -> memref<64x128xf32, #tpu.memory_space<vmem>>
      %dma_start3A_686 = arith.constant 0 : i32
      %dma_start3A_687 = tpu.memref_slice %arg11[%add3A_33, %dma_start3A_686] : memref<10112x128xf32, #tpu.memory_space<vmem_shared>> -> memref<64x128xf32, #tpu.memory_space<vmem_shared>>
      %dma_start3A_688 = arith.constant 0 : i32
      %dma_start3A_689 = tpu.memref_slice %arg11[%add3A_33, %dma_start3A_688] : memref<10112x128xf32, #tpu.memory_space<vmem_shared>> -> memref<64x128xf32, #tpu.memory_space<vmem_shared>>
      %dma_start3A_690 = arith.constant 0 : i32
      %dma_start3A_691 = arith.constant 0 : i32
      %dma_start3A_692 = tpu.memref_slice %arg9[%run_scoped3A_34, %dma_start3A_690, %dma_start3A_691] : memref<2x64x128xf32, #tpu.memory_space<vmem>> -> memref<1x64x128xf32, #tpu.memory_space<vmem>>
      %dma_start3A_693 = tpu.memref_squeeze %dma_start3A_692 : memref<1x64x128xf32, #tpu.memory_space<vmem>> -> memref<64x128xf32, #tpu.memory_space<vmem>>
      %dma_start3A_694 = arith.constant 0 : i32
      %dma_start3A_695 = arith.constant 0 : i32
      %dma_start3A_696 = tpu.memref_slice %dma_start3A_693[%dma_start3A_694, %dma_start3A_695] : memref<64x128xf32, #tpu.memory_space<vmem>> -> memref<64x128xf32, #tpu.memory_space<vmem>>
      tpu.enqueue_dma source(%dma_start3A_696 : memref<64x128xf32, #tpu.memory_space<vmem>>) target(%dma_start3A_689 : memref<64x128xf32, #tpu.memory_space<vmem_shared>>) target_semaphore(%run_scoped3A_678 : memref<!tpu.dma_semaphore, #tpu.memory_space<semaphore_mem>>)
      %dma_wait3A_697 = arith.constant 0 : i32
      %dma_wait3A_698 = arith.constant 0 : i32
      %dma_wait3A_699 = tpu.memref_slice %arg9[%run_scoped3A_34, %dma_wait3A_697, %dma_wait3A_698] : memref<2x64x128xf32, #tpu.memory_space<vmem>> -> memref<1x64x128xf32, #tpu.memory_space<vmem>>
      %dma_wait3A_700 = tpu.memref_squeeze %dma_wait3A_699 : memref<1x64x128xf32, #tpu.memory_space<vmem>> -> memref<64x128xf32, #tpu.memory_space<vmem>>
      %dma_wait3A_701 = arith.constant 0 : i32
      %dma_wait3A_702 = arith.constant 0 : i32
      %dma_wait3A_703 = tpu.memref_slice %dma_wait3A_700[%dma_wait3A_701, %dma_wait3A_702] : memref<64x128xf32, #tpu.memory_space<vmem>> -> memref<64x128xf32, #tpu.memory_space<vmem>>
      %dma_wait3A_704 = arith.constant 0 : i32
      %dma_wait3A_705 = tpu.memref_slice %arg11[%add3A_33, %dma_wait3A_704] : memref<10112x128xf32, #tpu.memory_space<vmem_shared>> -> memref<64x128xf32, #tpu.memory_space<vmem_shared>>
      %dma_wait3A_706 = arith.constant 0 : i32
      %dma_wait3A_707 = tpu.memref_slice %arg11[%add3A_33, %dma_wait3A_706] : memref<10112x128xf32, #tpu.memory_space<vmem_shared>> -> memref<64x128xf32, #tpu.memory_space<vmem_shared>>
      %dma_wait3A_708 = arith.constant 0 : i32
      %dma_wait3A_709 = arith.constant 0 : i32
      %dma_wait3A_710 = tpu.memref_slice %arg9[%run_scoped3A_34, %dma_wait3A_708, %dma_wait3A_709] : memref<2x64x128xf32, #tpu.memory_space<vmem>> -> memref<1x64x128xf32, #tpu.memory_space<vmem>>
      %dma_wait3A_711 = tpu.memref_squeeze %dma_wait3A_710 : memref<1x64x128xf32, #tpu.memory_space<vmem>> -> memref<64x128xf32, #tpu.memory_space<vmem>>
      %dma_wait3A_712 = arith.constant 0 : i32
      %dma_wait3A_713 = arith.constant 0 : i32
      %dma_wait3A_714 = tpu.memref_slice %dma_wait3A_711[%dma_wait3A_712, %dma_wait3A_713] : memref<64x128xf32, #tpu.memory_space<vmem>> -> memref<64x128xf32, #tpu.memory_space<vmem>>
      tpu.wait_dma2 semaphore(%run_scoped3A_678 : memref<!tpu.dma_semaphore, #tpu.memory_space<semaphore_mem>>) src(%dma_wait3A_714 : memref<64x128xf32, #tpu.memory_space<vmem>>) dst(%dma_wait3A_707 : memref<64x128xf32, #tpu.memory_space<vmem_shared>>)
      tpu.yield
    }) : () -> ()
    %add3A_35 = arith.constant 512 : i32
    %add3A_36 = arith.addi %mul3A_11, %add3A_35 : i32
    %run_scoped3A_37 = arith.constant 0 : i32
    "tpu.region"() ({
      %run_scoped3A_678 = tpu.sem_alloc : memref<!tpu.dma_semaphore, #tpu.memory_space<semaphore_mem>>
      %dma_start3A_679 = arith.constant 0 : i32
      %dma_start3A_680 = arith.constant 0 : i32
      %dma_start3A_681 = tpu.memref_slice %arg9[%run_scoped3A_37, %dma_start3A_679, %dma_start3A_680] : memref<2x64x128xf32, #tpu.memory_space<vmem>> -> memref<1x64x128xf32, #tpu.memory_space<vmem>>
      %dma_start3A_682 = tpu.memref_squeeze %dma_start3A_681 : memref<1x64x128xf32, #tpu.memory_space<vmem>> -> memref<64x128xf32, #tpu.memory_space<vmem>>
      %dma_start3A_683 = arith.constant 0 : i32
      %dma_start3A_684 = arith.constant 0 : i32
      %dma_start3A_685 = tpu.memref_slice %dma_start3A_682[%dma_start3A_683, %dma_start3A_684] : memref<64x128xf32, #tpu.memory_space<vmem>> -> memref<64x128xf32, #tpu.memory_space<vmem>>
      %dma_start3A_686 = arith.constant 0 : i32
      %dma_start3A_687 = tpu.memref_slice %arg11[%add3A_36, %dma_start3A_686] : memref<10112x128xf32, #tpu.memory_space<vmem_shared>> -> memref<64x128xf32, #tpu.memory_space<vmem_shared>>
      %dma_start3A_688 = arith.constant 0 : i32
      %dma_start3A_689 = tpu.memref_slice %arg11[%add3A_36, %dma_start3A_688] : memref<10112x128xf32, #tpu.memory_space<vmem_shared>> -> memref<64x128xf32, #tpu.memory_space<vmem_shared>>
      %dma_start3A_690 = arith.constant 0 : i32
      %dma_start3A_691 = arith.constant 0 : i32
      %dma_start3A_692 = tpu.memref_slice %arg9[%run_scoped3A_37, %dma_start3A_690, %dma_start3A_691] : memref<2x64x128xf32, #tpu.memory_space<vmem>> -> memref<1x64x128xf32, #tpu.memory_space<vmem>>
      %dma_start3A_693 = tpu.memref_squeeze %dma_start3A_692 : memref<1x64x128xf32, #tpu.memory_space<vmem>> -> memref<64x128xf32, #tpu.memory_space<vmem>>
      %dma_start3A_694 = arith.constant 0 : i32
      %dma_start3A_695 = arith.constant 0 : i32
      %dma_start3A_696 = tpu.memref_slice %dma_start3A_693[%dma_start3A_694, %dma_start3A_695] : memref<64x128xf32, #tpu.memory_space<vmem>> -> memref<64x128xf32, #tpu.memory_space<vmem>>
      tpu.enqueue_dma source(%dma_start3A_696 : memref<64x128xf32, #tpu.memory_space<vmem>>) target(%dma_start3A_689 : memref<64x128xf32, #tpu.memory_space<vmem_shared>>) target_semaphore(%run_scoped3A_678 : memref<!tpu.dma_semaphore, #tpu.memory_space<semaphore_mem>>)
      %dma_wait3A_697 = arith.constant 0 : i32
      %dma_wait3A_698 = arith.constant 0 : i32
      %dma_wait3A_699 = tpu.memref_slice %arg9[%run_scoped3A_37, %dma_wait3A_697, %dma_wait3A_698] : memref<2x64x128xf32, #tpu.memory_space<vmem>> -> memref<1x64x128xf32, #tpu.memory_space<vmem>>
      %dma_wait3A_700 = tpu.memref_squeeze %dma_wait3A_699 : memref<1x64x128xf32, #tpu.memory_space<vmem>> -> memref<64x128xf32, #tpu.memory_space<vmem>>
      %dma_wait3A_701 = arith.constant 0 : i32
      %dma_wait3A_702 = arith.constant 0 : i32
      %dma_wait3A_703 = tpu.memref_slice %dma_wait3A_700[%dma_wait3A_701, %dma_wait3A_702] : memref<64x128xf32, #tpu.memory_space<vmem>> -> memref<64x128xf32, #tpu.memory_space<vmem>>
      %dma_wait3A_704 = arith.constant 0 : i32
      %dma_wait3A_705 = tpu.memref_slice %arg11[%add3A_36, %dma_wait3A_704] : memref<10112x128xf32, #tpu.memory_space<vmem_shared>> -> memref<64x128xf32, #tpu.memory_space<vmem_shared>>
      %dma_wait3A_706 = arith.constant 0 : i32
      %dma_wait3A_707 = tpu.memref_slice %arg11[%add3A_36, %dma_wait3A_706] : memref<10112x128xf32, #tpu.memory_space<vmem_shared>> -> memref<64x128xf32, #tpu.memory_space<vmem_shared>>
      %dma_wait3A_708 = arith.constant 0 : i32
      %dma_wait3A_709 = arith.constant 0 : i32
      %dma_wait3A_710 = tpu.memref_slice %arg9[%run_scoped3A_37, %dma_wait3A_708, %dma_wait3A_709] : memref<2x64x128xf32, #tpu.memory_space<vmem>> -> memref<1x64x128xf32, #tpu.memory_space<vmem>>
      %dma_wait3A_711 = tpu.memref_squeeze %dma_wait3A_710 : memref<1x64x128xf32, #tpu.memory_space<vmem>> -> memref<64x128xf32, #tpu.memory_space<vmem>>
      %dma_wait3A_712 = arith.constant 0 : i32
      %dma_wait3A_713 = arith.constant 0 : i32
      %dma_wait3A_714 = tpu.memref_slice %dma_wait3A_711[%dma_wait3A_712, %dma_wait3A_713] : memref<64x128xf32, #tpu.memory_space<vmem>> -> memref<64x128xf32, #tpu.memory_space<vmem>>
      tpu.wait_dma2 semaphore(%run_scoped3A_678 : memref<!tpu.dma_semaphore, #tpu.memory_space<semaphore_mem>>) src(%dma_wait3A_714 : memref<64x128xf32, #tpu.memory_space<vmem>>) dst(%dma_wait3A_707 : memref<64x128xf32, #tpu.memory_space<vmem_shared>>)
      tpu.yield
    }) : () -> ()
    %add3A_38 = arith.constant 576 : i32
    %add3A_39 = arith.addi %mul3A_11, %add3A_38 : i32
    %run_scoped3A_40 = arith.constant 0 : i32
    "tpu.region"() ({
      %run_scoped3A_678 = tpu.sem_alloc : memref<!tpu.dma_semaphore, #tpu.memory_space<semaphore_mem>>
      %dma_start3A_679 = arith.constant 0 : i32
      %dma_start3A_680 = arith.constant 0 : i32
      %dma_start3A_681 = tpu.memref_slice %arg9[%run_scoped3A_40, %dma_start3A_679, %dma_start3A_680] : memref<2x64x128xf32, #tpu.memory_space<vmem>> -> memref<1x64x128xf32, #tpu.memory_space<vmem>>
      %dma_start3A_682 = tpu.memref_squeeze %dma_start3A_681 : memref<1x64x128xf32, #tpu.memory_space<vmem>> -> memref<64x128xf32, #tpu.memory_space<vmem>>
      %dma_start3A_683 = arith.constant 0 : i32
      %dma_start3A_684 = arith.constant 0 : i32
      %dma_start3A_685 = tpu.memref_slice %dma_start3A_682[%dma_start3A_683, %dma_start3A_684] : memref<64x128xf32, #tpu.memory_space<vmem>> -> memref<56x128xf32, #tpu.memory_space<vmem>>
      %dma_start3A_686 = arith.constant 0 : i32
      %dma_start3A_687 = tpu.memref_slice %arg11[%add3A_39, %dma_start3A_686] : memref<10112x128xf32, #tpu.memory_space<vmem_shared>> -> memref<56x128xf32, #tpu.memory_space<vmem_shared>>
      %dma_start3A_688 = arith.constant 0 : i32
      %dma_start3A_689 = tpu.memref_slice %arg11[%add3A_39, %dma_start3A_688] : memref<10112x128xf32, #tpu.memory_space<vmem_shared>> -> memref<56x128xf32, #tpu.memory_space<vmem_shared>>
      %dma_start3A_690 = arith.constant 0 : i32
      %dma_start3A_691 = arith.constant 0 : i32
      %dma_start3A_692 = tpu.memref_slice %arg9[%run_scoped3A_40, %dma_start3A_690, %dma_start3A_691] : memref<2x64x128xf32, #tpu.memory_space<vmem>> -> memref<1x64x128xf32, #tpu.memory_space<vmem>>
      %dma_start3A_693 = tpu.memref_squeeze %dma_start3A_692 : memref<1x64x128xf32, #tpu.memory_space<vmem>> -> memref<64x128xf32, #tpu.memory_space<vmem>>
      %dma_start3A_694 = arith.constant 0 : i32
      %dma_start3A_695 = arith.constant 0 : i32
      %dma_start3A_696 = tpu.memref_slice %dma_start3A_693[%dma_start3A_694, %dma_start3A_695] : memref<64x128xf32, #tpu.memory_space<vmem>> -> memref<56x128xf32, #tpu.memory_space<vmem>>
      tpu.enqueue_dma source(%dma_start3A_696 : memref<56x128xf32, #tpu.memory_space<vmem>>) target(%dma_start3A_689 : memref<56x128xf32, #tpu.memory_space<vmem_shared>>) target_semaphore(%run_scoped3A_678 : memref<!tpu.dma_semaphore, #tpu.memory_space<semaphore_mem>>)
      %dma_wait3A_697 = arith.constant 0 : i32
      %dma_wait3A_698 = arith.constant 0 : i32
      %dma_wait3A_699 = tpu.memref_slice %arg9[%run_scoped3A_40, %dma_wait3A_697, %dma_wait3A_698] : memref<2x64x128xf32, #tpu.memory_space<vmem>> -> memref<1x64x128xf32, #tpu.memory_space<vmem>>
      %dma_wait3A_700 = tpu.memref_squeeze %dma_wait3A_699 : memref<1x64x128xf32, #tpu.memory_space<vmem>> -> memref<64x128xf32, #tpu.memory_space<vmem>>
      %dma_wait3A_701 = arith.constant 0 : i32
      %dma_wait3A_702 = arith.constant 0 : i32
      %dma_wait3A_703 = tpu.memref_slice %dma_wait3A_700[%dma_wait3A_701, %dma_wait3A_702] : memref<64x128xf32, #tpu.memory_space<vmem>> -> memref<56x128xf32, #tpu.memory_space<vmem>>
      %dma_wait3A_704 = arith.constant 0 : i32
      %dma_wait3A_705 = tpu.memref_slice %arg11[%add3A_39, %dma_wait3A_704] : memref<10112x128xf32, #tpu.memory_space<vmem_shared>> -> memref<56x128xf32, #tpu.memory_space<vmem_shared>>
      %dma_wait3A_706 = arith.constant 0 : i32
      %dma_wait3A_707 = tpu.memref_slice %arg11[%add3A_39, %dma_wait3A_706] : memref<10112x128xf32, #tpu.memory_space<vmem_shared>> -> memref<56x128xf32, #tpu.memory_space<vmem_shared>>
      %dma_wait3A_708 = arith.constant 0 : i32
      %dma_wait3A_709 = arith.constant 0 : i32
      %dma_wait3A_710 = tpu.memref_slice %arg9[%run_scoped3A_40, %dma_wait3A_708, %dma_wait3A_709] : memref<2x64x128xf32, #tpu.memory_space<vmem>> -> memref<1x64x128xf32, #tpu.memory_space<vmem>>
      %dma_wait3A_711 = tpu.memref_squeeze %dma_wait3A_710 : memref<1x64x128xf32, #tpu.memory_space<vmem>> -> memref<64x128xf32, #tpu.memory_space<vmem>>
      %dma_wait3A_712 = arith.constant 0 : i32
      %dma_wait3A_713 = arith.constant 0 : i32
      %dma_wait3A_714 = tpu.memref_slice %dma_wait3A_711[%dma_wait3A_712, %dma_wait3A_713] : memref<64x128xf32, #tpu.memory_space<vmem>> -> memref<56x128xf32, #tpu.memory_space<vmem>>
      tpu.wait_dma2 semaphore(%run_scoped3A_678 : memref<!tpu.dma_semaphore, #tpu.memory_space<semaphore_mem>>) src(%dma_wait3A_714 : memref<56x128xf32, #tpu.memory_space<vmem>>) dst(%dma_wait3A_707 : memref<56x128xf32, #tpu.memory_space<vmem_shared>>)
      tpu.yield
    }) : () -> ()
    %barrier3A = arith.constant 0 : index
    tpu.barrier barrier_id(%barrier3A)
    %run_scoped3A_41 = arith.constant 0 : i32
    "tpu.region"() ({
      %run_scoped3A_678 = tpu.sem_alloc : memref<!tpu.dma_semaphore, #tpu.memory_space<semaphore_mem>>
      %dma_start3A_679 = arith.constant 0 : i32
      %dma_start3A_680 = arith.constant 0 : i32
      %dma_start3A_681 = tpu.memref_slice %arg6[%run_scoped3A_41, %dma_start3A_679, %dma_start3A_680] : memref<2x2x64xi32, #tpu.memory_space<vmem>> -> memref<1x2x64xi32, #tpu.memory_space<vmem>>
      %dma_start3A_682 = tpu.memref_squeeze %dma_start3A_681 : memref<1x2x64xi32, #tpu.memory_space<vmem>> -> memref<2x64xi32, #tpu.memory_space<vmem>>
      %dma_start3A_683 = arith.constant 0 : i32
      %dma_start3A_684 = arith.constant 0 : i32
      %dma_start3A_685 = tpu.memref_slice %arg3[%mul3A_2, %dma_start3A_683, %dma_start3A_684] : memref<5056x2x64xi32, #tpu.memory_space<hbm>> -> memref<1x2x64xi32, #tpu.memory_space<hbm>>
      %dma_start3A_686 = tpu.memref_squeeze %dma_start3A_685 : memref<1x2x64xi32, #tpu.memory_space<hbm>> -> memref<2x64xi32, #tpu.memory_space<hbm>>
      %dma_start3A_687 = arith.constant 0 : i32
      %dma_start3A_688 = arith.constant 0 : i32
      %dma_start3A_689 = tpu.memref_slice %arg6[%run_scoped3A_41, %dma_start3A_687, %dma_start3A_688] : memref<2x2x64xi32, #tpu.memory_space<vmem>> -> memref<1x2x64xi32, #tpu.memory_space<vmem>>
      %dma_start3A_690 = tpu.memref_squeeze %dma_start3A_689 : memref<1x2x64xi32, #tpu.memory_space<vmem>> -> memref<2x64xi32, #tpu.memory_space<vmem>>
      %dma_start3A_691 = arith.constant 0 : i32
      %dma_start3A_692 = arith.constant 0 : i32
      %dma_start3A_693 = tpu.memref_slice %arg3[%mul3A_2, %dma_start3A_691, %dma_start3A_692] : memref<5056x2x64xi32, #tpu.memory_space<hbm>> -> memref<1x2x64xi32, #tpu.memory_space<hbm>>
      %dma_start3A_694 = tpu.memref_squeeze %dma_start3A_693 : memref<1x2x64xi32, #tpu.memory_space<hbm>> -> memref<2x64xi32, #tpu.memory_space<hbm>>
      tpu.enqueue_dma source(%dma_start3A_694 : memref<2x64xi32, #tpu.memory_space<hbm>>) target(%dma_start3A_690 : memref<2x64xi32, #tpu.memory_space<vmem>>) target_semaphore(%run_scoped3A_678 : memref<!tpu.dma_semaphore, #tpu.memory_space<semaphore_mem>>)
      %dma_wait3A_695 = arith.constant 0 : i32
      %dma_wait3A_696 = arith.constant 0 : i32
      %dma_wait3A_697 = tpu.memref_slice %arg6[%run_scoped3A_41, %dma_wait3A_695, %dma_wait3A_696] : memref<2x2x64xi32, #tpu.memory_space<vmem>> -> memref<1x2x64xi32, #tpu.memory_space<vmem>>
      %dma_wait3A_698 = tpu.memref_squeeze %dma_wait3A_697 : memref<1x2x64xi32, #tpu.memory_space<vmem>> -> memref<2x64xi32, #tpu.memory_space<vmem>>
      %dma_wait3A_699 = arith.constant 0 : i32
      %dma_wait3A_700 = arith.constant 0 : i32
      %dma_wait3A_701 = tpu.memref_slice %arg3[%mul3A_2, %dma_wait3A_699, %dma_wait3A_700] : memref<5056x2x64xi32, #tpu.memory_space<hbm>> -> memref<1x2x64xi32, #tpu.memory_space<hbm>>
      %dma_wait3A_702 = tpu.memref_squeeze %dma_wait3A_701 : memref<1x2x64xi32, #tpu.memory_space<hbm>> -> memref<2x64xi32, #tpu.memory_space<hbm>>
      %dma_wait3A_703 = arith.constant 0 : i32
      %dma_wait3A_704 = arith.constant 0 : i32
      %dma_wait3A_705 = tpu.memref_slice %arg6[%run_scoped3A_41, %dma_wait3A_703, %dma_wait3A_704] : memref<2x2x64xi32, #tpu.memory_space<vmem>> -> memref<1x2x64xi32, #tpu.memory_space<vmem>>
      %dma_wait3A_706 = tpu.memref_squeeze %dma_wait3A_705 : memref<1x2x64xi32, #tpu.memory_space<vmem>> -> memref<2x64xi32, #tpu.memory_space<vmem>>
      %dma_wait3A_707 = arith.constant 0 : i32
      %dma_wait3A_708 = arith.constant 0 : i32
      %dma_wait3A_709 = tpu.memref_slice %arg3[%mul3A_2, %dma_wait3A_707, %dma_wait3A_708] : memref<5056x2x64xi32, #tpu.memory_space<hbm>> -> memref<1x2x64xi32, #tpu.memory_space<hbm>>
      %dma_wait3A_710 = tpu.memref_squeeze %dma_wait3A_709 : memref<1x2x64xi32, #tpu.memory_space<hbm>> -> memref<2x64xi32, #tpu.memory_space<hbm>>
      tpu.wait_dma2 semaphore(%run_scoped3A_678 : memref<!tpu.dma_semaphore, #tpu.memory_space<semaphore_mem>>) src(%dma_wait3A_710 : memref<2x64xi32, #tpu.memory_space<hbm>>) dst(%dma_wait3A_706 : memref<2x64xi32, #tpu.memory_space<vmem>>)
      tpu.yield
    }) : () -> ()
    %add3A_42 = arith.constant 1 : i32
    %add3A_43 = arith.addi %mul3A_2, %add3A_42 : i32
    %dma_start3A = arith.constant 1 : i32
    %dma_start3A_44 = arith.constant 0 : i32
    %dma_start3A_45 = arith.constant 0 : i32
    %dma_start3A_46 = tpu.memref_slice %arg6[%dma_start3A, %dma_start3A_44, %dma_start3A_45] : memref<2x2x64xi32, #tpu.memory_space<vmem>> -> memref<1x2x64xi32, #tpu.memory_space<vmem>>
    %dma_start3A_47 = tpu.memref_squeeze %dma_start3A_46 : memref<1x2x64xi32, #tpu.memory_space<vmem>> -> memref<2x64xi32, #tpu.memory_space<vmem>>
    %dma_start3A_48 = arith.constant 0 : i32
    %dma_start3A_49 = arith.constant 0 : i32
    %dma_start3A_50 = tpu.memref_slice %arg3[%add3A_43, %dma_start3A_48, %dma_start3A_49] : memref<5056x2x64xi32, #tpu.memory_space<hbm>> -> memref<1x2x64xi32, #tpu.memory_space<hbm>>
    %dma_start3A_51 = tpu.memref_squeeze %dma_start3A_50 : memref<1x2x64xi32, #tpu.memory_space<hbm>> -> memref<2x64xi32, #tpu.memory_space<hbm>>
    %dma_start3A_52 = arith.constant 0 : i32
    %dma_start3A_53 = arith.constant 0 : i32
    %dma_start3A_54 = tpu.memref_slice %arg6[%dma_start3A, %dma_start3A_52, %dma_start3A_53] : memref<2x2x64xi32, #tpu.memory_space<vmem>> -> memref<1x2x64xi32, #tpu.memory_space<vmem>>
    %dma_start3A_55 = tpu.memref_squeeze %dma_start3A_54 : memref<1x2x64xi32, #tpu.memory_space<vmem>> -> memref<2x64xi32, #tpu.memory_space<vmem>>
    %dma_start3A_56 = arith.constant 0 : i32
    %dma_start3A_57 = arith.constant 0 : i32
    %dma_start3A_58 = tpu.memref_slice %arg3[%add3A_43, %dma_start3A_56, %dma_start3A_57] : memref<5056x2x64xi32, #tpu.memory_space<hbm>> -> memref<1x2x64xi32, #tpu.memory_space<hbm>>
    %dma_start3A_59 = tpu.memref_squeeze %dma_start3A_58 : memref<1x2x64xi32, #tpu.memory_space<hbm>> -> memref<2x64xi32, #tpu.memory_space<hbm>>
    tpu.enqueue_dma source(%dma_start3A_59 : memref<2x64xi32, #tpu.memory_space<hbm>>) target(%dma_start3A_55 : memref<2x64xi32, #tpu.memory_space<vmem>>) target_semaphore(%arg13 : memref<!tpu.dma_semaphore, #tpu.memory_space<semaphore_mem>>)
    %dma_start3A_60 = arith.constant 0 : i32
    %dma_start3A_61 = arith.constant 0 : i32
    %dma_start3A_62 = arith.constant 0 : i32
    %dma_start3A_63 = arith.constant 0 : i32
    %dma_start3A_64 = arith.constant 0 : i32
    %dma_start3A_65 = tpu.memref_slice %arg7[%dma_start3A_62, %dma_start3A_63, %dma_start3A_64] : memref<2x64x128xf32, #tpu.memory_space<vmem>> -> memref<1x64x128xf32, #tpu.memory_space<vmem>>
    %dma_start3A_66 = tpu.memref_squeeze %dma_start3A_65 : memref<1x64x128xf32, #tpu.memory_space<vmem>> -> memref<64x128xf32, #tpu.memory_space<vmem>>
    %dma_start3A_67 = arith.constant 0 : i32
    %dma_start3A_68 = tpu.memref_slice %arg6[%dma_start3A_60, %dma_start3A_61, %dma_start3A_67] : memref<2x2x64xi32, #tpu.memory_space<vmem>> -> memref<1x1x64xi32, #tpu.memory_space<vmem>>
    %dma_start3A_69 = tpu.memref_squeeze %dma_start3A_68 : memref<1x1x64xi32, #tpu.memory_space<vmem>> -> memref<64xi32, #tpu.memory_space<vmem>>
    %dma_start3A_70 = arith.constant 0 : i32
    %dma_start3A_71 = arith.constant 0 : i32
    %dma_start3A_72 = tpu.memref_slice %arg2[%dma_start3A_70, %dma_start3A_71] : memref<10000x128xf32, #tpu.memory_space<hbm>> -> memref<10000x128xf32, #tpu.memory_space<hbm>>
    tpu.enqueue_indirect_dma source(%dma_start3A_72 : memref<10000x128xf32, #tpu.memory_space<hbm>>) target(%dma_start3A_66 : memref<64x128xf32, #tpu.memory_space<vmem>>) offsets(%dma_start3A_69 : memref<64xi32, #tpu.memory_space<vmem>>) semaphore(%arg14 : memref<!tpu.dma_semaphore, #tpu.memory_space<semaphore_mem>>)
    %add3A_73 = arith.constant 0 : i32
    %add3A_74 = arith.addi %mul3A_2, %add3A_73 : i32
    %mul3A_75 = arith.constant 64 : i32
    %mul3A_76 = arith.muli %add3A_74, %mul3A_75 : i32
    %dma_start3A_77 = arith.constant 0 : i32
    %dma_start3A_78 = arith.constant 0 : i32
    %dma_start3A_79 = arith.constant 0 : i32
    %dma_start3A_80 = tpu.memref_slice %arg8[%dma_start3A_77, %dma_start3A_78, %dma_start3A_79] : memref<2x64x128xf32, #tpu.memory_space<vmem>> -> memref<1x64x128xf32, #tpu.memory_space<vmem>>
    %dma_start3A_81 = tpu.memref_squeeze %dma_start3A_80 : memref<1x64x128xf32, #tpu.memory_space<vmem>> -> memref<64x128xf32, #tpu.memory_space<vmem>>
    %dma_start3A_82 = arith.constant 0 : i32
    %dma_start3A_83 = tpu.memref_slice %arg4[%mul3A_76, %dma_start3A_82] : memref<323584x128xf32, #tpu.memory_space<hbm>> -> memref<64x128xf32, #tpu.memory_space<hbm>>
    %dma_start3A_84 = arith.constant 0 : i32
    %dma_start3A_85 = arith.constant 0 : i32
    %dma_start3A_86 = tpu.memref_slice %arg8[%dma_start3A_77, %dma_start3A_84, %dma_start3A_85] : memref<2x64x128xf32, #tpu.memory_space<vmem>> -> memref<1x64x128xf32, #tpu.memory_space<vmem>>
    %dma_start3A_87 = tpu.memref_squeeze %dma_start3A_86 : memref<1x64x128xf32, #tpu.memory_space<vmem>> -> memref<64x128xf32, #tpu.memory_space<vmem>>
    %dma_start3A_88 = arith.constant 0 : i32
    %dma_start3A_89 = tpu.memref_slice %arg4[%mul3A_76, %dma_start3A_88] : memref<323584x128xf32, #tpu.memory_space<hbm>> -> memref<64x128xf32, #tpu.memory_space<hbm>>
    tpu.enqueue_dma source(%dma_start3A_89 : memref<64x128xf32, #tpu.memory_space<hbm>>) target(%dma_start3A_87 : memref<64x128xf32, #tpu.memory_space<vmem>>) target_semaphore(%arg16 : memref<!tpu.dma_semaphore, #tpu.memory_space<semaphore_mem>>)
    %dma_wait3A = arith.constant 1 : i32
    %dma_wait3A_90 = arith.constant 0 : i32
    %dma_wait3A_91 = arith.constant 0 : i32
    %dma_wait3A_92 = tpu.memref_slice %arg6[%dma_wait3A, %dma_wait3A_90, %dma_wait3A_91] : memref<2x2x64xi32, #tpu.memory_space<vmem>> -> memref<1x2x64xi32, #tpu.memory_space<vmem>>
    %dma_wait3A_93 = tpu.memref_squeeze %dma_wait3A_92 : memref<1x2x64xi32, #tpu.memory_space<vmem>> -> memref<2x64xi32, #tpu.memory_space<vmem>>
    %dma_wait3A_94 = arith.constant 0 : i32
    %dma_wait3A_95 = arith.constant 0 : i32
    %dma_wait3A_96 = tpu.memref_slice %arg3[%mul3A_2, %dma_wait3A_94, %dma_wait3A_95] : memref<5056x2x64xi32, #tpu.memory_space<hbm>> -> memref<1x2x64xi32, #tpu.memory_space<hbm>>
    %dma_wait3A_97 = tpu.memref_squeeze %dma_wait3A_96 : memref<1x2x64xi32, #tpu.memory_space<hbm>> -> memref<2x64xi32, #tpu.memory_space<hbm>>
    %dma_wait3A_98 = arith.constant 0 : i32
    %dma_wait3A_99 = arith.constant 0 : i32
    %dma_wait3A_100 = tpu.memref_slice %arg6[%dma_wait3A, %dma_wait3A_98, %dma_wait3A_99] : memref<2x2x64xi32, #tpu.memory_space<vmem>> -> memref<1x2x64xi32, #tpu.memory_space<vmem>>
    %dma_wait3A_101 = tpu.memref_squeeze %dma_wait3A_100 : memref<1x2x64xi32, #tpu.memory_space<vmem>> -> memref<2x64xi32, #tpu.memory_space<vmem>>
    %dma_wait3A_102 = arith.constant 0 : i32
    %dma_wait3A_103 = arith.constant 0 : i32
    %dma_wait3A_104 = tpu.memref_slice %arg3[%mul3A_2, %dma_wait3A_102, %dma_wait3A_103] : memref<5056x2x64xi32, #tpu.memory_space<hbm>> -> memref<1x2x64xi32, #tpu.memory_space<hbm>>
    %dma_wait3A_105 = tpu.memref_squeeze %dma_wait3A_104 : memref<1x2x64xi32, #tpu.memory_space<hbm>> -> memref<2x64xi32, #tpu.memory_space<hbm>>
    tpu.wait_dma2 semaphore(%arg13 : memref<!tpu.dma_semaphore, #tpu.memory_space<semaphore_mem>>) src(%dma_wait3A_105 : memref<2x64xi32, #tpu.memory_space<hbm>>) dst(%dma_wait3A_101 : memref<2x64xi32, #tpu.memory_space<vmem>>)
    %dma_start3A_106 = arith.constant 1 : i32
    %dma_start3A_107 = arith.constant 0 : i32
    %dma_start3A_108 = arith.constant 1 : i32
    %dma_start3A_109 = arith.constant 0 : i32
    %dma_start3A_110 = arith.constant 0 : i32
    %dma_start3A_111 = tpu.memref_slice %arg7[%dma_start3A_108, %dma_start3A_109, %dma_start3A_110] : memref<2x64x128xf32, #tpu.memory_space<vmem>> -> memref<1x64x128xf32, #tpu.memory_space<vmem>>
    %dma_start3A_112 = tpu.memref_squeeze %dma_start3A_111 : memref<1x64x128xf32, #tpu.memory_space<vmem>> -> memref<64x128xf32, #tpu.memory_space<vmem>>
    %dma_start3A_113 = arith.constant 0 : i32
    %dma_start3A_114 = tpu.memref_slice %arg6[%dma_start3A_106, %dma_start3A_107, %dma_start3A_113] : memref<2x2x64xi32, #tpu.memory_space<vmem>> -> memref<1x1x64xi32, #tpu.memory_space<vmem>>
    %dma_start3A_115 = tpu.memref_squeeze %dma_start3A_114 : memref<1x1x64xi32, #tpu.memory_space<vmem>> -> memref<64xi32, #tpu.memory_space<vmem>>
    %dma_start3A_116 = arith.constant 0 : i32
    %dma_start3A_117 = arith.constant 0 : i32
    %dma_start3A_118 = tpu.memref_slice %arg2[%dma_start3A_116, %dma_start3A_117] : memref<10000x128xf32, #tpu.memory_space<hbm>> -> memref<10000x128xf32, #tpu.memory_space<hbm>>
    tpu.enqueue_indirect_dma source(%dma_start3A_118 : memref<10000x128xf32, #tpu.memory_space<hbm>>) target(%dma_start3A_112 : memref<64x128xf32, #tpu.memory_space<vmem>>) offsets(%dma_start3A_115 : memref<64xi32, #tpu.memory_space<vmem>>) semaphore(%arg15 : memref<!tpu.dma_semaphore, #tpu.memory_space<semaphore_mem>>)
    %add3A_119 = arith.constant 1 : i32
    %add3A_120 = arith.addi %mul3A_2, %add3A_119 : i32
    %mul3A_121 = arith.constant 64 : i32
    %mul3A_122 = arith.muli %add3A_120, %mul3A_121 : i32
    %dma_start3A_123 = arith.constant 1 : i32
    %dma_start3A_124 = arith.constant 0 : i32
    %dma_start3A_125 = arith.constant 0 : i32
    %dma_start3A_126 = tpu.memref_slice %arg8[%dma_start3A_123, %dma_start3A_124, %dma_start3A_125] : memref<2x64x128xf32, #tpu.memory_space<vmem>> -> memref<1x64x128xf32, #tpu.memory_space<vmem>>
    %dma_start3A_127 = tpu.memref_squeeze %dma_start3A_126 : memref<1x64x128xf32, #tpu.memory_space<vmem>> -> memref<64x128xf32, #tpu.memory_space<vmem>>
    %dma_start3A_128 = arith.constant 0 : i32
    %dma_start3A_129 = tpu.memref_slice %arg4[%mul3A_122, %dma_start3A_128] : memref<323584x128xf32, #tpu.memory_space<hbm>> -> memref<64x128xf32, #tpu.memory_space<hbm>>
    %dma_start3A_130 = arith.constant 0 : i32
    %dma_start3A_131 = arith.constant 0 : i32
    %dma_start3A_132 = tpu.memref_slice %arg8[%dma_start3A_123, %dma_start3A_130, %dma_start3A_131] : memref<2x64x128xf32, #tpu.memory_space<vmem>> -> memref<1x64x128xf32, #tpu.memory_space<vmem>>
    %dma_start3A_133 = tpu.memref_squeeze %dma_start3A_132 : memref<1x64x128xf32, #tpu.memory_space<vmem>> -> memref<64x128xf32, #tpu.memory_space<vmem>>
    %dma_start3A_134 = arith.constant 0 : i32
    %dma_start3A_135 = tpu.memref_slice %arg4[%mul3A_122, %dma_start3A_134] : memref<323584x128xf32, #tpu.memory_space<hbm>> -> memref<64x128xf32, #tpu.memory_space<hbm>>
    tpu.enqueue_dma source(%dma_start3A_135 : memref<64x128xf32, #tpu.memory_space<hbm>>) target(%dma_start3A_133 : memref<64x128xf32, #tpu.memory_space<vmem>>) target_semaphore(%arg17 : memref<!tpu.dma_semaphore, #tpu.memory_space<semaphore_mem>>)
    %dma_wait3A_136 = arith.constant 0 : i32
    %dma_wait3A_137 = arith.constant 0 : i32
    %dma_wait3A_138 = arith.constant 0 : i32
    %dma_wait3A_139 = arith.constant 0 : i32
    %dma_wait3A_140 = arith.constant 0 : i32
    %dma_wait3A_141 = tpu.memref_slice %arg7[%dma_wait3A_138, %dma_wait3A_139, %dma_wait3A_140] : memref<2x64x128xf32, #tpu.memory_space<vmem>> -> memref<1x64x128xf32, #tpu.memory_space<vmem>>
    %dma_wait3A_142 = tpu.memref_squeeze %dma_wait3A_141 : memref<1x64x128xf32, #tpu.memory_space<vmem>> -> memref<64x128xf32, #tpu.memory_space<vmem>>
    %dma_wait3A_143 = arith.constant 0 : i32
    %dma_wait3A_144 = tpu.memref_slice %arg6[%dma_wait3A_136, %dma_wait3A_137, %dma_wait3A_143] : memref<2x2x64xi32, #tpu.memory_space<vmem>> -> memref<1x1x64xi32, #tpu.memory_space<vmem>>
    %dma_wait3A_145 = tpu.memref_squeeze %dma_wait3A_144 : memref<1x1x64xi32, #tpu.memory_space<vmem>> -> memref<64xi32, #tpu.memory_space<vmem>>
    %dma_wait3A_146 = arith.constant 0 : i32
    %dma_wait3A_147 = arith.constant 0 : i32
    %dma_wait3A_148 = tpu.memref_slice %arg2[%dma_wait3A_146, %dma_wait3A_147] : memref<10000x128xf32, #tpu.memory_space<hbm>> -> memref<10000x128xf32, #tpu.memory_space<hbm>>
    tpu.wait_indirect_dma semaphore(%arg14 : memref<!tpu.dma_semaphore, #tpu.memory_space<semaphore_mem>>) src(%dma_wait3A_148 : memref<10000x128xf32, #tpu.memory_space<hbm>>) dst(%dma_wait3A_142 : memref<64x128xf32, #tpu.memory_space<vmem>>)
    %dma_wait3A_149 = arith.constant 0 : i32
    %dma_wait3A_150 = arith.constant 0 : i32
    %dma_wait3A_151 = arith.constant 0 : i32
    %dma_wait3A_152 = tpu.memref_slice %arg8[%dma_wait3A_149, %dma_wait3A_150, %dma_wait3A_151] : memref<2x64x128xf32, #tpu.memory_space<vmem>> -> memref<1x64x128xf32, #tpu.memory_space<vmem>>
    %dma_wait3A_153 = tpu.memref_squeeze %dma_wait3A_152 : memref<1x64x128xf32, #tpu.memory_space<vmem>> -> memref<64x128xf32, #tpu.memory_space<vmem>>
    %dma_wait3A_154 = arith.constant 0 : i32
    %dma_wait3A_155 = arith.constant 0 : i32
    %dma_wait3A_156 = tpu.memref_slice %arg4[%dma_wait3A_154, %dma_wait3A_155] : memref<323584x128xf32, #tpu.memory_space<hbm>> -> memref<64x128xf32, #tpu.memory_space<hbm>>
    %dma_wait3A_157 = arith.constant 0 : i32
    %dma_wait3A_158 = arith.constant 0 : i32
    %dma_wait3A_159 = tpu.memref_slice %arg8[%dma_wait3A_149, %dma_wait3A_157, %dma_wait3A_158] : memref<2x64x128xf32, #tpu.memory_space<vmem>> -> memref<1x64x128xf32, #tpu.memory_space<vmem>>
    %dma_wait3A_160 = tpu.memref_squeeze %dma_wait3A_159 : memref<1x64x128xf32, #tpu.memory_space<vmem>> -> memref<64x128xf32, #tpu.memory_space<vmem>>
    %dma_wait3A_161 = arith.constant 0 : i32
    %dma_wait3A_162 = arith.constant 0 : i32
    %dma_wait3A_163 = tpu.memref_slice %arg4[%dma_wait3A_161, %dma_wait3A_162] : memref<323584x128xf32, #tpu.memory_space<hbm>> -> memref<64x128xf32, #tpu.memory_space<hbm>>
    tpu.wait_dma2 semaphore(%arg16 : memref<!tpu.dma_semaphore, #tpu.memory_space<semaphore_mem>>) src(%dma_wait3A_163 : memref<64x128xf32, #tpu.memory_space<hbm>>) dst(%dma_wait3A_160 : memref<64x128xf32, #tpu.memory_space<vmem>>)
    %get3A = arith.constant 0 : i32
    %get3A_164 = arith.constant 1 : i32
    %get3A_165 = arith.index_cast %get3A : i32 to index
    %get3A_166 = arith.index_cast %get3A_164 : i32 to index
    %get3A_167 = arith.constant 0 : index
    %get3A_168 = tpu.vector_load %arg6[%get3A_165, %get3A_166, %get3A_167] {strides = array<i32>} : memref<2x2x64xi32, #tpu.memory_space<vmem>>, vector<1x1x16xi32>,
    %get3A_169 = vector.shape_cast %get3A_168 : vector<1x1x16xi32> to vector<16xi32>
    %swap3A = arith.constant 0 : i32
    %swap3A_170 = arith.index_cast %swap3A : i32 to index
    %swap3A_171 = arith.constant 0 : index
    %swap3A_172 = tpu.vector_load %arg10[%swap3A_170, %swap3A_171] {strides = array<i32>} : memref<2x64xi32, #tpu.memory_space<vmem>>, vector<1x16xi32>,
    %swap3A_173 = vector.shape_cast %swap3A_172 : vector<1x16xi32> to vector<16xi32>
    %swap3A_174 = vector.shape_cast %get3A_169 : vector<16xi32> to vector<1x16xi32>
    tpu.vector_store %arg10[%swap3A_170, %swap3A_171], %swap3A_174 {strides = array<i32>} : memref<2x64xi32, #tpu.memory_space<vmem>>, vector<1x16xi32>,
    %get3A_175 = arith.constant 0 : i32
    %get3A_176 = arith.constant 1 : i32
    %get3A_177 = arith.index_cast %get3A_175 : i32 to index
    %get3A_178 = arith.index_cast %get3A_176 : i32 to index
    %get3A_179 = arith.constant 16 : index
    %get3A_180 = tpu.vector_load %arg6[%get3A_177, %get3A_178, %get3A_179] {strides = array<i32>} : memref<2x2x64xi32, #tpu.memory_space<vmem>>, vector<1x1x16xi32>,
    %get3A_181 = vector.shape_cast %get3A_180 : vector<1x1x16xi32> to vector<16xi32>
    %swap3A_182 = arith.constant 0 : i32
    %swap3A_183 = arith.index_cast %swap3A_182 : i32 to index
    %swap3A_184 = arith.constant 16 : index
    %swap3A_185 = tpu.vector_load %arg10[%swap3A_183, %swap3A_184] {strides = array<i32>} : memref<2x64xi32, #tpu.memory_space<vmem>>, vector<1x16xi32>,
    %swap3A_186 = vector.shape_cast %swap3A_185 : vector<1x16xi32> to vector<16xi32>
    %swap3A_187 = vector.shape_cast %get3A_181 : vector<16xi32> to vector<1x16xi32>
    tpu.vector_store %arg10[%swap3A_183, %swap3A_184], %swap3A_187 {strides = array<i32>} : memref<2x64xi32, #tpu.memory_space<vmem>>, vector<1x16xi32>,
    %get3A_188 = arith.constant 0 : i32
    %get3A_189 = arith.constant 1 : i32
    %get3A_190 = arith.index_cast %get3A_188 : i32 to index
    %get3A_191 = arith.index_cast %get3A_189 : i32 to index
    %get3A_192 = arith.constant 32 : index
    %get3A_193 = tpu.vector_load %arg6[%get3A_190, %get3A_191, %get3A_192] {strides = array<i32>} : memref<2x2x64xi32, #tpu.memory_space<vmem>>, vector<1x1x16xi32>,
    %get3A_194 = vector.shape_cast %get3A_193 : vector<1x1x16xi32> to vector<16xi32>
    %swap3A_195 = arith.constant 0 : i32
    %swap3A_196 = arith.index_cast %swap3A_195 : i32 to index
    %swap3A_197 = arith.constant 32 : index
    %swap3A_198 = tpu.vector_load %arg10[%swap3A_196, %swap3A_197] {strides = array<i32>} : memref<2x64xi32, #tpu.memory_space<vmem>>, vector<1x16xi32>,
    %swap3A_199 = vector.shape_cast %swap3A_198 : vector<1x16xi32> to vector<16xi32>
    %swap3A_200 = vector.shape_cast %get3A_194 : vector<16xi32> to vector<1x16xi32>
    tpu.vector_store %arg10[%swap3A_196, %swap3A_197], %swap3A_200 {strides = array<i32>} : memref<2x64xi32, #tpu.memory_space<vmem>>, vector<1x16xi32>,
    %get3A_201 = arith.constant 0 : i32
    %get3A_202 = arith.constant 1 : i32
    %get3A_203 = arith.index_cast %get3A_201 : i32 to index
    %get3A_204 = arith.index_cast %get3A_202 : i32 to index
    %get3A_205 = arith.constant 48 : index
    %get3A_206 = tpu.vector_load %arg6[%get3A_203, %get3A_204, %get3A_205] {strides = array<i32>} : memref<2x2x64xi32, #tpu.memory_space<vmem>>, vector<1x1x16xi32>,
    %get3A_207 = vector.shape_cast %get3A_206 : vector<1x1x16xi32> to vector<16xi32>
    %swap3A_208 = arith.constant 0 : i32
    %swap3A_209 = arith.index_cast %swap3A_208 : i32 to index
    %swap3A_210 = arith.constant 48 : index
    %swap3A_211 = tpu.vector_load %arg10[%swap3A_209, %swap3A_210] {strides = array<i32>} : memref<2x64xi32, #tpu.memory_space<vmem>>, vector<1x16xi32>,
    %swap3A_212 = vector.shape_cast %swap3A_211 : vector<1x16xi32> to vector<16xi32>
    %swap3A_213 = vector.shape_cast %get3A_207 : vector<16xi32> to vector<1x16xi32>
    tpu.vector_store %arg10[%swap3A_209, %swap3A_210], %swap3A_213 {strides = array<i32>} : memref<2x64xi32, #tpu.memory_space<vmem>>, vector<1x16xi32>,
    %add3A_214 = arith.constant 0 : i32
    %add3A_215 = arith.addi %mul3A_2, %add3A_214 : i32
    %add3A_216 = arith.constant 2 : i32
    %add3A_217 = arith.addi %add3A_215, %add3A_216 : i32
    %dma_start3A_218 = arith.constant 0 : i32
    %dma_start3A_219 = arith.constant 0 : i32
    %dma_start3A_220 = arith.constant 0 : i32
    %dma_start3A_221 = tpu.memref_slice %arg6[%dma_start3A_218, %dma_start3A_219, %dma_start3A_220] : memref<2x2x64xi32, #tpu.memory_space<vmem>> -> memref<1x2x64xi32, #tpu.memory_space<vmem>>
    %dma_start3A_222 = tpu.memref_squeeze %dma_start3A_221 : memref<1x2x64xi32, #tpu.memory_space<vmem>> -> memref<2x64xi32, #tpu.memory_space<vmem>>
    %dma_start3A_223 = arith.constant 0 : i32
    %dma_start3A_224 = arith.constant 0 : i32
    %dma_start3A_225 = tpu.memref_slice %arg3[%add3A_217, %dma_start3A_223, %dma_start3A_224] : memref<5056x2x64xi32, #tpu.memory_space<hbm>> -> memref<1x2x64xi32, #tpu.memory_space<hbm>>
    %dma_start3A_226 = tpu.memref_squeeze %dma_start3A_225 : memref<1x2x64xi32, #tpu.memory_space<hbm>> -> memref<2x64xi32, #tpu.memory_space<hbm>>
    %dma_start3A_227 = arith.constant 0 : i32
    %dma_start3A_228 = arith.constant 0 : i32
    %dma_start3A_229 = tpu.memref_slice %arg6[%dma_start3A_218, %dma_start3A_227, %dma_start3A_228] : memref<2x2x64xi32, #tpu.memory_space<vmem>> -> memref<1x2x64xi32, #tpu.memory_space<vmem>>
    %dma_start3A_230 = tpu.memref_squeeze %dma_start3A_229 : memref<1x2x64xi32, #tpu.memory_space<vmem>> -> memref<2x64xi32, #tpu.memory_space<vmem>>
    %dma_start3A_231 = arith.constant 0 : i32
    %dma_start3A_232 = arith.constant 0 : i32
    %dma_start3A_233 = tpu.memref_slice %arg3[%add3A_217, %dma_start3A_231, %dma_start3A_232] : memref<5056x2x64xi32, #tpu.memory_space<hbm>> -> memref<1x2x64xi32, #tpu.memory_space<hbm>>
    %dma_start3A_234 = tpu.memref_squeeze %dma_start3A_233 : memref<1x2x64xi32, #tpu.memory_space<hbm>> -> memref<2x64xi32, #tpu.memory_space<hbm>>
    tpu.enqueue_dma source(%dma_start3A_234 : memref<2x64xi32, #tpu.memory_space<hbm>>) target(%dma_start3A_230 : memref<2x64xi32, #tpu.memory_space<vmem>>) target_semaphore(%arg12 : memref<!tpu.dma_semaphore, #tpu.memory_space<semaphore_mem>>)
    %scan3A_235 = arith.constant 0 : i32
    %scan3A_236 = arith.constant 0 : i32
    %scan3A_237 = arith.constant 32 : i32
    %scan3A_238 = arith.addi %scan3A_236, %scan3A_237 : i32
    %scan3A_239 = arith.constant 1 : i32
    %scan3A_240 = scf.for %scan3A_678 = %scan3A_236 to %scan3A_238 step %scan3A_239 iter_args(%scan3A_679 = %scan3A_235) -> (i32)  : i32 {
      %mul3A_680 = arith.constant 2 : i32
      %mul3A_681 = arith.muli %mul3A_680, %scan3A_678 : i32
      %add3A_682 = arith.constant 0 : i32
      %add3A_683 = arith.addi %mul3A_681, %add3A_682 : i32
      %get3A_684 = arith.constant 0 : i32
      %get3A_685 = arith.index_cast %get3A_684 : i32 to index
      %get3A_686 = arith.index_cast %add3A_683 : i32 to index
      %get3A_687 = arith.constant 0 : index
      %get3A_688 = tpu.vector_load %arg7[%get3A_685, %get3A_686, %get3A_687] {strides = array<i32>} : memref<2x64x128xf32, #tpu.memory_space<vmem>>, vector<1x1x16xf32>,
      %get3A_689 = vector.shape_cast %get3A_688 : vector<1x1x16xf32> to vector<16xf32>
      %get3A_690 = arith.constant 0 : i32
      %get3A_691 = arith.index_cast %get3A_690 : i32 to index
      %get3A_692 = arith.index_cast %add3A_683 : i32 to index
      %get3A_693 = arith.constant 0 : index
      %get3A_694 = tpu.vector_load %arg8[%get3A_691, %get3A_692, %get3A_693] {strides = array<i32>} : memref<2x64x128xf32, #tpu.memory_space<vmem>>, vector<1x1x16xf32>,
      %get3A_695 = vector.shape_cast %get3A_694 : vector<1x1x16xf32> to vector<16xf32>
      %mul3A_696 = arith.mulf %get3A_689, %get3A_695 : vector<16xf32>
      %swap3A_697 = arith.constant 0 : i32
      %swap3A_698 = arith.index_cast %swap3A_697 : i32 to index
      %swap3A_699 = arith.index_cast %add3A_683 : i32 to index
      %swap3A_700 = arith.constant 0 : index
      %swap3A_701 = tpu.vector_load %arg9[%swap3A_698, %swap3A_699, %swap3A_700] {strides = array<i32>} : memref<2x64x128xf32, #tpu.memory_space<vmem>>, vector<1x1x16xf32>,
      %swap3A_702 = vector.shape_cast %swap3A_701 : vector<1x1x16xf32> to vector<16xf32>
      %swap3A_703 = vector.shape_cast %mul3A_696 : vector<16xf32> to vector<1x1x16xf32>
      tpu.vector_store %arg9[%swap3A_698, %swap3A_699, %swap3A_700], %swap3A_703 {strides = array<i32>} : memref<2x64x128xf32, #tpu.memory_space<vmem>>, vector<1x1x16xf32>,
      %get3A_704 = arith.constant 0 : i32
      %get3A_705 = arith.index_cast %get3A_704 : i32 to index
      %get3A_706 = arith.index_cast %add3A_683 : i32 to index
      %get3A_707 = arith.constant 16 : index
      %get3A_708 = tpu.vector_load %arg7[%get3A_705, %get3A_706, %get3A_707] {strides = array<i32>} : memref<2x64x128xf32, #tpu.memory_space<vmem>>, vector<1x1x16xf32>,
      %get3A_709 = vector.shape_cast %get3A_708 : vector<1x1x16xf32> to vector<16xf32>
      %get3A_710 = arith.constant 0 : i32
      %get3A_711 = arith.index_cast %get3A_710 : i32 to index
      %get3A_712 = arith.index_cast %add3A_683 : i32 to index
      %get3A_713 = arith.constant 16 : index
      %get3A_714 = tpu.vector_load %arg8[%get3A_711, %get3A_712, %get3A_713] {strides = array<i32>} : memref<2x64x128xf32, #tpu.memory_space<vmem>>, vector<1x1x16xf32>,
      %get3A_715 = vector.shape_cast %get3A_714 : vector<1x1x16xf32> to vector<16xf32>
      %mul3A_716 = arith.mulf %get3A_709, %get3A_715 : vector<16xf32>
      %swap3A_717 = arith.constant 0 : i32
      %swap3A_718 = arith.index_cast %swap3A_717 : i32 to index
      %swap3A_719 = arith.index_cast %add3A_683 : i32 to index
      %swap3A_720 = arith.constant 16 : index
      %swap3A_721 = tpu.vector_load %arg9[%swap3A_718, %swap3A_719, %swap3A_720] {strides = array<i32>} : memref<2x64x128xf32, #tpu.memory_space<vmem>>, vector<1x1x16xf32>,
      %swap3A_722 = vector.shape_cast %swap3A_721 : vector<1x1x16xf32> to vector<16xf32>
      %swap3A_723 = vector.shape_cast %mul3A_716 : vector<16xf32> to vector<1x1x16xf32>
      tpu.vector_store %arg9[%swap3A_718, %swap3A_719, %swap3A_720], %swap3A_723 {strides = array<i32>} : memref<2x64x128xf32, #tpu.memory_space<vmem>>, vector<1x1x16xf32>,
      %get3A_724 = arith.constant 0 : i32
      %get3A_725 = arith.index_cast %get3A_724 : i32 to index
      %get3A_726 = arith.index_cast %add3A_683 : i32 to index
      %get3A_727 = arith.constant 32 : index
      %get3A_728 = tpu.vector_load %arg7[%get3A_725, %get3A_726, %get3A_727] {strides = array<i32>} : memref<2x64x128xf32, #tpu.memory_space<vmem>>, vector<1x1x16xf32>,
      %get3A_729 = vector.shape_cast %get3A_728 : vector<1x1x16xf32> to vector<16xf32>
      %get3A_730 = arith.constant 0 : i32
      %get3A_731 = arith.index_cast %get3A_730 : i32 to index
      %get3A_732 = arith.index_cast %add3A_683 : i32 to index
      %get3A_733 = arith.constant 32 : index
      %get3A_734 = tpu.vector_load %arg8[%get3A_731, %get3A_732, %get3A_733] {strides = array<i32>} : memref<2x64x128xf32, #tpu.memory_space<vmem>>, vector<1x1x16xf32>,
      %get3A_735 = vector.shape_cast %get3A_734 : vector<1x1x16xf32> to vector<16xf32>
      %mul3A_736 = arith.mulf %get3A_729, %get3A_735 : vector<16xf32>
      %swap3A_737 = arith.constant 0 : i32
      %swap3A_738 = arith.index_cast %swap3A_737 : i32 to index
      %swap3A_739 = arith.index_cast %add3A_683 : i32 to index
      %swap3A_740 = arith.constant 32 : index
      %swap3A_741 = tpu.vector_load %arg9[%swap3A_738, %swap3A_739, %swap3A_740] {strides = array<i32>} : memref<2x64x128xf32, #tpu.memory_space<vmem>>, vector<1x1x16xf32>,
      %swap3A_742 = vector.shape_cast %swap3A_741 : vector<1x1x16xf32> to vector<16xf32>
      %swap3A_743 = vector.shape_cast %mul3A_736 : vector<16xf32> to vector<1x1x16xf32>
      tpu.vector_store %arg9[%swap3A_738, %swap3A_739, %swap3A_740], %swap3A_743 {strides = array<i32>} : memref<2x64x128xf32, #tpu.memory_space<vmem>>, vector<1x1x16xf32>,
      %get3A_744 = arith.constant 0 : i32
      %get3A_745 = arith.index_cast %get3A_744 : i32 to index
      %get3A_746 = arith.index_cast %add3A_683 : i32 to index
      %get3A_747 = arith.constant 48 : index
      %get3A_748 = tpu.vector_load %arg7[%get3A_745, %get3A_746, %get3A_747] {strides = array<i32>} : memref<2x64x128xf32, #tpu.memory_space<vmem>>, vector<1x1x16xf32>,
      %get3A_749 = vector.shape_cast %get3A_748 : vector<1x1x16xf32> to vector<16xf32>
      %get3A_750 = arith.constant 0 : i32
      %get3A_751 = arith.index_cast %get3A_750 : i32 to index
      %get3A_752 = arith.index_cast %add3A_683 : i32 to index
      %get3A_753 = arith.constant 48 : index
      %get3A_754 = tpu.vector_load %arg8[%get3A_751, %get3A_752, %get3A_753] {strides = array<i32>} : memref<2x64x128xf32, #tpu.memory_space<vmem>>, vector<1x1x16xf32>,
      %get3A_755 = vector.shape_cast %get3A_754 : vector<1x1x16xf32> to vector<16xf32>
      %mul3A_756 = arith.mulf %get3A_749, %get3A_755 : vector<16xf32>
      %swap3A_757 = arith.constant 0 : i32
      %swap3A_758 = arith.index_cast %swap3A_757 : i32 to index
      %swap3A_759 = arith.index_cast %add3A_683 : i32 to index
      %swap3A_760 = arith.constant 48 : index
      %swap3A_761 = tpu.vector_load %arg9[%swap3A_758, %swap3A_759, %swap3A_760] {strides = array<i32>} : memref<2x64x128xf32, #tpu.memory_space<vmem>>, vector<1x1x16xf32>,
      %swap3A_762 = vector.shape_cast %swap3A_761 : vector<1x1x16xf32> to vector<16xf32>
      %swap3A_763 = vector.shape_cast %mul3A_756 : vector<16xf32> to vector<1x1x16xf32>
      tpu.vector_store %arg9[%swap3A_758, %swap3A_759, %swap3A_760], %swap3A_763 {strides = array<i32>} : memref<2x64x128xf32, #tpu.memory_space<vmem>>, vector<1x1x16xf32>,
      %get3A_764 = arith.constant 0 : i32
      %get3A_765 = arith.index_cast %get3A_764 : i32 to index
      %get3A_766 = arith.index_cast %add3A_683 : i32 to index
      %get3A_767 = arith.constant 64 : index
      %get3A_768 = tpu.vector_load %arg7[%get3A_765, %get3A_766, %get3A_767] {strides = array<i32>} : memref<2x64x128xf32, #tpu.memory_space<vmem>>, vector<1x1x16xf32>,
      %get3A_769 = vector.shape_cast %get3A_768 : vector<1x1x16xf32> to vector<16xf32>
      %get3A_770 = arith.constant 0 : i32
      %get3A_771 = arith.index_cast %get3A_770 : i32 to index
      %get3A_772 = arith.index_cast %add3A_683 : i32 to index
      %get3A_773 = arith.constant 64 : index
      %get3A_774 = tpu.vector_load %arg8[%get3A_771, %get3A_772, %get3A_773] {strides = array<i32>} : memref<2x64x128xf32, #tpu.memory_space<vmem>>, vector<1x1x16xf32>,
      %get3A_775 = vector.shape_cast %get3A_774 : vector<1x1x16xf32> to vector<16xf32>
      %mul3A_776 = arith.mulf %get3A_769, %get3A_775 : vector<16xf32>
      %swap3A_777 = arith.constant 0 : i32
      %swap3A_778 = arith.index_cast %swap3A_777 : i32 to index
      %swap3A_779 = arith.index_cast %add3A_683 : i32 to index
      %swap3A_780 = arith.constant 64 : index
      %swap3A_781 = tpu.vector_load %arg9[%swap3A_778, %swap3A_779, %swap3A_780] {strides = array<i32>} : memref<2x64x128xf32, #tpu.memory_space<vmem>>, vector<1x1x16xf32>,
      %swap3A_782 = vector.shape_cast %swap3A_781 : vector<1x1x16xf32> to vector<16xf32>
      %swap3A_783 = vector.shape_cast %mul3A_776 : vector<16xf32> to vector<1x1x16xf32>
      tpu.vector_store %arg9[%swap3A_778, %swap3A_779, %swap3A_780], %swap3A_783 {strides = array<i32>} : memref<2x64x128xf32, #tpu.memory_space<vmem>>, vector<1x1x16xf32>,
      %get3A_784 = arith.constant 0 : i32
      %get3A_785 = arith.index_cast %get3A_784 : i32 to index
      %get3A_786 = arith.index_cast %add3A_683 : i32 to index
      %get3A_787 = arith.constant 80 : index
      %get3A_788 = tpu.vector_load %arg7[%get3A_785, %get3A_786, %get3A_787] {strides = array<i32>} : memref<2x64x128xf32, #tpu.memory_space<vmem>>, vector<1x1x16xf32>,
      %get3A_789 = vector.shape_cast %get3A_788 : vector<1x1x16xf32> to vector<16xf32>
      %get3A_790 = arith.constant 0 : i32
      %get3A_791 = arith.index_cast %get3A_790 : i32 to index
      %get3A_792 = arith.index_cast %add3A_683 : i32 to index
      %get3A_793 = arith.constant 80 : index
      %get3A_794 = tpu.vector_load %arg8[%get3A_791, %get3A_792, %get3A_793] {strides = array<i32>} : memref<2x64x128xf32, #tpu.memory_space<vmem>>, vector<1x1x16xf32>,
      %get3A_795 = vector.shape_cast %get3A_794 : vector<1x1x16xf32> to vector<16xf32>
      %mul3A_796 = arith.mulf %get3A_789, %get3A_795 : vector<16xf32>
      %swap3A_797 = arith.constant 0 : i32
      %swap3A_798 = arith.index_cast %swap3A_797 : i32 to index
      %swap3A_799 = arith.index_cast %add3A_683 : i32 to index
      %swap3A_800 = arith.constant 80 : index
      %swap3A_801 = tpu.vector_load %arg9[%swap3A_798, %swap3A_799, %swap3A_800] {strides = array<i32>} : memref<2x64x128xf32, #tpu.memory_space<vmem>>, vector<1x1x16xf32>,
      %swap3A_802 = vector.shape_cast %swap3A_801 : vector<1x1x16xf32> to vector<16xf32>
      %swap3A_803 = vector.shape_cast %mul3A_796 : vector<16xf32> to vector<1x1x16xf32>
      tpu.vector_store %arg9[%swap3A_798, %swap3A_799, %swap3A_800], %swap3A_803 {strides = array<i32>} : memref<2x64x128xf32, #tpu.memory_space<vmem>>, vector<1x1x16xf32>,
      %get3A_804 = arith.constant 0 : i32
      %get3A_805 = arith.index_cast %get3A_804 : i32 to index
      %get3A_806 = arith.index_cast %add3A_683 : i32 to index
      %get3A_807 = arith.constant 96 : index
      %get3A_808 = tpu.vector_load %arg7[%get3A_805, %get3A_806, %get3A_807] {strides = array<i32>} : memref<2x64x128xf32, #tpu.memory_space<vmem>>, vector<1x1x16xf32>,
      %get3A_809 = vector.shape_cast %get3A_808 : vector<1x1x16xf32> to vector<16xf32>
      %get3A_810 = arith.constant 0 : i32
      %get3A_811 = arith.index_cast %get3A_810 : i32 to index
      %get3A_812 = arith.index_cast %add3A_683 : i32 to index
      %get3A_813 = arith.constant 96 : index
      %get3A_814 = tpu.vector_load %arg8[%get3A_811, %get3A_812, %get3A_813] {strides = array<i32>} : memref<2x64x128xf32, #tpu.memory_space<vmem>>, vector<1x1x16xf32>,
      %get3A_815 = vector.shape_cast %get3A_814 : vector<1x1x16xf32> to vector<16xf32>
      %mul3A_816 = arith.mulf %get3A_809, %get3A_815 : vector<16xf32>
      %swap3A_817 = arith.constant 0 : i32
      %swap3A_818 = arith.index_cast %swap3A_817 : i32 to index
      %swap3A_819 = arith.index_cast %add3A_683 : i32 to index
      %swap3A_820 = arith.constant 96 : index
      %swap3A_821 = tpu.vector_load %arg9[%swap3A_818, %swap3A_819, %swap3A_820] {strides = array<i32>} : memref<2x64x128xf32, #tpu.memory_space<vmem>>, vector<1x1x16xf32>,
      %swap3A_822 = vector.shape_cast %swap3A_821 : vector<1x1x16xf32> to vector<16xf32>
      %swap3A_823 = vector.shape_cast %mul3A_816 : vector<16xf32> to vector<1x1x16xf32>
      tpu.vector_store %arg9[%swap3A_818, %swap3A_819, %swap3A_820], %swap3A_823 {strides = array<i32>} : memref<2x64x128xf32, #tpu.memory_space<vmem>>, vector<1x1x16xf32>,
      %get3A_824 = arith.constant 0 : i32
      %get3A_825 = arith.index_cast %get3A_824 : i32 to index
      %get3A_826 = arith.index_cast %add3A_683 : i32 to index
      %get3A_827 = arith.constant 112 : index
      %get3A_828 = tpu.vector_load %arg7[%get3A_825, %get3A_826, %get3A_827] {strides = array<i32>} : memref<2x64x128xf32, #tpu.memory_space<vmem>>, vector<1x1x16xf32>,
      %get3A_829 = vector.shape_cast %get3A_828 : vector<1x1x16xf32> to vector<16xf32>
      %get3A_830 = arith.constant 0 : i32
      %get3A_831 = arith.index_cast %get3A_830 : i32 to index
      %get3A_832 = arith.index_cast %add3A_683 : i32 to index
      %get3A_833 = arith.constant 112 : index
      %get3A_834 = tpu.vector_load %arg8[%get3A_831, %get3A_832, %get3A_833] {strides = array<i32>} : memref<2x64x128xf32, #tpu.memory_space<vmem>>, vector<1x1x16xf32>,
      %get3A_835 = vector.shape_cast %get3A_834 : vector<1x1x16xf32> to vector<16xf32>
      %mul3A_836 = arith.mulf %get3A_829, %get3A_835 : vector<16xf32>
      %swap3A_837 = arith.constant 0 : i32
      %swap3A_838 = arith.index_cast %swap3A_837 : i32 to index
      %swap3A_839 = arith.index_cast %add3A_683 : i32 to index
      %swap3A_840 = arith.constant 112 : index
      %swap3A_841 = tpu.vector_load %arg9[%swap3A_838, %swap3A_839, %swap3A_840] {strides = array<i32>} : memref<2x64x128xf32, #tpu.memory_space<vmem>>, vector<1x1x16xf32>,
      %swap3A_842 = vector.shape_cast %swap3A_841 : vector<1x1x16xf32> to vector<16xf32>
      %swap3A_843 = vector.shape_cast %mul3A_836 : vector<16xf32> to vector<1x1x16xf32>
      tpu.vector_store %arg9[%swap3A_838, %swap3A_839, %swap3A_840], %swap3A_843 {strides = array<i32>} : memref<2x64x128xf32, #tpu.memory_space<vmem>>, vector<1x1x16xf32>,
      %mul3A_844 = arith.constant 2 : i32
      %mul3A_845 = arith.muli %mul3A_844, %scan3A_678 : i32
      %add3A_846 = arith.constant 1 : i32
      %add3A_847 = arith.addi %mul3A_845, %add3A_846 : i32
      %get3A_848 = arith.constant 0 : i32
      %get3A_849 = arith.index_cast %get3A_848 : i32 to index
      %get3A_850 = arith.index_cast %add3A_847 : i32 to index
      %get3A_851 = arith.constant 0 : index
      %get3A_852 = tpu.vector_load %arg7[%get3A_849, %get3A_850, %get3A_851] {strides = array<i32>} : memref<2x64x128xf32, #tpu.memory_space<vmem>>, vector<1x1x16xf32>,
      %get3A_853 = vector.shape_cast %get3A_852 : vector<1x1x16xf32> to vector<16xf32>
      %get3A_854 = arith.constant 0 : i32
      %get3A_855 = arith.index_cast %get3A_854 : i32 to index
      %get3A_856 = arith.index_cast %add3A_847 : i32 to index
      %get3A_857 = arith.constant 0 : index
      %get3A_858 = tpu.vector_load %arg8[%get3A_855, %get3A_856, %get3A_857] {strides = array<i32>} : memref<2x64x128xf32, #tpu.memory_space<vmem>>, vector<1x1x16xf32>,
      %get3A_859 = vector.shape_cast %get3A_858 : vector<1x1x16xf32> to vector<16xf32>
      %mul3A_860 = arith.mulf %get3A_853, %get3A_859 : vector<16xf32>
      %swap3A_861 = arith.constant 0 : i32
      %swap3A_862 = arith.index_cast %swap3A_861 : i32 to index
      %swap3A_863 = arith.index_cast %add3A_847 : i32 to index
      %swap3A_864 = arith.constant 0 : index
      %swap3A_865 = tpu.vector_load %arg9[%swap3A_862, %swap3A_863, %swap3A_864] {strides = array<i32>} : memref<2x64x128xf32, #tpu.memory_space<vmem>>, vector<1x1x16xf32>,
      %swap3A_866 = vector.shape_cast %swap3A_865 : vector<1x1x16xf32> to vector<16xf32>
      %swap3A_867 = vector.shape_cast %mul3A_860 : vector<16xf32> to vector<1x1x16xf32>
      tpu.vector_store %arg9[%swap3A_862, %swap3A_863, %swap3A_864], %swap3A_867 {strides = array<i32>} : memref<2x64x128xf32, #tpu.memory_space<vmem>>, vector<1x1x16xf32>,
      %get3A_868 = arith.constant 0 : i32
      %get3A_869 = arith.index_cast %get3A_868 : i32 to index
      %get3A_870 = arith.index_cast %add3A_847 : i32 to index
      %get3A_871 = arith.constant 16 : index
      %get3A_872 = tpu.vector_load %arg7[%get3A_869, %get3A_870, %get3A_871] {strides = array<i32>} : memref<2x64x128xf32, #tpu.memory_space<vmem>>, vector<1x1x16xf32>,
      %get3A_873 = vector.shape_cast %get3A_872 : vector<1x1x16xf32> to vector<16xf32>
      %get3A_874 = arith.constant 0 : i32
      %get3A_875 = arith.index_cast %get3A_874 : i32 to index
      %get3A_876 = arith.index_cast %add3A_847 : i32 to index
      %get3A_877 = arith.constant 16 : index
      %get3A_878 = tpu.vector_load %arg8[%get3A_875, %get3A_876, %get3A_877] {strides = array<i32>} : memref<2x64x128xf32, #tpu.memory_space<vmem>>, vector<1x1x16xf32>,
      %get3A_879 = vector.shape_cast %get3A_878 : vector<1x1x16xf32> to vector<16xf32>
      %mul3A_880 = arith.mulf %get3A_873, %get3A_879 : vector<16xf32>
      %swap3A_881 = arith.constant 0 : i32
      %swap3A_882 = arith.index_cast %swap3A_881 : i32 to index
      %swap3A_883 = arith.index_cast %add3A_847 : i32 to index
      %swap3A_884 = arith.constant 16 : index
      %swap3A_885 = tpu.vector_load %arg9[%swap3A_882, %swap3A_883, %swap3A_884] {strides = array<i32>} : memref<2x64x128xf32, #tpu.memory_space<vmem>>, vector<1x1x16xf32>,
      %swap3A_886 = vector.shape_cast %swap3A_885 : vector<1x1x16xf32> to vector<16xf32>
      %swap3A_887 = vector.shape_cast %mul3A_880 : vector<16xf32> to vector<1x1x16xf32>
      tpu.vector_store %arg9[%swap3A_882, %swap3A_883, %swap3A_884], %swap3A_887 {strides = array<i32>} : memref<2x64x128xf32, #tpu.memory_space<vmem>>, vector<1x1x16xf32>,
      %get3A_888 = arith.constant 0 : i32
      %get3A_889 = arith.index_cast %get3A_888 : i32 to index
      %get3A_890 = arith.index_cast %add3A_847 : i32 to index
      %get3A_891 = arith.constant 32 : index
      %get3A_892 = tpu.vector_load %arg7[%get3A_889, %get3A_890, %get3A_891] {strides = array<i32>} : memref<2x64x128xf32, #tpu.memory_space<vmem>>, vector<1x1x16xf32>,
      %get3A_893 = vector.shape_cast %get3A_892 : vector<1x1x16xf32> to vector<16xf32>
      %get3A_894 = arith.constant 0 : i32
      %get3A_895 = arith.index_cast %get3A_894 : i32 to index
      %get3A_896 = arith.index_cast %add3A_847 : i32 to index
      %get3A_897 = arith.constant 32 : index
      %get3A_898 = tpu.vector_load %arg8[%get3A_895, %get3A_896, %get3A_897] {strides = array<i32>} : memref<2x64x128xf32, #tpu.memory_space<vmem>>, vector<1x1x16xf32>,
      %get3A_899 = vector.shape_cast %get3A_898 : vector<1x1x16xf32> to vector<16xf32>
      %mul3A_900 = arith.mulf %get3A_893, %get3A_899 : vector<16xf32>
      %swap3A_901 = arith.constant 0 : i32
      %swap3A_902 = arith.index_cast %swap3A_901 : i32 to index
      %swap3A_903 = arith.index_cast %add3A_847 : i32 to index
      %swap3A_904 = arith.constant 32 : index
      %swap3A_905 = tpu.vector_load %arg9[%swap3A_902, %swap3A_903, %swap3A_904] {strides = array<i32>} : memref<2x64x128xf32, #tpu.memory_space<vmem>>, vector<1x1x16xf32>,
      %swap3A_906 = vector.shape_cast %swap3A_905 : vector<1x1x16xf32> to vector<16xf32>
      %swap3A_907 = vector.shape_cast %mul3A_900 : vector<16xf32> to vector<1x1x16xf32>
      tpu.vector_store %arg9[%swap3A_902, %swap3A_903, %swap3A_904], %swap3A_907 {strides = array<i32>} : memref<2x64x128xf32, #tpu.memory_space<vmem>>, vector<1x1x16xf32>,
      %get3A_908 = arith.constant 0 : i32
      %get3A_909 = arith.index_cast %get3A_908 : i32 to index
      %get3A_910 = arith.index_cast %add3A_847 : i32 to index
      %get3A_911 = arith.constant 48 : index
      %get3A_912 = tpu.vector_load %arg7[%get3A_909, %get3A_910, %get3A_911] {strides = array<i32>} : memref<2x64x128xf32, #tpu.memory_space<vmem>>, vector<1x1x16xf32>,
      %get3A_913 = vector.shape_cast %get3A_912 : vector<1x1x16xf32> to vector<16xf32>
      %get3A_914 = arith.constant 0 : i32
      %get3A_915 = arith.index_cast %get3A_914 : i32 to index
      %get3A_916 = arith.index_cast %add3A_847 : i32 to index
      %get3A_917 = arith.constant 48 : index
      %get3A_918 = tpu.vector_load %arg8[%get3A_915, %get3A_916, %get3A_917] {strides = array<i32>} : memref<2x64x128xf32, #tpu.memory_space<vmem>>, vector<1x1x16xf32>,
      %get3A_919 = vector.shape_cast %get3A_918 : vector<1x1x16xf32> to vector<16xf32>
      %mul3A_920 = arith.mulf %get3A_913, %get3A_919 : vector<16xf32>
      %swap3A_921 = arith.constant 0 : i32
      %swap3A_922 = arith.index_cast %swap3A_921 : i32 to index
      %swap3A_923 = arith.index_cast %add3A_847 : i32 to index
      %swap3A_924 = arith.constant 48 : index
      %swap3A_925 = tpu.vector_load %arg9[%swap3A_922, %swap3A_923, %swap3A_924] {strides = array<i32>} : memref<2x64x128xf32, #tpu.memory_space<vmem>>, vector<1x1x16xf32>,
      %swap3A_926 = vector.shape_cast %swap3A_925 : vector<1x1x16xf32> to vector<16xf32>
      %swap3A_927 = vector.shape_cast %mul3A_920 : vector<16xf32> to vector<1x1x16xf32>
      tpu.vector_store %arg9[%swap3A_922, %swap3A_923, %swap3A_924], %swap3A_927 {strides = array<i32>} : memref<2x64x128xf32, #tpu.memory_space<vmem>>, vector<1x1x16xf32>,
      %get3A_928 = arith.constant 0 : i32
      %get3A_929 = arith.index_cast %get3A_928 : i32 to index
      %get3A_930 = arith.index_cast %add3A_847 : i32 to index
      %get3A_931 = arith.constant 64 : index
      %get3A_932 = tpu.vector_load %arg7[%get3A_929, %get3A_930, %get3A_931] {strides = array<i32>} : memref<2x64x128xf32, #tpu.memory_space<vmem>>, vector<1x1x16xf32>,
      %get3A_933 = vector.shape_cast %get3A_932 : vector<1x1x16xf32> to vector<16xf32>
      %get3A_934 = arith.constant 0 : i32
      %get3A_935 = arith.index_cast %get3A_934 : i32 to index
      %get3A_936 = arith.index_cast %add3A_847 : i32 to index
      %get3A_937 = arith.constant 64 : index
      %get3A_938 = tpu.vector_load %arg8[%get3A_935, %get3A_936, %get3A_937] {strides = array<i32>} : memref<2x64x128xf32, #tpu.memory_space<vmem>>, vector<1x1x16xf32>,
      %get3A_939 = vector.shape_cast %get3A_938 : vector<1x1x16xf32> to vector<16xf32>
      %mul3A_940 = arith.mulf %get3A_933, %get3A_939 : vector<16xf32>
      %swap3A_941 = arith.constant 0 : i32
      %swap3A_942 = arith.index_cast %swap3A_941 : i32 to index
      %swap3A_943 = arith.index_cast %add3A_847 : i32 to index
      %swap3A_944 = arith.constant 64 : index
      %swap3A_945 = tpu.vector_load %arg9[%swap3A_942, %swap3A_943, %swap3A_944] {strides = array<i32>} : memref<2x64x128xf32, #tpu.memory_space<vmem>>, vector<1x1x16xf32>,
      %swap3A_946 = vector.shape_cast %swap3A_945 : vector<1x1x16xf32> to vector<16xf32>
      %swap3A_947 = vector.shape_cast %mul3A_940 : vector<16xf32> to vector<1x1x16xf32>
      tpu.vector_store %arg9[%swap3A_942, %swap3A_943, %swap3A_944], %swap3A_947 {strides = array<i32>} : memref<2x64x128xf32, #tpu.memory_space<vmem>>, vector<1x1x16xf32>,
      %get3A_948 = arith.constant 0 : i32
      %get3A_949 = arith.index_cast %get3A_948 : i32 to index
      %get3A_950 = arith.index_cast %add3A_847 : i32 to index
      %get3A_951 = arith.constant 80 : index
      %get3A_952 = tpu.vector_load %arg7[%get3A_949, %get3A_950, %get3A_951] {strides = array<i32>} : memref<2x64x128xf32, #tpu.memory_space<vmem>>, vector<1x1x16xf32>,
      %get3A_953 = vector.shape_cast %get3A_952 : vector<1x1x16xf32> to vector<16xf32>
      %get3A_954 = arith.constant 0 : i32
      %get3A_955 = arith.index_cast %get3A_954 : i32 to index
      %get3A_956 = arith.index_cast %add3A_847 : i32 to index
      %get3A_957 = arith.constant 80 : index
      %get3A_958 = tpu.vector_load %arg8[%get3A_955, %get3A_956, %get3A_957] {strides = array<i32>} : memref<2x64x128xf32, #tpu.memory_space<vmem>>, vector<1x1x16xf32>,
      %get3A_959 = vector.shape_cast %get3A_958 : vector<1x1x16xf32> to vector<16xf32>
      %mul3A_960 = arith.mulf %get3A_953, %get3A_959 : vector<16xf32>
      %swap3A_961 = arith.constant 0 : i32
      %swap3A_962 = arith.index_cast %swap3A_961 : i32 to index
      %swap3A_963 = arith.index_cast %add3A_847 : i32 to index
      %swap3A_964 = arith.constant 80 : index
      %swap3A_965 = tpu.vector_load %arg9[%swap3A_962, %swap3A_963, %swap3A_964] {strides = array<i32>} : memref<2x64x128xf32, #tpu.memory_space<vmem>>, vector<1x1x16xf32>,
      %swap3A_966 = vector.shape_cast %swap3A_965 : vector<1x1x16xf32> to vector<16xf32>
      %swap3A_967 = vector.shape_cast %mul3A_960 : vector<16xf32> to vector<1x1x16xf32>
      tpu.vector_store %arg9[%swap3A_962, %swap3A_963, %swap3A_964], %swap3A_967 {strides = array<i32>} : memref<2x64x128xf32, #tpu.memory_space<vmem>>, vector<1x1x16xf32>,
      %get3A_968 = arith.constant 0 : i32
      %get3A_969 = arith.index_cast %get3A_968 : i32 to index
      %get3A_970 = arith.index_cast %add3A_847 : i32 to index
      %get3A_971 = arith.constant 96 : index
      %get3A_972 = tpu.vector_load %arg7[%get3A_969, %get3A_970, %get3A_971] {strides = array<i32>} : memref<2x64x128xf32, #tpu.memory_space<vmem>>, vector<1x1x16xf32>,
      %get3A_973 = vector.shape_cast %get3A_972 : vector<1x1x16xf32> to vector<16xf32>
      %get3A_974 = arith.constant 0 : i32
      %get3A_975 = arith.index_cast %get3A_974 : i32 to index
      %get3A_976 = arith.index_cast %add3A_847 : i32 to index
      %get3A_977 = arith.constant 96 : index
      %get3A_978 = tpu.vector_load %arg8[%get3A_975, %get3A_976, %get3A_977] {strides = array<i32>} : memref<2x64x128xf32, #tpu.memory_space<vmem>>, vector<1x1x16xf32>,
      %get3A_979 = vector.shape_cast %get3A_978 : vector<1x1x16xf32> to vector<16xf32>
      %mul3A_980 = arith.mulf %get3A_973, %get3A_979 : vector<16xf32>
      %swap3A_981 = arith.constant 0 : i32
      %swap3A_982 = arith.index_cast %swap3A_981 : i32 to index
      %swap3A_983 = arith.index_cast %add3A_847 : i32 to index
      %swap3A_984 = arith.constant 96 : index
      %swap3A_985 = tpu.vector_load %arg9[%swap3A_982, %swap3A_983, %swap3A_984] {strides = array<i32>} : memref<2x64x128xf32, #tpu.memory_space<vmem>>, vector<1x1x16xf32>,
      %swap3A_986 = vector.shape_cast %swap3A_985 : vector<1x1x16xf32> to vector<16xf32>
      %swap3A_987 = vector.shape_cast %mul3A_980 : vector<16xf32> to vector<1x1x16xf32>
      tpu.vector_store %arg9[%swap3A_982, %swap3A_983, %swap3A_984], %swap3A_987 {strides = array<i32>} : memref<2x64x128xf32, #tpu.memory_space<vmem>>, vector<1x1x16xf32>,
      %get3A_988 = arith.constant 0 : i32
      %get3A_989 = arith.index_cast %get3A_988 : i32 to index
      %get3A_990 = arith.index_cast %add3A_847 : i32 to index
      %get3A_991 = arith.constant 112 : index
      %get3A_992 = tpu.vector_load %arg7[%get3A_989, %get3A_990, %get3A_991] {strides = array<i32>} : memref<2x64x128xf32, #tpu.memory_space<vmem>>, vector<1x1x16xf32>,
      %get3A_993 = vector.shape_cast %get3A_992 : vector<1x1x16xf32> to vector<16xf32>
      %get3A_994 = arith.constant 0 : i32
      %get3A_995 = arith.index_cast %get3A_994 : i32 to index
      %get3A_996 = arith.index_cast %add3A_847 : i32 to index
      %get3A_997 = arith.constant 112 : index
      %get3A_998 = tpu.vector_load %arg8[%get3A_995, %get3A_996, %get3A_997] {strides = array<i32>} : memref<2x64x128xf32, #tpu.memory_space<vmem>>, vector<1x1x16xf32>,
      %get3A_999 = vector.shape_cast %get3A_998 : vector<1x1x16xf32> to vector<16xf32>
      %mul3A_1000 = arith.mulf %get3A_993, %get3A_999 : vector<16xf32>
      %swap3A_1001 = arith.constant 0 : i32
      %swap3A_1002 = arith.index_cast %swap3A_1001 : i32 to index
      %swap3A_1003 = arith.index_cast %add3A_847 : i32 to index
      %swap3A_1004 = arith.constant 112 : index
      %swap3A_1005 = tpu.vector_load %arg9[%swap3A_1002, %swap3A_1003, %swap3A_1004] {strides = array<i32>} : memref<2x64x128xf32, #tpu.memory_space<vmem>>, vector<1x1x16xf32>,
      %swap3A_1006 = vector.shape_cast %swap3A_1005 : vector<1x1x16xf32> to vector<16xf32>
      %swap3A_1007 = vector.shape_cast %mul3A_1000 : vector<16xf32> to vector<1x1x16xf32>
      tpu.vector_store %arg9[%swap3A_1002, %swap3A_1003, %swap3A_1004], %swap3A_1007 {strides = array<i32>} : memref<2x64x128xf32, #tpu.memory_space<vmem>>, vector<1x1x16xf32>,
      %scan3A_1008 = arith.constant 0 : i32
      scf.yield %scan3A_1008 : i32
    }
    %scan3A_241 = arith.constant 32 : i32
    %dma_start3A_242 = arith.constant 0 : i32
    %dma_start3A_243 = arith.constant 0 : i32
    %dma_start3A_244 = arith.constant 0 : i32
    %dma_start3A_245 = arith.constant 0 : i32
    %dma_start3A_246 = tpu.memref_slice %arg9[%dma_start3A_242, %dma_start3A_244, %dma_start3A_245] : memref<2x64x128xf32, #tpu.memory_space<vmem>> -> memref<1x64x128xf32, #tpu.memory_space<vmem>>
    %dma_start3A_247 = tpu.memref_squeeze %dma_start3A_246 : memref<1x64x128xf32, #tpu.memory_space<vmem>> -> memref<64x128xf32, #tpu.memory_space<vmem>>
    %dma_start3A_248 = arith.constant 0 : i32
    %dma_start3A_249 = tpu.memref_slice %arg10[%dma_start3A_243, %dma_start3A_248] : memref<2x64xi32, #tpu.memory_space<vmem>> -> memref<1x64xi32, #tpu.memory_space<vmem>>
    %dma_start3A_250 = tpu.memref_squeeze %dma_start3A_249 : memref<1x64xi32, #tpu.memory_space<vmem>> -> memref<64xi32, #tpu.memory_space<vmem>>
    %dma_start3A_251 = arith.constant 0 : i32
    %dma_start3A_252 = arith.constant 0 : i32
    %dma_start3A_253 = tpu.memref_slice %arg11[%dma_start3A_251, %dma_start3A_252] : memref<10112x128xf32, #tpu.memory_space<vmem_shared>> -> memref<10112x128xf32, #tpu.memory_space<vmem_shared>>
    tpu.enqueue_indirect_dma source(%dma_start3A_247 : memref<64x128xf32, #tpu.memory_space<vmem>>) target(%dma_start3A_253 : memref<10112x128xf32, #tpu.memory_space<vmem_shared>>) offsets(%dma_start3A_250 : memref<64xi32, #tpu.memory_space<vmem>>) semaphore(%arg18 : memref<!tpu.dma_semaphore, #tpu.memory_space<semaphore_mem>>) {add = true}
    %dma_wait3A_254 = arith.constant 0 : i32
    %dma_wait3A_255 = arith.constant 0 : i32
    %dma_wait3A_256 = arith.constant 0 : i32
    %dma_wait3A_257 = tpu.memref_slice %arg6[%dma_wait3A_254, %dma_wait3A_255, %dma_wait3A_256] : memref<2x2x64xi32, #tpu.memory_space<vmem>> -> memref<1x2x64xi32, #tpu.memory_space<vmem>>
    %dma_wait3A_258 = tpu.memref_squeeze %dma_wait3A_257 : memref<1x2x64xi32, #tpu.memory_space<vmem>> -> memref<2x64xi32, #tpu.memory_space<vmem>>
    %dma_wait3A_259 = arith.constant 0 : i32
    %dma_wait3A_260 = arith.constant 0 : i32
    %dma_wait3A_261 = tpu.memref_slice %arg3[%mul3A_2, %dma_wait3A_259, %dma_wait3A_260] : memref<5056x2x64xi32, #tpu.memory_space<hbm>> -> memref<1x2x64xi32, #tpu.memory_space<hbm>>
    %dma_wait3A_262 = tpu.memref_squeeze %dma_wait3A_261 : memref<1x2x64xi32, #tpu.memory_space<hbm>> -> memref<2x64xi32, #tpu.memory_space<hbm>>
    %dma_wait3A_263 = arith.constant 0 : i32
    %dma_wait3A_264 = arith.constant 0 : i32
    %dma_wait3A_265 = tpu.memref_slice %arg6[%dma_wait3A_254, %dma_wait3A_263, %dma_wait3A_264] : memref<2x2x64xi32, #tpu.memory_space<vmem>> -> memref<1x2x64xi32, #tpu.memory_space<vmem>>
    %dma_wait3A_266 = tpu.memref_squeeze %dma_wait3A_265 : memref<1x2x64xi32, #tpu.memory_space<vmem>> -> memref<2x64xi32, #tpu.memory_space<vmem>>
    %dma_wait3A_267 = arith.constant 0 : i32
    %dma_wait3A_268 = arith.constant 0 : i32
    %dma_wait3A_269 = tpu.memref_slice %arg3[%mul3A_2, %dma_wait3A_267, %dma_wait3A_268] : memref<5056x2x64xi32, #tpu.memory_space<hbm>> -> memref<1x2x64xi32, #tpu.memory_space<hbm>>
    %dma_wait3A_270 = tpu.memref_squeeze %dma_wait3A_269 : memref<1x2x64xi32, #tpu.memory_space<hbm>> -> memref<2x64xi32, #tpu.memory_space<hbm>>
    tpu.wait_dma2 semaphore(%arg12 : memref<!tpu.dma_semaphore, #tpu.memory_space<semaphore_mem>>) src(%dma_wait3A_270 : memref<2x64xi32, #tpu.memory_space<hbm>>) dst(%dma_wait3A_266 : memref<2x64xi32, #tpu.memory_space<vmem>>)
    %dma_start3A_271 = arith.constant 0 : i32
    %dma_start3A_272 = arith.constant 0 : i32
    %dma_start3A_273 = arith.constant 0 : i32
    %dma_start3A_274 = arith.constant 0 : i32
    %dma_start3A_275 = arith.constant 0 : i32
    %dma_start3A_276 = tpu.memref_slice %arg7[%dma_start3A_273, %dma_start3A_274, %dma_start3A_275] : memref<2x64x128xf32, #tpu.memory_space<vmem>> -> memref<1x64x128xf32, #tpu.memory_space<vmem>>
    %dma_start3A_277 = tpu.memref_squeeze %dma_start3A_276 : memref<1x64x128xf32, #tpu.memory_space<vmem>> -> memref<64x128xf32, #tpu.memory_space<vmem>>
    %dma_start3A_278 = arith.constant 0 : i32
    %dma_start3A_279 = tpu.memref_slice %arg6[%dma_start3A_271, %dma_start3A_272, %dma_start3A_278] : memref<2x2x64xi32, #tpu.memory_space<vmem>> -> memref<1x1x64xi32, #tpu.memory_space<vmem>>
    %dma_start3A_280 = tpu.memref_squeeze %dma_start3A_279 : memref<1x1x64xi32, #tpu.memory_space<vmem>> -> memref<64xi32, #tpu.memory_space<vmem>>
    %dma_start3A_281 = arith.constant 0 : i32
    %dma_start3A_282 = arith.constant 0 : i32
    %dma_start3A_283 = tpu.memref_slice %arg2[%dma_start3A_281, %dma_start3A_282] : memref<10000x128xf32, #tpu.memory_space<hbm>> -> memref<10000x128xf32, #tpu.memory_space<hbm>>
    tpu.enqueue_indirect_dma source(%dma_start3A_283 : memref<10000x128xf32, #tpu.memory_space<hbm>>) target(%dma_start3A_277 : memref<64x128xf32, #tpu.memory_space<vmem>>) offsets(%dma_start3A_280 : memref<64xi32, #tpu.memory_space<vmem>>) semaphore(%arg14 : memref<!tpu.dma_semaphore, #tpu.memory_space<semaphore_mem>>)
    %add3A_284 = arith.constant 2 : i32
    %add3A_285 = arith.addi %mul3A_2, %add3A_284 : i32
    %mul3A_286 = arith.constant 64 : i32
    %mul3A_287 = arith.muli %add3A_285, %mul3A_286 : i32
    %dma_start3A_288 = arith.constant 0 : i32
    %dma_start3A_289 = arith.constant 0 : i32
    %dma_start3A_290 = arith.constant 0 : i32
    %dma_start3A_291 = tpu.memref_slice %arg8[%dma_start3A_288, %dma_start3A_289, %dma_start3A_290] : memref<2x64x128xf32, #tpu.memory_space<vmem>> -> memref<1x64x128xf32, #tpu.memory_space<vmem>>
    %dma_start3A_292 = tpu.memref_squeeze %dma_start3A_291 : memref<1x64x128xf32, #tpu.memory_space<vmem>> -> memref<64x128xf32, #tpu.memory_space<vmem>>
    %dma_start3A_293 = arith.constant 0 : i32
    %dma_start3A_294 = tpu.memref_slice %arg4[%mul3A_287, %dma_start3A_293] : memref<323584x128xf32, #tpu.memory_space<hbm>> -> memref<64x128xf32, #tpu.memory_space<hbm>>
    %dma_start3A_295 = arith.constant 0 : i32
    %dma_start3A_296 = arith.constant 0 : i32
    %dma_start3A_297 = tpu.memref_slice %arg8[%dma_start3A_288, %dma_start3A_295, %dma_start3A_296] : memref<2x64x128xf32, #tpu.memory_space<vmem>> -> memref<1x64x128xf32, #tpu.memory_space<vmem>>
    %dma_start3A_298 = tpu.memref_squeeze %dma_start3A_297 : memref<1x64x128xf32, #tpu.memory_space<vmem>> -> memref<64x128xf32, #tpu.memory_space<vmem>>
    %dma_start3A_299 = arith.constant 0 : i32
    %dma_start3A_300 = tpu.memref_slice %arg4[%mul3A_287, %dma_start3A_299] : memref<323584x128xf32, #tpu.memory_space<hbm>> -> memref<64x128xf32, #tpu.memory_space<hbm>>
    tpu.enqueue_dma source(%dma_start3A_300 : memref<64x128xf32, #tpu.memory_space<hbm>>) target(%dma_start3A_298 : memref<64x128xf32, #tpu.memory_space<vmem>>) target_semaphore(%arg16 : memref<!tpu.dma_semaphore, #tpu.memory_space<semaphore_mem>>)
    %dma_wait3A_301 = arith.constant 1 : i32
    %dma_wait3A_302 = arith.constant 0 : i32
    %dma_wait3A_303 = arith.constant 1 : i32
    %dma_wait3A_304 = arith.constant 0 : i32
    %dma_wait3A_305 = arith.constant 0 : i32
    %dma_wait3A_306 = tpu.memref_slice %arg7[%dma_wait3A_303, %dma_wait3A_304, %dma_wait3A_305] : memref<2x64x128xf32, #tpu.memory_space<vmem>> -> memref<1x64x128xf32, #tpu.memory_space<vmem>>
    %dma_wait3A_307 = tpu.memref_squeeze %dma_wait3A_306 : memref<1x64x128xf32, #tpu.memory_space<vmem>> -> memref<64x128xf32, #tpu.memory_space<vmem>>
    %dma_wait3A_308 = arith.constant 0 : i32
    %dma_wait3A_309 = tpu.memref_slice %arg6[%dma_wait3A_301, %dma_wait3A_302, %dma_wait3A_308] : memref<2x2x64xi32, #tpu.memory_space<vmem>> -> memref<1x1x64xi32, #tpu.memory_space<vmem>>
    %dma_wait3A_310 = tpu.memref_squeeze %dma_wait3A_309 : memref<1x1x64xi32, #tpu.memory_space<vmem>> -> memref<64xi32, #tpu.memory_space<vmem>>
    %dma_wait3A_311 = arith.constant 0 : i32
    %dma_wait3A_312 = arith.constant 0 : i32
    %dma_wait3A_313 = tpu.memref_slice %arg2[%dma_wait3A_311, %dma_wait3A_312] : memref<10000x128xf32, #tpu.memory_space<hbm>> -> memref<10000x128xf32, #tpu.memory_space<hbm>>
    tpu.wait_indirect_dma semaphore(%arg15 : memref<!tpu.dma_semaphore, #tpu.memory_space<semaphore_mem>>) src(%dma_wait3A_313 : memref<10000x128xf32, #tpu.memory_space<hbm>>) dst(%dma_wait3A_307 : memref<64x128xf32, #tpu.memory_space<vmem>>)
    %dma_wait3A_314 = arith.constant 1 : i32
    %dma_wait3A_315 = arith.constant 0 : i32
    %dma_wait3A_316 = arith.constant 0 : i32
    %dma_wait3A_317 = tpu.memref_slice %arg8[%dma_wait3A_314, %dma_wait3A_315, %dma_wait3A_316] : memref<2x64x128xf32, #tpu.memory_space<vmem>> -> memref<1x64x128xf32, #tpu.memory_space<vmem>>
    %dma_wait3A_318 = tpu.memref_squeeze %dma_wait3A_317 : memref<1x64x128xf32, #tpu.memory_space<vmem>> -> memref<64x128xf32, #tpu.memory_space<vmem>>
    %dma_wait3A_319 = arith.constant 0 : i32
    %dma_wait3A_320 = arith.constant 0 : i32
    %dma_wait3A_321 = tpu.memref_slice %arg4[%dma_wait3A_319, %dma_wait3A_320] : memref<323584x128xf32, #tpu.memory_space<hbm>> -> memref<64x128xf32, #tpu.memory_space<hbm>>
    %dma_wait3A_322 = arith.constant 0 : i32
    %dma_wait3A_323 = arith.constant 0 : i32
    %dma_wait3A_324 = tpu.memref_slice %arg8[%dma_wait3A_314, %dma_wait3A_322, %dma_wait3A_323] : memref<2x64x128xf32, #tpu.memory_space<vmem>> -> memref<1x64x128xf32, #tpu.memory_space<vmem>>
    %dma_wait3A_325 = tpu.memref_squeeze %dma_wait3A_324 : memref<1x64x128xf32, #tpu.memory_space<vmem>> -> memref<64x128xf32, #tpu.memory_space<vmem>>
    %dma_wait3A_326 = arith.constant 0 : i32
    %dma_wait3A_327 = arith.constant 0 : i32
    %dma_wait3A_328 = tpu.memref_slice %arg4[%dma_wait3A_326, %dma_wait3A_327] : memref<323584x128xf32, #tpu.memory_space<hbm>> -> memref<64x128xf32, #tpu.memory_space<hbm>>
    tpu.wait_dma2 semaphore(%arg17 : memref<!tpu.dma_semaphore, #tpu.memory_space<semaphore_mem>>) src(%dma_wait3A_328 : memref<64x128xf32, #tpu.memory_space<hbm>>) dst(%dma_wait3A_325 : memref<64x128xf32, #tpu.memory_space<vmem>>)
    %get3A_329 = arith.constant 1 : i32
    %get3A_330 = arith.constant 1 : i32
    %get3A_331 = arith.index_cast %get3A_329 : i32 to index
    %get3A_332 = arith.index_cast %get3A_330 : i32 to index
    %get3A_333 = arith.constant 0 : index
    %get3A_334 = tpu.vector_load %arg6[%get3A_331, %get3A_332, %get3A_333] {strides = array<i32>} : memref<2x2x64xi32, #tpu.memory_space<vmem>>, vector<1x1x16xi32>,
    %get3A_335 = vector.shape_cast %get3A_334 : vector<1x1x16xi32> to vector<16xi32>
    %swap3A_336 = arith.constant 1 : i32
    %swap3A_337 = arith.index_cast %swap3A_336 : i32 to index
    %swap3A_338 = arith.constant 0 : index
    %swap3A_339 = tpu.vector_load %arg10[%swap3A_337, %swap3A_338] {strides = array<i32>} : memref<2x64xi32, #tpu.memory_space<vmem>>, vector<1x16xi32>,
    %swap3A_340 = vector.shape_cast %swap3A_339 : vector<1x16xi32> to vector<16xi32>
    %swap3A_341 = vector.shape_cast %get3A_335 : vector<16xi32> to vector<1x16xi32>
    tpu.vector_store %arg10[%swap3A_337, %swap3A_338], %swap3A_341 {strides = array<i32>} : memref<2x64xi32, #tpu.memory_space<vmem>>, vector<1x16xi32>,
    %get3A_342 = arith.constant 1 : i32
    %get3A_343 = arith.constant 1 : i32
    %get3A_344 = arith.index_cast %get3A_342 : i32 to index
    %get3A_345 = arith.index_cast %get3A_343 : i32 to index
    %get3A_346 = arith.constant 16 : index
    %get3A_347 = tpu.vector_load %arg6[%get3A_344, %get3A_345, %get3A_346] {strides = array<i32>} : memref<2x2x64xi32, #tpu.memory_space<vmem>>, vector<1x1x16xi32>,
    %get3A_348 = vector.shape_cast %get3A_347 : vector<1x1x16xi32> to vector<16xi32>
    %swap3A_349 = arith.constant 1 : i32
    %swap3A_350 = arith.index_cast %swap3A_349 : i32 to index
    %swap3A_351 = arith.constant 16 : index
    %swap3A_352 = tpu.vector_load %arg10[%swap3A_350, %swap3A_351] {strides = array<i32>} : memref<2x64xi32, #tpu.memory_space<vmem>>, vector<1x16xi32>,
    %swap3A_353 = vector.shape_cast %swap3A_352 : vector<1x16xi32> to vector<16xi32>
    %swap3A_354 = vector.shape_cast %get3A_348 : vector<16xi32> to vector<1x16xi32>
    tpu.vector_store %arg10[%swap3A_350, %swap3A_351], %swap3A_354 {strides = array<i32>} : memref<2x64xi32, #tpu.memory_space<vmem>>, vector<1x16xi32>,
    %get3A_355 = arith.constant 1 : i32
    %get3A_356 = arith.constant 1 : i32
    %get3A_357 = arith.index_cast %get3A_355 : i32 to index
    %get3A_358 = arith.index_cast %get3A_356 : i32 to index
    %get3A_359 = arith.constant 32 : index
    %get3A_360 = tpu.vector_load %arg6[%get3A_357, %get3A_358, %get3A_359] {strides = array<i32>} : memref<2x2x64xi32, #tpu.memory_space<vmem>>, vector<1x1x16xi32>,
    %get3A_361 = vector.shape_cast %get3A_360 : vector<1x1x16xi32> to vector<16xi32>
    %swap3A_362 = arith.constant 1 : i32
    %swap3A_363 = arith.index_cast %swap3A_362 : i32 to index
    %swap3A_364 = arith.constant 32 : index
    %swap3A_365 = tpu.vector_load %arg10[%swap3A_363, %swap3A_364] {strides = array<i32>} : memref<2x64xi32, #tpu.memory_space<vmem>>, vector<1x16xi32>,
    %swap3A_366 = vector.shape_cast %swap3A_365 : vector<1x16xi32> to vector<16xi32>
    %swap3A_367 = vector.shape_cast %get3A_361 : vector<16xi32> to vector<1x16xi32>
    tpu.vector_store %arg10[%swap3A_363, %swap3A_364], %swap3A_367 {strides = array<i32>} : memref<2x64xi32, #tpu.memory_space<vmem>>, vector<1x16xi32>,
    %get3A_368 = arith.constant 1 : i32
    %get3A_369 = arith.constant 1 : i32
    %get3A_370 = arith.index_cast %get3A_368 : i32 to index
    %get3A_371 = arith.index_cast %get3A_369 : i32 to index
    %get3A_372 = arith.constant 48 : index
    %get3A_373 = tpu.vector_load %arg6[%get3A_370, %get3A_371, %get3A_372] {strides = array<i32>} : memref<2x2x64xi32, #tpu.memory_space<vmem>>, vector<1x1x16xi32>,
    %get3A_374 = vector.shape_cast %get3A_373 : vector<1x1x16xi32> to vector<16xi32>
    %swap3A_375 = arith.constant 1 : i32
    %swap3A_376 = arith.index_cast %swap3A_375 : i32 to index
    %swap3A_377 = arith.constant 48 : index
    %swap3A_378 = tpu.vector_load %arg10[%swap3A_376, %swap3A_377] {strides = array<i32>} : memref<2x64xi32, #tpu.memory_space<vmem>>, vector<1x16xi32>,
    %swap3A_379 = vector.shape_cast %swap3A_378 : vector<1x16xi32> to vector<16xi32>
    %swap3A_380 = vector.shape_cast %get3A_374 : vector<16xi32> to vector<1x16xi32>
    tpu.vector_store %arg10[%swap3A_376, %swap3A_377], %swap3A_380 {strides = array<i32>} : memref<2x64xi32, #tpu.memory_space<vmem>>, vector<1x16xi32>,
    %add3A_381 = arith.constant 1 : i32
    %add3A_382 = arith.addi %mul3A_2, %add3A_381 : i32
    %add3A_383 = arith.constant 2 : i32
    %add3A_384 = arith.addi %add3A_382, %add3A_383 : i32
    %dma_start3A_385 = arith.constant 1 : i32
    %dma_start3A_386 = arith.constant 0 : i32
    %dma_start3A_387 = arith.constant 0 : i32
    %dma_start3A_388 = tpu.memref_slice %arg6[%dma_start3A_385, %dma_start3A_386, %dma_start3A_387] : memref<2x2x64xi32, #tpu.memory_space<vmem>> -> memref<1x2x64xi32, #tpu.memory_space<vmem>>
    %dma_start3A_389 = tpu.memref_squeeze %dma_start3A_388 : memref<1x2x64xi32, #tpu.memory_space<vmem>> -> memref<2x64xi32, #tpu.memory_space<vmem>>
    %dma_start3A_390 = arith.constant 0 : i32
    %dma_start3A_391 = arith.constant 0 : i32
    %dma_start3A_392 = tpu.memref_slice %arg3[%add3A_384, %dma_start3A_390, %dma_start3A_391] : memref<5056x2x64xi32, #tpu.memory_space<hbm>> -> memref<1x2x64xi32, #tpu.memory_space<hbm>>
    %dma_start3A_393 = tpu.memref_squeeze %dma_start3A_392 : memref<1x2x64xi32, #tpu.memory_space<hbm>> -> memref<2x64xi32, #tpu.memory_space<hbm>>
    %dma_start3A_394 = arith.constant 0 : i32
    %dma_start3A_395 = arith.constant 0 : i32
    %dma_start3A_396 = tpu.memref_slice %arg6[%dma_start3A_385, %dma_start3A_394, %dma_start3A_395] : memref<2x2x64xi32, #tpu.memory_space<vmem>> -> memref<1x2x64xi32, #tpu.memory_space<vmem>>
    %dma_start3A_397 = tpu.memref_squeeze %dma_start3A_396 : memref<1x2x64xi32, #tpu.memory_space<vmem>> -> memref<2x64xi32, #tpu.memory_space<vmem>>
    %dma_start3A_398 = arith.constant 0 : i32
    %dma_start3A_399 = arith.constant 0 : i32
    %dma_start3A_400 = tpu.memref_slice %arg3[%add3A_384, %dma_start3A_398, %dma_start3A_399] : memref<5056x2x64xi32, #tpu.memory_space<hbm>> -> memref<1x2x64xi32, #tpu.memory_space<hbm>>
    %dma_start3A_401 = tpu.memref_squeeze %dma_start3A_400 : memref<1x2x64xi32, #tpu.memory_space<hbm>> -> memref<2x64xi32, #tpu.memory_space<hbm>>
    tpu.enqueue_dma source(%dma_start3A_401 : memref<2x64xi32, #tpu.memory_space<hbm>>) target(%dma_start3A_397 : memref<2x64xi32, #tpu.memory_space<vmem>>) target_semaphore(%arg13 : memref<!tpu.dma_semaphore, #tpu.memory_space<semaphore_mem>>)
    %scan3A_402 = arith.constant 0 : i32
    %scan3A_403 = arith.constant 0 : i32
    %scan3A_404 = arith.constant 32 : i32
    %scan3A_405 = arith.addi %scan3A_403, %scan3A_404 : i32
    %scan3A_406 = arith.constant 1 : i32
    %scan3A_407 = scf.for %scan3A_678 = %scan3A_403 to %scan3A_405 step %scan3A_406 iter_args(%scan3A_679 = %scan3A_402) -> (i32)  : i32 {
      %mul3A_680 = arith.constant 2 : i32
      %mul3A_681 = arith.muli %mul3A_680, %scan3A_678 : i32
      %add3A_682 = arith.constant 0 : i32
      %add3A_683 = arith.addi %mul3A_681, %add3A_682 : i32
      %get3A_684 = arith.constant 1 : i32
      %get3A_685 = arith.index_cast %get3A_684 : i32 to index
      %get3A_686 = arith.index_cast %add3A_683 : i32 to index
      %get3A_687 = arith.constant 0 : index
      %get3A_688 = tpu.vector_load %arg7[%get3A_685, %get3A_686, %get3A_687] {strides = array<i32>} : memref<2x64x128xf32, #tpu.memory_space<vmem>>, vector<1x1x16xf32>,
      %get3A_689 = vector.shape_cast %get3A_688 : vector<1x1x16xf32> to vector<16xf32>
      %get3A_690 = arith.constant 1 : i32
      %get3A_691 = arith.index_cast %get3A_690 : i32 to index
      %get3A_692 = arith.index_cast %add3A_683 : i32 to index
      %get3A_693 = arith.constant 0 : index
      %get3A_694 = tpu.vector_load %arg8[%get3A_691, %get3A_692, %get3A_693] {strides = array<i32>} : memref<2x64x128xf32, #tpu.memory_space<vmem>>, vector<1x1x16xf32>,
      %get3A_695 = vector.shape_cast %get3A_694 : vector<1x1x16xf32> to vector<16xf32>
      %mul3A_696 = arith.mulf %get3A_689, %get3A_695 : vector<16xf32>
      %swap3A_697 = arith.constant 1 : i32
      %swap3A_698 = arith.index_cast %swap3A_697 : i32 to index
      %swap3A_699 = arith.index_cast %add3A_683 : i32 to index
      %swap3A_700 = arith.constant 0 : index
      %swap3A_701 = tpu.vector_load %arg9[%swap3A_698, %swap3A_699, %swap3A_700] {strides = array<i32>} : memref<2x64x128xf32, #tpu.memory_space<vmem>>, vector<1x1x16xf32>,
      %swap3A_702 = vector.shape_cast %swap3A_701 : vector<1x1x16xf32> to vector<16xf32>
      %swap3A_703 = vector.shape_cast %mul3A_696 : vector<16xf32> to vector<1x1x16xf32>
      tpu.vector_store %arg9[%swap3A_698, %swap3A_699, %swap3A_700], %swap3A_703 {strides = array<i32>} : memref<2x64x128xf32, #tpu.memory_space<vmem>>, vector<1x1x16xf32>,
      %get3A_704 = arith.constant 1 : i32
      %get3A_705 = arith.index_cast %get3A_704 : i32 to index
      %get3A_706 = arith.index_cast %add3A_683 : i32 to index
      %get3A_707 = arith.constant 16 : index
      %get3A_708 = tpu.vector_load %arg7[%get3A_705, %get3A_706, %get3A_707] {strides = array<i32>} : memref<2x64x128xf32, #tpu.memory_space<vmem>>, vector<1x1x16xf32>,
      %get3A_709 = vector.shape_cast %get3A_708 : vector<1x1x16xf32> to vector<16xf32>
      %get3A_710 = arith.constant 1 : i32
      %get3A_711 = arith.index_cast %get3A_710 : i32 to index
      %get3A_712 = arith.index_cast %add3A_683 : i32 to index
      %get3A_713 = arith.constant 16 : index
      %get3A_714 = tpu.vector_load %arg8[%get3A_711, %get3A_712, %get3A_713] {strides = array<i32>} : memref<2x64x128xf32, #tpu.memory_space<vmem>>, vector<1x1x16xf32>,
      %get3A_715 = vector.shape_cast %get3A_714 : vector<1x1x16xf32> to vector<16xf32>
      %mul3A_716 = arith.mulf %get3A_709, %get3A_715 : vector<16xf32>
      %swap3A_717 = arith.constant 1 : i32
      %swap3A_718 = arith.index_cast %swap3A_717 : i32 to index
      %swap3A_719 = arith.index_cast %add3A_683 : i32 to index
      %swap3A_720 = arith.constant 16 : index
      %swap3A_721 = tpu.vector_load %arg9[%swap3A_718, %swap3A_719, %swap3A_720] {strides = array<i32>} : memref<2x64x128xf32, #tpu.memory_space<vmem>>, vector<1x1x16xf32>,
      %swap3A_722 = vector.shape_cast %swap3A_721 : vector<1x1x16xf32> to vector<16xf32>
      %swap3A_723 = vector.shape_cast %mul3A_716 : vector<16xf32> to vector<1x1x16xf32>
      tpu.vector_store %arg9[%swap3A_718, %swap3A_719, %swap3A_720], %swap3A_723 {strides = array<i32>} : memref<2x64x128xf32, #tpu.memory_space<vmem>>, vector<1x1x16xf32>,
      %get3A_724 = arith.constant 1 : i32
      %get3A_725 = arith.index_cast %get3A_724 : i32 to index
      %get3A_726 = arith.index_cast %add3A_683 : i32 to index
      %get3A_727 = arith.constant 32 : index
      %get3A_728 = tpu.vector_load %arg7[%get3A_725, %get3A_726, %get3A_727] {strides = array<i32>} : memref<2x64x128xf32, #tpu.memory_space<vmem>>, vector<1x1x16xf32>,
      %get3A_729 = vector.shape_cast %get3A_728 : vector<1x1x16xf32> to vector<16xf32>
      %get3A_730 = arith.constant 1 : i32
      %get3A_731 = arith.index_cast %get3A_730 : i32 to index
      %get3A_732 = arith.index_cast %add3A_683 : i32 to index
      %get3A_733 = arith.constant 32 : index
      %get3A_734 = tpu.vector_load %arg8[%get3A_731, %get3A_732, %get3A_733] {strides = array<i32>} : memref<2x64x128xf32, #tpu.memory_space<vmem>>, vector<1x1x16xf32>,
      %get3A_735 = vector.shape_cast %get3A_734 : vector<1x1x16xf32> to vector<16xf32>
      %mul3A_736 = arith.mulf %get3A_729, %get3A_735 : vector<16xf32>
      %swap3A_737 = arith.constant 1 : i32
      %swap3A_738 = arith.index_cast %swap3A_737 : i32 to index
      %swap3A_739 = arith.index_cast %add3A_683 : i32 to index
      %swap3A_740 = arith.constant 32 : index
      %swap3A_741 = tpu.vector_load %arg9[%swap3A_738, %swap3A_739, %swap3A_740] {strides = array<i32>} : memref<2x64x128xf32, #tpu.memory_space<vmem>>, vector<1x1x16xf32>,
      %swap3A_742 = vector.shape_cast %swap3A_741 : vector<1x1x16xf32> to vector<16xf32>
      %swap3A_743 = vector.shape_cast %mul3A_736 : vector<16xf32> to vector<1x1x16xf32>
      tpu.vector_store %arg9[%swap3A_738, %swap3A_739, %swap3A_740], %swap3A_743 {strides = array<i32>} : memref<2x64x128xf32, #tpu.memory_space<vmem>>, vector<1x1x16xf32>,
      %get3A_744 = arith.constant 1 : i32
      %get3A_745 = arith.index_cast %get3A_744 : i32 to index
      %get3A_746 = arith.index_cast %add3A_683 : i32 to index
      %get3A_747 = arith.constant 48 : index
      %get3A_748 = tpu.vector_load %arg7[%get3A_745, %get3A_746, %get3A_747] {strides = array<i32>} : memref<2x64x128xf32, #tpu.memory_space<vmem>>, vector<1x1x16xf32>,
      %get3A_749 = vector.shape_cast %get3A_748 : vector<1x1x16xf32> to vector<16xf32>
      %get3A_750 = arith.constant 1 : i32
      %get3A_751 = arith.index_cast %get3A_750 : i32 to index
      %get3A_752 = arith.index_cast %add3A_683 : i32 to index
      %get3A_753 = arith.constant 48 : index
      %get3A_754 = tpu.vector_load %arg8[%get3A_751, %get3A_752, %get3A_753] {strides = array<i32>} : memref<2x64x128xf32, #tpu.memory_space<vmem>>, vector<1x1x16xf32>,
      %get3A_755 = vector.shape_cast %get3A_754 : vector<1x1x16xf32> to vector<16xf32>
      %mul3A_756 = arith.mulf %get3A_749, %get3A_755 : vector<16xf32>
      %swap3A_757 = arith.constant 1 : i32
      %swap3A_758 = arith.index_cast %swap3A_757 : i32 to index
      %swap3A_759 = arith.index_cast %add3A_683 : i32 to index
      %swap3A_760 = arith.constant 48 : index
      %swap3A_761 = tpu.vector_load %arg9[%swap3A_758, %swap3A_759, %swap3A_760] {strides = array<i32>} : memref<2x64x128xf32, #tpu.memory_space<vmem>>, vector<1x1x16xf32>,
      %swap3A_762 = vector.shape_cast %swap3A_761 : vector<1x1x16xf32> to vector<16xf32>
      %swap3A_763 = vector.shape_cast %mul3A_756 : vector<16xf32> to vector<1x1x16xf32>
      tpu.vector_store %arg9[%swap3A_758, %swap3A_759, %swap3A_760], %swap3A_763 {strides = array<i32>} : memref<2x64x128xf32, #tpu.memory_space<vmem>>, vector<1x1x16xf32>,
      %get3A_764 = arith.constant 1 : i32
      %get3A_765 = arith.index_cast %get3A_764 : i32 to index
      %get3A_766 = arith.index_cast %add3A_683 : i32 to index
      %get3A_767 = arith.constant 64 : index
      %get3A_768 = tpu.vector_load %arg7[%get3A_765, %get3A_766, %get3A_767] {strides = array<i32>} : memref<2x64x128xf32, #tpu.memory_space<vmem>>, vector<1x1x16xf32>,
      %get3A_769 = vector.shape_cast %get3A_768 : vector<1x1x16xf32> to vector<16xf32>
      %get3A_770 = arith.constant 1 : i32
      %get3A_771 = arith.index_cast %get3A_770 : i32 to index
      %get3A_772 = arith.index_cast %add3A_683 : i32 to index
      %get3A_773 = arith.constant 64 : index
      %get3A_774 = tpu.vector_load %arg8[%get3A_771, %get3A_772, %get3A_773] {strides = array<i32>} : memref<2x64x128xf32, #tpu.memory_space<vmem>>, vector<1x1x16xf32>,
      %get3A_775 = vector.shape_cast %get3A_774 : vector<1x1x16xf32> to vector<16xf32>
      %mul3A_776 = arith.mulf %get3A_769, %get3A_775 : vector<16xf32>
      %swap3A_777 = arith.constant 1 : i32
      %swap3A_778 = arith.index_cast %swap3A_777 : i32 to index
      %swap3A_779 = arith.index_cast %add3A_683 : i32 to index
      %swap3A_780 = arith.constant 64 : index
      %swap3A_781 = tpu.vector_load %arg9[%swap3A_778, %swap3A_779, %swap3A_780] {strides = array<i32>} : memref<2x64x128xf32, #tpu.memory_space<vmem>>, vector<1x1x16xf32>,
      %swap3A_782 = vector.shape_cast %swap3A_781 : vector<1x1x16xf32> to vector<16xf32>
      %swap3A_783 = vector.shape_cast %mul3A_776 : vector<16xf32> to vector<1x1x16xf32>
      tpu.vector_store %arg9[%swap3A_778, %swap3A_779, %swap3A_780], %swap3A_783 {strides = array<i32>} : memref<2x64x128xf32, #tpu.memory_space<vmem>>, vector<1x1x16xf32>,
      %get3A_784 = arith.constant 1 : i32
      %get3A_785 = arith.index_cast %get3A_784 : i32 to index
      %get3A_786 = arith.index_cast %add3A_683 : i32 to index
      %get3A_787 = arith.constant 80 : index
      %get3A_788 = tpu.vector_load %arg7[%get3A_785, %get3A_786, %get3A_787] {strides = array<i32>} : memref<2x64x128xf32, #tpu.memory_space<vmem>>, vector<1x1x16xf32>,
      %get3A_789 = vector.shape_cast %get3A_788 : vector<1x1x16xf32> to vector<16xf32>
      %get3A_790 = arith.constant 1 : i32
      %get3A_791 = arith.index_cast %get3A_790 : i32 to index
      %get3A_792 = arith.index_cast %add3A_683 : i32 to index
      %get3A_793 = arith.constant 80 : index
      %get3A_794 = tpu.vector_load %arg8[%get3A_791, %get3A_792, %get3A_793] {strides = array<i32>} : memref<2x64x128xf32, #tpu.memory_space<vmem>>, vector<1x1x16xf32>,
      %get3A_795 = vector.shape_cast %get3A_794 : vector<1x1x16xf32> to vector<16xf32>
      %mul3A_796 = arith.mulf %get3A_789, %get3A_795 : vector<16xf32>
      %swap3A_797 = arith.constant 1 : i32
      %swap3A_798 = arith.index_cast %swap3A_797 : i32 to index
      %swap3A_799 = arith.index_cast %add3A_683 : i32 to index
      %swap3A_800 = arith.constant 80 : index
      %swap3A_801 = tpu.vector_load %arg9[%swap3A_798, %swap3A_799, %swap3A_800] {strides = array<i32>} : memref<2x64x128xf32, #tpu.memory_space<vmem>>, vector<1x1x16xf32>,
      %swap3A_802 = vector.shape_cast %swap3A_801 : vector<1x1x16xf32> to vector<16xf32>
      %swap3A_803 = vector.shape_cast %mul3A_796 : vector<16xf32> to vector<1x1x16xf32>
      tpu.vector_store %arg9[%swap3A_798, %swap3A_799, %swap3A_800], %swap3A_803 {strides = array<i32>} : memref<2x64x128xf32, #tpu.memory_space<vmem>>, vector<1x1x16xf32>,
      %get3A_804 = arith.constant 1 : i32
      %get3A_805 = arith.index_cast %get3A_804 : i32 to index
      %get3A_806 = arith.index_cast %add3A_683 : i32 to index
      %get3A_807 = arith.constant 96 : index
      %get3A_808 = tpu.vector_load %arg7[%get3A_805, %get3A_806, %get3A_807] {strides = array<i32>} : memref<2x64x128xf32, #tpu.memory_space<vmem>>, vector<1x1x16xf32>,
      %get3A_809 = vector.shape_cast %get3A_808 : vector<1x1x16xf32> to vector<16xf32>
      %get3A_810 = arith.constant 1 : i32
      %get3A_811 = arith.index_cast %get3A_810 : i32 to index
      %get3A_812 = arith.index_cast %add3A_683 : i32 to index
      %get3A_813 = arith.constant 96 : index
      %get3A_814 = tpu.vector_load %arg8[%get3A_811, %get3A_812, %get3A_813] {strides = array<i32>} : memref<2x64x128xf32, #tpu.memory_space<vmem>>, vector<1x1x16xf32>,
      %get3A_815 = vector.shape_cast %get3A_814 : vector<1x1x16xf32> to vector<16xf32>
      %mul3A_816 = arith.mulf %get3A_809, %get3A_815 : vector<16xf32>
      %swap3A_817 = arith.constant 1 : i32
      %swap3A_818 = arith.index_cast %swap3A_817 : i32 to index
      %swap3A_819 = arith.index_cast %add3A_683 : i32 to index
      %swap3A_820 = arith.constant 96 : index
      %swap3A_821 = tpu.vector_load %arg9[%swap3A_818, %swap3A_819, %swap3A_820] {strides = array<i32>} : memref<2x64x128xf32, #tpu.memory_space<vmem>>, vector<1x1x16xf32>,
      %swap3A_822 = vector.shape_cast %swap3A_821 : vector<1x1x16xf32> to vector<16xf32>
      %swap3A_823 = vector.shape_cast %mul3A_816 : vector<16xf32> to vector<1x1x16xf32>
      tpu.vector_store %arg9[%swap3A_818, %swap3A_819, %swap3A_820], %swap3A_823 {strides = array<i32>} : memref<2x64x128xf32, #tpu.memory_space<vmem>>, vector<1x1x16xf32>,
      %get3A_824 = arith.constant 1 : i32
      %get3A_825 = arith.index_cast %get3A_824 : i32 to index
      %get3A_826 = arith.index_cast %add3A_683 : i32 to index
      %get3A_827 = arith.constant 112 : index
      %get3A_828 = tpu.vector_load %arg7[%get3A_825, %get3A_826, %get3A_827] {strides = array<i32>} : memref<2x64x128xf32, #tpu.memory_space<vmem>>, vector<1x1x16xf32>,
      %get3A_829 = vector.shape_cast %get3A_828 : vector<1x1x16xf32> to vector<16xf32>
      %get3A_830 = arith.constant 1 : i32
      %get3A_831 = arith.index_cast %get3A_830 : i32 to index
      %get3A_832 = arith.index_cast %add3A_683 : i32 to index
      %get3A_833 = arith.constant 112 : index
      %get3A_834 = tpu.vector_load %arg8[%get3A_831, %get3A_832, %get3A_833] {strides = array<i32>} : memref<2x64x128xf32, #tpu.memory_space<vmem>>, vector<1x1x16xf32>,
      %get3A_835 = vector.shape_cast %get3A_834 : vector<1x1x16xf32> to vector<16xf32>
      %mul3A_836 = arith.mulf %get3A_829, %get3A_835 : vector<16xf32>
      %swap3A_837 = arith.constant 1 : i32
      %swap3A_838 = arith.index_cast %swap3A_837 : i32 to index
      %swap3A_839 = arith.index_cast %add3A_683 : i32 to index
      %swap3A_840 = arith.constant 112 : index
      %swap3A_841 = tpu.vector_load %arg9[%swap3A_838, %swap3A_839, %swap3A_840] {strides = array<i32>} : memref<2x64x128xf32, #tpu.memory_space<vmem>>, vector<1x1x16xf32>,
      %swap3A_842 = vector.shape_cast %swap3A_841 : vector<1x1x16xf32> to vector<16xf32>
      %swap3A_843 = vector.shape_cast %mul3A_836 : vector<16xf32> to vector<1x1x16xf32>
      tpu.vector_store %arg9[%swap3A_838, %swap3A_839, %swap3A_840], %swap3A_843 {strides = array<i32>} : memref<2x64x128xf32, #tpu.memory_space<vmem>>, vector<1x1x16xf32>,
      %mul3A_844 = arith.constant 2 : i32
      %mul3A_845 = arith.muli %mul3A_844, %scan3A_678 : i32
      %add3A_846 = arith.constant 1 : i32
      %add3A_847 = arith.addi %mul3A_845, %add3A_846 : i32
      %get3A_848 = arith.constant 1 : i32
      %get3A_849 = arith.index_cast %get3A_848 : i32 to index
      %get3A_850 = arith.index_cast %add3A_847 : i32 to index
      %get3A_851 = arith.constant 0 : index
      %get3A_852 = tpu.vector_load %arg7[%get3A_849, %get3A_850, %get3A_851] {strides = array<i32>} : memref<2x64x128xf32, #tpu.memory_space<vmem>>, vector<1x1x16xf32>,
      %get3A_853 = vector.shape_cast %get3A_852 : vector<1x1x16xf32> to vector<16xf32>
      %get3A_854 = arith.constant 1 : i32
      %get3A_855 = arith.index_cast %get3A_854 : i32 to index
      %get3A_856 = arith.index_cast %add3A_847 : i32 to index
      %get3A_857 = arith.constant 0 : index
      %get3A_858 = tpu.vector_load %arg8[%get3A_855, %get3A_856, %get3A_857] {strides = array<i32>} : memref<2x64x128xf32, #tpu.memory_space<vmem>>, vector<1x1x16xf32>,
      %get3A_859 = vector.shape_cast %get3A_858 : vector<1x1x16xf32> to vector<16xf32>
      %mul3A_860 = arith.mulf %get3A_853, %get3A_859 : vector<16xf32>
      %swap3A_861 = arith.constant 1 : i32
      %swap3A_862 = arith.index_cast %swap3A_861 : i32 to index
      %swap3A_863 = arith.index_cast %add3A_847 : i32 to index
      %swap3A_864 = arith.constant 0 : index
      %swap3A_865 = tpu.vector_load %arg9[%swap3A_862, %swap3A_863, %swap3A_864] {strides = array<i32>} : memref<2x64x128xf32, #tpu.memory_space<vmem>>, vector<1x1x16xf32>,
      %swap3A_866 = vector.shape_cast %swap3A_865 : vector<1x1x16xf32> to vector<16xf32>
      %swap3A_867 = vector.shape_cast %mul3A_860 : vector<16xf32> to vector<1x1x16xf32>
      tpu.vector_store %arg9[%swap3A_862, %swap3A_863, %swap3A_864], %swap3A_867 {strides = array<i32>} : memref<2x64x128xf32, #tpu.memory_space<vmem>>, vector<1x1x16xf32>,
      %get3A_868 = arith.constant 1 : i32
      %get3A_869 = arith.index_cast %get3A_868 : i32 to index
      %get3A_870 = arith.index_cast %add3A_847 : i32 to index
      %get3A_871 = arith.constant 16 : index
      %get3A_872 = tpu.vector_load %arg7[%get3A_869, %get3A_870, %get3A_871] {strides = array<i32>} : memref<2x64x128xf32, #tpu.memory_space<vmem>>, vector<1x1x16xf32>,
      %get3A_873 = vector.shape_cast %get3A_872 : vector<1x1x16xf32> to vector<16xf32>
      %get3A_874 = arith.constant 1 : i32
      %get3A_875 = arith.index_cast %get3A_874 : i32 to index
      %get3A_876 = arith.index_cast %add3A_847 : i32 to index
      %get3A_877 = arith.constant 16 : index
      %get3A_878 = tpu.vector_load %arg8[%get3A_875, %get3A_876, %get3A_877] {strides = array<i32>} : memref<2x64x128xf32, #tpu.memory_space<vmem>>, vector<1x1x16xf32>,
      %get3A_879 = vector.shape_cast %get3A_878 : vector<1x1x16xf32> to vector<16xf32>
      %mul3A_880 = arith.mulf %get3A_873, %get3A_879 : vector<16xf32>
      %swap3A_881 = arith.constant 1 : i32
      %swap3A_882 = arith.index_cast %swap3A_881 : i32 to index
      %swap3A_883 = arith.index_cast %add3A_847 : i32 to index
      %swap3A_884 = arith.constant 16 : index
      %swap3A_885 = tpu.vector_load %arg9[%swap3A_882, %swap3A_883, %swap3A_884] {strides = array<i32>} : memref<2x64x128xf32, #tpu.memory_space<vmem>>, vector<1x1x16xf32>,
      %swap3A_886 = vector.shape_cast %swap3A_885 : vector<1x1x16xf32> to vector<16xf32>
      %swap3A_887 = vector.shape_cast %mul3A_880 : vector<16xf32> to vector<1x1x16xf32>
      tpu.vector_store %arg9[%swap3A_882, %swap3A_883, %swap3A_884], %swap3A_887 {strides = array<i32>} : memref<2x64x128xf32, #tpu.memory_space<vmem>>, vector<1x1x16xf32>,
      %get3A_888 = arith.constant 1 : i32
      %get3A_889 = arith.index_cast %get3A_888 : i32 to index
      %get3A_890 = arith.index_cast %add3A_847 : i32 to index
      %get3A_891 = arith.constant 32 : index
      %get3A_892 = tpu.vector_load %arg7[%get3A_889, %get3A_890, %get3A_891] {strides = array<i32>} : memref<2x64x128xf32, #tpu.memory_space<vmem>>, vector<1x1x16xf32>,
      %get3A_893 = vector.shape_cast %get3A_892 : vector<1x1x16xf32> to vector<16xf32>
      %get3A_894 = arith.constant 1 : i32
      %get3A_895 = arith.index_cast %get3A_894 : i32 to index
      %get3A_896 = arith.index_cast %add3A_847 : i32 to index
      %get3A_897 = arith.constant 32 : index
      %get3A_898 = tpu.vector_load %arg8[%get3A_895, %get3A_896, %get3A_897] {strides = array<i32>} : memref<2x64x128xf32, #tpu.memory_space<vmem>>, vector<1x1x16xf32>,
      %get3A_899 = vector.shape_cast %get3A_898 : vector<1x1x16xf32> to vector<16xf32>
      %mul3A_900 = arith.mulf %get3A_893, %get3A_899 : vector<16xf32>
      %swap3A_901 = arith.constant 1 : i32
      %swap3A_902 = arith.index_cast %swap3A_901 : i32 to index
      %swap3A_903 = arith.index_cast %add3A_847 : i32 to index
      %swap3A_904 = arith.constant 32 : index
      %swap3A_905 = tpu.vector_load %arg9[%swap3A_902, %swap3A_903, %swap3A_904] {strides = array<i32>} : memref<2x64x128xf32, #tpu.memory_space<vmem>>, vector<1x1x16xf32>,
      %swap3A_906 = vector.shape_cast %swap3A_905 : vector<1x1x16xf32> to vector<16xf32>
      %swap3A_907 = vector.shape_cast %mul3A_900 : vector<16xf32> to vector<1x1x16xf32>
      tpu.vector_store %arg9[%swap3A_902, %swap3A_903, %swap3A_904], %swap3A_907 {strides = array<i32>} : memref<2x64x128xf32, #tpu.memory_space<vmem>>, vector<1x1x16xf32>,
      %get3A_908 = arith.constant 1 : i32
      %get3A_909 = arith.index_cast %get3A_908 : i32 to index
      %get3A_910 = arith.index_cast %add3A_847 : i32 to index
      %get3A_911 = arith.constant 48 : index
      %get3A_912 = tpu.vector_load %arg7[%get3A_909, %get3A_910, %get3A_911] {strides = array<i32>} : memref<2x64x128xf32, #tpu.memory_space<vmem>>, vector<1x1x16xf32>,
      %get3A_913 = vector.shape_cast %get3A_912 : vector<1x1x16xf32> to vector<16xf32>
      %get3A_914 = arith.constant 1 : i32
      %get3A_915 = arith.index_cast %get3A_914 : i32 to index
      %get3A_916 = arith.index_cast %add3A_847 : i32 to index
      %get3A_917 = arith.constant 48 : index
      %get3A_918 = tpu.vector_load %arg8[%get3A_915, %get3A_916, %get3A_917] {strides = array<i32>} : memref<2x64x128xf32, #tpu.memory_space<vmem>>, vector<1x1x16xf32>,
      %get3A_919 = vector.shape_cast %get3A_918 : vector<1x1x16xf32> to vector<16xf32>
      %mul3A_920 = arith.mulf %get3A_913, %get3A_919 : vector<16xf32>
      %swap3A_921 = arith.constant 1 : i32
      %swap3A_922 = arith.index_cast %swap3A_921 : i32 to index
      %swap3A_923 = arith.index_cast %add3A_847 : i32 to index
      %swap3A_924 = arith.constant 48 : index
      %swap3A_925 = tpu.vector_load %arg9[%swap3A_922, %swap3A_923, %swap3A_924] {strides = array<i32>} : memref<2x64x128xf32, #tpu.memory_space<vmem>>, vector<1x1x16xf32>,
      %swap3A_926 = vector.shape_cast %swap3A_925 : vector<1x1x16xf32> to vector<16xf32>
      %swap3A_927 = vector.shape_cast %mul3A_920 : vector<16xf32> to vector<1x1x16xf32>
      tpu.vector_store %arg9[%swap3A_922, %swap3A_923, %swap3A_924], %swap3A_927 {strides = array<i32>} : memref<2x64x128xf32, #tpu.memory_space<vmem>>, vector<1x1x16xf32>,
      %get3A_928 = arith.constant 1 : i32
      %get3A_929 = arith.index_cast %get3A_928 : i32 to index
      %get3A_930 = arith.index_cast %add3A_847 : i32 to index
      %get3A_931 = arith.constant 64 : index
      %get3A_932 = tpu.vector_load %arg7[%get3A_929, %get3A_930, %get3A_931] {strides = array<i32>} : memref<2x64x128xf32, #tpu.memory_space<vmem>>, vector<1x1x16xf32>,
      %get3A_933 = vector.shape_cast %get3A_932 : vector<1x1x16xf32> to vector<16xf32>
      %get3A_934 = arith.constant 1 : i32
      %get3A_935 = arith.index_cast %get3A_934 : i32 to index
      %get3A_936 = arith.index_cast %add3A_847 : i32 to index
      %get3A_937 = arith.constant 64 : index
      %get3A_938 = tpu.vector_load %arg8[%get3A_935, %get3A_936, %get3A_937] {strides = array<i32>} : memref<2x64x128xf32, #tpu.memory_space<vmem>>, vector<1x1x16xf32>,
      %get3A_939 = vector.shape_cast %get3A_938 : vector<1x1x16xf32> to vector<16xf32>
      %mul3A_940 = arith.mulf %get3A_933, %get3A_939 : vector<16xf32>
      %swap3A_941 = arith.constant 1 : i32
      %swap3A_942 = arith.index_cast %swap3A_941 : i32 to index
      %swap3A_943 = arith.index_cast %add3A_847 : i32 to index
      %swap3A_944 = arith.constant 64 : index
      %swap3A_945 = tpu.vector_load %arg9[%swap3A_942, %swap3A_943, %swap3A_944] {strides = array<i32>} : memref<2x64x128xf32, #tpu.memory_space<vmem>>, vector<1x1x16xf32>,
      %swap3A_946 = vector.shape_cast %swap3A_945 : vector<1x1x16xf32> to vector<16xf32>
      %swap3A_947 = vector.shape_cast %mul3A_940 : vector<16xf32> to vector<1x1x16xf32>
      tpu.vector_store %arg9[%swap3A_942, %swap3A_943, %swap3A_944], %swap3A_947 {strides = array<i32>} : memref<2x64x128xf32, #tpu.memory_space<vmem>>, vector<1x1x16xf32>,
      %get3A_948 = arith.constant 1 : i32
      %get3A_949 = arith.index_cast %get3A_948 : i32 to index
      %get3A_950 = arith.index_cast %add3A_847 : i32 to index
      %get3A_951 = arith.constant 80 : index
      %get3A_952 = tpu.vector_load %arg7[%get3A_949, %get3A_950, %get3A_951] {strides = array<i32>} : memref<2x64x128xf32, #tpu.memory_space<vmem>>, vector<1x1x16xf32>,
      %get3A_953 = vector.shape_cast %get3A_952 : vector<1x1x16xf32> to vector<16xf32>
      %get3A_954 = arith.constant 1 : i32
      %get3A_955 = arith.index_cast %get3A_954 : i32 to index
      %get3A_956 = arith.index_cast %add3A_847 : i32 to index
      %get3A_957 = arith.constant 80 : index
      %get3A_958 = tpu.vector_load %arg8[%get3A_955, %get3A_956, %get3A_957] {strides = array<i32>} : memref<2x64x128xf32, #tpu.memory_space<vmem>>, vector<1x1x16xf32>,
      %get3A_959 = vector.shape_cast %get3A_958 : vector<1x1x16xf32> to vector<16xf32>
      %mul3A_960 = arith.mulf %get3A_953, %get3A_959 : vector<16xf32>
      %swap3A_961 = arith.constant 1 : i32
      %swap3A_962 = arith.index_cast %swap3A_961 : i32 to index
      %swap3A_963 = arith.index_cast %add3A_847 : i32 to index
      %swap3A_964 = arith.constant 80 : index
      %swap3A_965 = tpu.vector_load %arg9[%swap3A_962, %swap3A_963, %swap3A_964] {strides = array<i32>} : memref<2x64x128xf32, #tpu.memory_space<vmem>>, vector<1x1x16xf32>,
      %swap3A_966 = vector.shape_cast %swap3A_965 : vector<1x1x16xf32> to vector<16xf32>
      %swap3A_967 = vector.shape_cast %mul3A_960 : vector<16xf32> to vector<1x1x16xf32>
      tpu.vector_store %arg9[%swap3A_962, %swap3A_963, %swap3A_964], %swap3A_967 {strides = array<i32>} : memref<2x64x128xf32, #tpu.memory_space<vmem>>, vector<1x1x16xf32>,
      %get3A_968 = arith.constant 1 : i32
      %get3A_969 = arith.index_cast %get3A_968 : i32 to index
      %get3A_970 = arith.index_cast %add3A_847 : i32 to index
      %get3A_971 = arith.constant 96 : index
      %get3A_972 = tpu.vector_load %arg7[%get3A_969, %get3A_970, %get3A_971] {strides = array<i32>} : memref<2x64x128xf32, #tpu.memory_space<vmem>>, vector<1x1x16xf32>,
      %get3A_973 = vector.shape_cast %get3A_972 : vector<1x1x16xf32> to vector<16xf32>
      %get3A_974 = arith.constant 1 : i32
      %get3A_975 = arith.index_cast %get3A_974 : i32 to index
      %get3A_976 = arith.index_cast %add3A_847 : i32 to index
      %get3A_977 = arith.constant 96 : index
      %get3A_978 = tpu.vector_load %arg8[%get3A_975, %get3A_976, %get3A_977] {strides = array<i32>} : memref<2x64x128xf32, #tpu.memory_space<vmem>>, vector<1x1x16xf32>,
      %get3A_979 = vector.shape_cast %get3A_978 : vector<1x1x16xf32> to vector<16xf32>
      %mul3A_980 = arith.mulf %get3A_973, %get3A_979 : vector<16xf32>
      %swap3A_981 = arith.constant 1 : i32
      %swap3A_982 = arith.index_cast %swap3A_981 : i32 to index
      %swap3A_983 = arith.index_cast %add3A_847 : i32 to index
      %swap3A_984 = arith.constant 96 : index
      %swap3A_985 = tpu.vector_load %arg9[%swap3A_982, %swap3A_983, %swap3A_984] {strides = array<i32>} : memref<2x64x128xf32, #tpu.memory_space<vmem>>, vector<1x1x16xf32>,
      %swap3A_986 = vector.shape_cast %swap3A_985 : vector<1x1x16xf32> to vector<16xf32>
      %swap3A_987 = vector.shape_cast %mul3A_980 : vector<16xf32> to vector<1x1x16xf32>
      tpu.vector_store %arg9[%swap3A_982, %swap3A_983, %swap3A_984], %swap3A_987 {strides = array<i32>} : memref<2x64x128xf32, #tpu.memory_space<vmem>>, vector<1x1x16xf32>,
      %get3A_988 = arith.constant 1 : i32
      %get3A_989 = arith.index_cast %get3A_988 : i32 to index
      %get3A_990 = arith.index_cast %add3A_847 : i32 to index
      %get3A_991 = arith.constant 112 : index
      %get3A_992 = tpu.vector_load %arg7[%get3A_989, %get3A_990, %get3A_991] {strides = array<i32>} : memref<2x64x128xf32, #tpu.memory_space<vmem>>, vector<1x1x16xf32>,
      %get3A_993 = vector.shape_cast %get3A_992 : vector<1x1x16xf32> to vector<16xf32>
      %get3A_994 = arith.constant 1 : i32
      %get3A_995 = arith.index_cast %get3A_994 : i32 to index
      %get3A_996 = arith.index_cast %add3A_847 : i32 to index
      %get3A_997 = arith.constant 112 : index
      %get3A_998 = tpu.vector_load %arg8[%get3A_995, %get3A_996, %get3A_997] {strides = array<i32>} : memref<2x64x128xf32, #tpu.memory_space<vmem>>, vector<1x1x16xf32>,
      %get3A_999 = vector.shape_cast %get3A_998 : vector<1x1x16xf32> to vector<16xf32>
      %mul3A_1000 = arith.mulf %get3A_993, %get3A_999 : vector<16xf32>
      %swap3A_1001 = arith.constant 1 : i32
      %swap3A_1002 = arith.index_cast %swap3A_1001 : i32 to index
      %swap3A_1003 = arith.index_cast %add3A_847 : i32 to index
      %swap3A_1004 = arith.constant 112 : index
      %swap3A_1005 = tpu.vector_load %arg9[%swap3A_1002, %swap3A_1003, %swap3A_1004] {strides = array<i32>} : memref<2x64x128xf32, #tpu.memory_space<vmem>>, vector<1x1x16xf32>,
      %swap3A_1006 = vector.shape_cast %swap3A_1005 : vector<1x1x16xf32> to vector<16xf32>
      %swap3A_1007 = vector.shape_cast %mul3A_1000 : vector<16xf32> to vector<1x1x16xf32>
      tpu.vector_store %arg9[%swap3A_1002, %swap3A_1003, %swap3A_1004], %swap3A_1007 {strides = array<i32>} : memref<2x64x128xf32, #tpu.memory_space<vmem>>, vector<1x1x16xf32>,
      %scan3A_1008 = arith.constant 0 : i32
      scf.yield %scan3A_1008 : i32
    }
    %scan3A_408 = arith.constant 32 : i32
    %dma_start3A_409 = arith.constant 1 : i32
    %dma_start3A_410 = arith.constant 1 : i32
    %dma_start3A_411 = arith.constant 0 : i32
    %dma_start3A_412 = arith.constant 0 : i32
    %dma_start3A_413 = tpu.memref_slice %arg9[%dma_start3A_409, %dma_start3A_411, %dma_start3A_412] : memref<2x64x128xf32, #tpu.memory_space<vmem>> -> memref<1x64x128xf32, #tpu.memory_space<vmem>>
    %dma_start3A_414 = tpu.memref_squeeze %dma_start3A_413 : memref<1x64x128xf32, #tpu.memory_space<vmem>> -> memref<64x128xf32, #tpu.memory_space<vmem>>
    %dma_start3A_415 = arith.constant 0 : i32
    %dma_start3A_416 = tpu.memref_slice %arg10[%dma_start3A_410, %dma_start3A_415] : memref<2x64xi32, #tpu.memory_space<vmem>> -> memref<1x64xi32, #tpu.memory_space<vmem>>
    %dma_start3A_417 = tpu.memref_squeeze %dma_start3A_416 : memref<1x64xi32, #tpu.memory_space<vmem>> -> memref<64xi32, #tpu.memory_space<vmem>>
    %dma_start3A_418 = arith.constant 0 : i32
    %dma_start3A_419 = arith.constant 0 : i32
    %dma_start3A_420 = tpu.memref_slice %arg11[%dma_start3A_418, %dma_start3A_419] : memref<10112x128xf32, #tpu.memory_space<vmem_shared>> -> memref<10112x128xf32, #tpu.memory_space<vmem_shared>>
    tpu.enqueue_indirect_dma source(%dma_start3A_414 : memref<64x128xf32, #tpu.memory_space<vmem>>) target(%dma_start3A_420 : memref<10112x128xf32, #tpu.memory_space<vmem_shared>>) offsets(%dma_start3A_417 : memref<64xi32, #tpu.memory_space<vmem>>) semaphore(%arg19 : memref<!tpu.dma_semaphore, #tpu.memory_space<semaphore_mem>>) {add = true}
    %scan3A_421 = arith.constant 0 : i32
    %scan3A_422 = arith.constant 1 : i32
    %scan3A_423 = arith.constant 77 : i32
    %scan3A_424 = arith.addi %scan3A_422, %scan3A_423 : i32
    %scan3A_425 = arith.constant 1 : i32
    %scan3A_426 = scf.for %scan3A_678 = %scan3A_422 to %scan3A_424 step %scan3A_425 iter_args(%scan3A_679 = %scan3A_421) -> (i32)  : i32 {
      %mul3A_680 = arith.constant 2 : i32
      %mul3A_681 = arith.muli %mul3A_680, %scan3A_678 : i32
      %dma_wait3A_682 = arith.constant 1 : i32
      %dma_wait3A_683 = arith.constant 0 : i32
      %dma_wait3A_684 = arith.constant 0 : i32
      %dma_wait3A_685 = tpu.memref_slice %arg6[%dma_wait3A_682, %dma_wait3A_683, %dma_wait3A_684] : memref<2x2x64xi32, #tpu.memory_space<vmem>> -> memref<1x2x64xi32, #tpu.memory_space<vmem>>
      %dma_wait3A_686 = tpu.memref_squeeze %dma_wait3A_685 : memref<1x2x64xi32, #tpu.memory_space<vmem>> -> memref<2x64xi32, #tpu.memory_space<vmem>>
      %dma_wait3A_687 = arith.constant 0 : i32
      %dma_wait3A_688 = arith.constant 0 : i32
      %dma_wait3A_689 = tpu.memref_slice %arg3[%mul3A_2, %dma_wait3A_687, %dma_wait3A_688] : memref<5056x2x64xi32, #tpu.memory_space<hbm>> -> memref<1x2x64xi32, #tpu.memory_space<hbm>>
      %dma_wait3A_690 = tpu.memref_squeeze %dma_wait3A_689 : memref<1x2x64xi32, #tpu.memory_space<hbm>> -> memref<2x64xi32, #tpu.memory_space<hbm>>
      %dma_wait3A_691 = arith.constant 0 : i32
      %dma_wait3A_692 = arith.constant 0 : i32
      %dma_wait3A_693 = tpu.memref_slice %arg6[%dma_wait3A_682, %dma_wait3A_691, %dma_wait3A_692] : memref<2x2x64xi32, #tpu.memory_space<vmem>> -> memref<1x2x64xi32, #tpu.memory_space<vmem>>
      %dma_wait3A_694 = tpu.memref_squeeze %dma_wait3A_693 : memref<1x2x64xi32, #tpu.memory_space<vmem>> -> memref<2x64xi32, #tpu.memory_space<vmem>>
      %dma_wait3A_695 = arith.constant 0 : i32
      %dma_wait3A_696 = arith.constant 0 : i32
      %dma_wait3A_697 = tpu.memref_slice %arg3[%mul3A_2, %dma_wait3A_695, %dma_wait3A_696] : memref<5056x2x64xi32, #tpu.memory_space<hbm>> -> memref<1x2x64xi32, #tpu.memory_space<hbm>>
      %dma_wait3A_698 = tpu.memref_squeeze %dma_wait3A_697 : memref<1x2x64xi32, #tpu.memory_space<hbm>> -> memref<2x64xi32, #tpu.memory_space<hbm>>
      tpu.wait_dma2 semaphore(%arg13 : memref<!tpu.dma_semaphore, #tpu.memory_space<semaphore_mem>>) src(%dma_wait3A_698 : memref<2x64xi32, #tpu.memory_space<hbm>>) dst(%dma_wait3A_694 : memref<2x64xi32, #tpu.memory_space<vmem>>)
      %add3A_699 = arith.constant 1 : i32
      %add3A_700 = arith.addi %mul3A_681, %add3A_699 : i32
      %dma_start3A_701 = arith.constant 1 : i32
      %dma_start3A_702 = arith.constant 0 : i32
      %dma_start3A_703 = arith.constant 1 : i32
      %dma_start3A_704 = arith.constant 0 : i32
      %dma_start3A_705 = arith.constant 0 : i32
      %dma_start3A_706 = tpu.memref_slice %arg7[%dma_start3A_703, %dma_start3A_704, %dma_start3A_705] : memref<2x64x128xf32, #tpu.memory_space<vmem>> -> memref<1x64x128xf32, #tpu.memory_space<vmem>>
      %dma_start3A_707 = tpu.memref_squeeze %dma_start3A_706 : memref<1x64x128xf32, #tpu.memory_space<vmem>> -> memref<64x128xf32, #tpu.memory_space<vmem>>
      %dma_start3A_708 = arith.constant 0 : i32
      %dma_start3A_709 = tpu.memref_slice %arg6[%dma_start3A_701, %dma_start3A_702, %dma_start3A_708] : memref<2x2x64xi32, #tpu.memory_space<vmem>> -> memref<1x1x64xi32, #tpu.memory_space<vmem>>
      %dma_start3A_710 = tpu.memref_squeeze %dma_start3A_709 : memref<1x1x64xi32, #tpu.memory_space<vmem>> -> memref<64xi32, #tpu.memory_space<vmem>>
      %dma_start3A_711 = arith.constant 0 : i32
      %dma_start3A_712 = arith.constant 0 : i32
      %dma_start3A_713 = tpu.memref_slice %arg2[%dma_start3A_711, %dma_start3A_712] : memref<10000x128xf32, #tpu.memory_space<hbm>> -> memref<10000x128xf32, #tpu.memory_space<hbm>>
      tpu.enqueue_indirect_dma source(%dma_start3A_713 : memref<10000x128xf32, #tpu.memory_space<hbm>>) target(%dma_start3A_707 : memref<64x128xf32, #tpu.memory_space<vmem>>) offsets(%dma_start3A_710 : memref<64xi32, #tpu.memory_space<vmem>>) semaphore(%arg15 : memref<!tpu.dma_semaphore, #tpu.memory_space<semaphore_mem>>)
      %add3A_714 = arith.addi %mul3A_2, %add3A_700 : i32
      %mul3A_715 = arith.constant 64 : i32
      %mul3A_716 = arith.muli %add3A_714, %mul3A_715 : i32
      %dma_start3A_717 = arith.constant 1 : i32
      %dma_start3A_718 = arith.constant 0 : i32
      %dma_start3A_719 = arith.constant 0 : i32
      %dma_start3A_720 = tpu.memref_slice %arg8[%dma_start3A_717, %dma_start3A_718, %dma_start3A_719] : memref<2x64x128xf32, #tpu.memory_space<vmem>> -> memref<1x64x128xf32, #tpu.memory_space<vmem>>
      %dma_start3A_721 = tpu.memref_squeeze %dma_start3A_720 : memref<1x64x128xf32, #tpu.memory_space<vmem>> -> memref<64x128xf32, #tpu.memory_space<vmem>>
      %dma_start3A_722 = arith.constant 0 : i32
      %dma_start3A_723 = tpu.memref_slice %arg4[%mul3A_716, %dma_start3A_722] : memref<323584x128xf32, #tpu.memory_space<hbm>> -> memref<64x128xf32, #tpu.memory_space<hbm>>
      %dma_start3A_724 = arith.constant 0 : i32
      %dma_start3A_725 = arith.constant 0 : i32
      %dma_start3A_726 = tpu.memref_slice %arg8[%dma_start3A_717, %dma_start3A_724, %dma_start3A_725] : memref<2x64x128xf32, #tpu.memory_space<vmem>> -> memref<1x64x128xf32, #tpu.memory_space<vmem>>
      %dma_start3A_727 = tpu.memref_squeeze %dma_start3A_726 : memref<1x64x128xf32, #tpu.memory_space<vmem>> -> memref<64x128xf32, #tpu.memory_space<vmem>>
      %dma_start3A_728 = arith.constant 0 : i32
      %dma_start3A_729 = tpu.memref_slice %arg4[%mul3A_716, %dma_start3A_728] : memref<323584x128xf32, #tpu.memory_space<hbm>> -> memref<64x128xf32, #tpu.memory_space<hbm>>
      tpu.enqueue_dma source(%dma_start3A_729 : memref<64x128xf32, #tpu.memory_space<hbm>>) target(%dma_start3A_727 : memref<64x128xf32, #tpu.memory_space<vmem>>) target_semaphore(%arg17 : memref<!tpu.dma_semaphore, #tpu.memory_space<semaphore_mem>>)
      %dma_wait3A_730 = arith.constant 0 : i32
      %dma_wait3A_731 = arith.constant 0 : i32
      %dma_wait3A_732 = arith.constant 0 : i32
      %dma_wait3A_733 = arith.constant 0 : i32
      %dma_wait3A_734 = arith.constant 0 : i32
      %dma_wait3A_735 = tpu.memref_slice %arg7[%dma_wait3A_732, %dma_wait3A_733, %dma_wait3A_734] : memref<2x64x128xf32, #tpu.memory_space<vmem>> -> memref<1x64x128xf32, #tpu.memory_space<vmem>>
      %dma_wait3A_736 = tpu.memref_squeeze %dma_wait3A_735 : memref<1x64x128xf32, #tpu.memory_space<vmem>> -> memref<64x128xf32, #tpu.memory_space<vmem>>
      %dma_wait3A_737 = arith.constant 0 : i32
      %dma_wait3A_738 = tpu.memref_slice %arg6[%dma_wait3A_730, %dma_wait3A_731, %dma_wait3A_737] : memref<2x2x64xi32, #tpu.memory_space<vmem>> -> memref<1x1x64xi32, #tpu.memory_space<vmem>>
      %dma_wait3A_739 = tpu.memref_squeeze %dma_wait3A_738 : memref<1x1x64xi32, #tpu.memory_space<vmem>> -> memref<64xi32, #tpu.memory_space<vmem>>
      %dma_wait3A_740 = arith.constant 0 : i32
      %dma_wait3A_741 = arith.constant 0 : i32
      %dma_wait3A_742 = tpu.memref_slice %arg2[%dma_wait3A_740, %dma_wait3A_741] : memref<10000x128xf32, #tpu.memory_space<hbm>> -> memref<10000x128xf32, #tpu.memory_space<hbm>>
      tpu.wait_indirect_dma semaphore(%arg14 : memref<!tpu.dma_semaphore, #tpu.memory_space<semaphore_mem>>) src(%dma_wait3A_742 : memref<10000x128xf32, #tpu.memory_space<hbm>>) dst(%dma_wait3A_736 : memref<64x128xf32, #tpu.memory_space<vmem>>)
      %dma_wait3A_743 = arith.constant 0 : i32
      %dma_wait3A_744 = arith.constant 0 : i32
      %dma_wait3A_745 = arith.constant 0 : i32
      %dma_wait3A_746 = tpu.memref_slice %arg8[%dma_wait3A_743, %dma_wait3A_744, %dma_wait3A_745] : memref<2x64x128xf32, #tpu.memory_space<vmem>> -> memref<1x64x128xf32, #tpu.memory_space<vmem>>
      %dma_wait3A_747 = tpu.memref_squeeze %dma_wait3A_746 : memref<1x64x128xf32, #tpu.memory_space<vmem>> -> memref<64x128xf32, #tpu.memory_space<vmem>>
      %dma_wait3A_748 = arith.constant 0 : i32
      %dma_wait3A_749 = arith.constant 0 : i32
      %dma_wait3A_750 = tpu.memref_slice %arg4[%dma_wait3A_748, %dma_wait3A_749] : memref<323584x128xf32, #tpu.memory_space<hbm>> -> memref<64x128xf32, #tpu.memory_space<hbm>>
      %dma_wait3A_751 = arith.constant 0 : i32
      %dma_wait3A_752 = arith.constant 0 : i32
      %dma_wait3A_753 = tpu.memref_slice %arg8[%dma_wait3A_743, %dma_wait3A_751, %dma_wait3A_752] : memref<2x64x128xf32, #tpu.memory_space<vmem>> -> memref<1x64x128xf32, #tpu.memory_space<vmem>>
      %dma_wait3A_754 = tpu.memref_squeeze %dma_wait3A_753 : memref<1x64x128xf32, #tpu.memory_space<vmem>> -> memref<64x128xf32, #tpu.memory_space<vmem>>
      %dma_wait3A_755 = arith.constant 0 : i32
      %dma_wait3A_756 = arith.constant 0 : i32
      %dma_wait3A_757 = tpu.memref_slice %arg4[%dma_wait3A_755, %dma_wait3A_756] : memref<323584x128xf32, #tpu.memory_space<hbm>> -> memref<64x128xf32, #tpu.memory_space<hbm>>
      tpu.wait_dma2 semaphore(%arg16 : memref<!tpu.dma_semaphore, #tpu.memory_space<semaphore_mem>>) src(%dma_wait3A_757 : memref<64x128xf32, #tpu.memory_space<hbm>>) dst(%dma_wait3A_754 : memref<64x128xf32, #tpu.memory_space<vmem>>)
      %dma_wait3A_758 = arith.constant 0 : i32
      %dma_wait3A_759 = arith.constant 0 : i32
      %dma_wait3A_760 = arith.constant 0 : i32
      %dma_wait3A_761 = arith.constant 0 : i32
      %dma_wait3A_762 = tpu.memref_slice %arg9[%dma_wait3A_758, %dma_wait3A_760, %dma_wait3A_761] : memref<2x64x128xf32, #tpu.memory_space<vmem>> -> memref<1x64x128xf32, #tpu.memory_space<vmem>>
      %dma_wait3A_763 = tpu.memref_squeeze %dma_wait3A_762 : memref<1x64x128xf32, #tpu.memory_space<vmem>> -> memref<64x128xf32, #tpu.memory_space<vmem>>
      %dma_wait3A_764 = arith.constant 0 : i32
      %dma_wait3A_765 = tpu.memref_slice %arg10[%dma_wait3A_759, %dma_wait3A_764] : memref<2x64xi32, #tpu.memory_space<vmem>> -> memref<1x64xi32, #tpu.memory_space<vmem>>
      %dma_wait3A_766 = tpu.memref_squeeze %dma_wait3A_765 : memref<1x64xi32, #tpu.memory_space<vmem>> -> memref<64xi32, #tpu.memory_space<vmem>>
      %dma_wait3A_767 = arith.constant 0 : i32
      %dma_wait3A_768 = arith.constant 0 : i32
      %dma_wait3A_769 = tpu.memref_slice %arg11[%dma_wait3A_767, %dma_wait3A_768] : memref<10112x128xf32, #tpu.memory_space<vmem_shared>> -> memref<10112x128xf32, #tpu.memory_space<vmem_shared>>
      tpu.wait_indirect_dma semaphore(%arg18 : memref<!tpu.dma_semaphore, #tpu.memory_space<semaphore_mem>>) src(%dma_wait3A_763 : memref<64x128xf32, #tpu.memory_space<vmem>>) dst(%dma_wait3A_769 : memref<10112x128xf32, #tpu.memory_space<vmem_shared>>)
      %get3A_770 = arith.constant 0 : i32
      %get3A_771 = arith.constant 1 : i32
      %get3A_772 = arith.index_cast %get3A_770 : i32 to index
      %get3A_773 = arith.index_cast %get3A_771 : i32 to index
      %get3A_774 = arith.constant 0 : index
      %get3A_775 = tpu.vector_load %arg6[%get3A_772, %get3A_773, %get3A_774] {strides = array<i32>} : memref<2x2x64xi32, #tpu.memory_space<vmem>>, vector<1x1x16xi32>,
      %get3A_776 = vector.shape_cast %get3A_775 : vector<1x1x16xi32> to vector<16xi32>
      %swap3A_777 = arith.constant 0 : i32
      %swap3A_778 = arith.index_cast %swap3A_777 : i32 to index
      %swap3A_779 = arith.constant 0 : index
      %swap3A_780 = tpu.vector_load %arg10[%swap3A_778, %swap3A_779] {strides = array<i32>} : memref<2x64xi32, #tpu.memory_space<vmem>>, vector<1x16xi32>,
      %swap3A_781 = vector.shape_cast %swap3A_780 : vector<1x16xi32> to vector<16xi32>
      %swap3A_782 = vector.shape_cast %get3A_776 : vector<16xi32> to vector<1x16xi32>
      tpu.vector_store %arg10[%swap3A_778, %swap3A_779], %swap3A_782 {strides = array<i32>} : memref<2x64xi32, #tpu.memory_space<vmem>>, vector<1x16xi32>,
      %get3A_783 = arith.constant 0 : i32
      %get3A_784 = arith.constant 1 : i32
      %get3A_785 = arith.index_cast %get3A_783 : i32 to index
      %get3A_786 = arith.index_cast %get3A_784 : i32 to index
      %get3A_787 = arith.constant 16 : index
      %get3A_788 = tpu.vector_load %arg6[%get3A_785, %get3A_786, %get3A_787] {strides = array<i32>} : memref<2x2x64xi32, #tpu.memory_space<vmem>>, vector<1x1x16xi32>,
      %get3A_789 = vector.shape_cast %get3A_788 : vector<1x1x16xi32> to vector<16xi32>
      %swap3A_790 = arith.constant 0 : i32
      %swap3A_791 = arith.index_cast %swap3A_790 : i32 to index
      %swap3A_792 = arith.constant 16 : index
      %swap3A_793 = tpu.vector_load %arg10[%swap3A_791, %swap3A_792] {strides = array<i32>} : memref<2x64xi32, #tpu.memory_space<vmem>>, vector<1x16xi32>,
      %swap3A_794 = vector.shape_cast %swap3A_793 : vector<1x16xi32> to vector<16xi32>
      %swap3A_795 = vector.shape_cast %get3A_789 : vector<16xi32> to vector<1x16xi32>
      tpu.vector_store %arg10[%swap3A_791, %swap3A_792], %swap3A_795 {strides = array<i32>} : memref<2x64xi32, #tpu.memory_space<vmem>>, vector<1x16xi32>,
      %get3A_796 = arith.constant 0 : i32
      %get3A_797 = arith.constant 1 : i32
      %get3A_798 = arith.index_cast %get3A_796 : i32 to index
      %get3A_799 = arith.index_cast %get3A_797 : i32 to index
      %get3A_800 = arith.constant 32 : index
      %get3A_801 = tpu.vector_load %arg6[%get3A_798, %get3A_799, %get3A_800] {strides = array<i32>} : memref<2x2x64xi32, #tpu.memory_space<vmem>>, vector<1x1x16xi32>,
      %get3A_802 = vector.shape_cast %get3A_801 : vector<1x1x16xi32> to vector<16xi32>
      %swap3A_803 = arith.constant 0 : i32
      %swap3A_804 = arith.index_cast %swap3A_803 : i32 to index
      %swap3A_805 = arith.constant 32 : index
      %swap3A_806 = tpu.vector_load %arg10[%swap3A_804, %swap3A_805] {strides = array<i32>} : memref<2x64xi32, #tpu.memory_space<vmem>>, vector<1x16xi32>,
      %swap3A_807 = vector.shape_cast %swap3A_806 : vector<1x16xi32> to vector<16xi32>
      %swap3A_808 = vector.shape_cast %get3A_802 : vector<16xi32> to vector<1x16xi32>
      tpu.vector_store %arg10[%swap3A_804, %swap3A_805], %swap3A_808 {strides = array<i32>} : memref<2x64xi32, #tpu.memory_space<vmem>>, vector<1x16xi32>,
      %get3A_809 = arith.constant 0 : i32
      %get3A_810 = arith.constant 1 : i32
      %get3A_811 = arith.index_cast %get3A_809 : i32 to index
      %get3A_812 = arith.index_cast %get3A_810 : i32 to index
      %get3A_813 = arith.constant 48 : index
      %get3A_814 = tpu.vector_load %arg6[%get3A_811, %get3A_812, %get3A_813] {strides = array<i32>} : memref<2x2x64xi32, #tpu.memory_space<vmem>>, vector<1x1x16xi32>,
      %get3A_815 = vector.shape_cast %get3A_814 : vector<1x1x16xi32> to vector<16xi32>
      %swap3A_816 = arith.constant 0 : i32
      %swap3A_817 = arith.index_cast %swap3A_816 : i32 to index
      %swap3A_818 = arith.constant 48 : index
      %swap3A_819 = tpu.vector_load %arg10[%swap3A_817, %swap3A_818] {strides = array<i32>} : memref<2x64xi32, #tpu.memory_space<vmem>>, vector<1x16xi32>,
      %swap3A_820 = vector.shape_cast %swap3A_819 : vector<1x16xi32> to vector<16xi32>
      %swap3A_821 = vector.shape_cast %get3A_815 : vector<16xi32> to vector<1x16xi32>
      tpu.vector_store %arg10[%swap3A_817, %swap3A_818], %swap3A_821 {strides = array<i32>} : memref<2x64xi32, #tpu.memory_space<vmem>>, vector<1x16xi32>,
      %add3A_822 = arith.addi %mul3A_2, %mul3A_681 : i32
      %add3A_823 = arith.constant 2 : i32
      %add3A_824 = arith.addi %add3A_822, %add3A_823 : i32
      %dma_start3A_825 = arith.constant 0 : i32
      %dma_start3A_826 = arith.constant 0 : i32
      %dma_start3A_827 = arith.constant 0 : i32
      %dma_start3A_828 = tpu.memref_slice %arg6[%dma_start3A_825, %dma_start3A_826, %dma_start3A_827] : memref<2x2x64xi32, #tpu.memory_space<vmem>> -> memref<1x2x64xi32, #tpu.memory_space<vmem>>
      %dma_start3A_829 = tpu.memref_squeeze %dma_start3A_828 : memref<1x2x64xi32, #tpu.memory_space<vmem>> -> memref<2x64xi32, #tpu.memory_space<vmem>>
      %dma_start3A_830 = arith.constant 0 : i32
      %dma_start3A_831 = arith.constant 0 : i32
      %dma_start3A_832 = tpu.memref_slice %arg3[%add3A_824, %dma_start3A_830, %dma_start3A_831] : memref<5056x2x64xi32, #tpu.memory_space<hbm>> -> memref<1x2x64xi32, #tpu.memory_space<hbm>>
      %dma_start3A_833 = tpu.memref_squeeze %dma_start3A_832 : memref<1x2x64xi32, #tpu.memory_space<hbm>> -> memref<2x64xi32, #tpu.memory_space<hbm>>
      %dma_start3A_834 = arith.constant 0 : i32
      %dma_start3A_835 = arith.constant 0 : i32
      %dma_start3A_836 = tpu.memref_slice %arg6[%dma_start3A_825, %dma_start3A_834, %dma_start3A_835] : memref<2x2x64xi32, #tpu.memory_space<vmem>> -> memref<1x2x64xi32, #tpu.memory_space<vmem>>
      %dma_start3A_837 = tpu.memref_squeeze %dma_start3A_836 : memref<1x2x64xi32, #tpu.memory_space<vmem>> -> memref<2x64xi32, #tpu.memory_space<vmem>>
      %dma_start3A_838 = arith.constant 0 : i32
      %dma_start3A_839 = arith.constant 0 : i32
      %dma_start3A_840 = tpu.memref_slice %arg3[%add3A_824, %dma_start3A_838, %dma_start3A_839] : memref<5056x2x64xi32, #tpu.memory_space<hbm>> -> memref<1x2x64xi32, #tpu.memory_space<hbm>>
      %dma_start3A_841 = tpu.memref_squeeze %dma_start3A_840 : memref<1x2x64xi32, #tpu.memory_space<hbm>> -> memref<2x64xi32, #tpu.memory_space<hbm>>
      tpu.enqueue_dma source(%dma_start3A_841 : memref<2x64xi32, #tpu.memory_space<hbm>>) target(%dma_start3A_837 : memref<2x64xi32, #tpu.memory_space<vmem>>) target_semaphore(%arg12 : memref<!tpu.dma_semaphore, #tpu.memory_space<semaphore_mem>>)
      %scan3A_842 = arith.constant 0 : i32
      %scan3A_843 = arith.constant 0 : i32
      %scan3A_844 = arith.constant 32 : i32
      %scan3A_845 = arith.addi %scan3A_843, %scan3A_844 : i32
      %scan3A_846 = arith.constant 1 : i32
      %scan3A_847 = scf.for %scan3A_1045 = %scan3A_843 to %scan3A_845 step %scan3A_846 iter_args(%scan3A_1046 = %scan3A_842) -> (i32)  : i32 {
        %mul3A_1047 = arith.constant 2 : i32
        %mul3A_1048 = arith.muli %mul3A_1047, %scan3A_1045 : i32
        %add3A_1049 = arith.constant 0 : i32
        %add3A_1050 = arith.addi %mul3A_1048, %add3A_1049 : i32
        %get3A_1051 = arith.constant 0 : i32
        %get3A_1052 = arith.index_cast %get3A_1051 : i32 to index
        %get3A_1053 = arith.index_cast %add3A_1050 : i32 to index
        %get3A_1054 = arith.constant 0 : index
        %get3A_1055 = tpu.vector_load %arg7[%get3A_1052, %get3A_1053, %get3A_1054] {strides = array<i32>} : memref<2x64x128xf32, #tpu.memory_space<vmem>>, vector<1x1x16xf32>,
        %get3A_1056 = vector.shape_cast %get3A_1055 : vector<1x1x16xf32> to vector<16xf32>
        %get3A_1057 = arith.constant 0 : i32
        %get3A_1058 = arith.index_cast %get3A_1057 : i32 to index
        %get3A_1059 = arith.index_cast %add3A_1050 : i32 to index
        %get3A_1060 = arith.constant 0 : index
        %get3A_1061 = tpu.vector_load %arg8[%get3A_1058, %get3A_1059, %get3A_1060] {strides = array<i32>} : memref<2x64x128xf32, #tpu.memory_space<vmem>>, vector<1x1x16xf32>,
        %get3A_1062 = vector.shape_cast %get3A_1061 : vector<1x1x16xf32> to vector<16xf32>
        %mul3A_1063 = arith.mulf %get3A_1056, %get3A_1062 : vector<16xf32>
        %swap3A_1064 = arith.constant 0 : i32
        %swap3A_1065 = arith.index_cast %swap3A_1064 : i32 to index
        %swap3A_1066 = arith.index_cast %add3A_1050 : i32 to index
        %swap3A_1067 = arith.constant 0 : index
        %swap3A_1068 = tpu.vector_load %arg9[%swap3A_1065, %swap3A_1066, %swap3A_1067] {strides = array<i32>} : memref<2x64x128xf32, #tpu.memory_space<vmem>>, vector<1x1x16xf32>,
        %swap3A_1069 = vector.shape_cast %swap3A_1068 : vector<1x1x16xf32> to vector<16xf32>
        %swap3A_1070 = vector.shape_cast %mul3A_1063 : vector<16xf32> to vector<1x1x16xf32>
        tpu.vector_store %arg9[%swap3A_1065, %swap3A_1066, %swap3A_1067], %swap3A_1070 {strides = array<i32>} : memref<2x64x128xf32, #tpu.memory_space<vmem>>, vector<1x1x16xf32>,
        %get3A_1071 = arith.constant 0 : i32
        %get3A_1072 = arith.index_cast %get3A_1071 : i32 to index
        %get3A_1073 = arith.index_cast %add3A_1050 : i32 to index
        %get3A_1074 = arith.constant 16 : index
        %get3A_1075 = tpu.vector_load %arg7[%get3A_1072, %get3A_1073, %get3A_1074] {strides = array<i32>} : memref<2x64x128xf32, #tpu.memory_space<vmem>>, vector<1x1x16xf32>,
        %get3A_1076 = vector.shape_cast %get3A_1075 : vector<1x1x16xf32> to vector<16xf32>
        %get3A_1077 = arith.constant 0 : i32
        %get3A_1078 = arith.index_cast %get3A_1077 : i32 to index
        %get3A_1079 = arith.index_cast %add3A_1050 : i32 to index
        %get3A_1080 = arith.constant 16 : index
        %get3A_1081 = tpu.vector_load %arg8[%get3A_1078, %get3A_1079, %get3A_1080] {strides = array<i32>} : memref<2x64x128xf32, #tpu.memory_space<vmem>>, vector<1x1x16xf32>,
        %get3A_1082 = vector.shape_cast %get3A_1081 : vector<1x1x16xf32> to vector<16xf32>
        %mul3A_1083 = arith.mulf %get3A_1076, %get3A_1082 : vector<16xf32>
        %swap3A_1084 = arith.constant 0 : i32
        %swap3A_1085 = arith.index_cast %swap3A_1084 : i32 to index
        %swap3A_1086 = arith.index_cast %add3A_1050 : i32 to index
        %swap3A_1087 = arith.constant 16 : index
        %swap3A_1088 = tpu.vector_load %arg9[%swap3A_1085, %swap3A_1086, %swap3A_1087] {strides = array<i32>} : memref<2x64x128xf32, #tpu.memory_space<vmem>>, vector<1x1x16xf32>,
        %swap3A_1089 = vector.shape_cast %swap3A_1088 : vector<1x1x16xf32> to vector<16xf32>
        %swap3A_1090 = vector.shape_cast %mul3A_1083 : vector<16xf32> to vector<1x1x16xf32>
        tpu.vector_store %arg9[%swap3A_1085, %swap3A_1086, %swap3A_1087], %swap3A_1090 {strides = array<i32>} : memref<2x64x128xf32, #tpu.memory_space<vmem>>, vector<1x1x16xf32>,
        %get3A_1091 = arith.constant 0 : i32
        %get3A_1092 = arith.index_cast %get3A_1091 : i32 to index
        %get3A_1093 = arith.index_cast %add3A_1050 : i32 to index
        %get3A_1094 = arith.constant 32 : index
        %get3A_1095 = tpu.vector_load %arg7[%get3A_1092, %get3A_1093, %get3A_1094] {strides = array<i32>} : memref<2x64x128xf32, #tpu.memory_space<vmem>>, vector<1x1x16xf32>,
        %get3A_1096 = vector.shape_cast %get3A_1095 : vector<1x1x16xf32> to vector<16xf32>
        %get3A_1097 = arith.constant 0 : i32
        %get3A_1098 = arith.index_cast %get3A_1097 : i32 to index
        %get3A_1099 = arith.index_cast %add3A_1050 : i32 to index
        %get3A_1100 = arith.constant 32 : index
        %get3A_1101 = tpu.vector_load %arg8[%get3A_1098, %get3A_1099, %get3A_1100] {strides = array<i32>} : memref<2x64x128xf32, #tpu.memory_space<vmem>>, vector<1x1x16xf32>,
        %get3A_1102 = vector.shape_cast %get3A_1101 : vector<1x1x16xf32> to vector<16xf32>
        %mul3A_1103 = arith.mulf %get3A_1096, %get3A_1102 : vector<16xf32>
        %swap3A_1104 = arith.constant 0 : i32
        %swap3A_1105 = arith.index_cast %swap3A_1104 : i32 to index
        %swap3A_1106 = arith.index_cast %add3A_1050 : i32 to index
        %swap3A_1107 = arith.constant 32 : index
        %swap3A_1108 = tpu.vector_load %arg9[%swap3A_1105, %swap3A_1106, %swap3A_1107] {strides = array<i32>} : memref<2x64x128xf32, #tpu.memory_space<vmem>>, vector<1x1x16xf32>,
        %swap3A_1109 = vector.shape_cast %swap3A_1108 : vector<1x1x16xf32> to vector<16xf32>
        %swap3A_1110 = vector.shape_cast %mul3A_1103 : vector<16xf32> to vector<1x1x16xf32>
        tpu.vector_store %arg9[%swap3A_1105, %swap3A_1106, %swap3A_1107], %swap3A_1110 {strides = array<i32>} : memref<2x64x128xf32, #tpu.memory_space<vmem>>, vector<1x1x16xf32>,
        %get3A_1111 = arith.constant 0 : i32
        %get3A_1112 = arith.index_cast %get3A_1111 : i32 to index
        %get3A_1113 = arith.index_cast %add3A_1050 : i32 to index
        %get3A_1114 = arith.constant 48 : index
        %get3A_1115 = tpu.vector_load %arg7[%get3A_1112, %get3A_1113, %get3A_1114] {strides = array<i32>} : memref<2x64x128xf32, #tpu.memory_space<vmem>>, vector<1x1x16xf32>,
        %get3A_1116 = vector.shape_cast %get3A_1115 : vector<1x1x16xf32> to vector<16xf32>
        %get3A_1117 = arith.constant 0 : i32
        %get3A_1118 = arith.index_cast %get3A_1117 : i32 to index
        %get3A_1119 = arith.index_cast %add3A_1050 : i32 to index
        %get3A_1120 = arith.constant 48 : index
        %get3A_1121 = tpu.vector_load %arg8[%get3A_1118, %get3A_1119, %get3A_1120] {strides = array<i32>} : memref<2x64x128xf32, #tpu.memory_space<vmem>>, vector<1x1x16xf32>,
        %get3A_1122 = vector.shape_cast %get3A_1121 : vector<1x1x16xf32> to vector<16xf32>
        %mul3A_1123 = arith.mulf %get3A_1116, %get3A_1122 : vector<16xf32>
        %swap3A_1124 = arith.constant 0 : i32
        %swap3A_1125 = arith.index_cast %swap3A_1124 : i32 to index
        %swap3A_1126 = arith.index_cast %add3A_1050 : i32 to index
        %swap3A_1127 = arith.constant 48 : index
        %swap3A_1128 = tpu.vector_load %arg9[%swap3A_1125, %swap3A_1126, %swap3A_1127] {strides = array<i32>} : memref<2x64x128xf32, #tpu.memory_space<vmem>>, vector<1x1x16xf32>,
        %swap3A_1129 = vector.shape_cast %swap3A_1128 : vector<1x1x16xf32> to vector<16xf32>
        %swap3A_1130 = vector.shape_cast %mul3A_1123 : vector<16xf32> to vector<1x1x16xf32>
        tpu.vector_store %arg9[%swap3A_1125, %swap3A_1126, %swap3A_1127], %swap3A_1130 {strides = array<i32>} : memref<2x64x128xf32, #tpu.memory_space<vmem>>, vector<1x1x16xf32>,
        %get3A_1131 = arith.constant 0 : i32
        %get3A_1132 = arith.index_cast %get3A_1131 : i32 to index
        %get3A_1133 = arith.index_cast %add3A_1050 : i32 to index
        %get3A_1134 = arith.constant 64 : index
        %get3A_1135 = tpu.vector_load %arg7[%get3A_1132, %get3A_1133, %get3A_1134] {strides = array<i32>} : memref<2x64x128xf32, #tpu.memory_space<vmem>>, vector<1x1x16xf32>,
        %get3A_1136 = vector.shape_cast %get3A_1135 : vector<1x1x16xf32> to vector<16xf32>
        %get3A_1137 = arith.constant 0 : i32
        %get3A_1138 = arith.index_cast %get3A_1137 : i32 to index
        %get3A_1139 = arith.index_cast %add3A_1050 : i32 to index
        %get3A_1140 = arith.constant 64 : index
        %get3A_1141 = tpu.vector_load %arg8[%get3A_1138, %get3A_1139, %get3A_1140] {strides = array<i32>} : memref<2x64x128xf32, #tpu.memory_space<vmem>>, vector<1x1x16xf32>,
        %get3A_1142 = vector.shape_cast %get3A_1141 : vector<1x1x16xf32> to vector<16xf32>
        %mul3A_1143 = arith.mulf %get3A_1136, %get3A_1142 : vector<16xf32>
        %swap3A_1144 = arith.constant 0 : i32
        %swap3A_1145 = arith.index_cast %swap3A_1144 : i32 to index
        %swap3A_1146 = arith.index_cast %add3A_1050 : i32 to index
        %swap3A_1147 = arith.constant 64 : index
        %swap3A_1148 = tpu.vector_load %arg9[%swap3A_1145, %swap3A_1146, %swap3A_1147] {strides = array<i32>} : memref<2x64x128xf32, #tpu.memory_space<vmem>>, vector<1x1x16xf32>,
        %swap3A_1149 = vector.shape_cast %swap3A_1148 : vector<1x1x16xf32> to vector<16xf32>
        %swap3A_1150 = vector.shape_cast %mul3A_1143 : vector<16xf32> to vector<1x1x16xf32>
        tpu.vector_store %arg9[%swap3A_1145, %swap3A_1146, %swap3A_1147], %swap3A_1150 {strides = array<i32>} : memref<2x64x128xf32, #tpu.memory_space<vmem>>, vector<1x1x16xf32>,
        %get3A_1151 = arith.constant 0 : i32
        %get3A_1152 = arith.index_cast %get3A_1151 : i32 to index
        %get3A_1153 = arith.index_cast %add3A_1050 : i32 to index
        %get3A_1154 = arith.constant 80 : index
        %get3A_1155 = tpu.vector_load %arg7[%get3A_1152, %get3A_1153, %get3A_1154] {strides = array<i32>} : memref<2x64x128xf32, #tpu.memory_space<vmem>>, vector<1x1x16xf32>,
        %get3A_1156 = vector.shape_cast %get3A_1155 : vector<1x1x16xf32> to vector<16xf32>
        %get3A_1157 = arith.constant 0 : i32
        %get3A_1158 = arith.index_cast %get3A_1157 : i32 to index
        %get3A_1159 = arith.index_cast %add3A_1050 : i32 to index
        %get3A_1160 = arith.constant 80 : index
        %get3A_1161 = tpu.vector_load %arg8[%get3A_1158, %get3A_1159, %get3A_1160] {strides = array<i32>} : memref<2x64x128xf32, #tpu.memory_space<vmem>>, vector<1x1x16xf32>,
        %get3A_1162 = vector.shape_cast %get3A_1161 : vector<1x1x16xf32> to vector<16xf32>
        %mul3A_1163 = arith.mulf %get3A_1156, %get3A_1162 : vector<16xf32>
        %swap3A_1164 = arith.constant 0 : i32
        %swap3A_1165 = arith.index_cast %swap3A_1164 : i32 to index
        %swap3A_1166 = arith.index_cast %add3A_1050 : i32 to index
        %swap3A_1167 = arith.constant 80 : index
        %swap3A_1168 = tpu.vector_load %arg9[%swap3A_1165, %swap3A_1166, %swap3A_1167] {strides = array<i32>} : memref<2x64x128xf32, #tpu.memory_space<vmem>>, vector<1x1x16xf32>,
        %swap3A_1169 = vector.shape_cast %swap3A_1168 : vector<1x1x16xf32> to vector<16xf32>
        %swap3A_1170 = vector.shape_cast %mul3A_1163 : vector<16xf32> to vector<1x1x16xf32>
        tpu.vector_store %arg9[%swap3A_1165, %swap3A_1166, %swap3A_1167], %swap3A_1170 {strides = array<i32>} : memref<2x64x128xf32, #tpu.memory_space<vmem>>, vector<1x1x16xf32>,
        %get3A_1171 = arith.constant 0 : i32
        %get3A_1172 = arith.index_cast %get3A_1171 : i32 to index
        %get3A_1173 = arith.index_cast %add3A_1050 : i32 to index
        %get3A_1174 = arith.constant 96 : index
        %get3A_1175 = tpu.vector_load %arg7[%get3A_1172, %get3A_1173, %get3A_1174] {strides = array<i32>} : memref<2x64x128xf32, #tpu.memory_space<vmem>>, vector<1x1x16xf32>,
        %get3A_1176 = vector.shape_cast %get3A_1175 : vector<1x1x16xf32> to vector<16xf32>
        %get3A_1177 = arith.constant 0 : i32
        %get3A_1178 = arith.index_cast %get3A_1177 : i32 to index
        %get3A_1179 = arith.index_cast %add3A_1050 : i32 to index
        %get3A_1180 = arith.constant 96 : index
        %get3A_1181 = tpu.vector_load %arg8[%get3A_1178, %get3A_1179, %get3A_1180] {strides = array<i32>} : memref<2x64x128xf32, #tpu.memory_space<vmem>>, vector<1x1x16xf32>,
        %get3A_1182 = vector.shape_cast %get3A_1181 : vector<1x1x16xf32> to vector<16xf32>
        %mul3A_1183 = arith.mulf %get3A_1176, %get3A_1182 : vector<16xf32>
        %swap3A_1184 = arith.constant 0 : i32
        %swap3A_1185 = arith.index_cast %swap3A_1184 : i32 to index
        %swap3A_1186 = arith.index_cast %add3A_1050 : i32 to index
        %swap3A_1187 = arith.constant 96 : index
        %swap3A_1188 = tpu.vector_load %arg9[%swap3A_1185, %swap3A_1186, %swap3A_1187] {strides = array<i32>} : memref<2x64x128xf32, #tpu.memory_space<vmem>>, vector<1x1x16xf32>,
        %swap3A_1189 = vector.shape_cast %swap3A_1188 : vector<1x1x16xf32> to vector<16xf32>
        %swap3A_1190 = vector.shape_cast %mul3A_1183 : vector<16xf32> to vector<1x1x16xf32>
        tpu.vector_store %arg9[%swap3A_1185, %swap3A_1186, %swap3A_1187], %swap3A_1190 {strides = array<i32>} : memref<2x64x128xf32, #tpu.memory_space<vmem>>, vector<1x1x16xf32>,
        %get3A_1191 = arith.constant 0 : i32
        %get3A_1192 = arith.index_cast %get3A_1191 : i32 to index
        %get3A_1193 = arith.index_cast %add3A_1050 : i32 to index
        %get3A_1194 = arith.constant 112 : index
        %get3A_1195 = tpu.vector_load %arg7[%get3A_1192, %get3A_1193, %get3A_1194] {strides = array<i32>} : memref<2x64x128xf32, #tpu.memory_space<vmem>>, vector<1x1x16xf32>,
        %get3A_1196 = vector.shape_cast %get3A_1195 : vector<1x1x16xf32> to vector<16xf32>
        %get3A_1197 = arith.constant 0 : i32
        %get3A_1198 = arith.index_cast %get3A_1197 : i32 to index
        %get3A_1199 = arith.index_cast %add3A_1050 : i32 to index
        %get3A_1200 = arith.constant 112 : index
        %get3A_1201 = tpu.vector_load %arg8[%get3A_1198, %get3A_1199, %get3A_1200] {strides = array<i32>} : memref<2x64x128xf32, #tpu.memory_space<vmem>>, vector<1x1x16xf32>,
        %get3A_1202 = vector.shape_cast %get3A_1201 : vector<1x1x16xf32> to vector<16xf32>
        %mul3A_1203 = arith.mulf %get3A_1196, %get3A_1202 : vector<16xf32>
        %swap3A_1204 = arith.constant 0 : i32
        %swap3A_1205 = arith.index_cast %swap3A_1204 : i32 to index
        %swap3A_1206 = arith.index_cast %add3A_1050 : i32 to index
        %swap3A_1207 = arith.constant 112 : index
        %swap3A_1208 = tpu.vector_load %arg9[%swap3A_1205, %swap3A_1206, %swap3A_1207] {strides = array<i32>} : memref<2x64x128xf32, #tpu.memory_space<vmem>>, vector<1x1x16xf32>,
        %swap3A_1209 = vector.shape_cast %swap3A_1208 : vector<1x1x16xf32> to vector<16xf32>
        %swap3A_1210 = vector.shape_cast %mul3A_1203 : vector<16xf32> to vector<1x1x16xf32>
        tpu.vector_store %arg9[%swap3A_1205, %swap3A_1206, %swap3A_1207], %swap3A_1210 {strides = array<i32>} : memref<2x64x128xf32, #tpu.memory_space<vmem>>, vector<1x1x16xf32>,
        %mul3A_1211 = arith.constant 2 : i32
        %mul3A_1212 = arith.muli %mul3A_1211, %scan3A_1045 : i32
        %add3A_1213 = arith.constant 1 : i32
        %add3A_1214 = arith.addi %mul3A_1212, %add3A_1213 : i32
        %get3A_1215 = arith.constant 0 : i32
        %get3A_1216 = arith.index_cast %get3A_1215 : i32 to index
        %get3A_1217 = arith.index_cast %add3A_1214 : i32 to index
        %get3A_1218 = arith.constant 0 : index
        %get3A_1219 = tpu.vector_load %arg7[%get3A_1216, %get3A_1217, %get3A_1218] {strides = array<i32>} : memref<2x64x128xf32, #tpu.memory_space<vmem>>, vector<1x1x16xf32>,
        %get3A_1220 = vector.shape_cast %get3A_1219 : vector<1x1x16xf32> to vector<16xf32>
        %get3A_1221 = arith.constant 0 : i32
        %get3A_1222 = arith.index_cast %get3A_1221 : i32 to index
        %get3A_1223 = arith.index_cast %add3A_1214 : i32 to index
        %get3A_1224 = arith.constant 0 : index
        %get3A_1225 = tpu.vector_load %arg8[%get3A_1222, %get3A_1223, %get3A_1224] {strides = array<i32>} : memref<2x64x128xf32, #tpu.memory_space<vmem>>, vector<1x1x16xf32>,
        %get3A_1226 = vector.shape_cast %get3A_1225 : vector<1x1x16xf32> to vector<16xf32>
        %mul3A_1227 = arith.mulf %get3A_1220, %get3A_1226 : vector<16xf32>
        %swap3A_1228 = arith.constant 0 : i32
        %swap3A_1229 = arith.index_cast %swap3A_1228 : i32 to index
        %swap3A_1230 = arith.index_cast %add3A_1214 : i32 to index
        %swap3A_1231 = arith.constant 0 : index
        %swap3A_1232 = tpu.vector_load %arg9[%swap3A_1229, %swap3A_1230, %swap3A_1231] {strides = array<i32>} : memref<2x64x128xf32, #tpu.memory_space<vmem>>, vector<1x1x16xf32>,
        %swap3A_1233 = vector.shape_cast %swap3A_1232 : vector<1x1x16xf32> to vector<16xf32>
        %swap3A_1234 = vector.shape_cast %mul3A_1227 : vector<16xf32> to vector<1x1x16xf32>
        tpu.vector_store %arg9[%swap3A_1229, %swap3A_1230, %swap3A_1231], %swap3A_1234 {strides = array<i32>} : memref<2x64x128xf32, #tpu.memory_space<vmem>>, vector<1x1x16xf32>,
        %get3A_1235 = arith.constant 0 : i32
        %get3A_1236 = arith.index_cast %get3A_1235 : i32 to index
        %get3A_1237 = arith.index_cast %add3A_1214 : i32 to index
        %get3A_1238 = arith.constant 16 : index
        %get3A_1239 = tpu.vector_load %arg7[%get3A_1236, %get3A_1237, %get3A_1238] {strides = array<i32>} : memref<2x64x128xf32, #tpu.memory_space<vmem>>, vector<1x1x16xf32>,
        %get3A_1240 = vector.shape_cast %get3A_1239 : vector<1x1x16xf32> to vector<16xf32>
        %get3A_1241 = arith.constant 0 : i32
        %get3A_1242 = arith.index_cast %get3A_1241 : i32 to index
        %get3A_1243 = arith.index_cast %add3A_1214 : i32 to index
        %get3A_1244 = arith.constant 16 : index
        %get3A_1245 = tpu.vector_load %arg8[%get3A_1242, %get3A_1243, %get3A_1244] {strides = array<i32>} : memref<2x64x128xf32, #tpu.memory_space<vmem>>, vector<1x1x16xf32>,
        %get3A_1246 = vector.shape_cast %get3A_1245 : vector<1x1x16xf32> to vector<16xf32>
        %mul3A_1247 = arith.mulf %get3A_1240, %get3A_1246 : vector<16xf32>
        %swap3A_1248 = arith.constant 0 : i32
        %swap3A_1249 = arith.index_cast %swap3A_1248 : i32 to index
        %swap3A_1250 = arith.index_cast %add3A_1214 : i32 to index
        %swap3A_1251 = arith.constant 16 : index
        %swap3A_1252 = tpu.vector_load %arg9[%swap3A_1249, %swap3A_1250, %swap3A_1251] {strides = array<i32>} : memref<2x64x128xf32, #tpu.memory_space<vmem>>, vector<1x1x16xf32>,
        %swap3A_1253 = vector.shape_cast %swap3A_1252 : vector<1x1x16xf32> to vector<16xf32>
        %swap3A_1254 = vector.shape_cast %mul3A_1247 : vector<16xf32> to vector<1x1x16xf32>
        tpu.vector_store %arg9[%swap3A_1249, %swap3A_1250, %swap3A_1251], %swap3A_1254 {strides = array<i32>} : memref<2x64x128xf32, #tpu.memory_space<vmem>>, vector<1x1x16xf32>,
        %get3A_1255 = arith.constant 0 : i32
        %get3A_1256 = arith.index_cast %get3A_1255 : i32 to index
        %get3A_1257 = arith.index_cast %add3A_1214 : i32 to index
        %get3A_1258 = arith.constant 32 : index
        %get3A_1259 = tpu.vector_load %arg7[%get3A_1256, %get3A_1257, %get3A_1258] {strides = array<i32>} : memref<2x64x128xf32, #tpu.memory_space<vmem>>, vector<1x1x16xf32>,
        %get3A_1260 = vector.shape_cast %get3A_1259 : vector<1x1x16xf32> to vector<16xf32>
        %get3A_1261 = arith.constant 0 : i32
        %get3A_1262 = arith.index_cast %get3A_1261 : i32 to index
        %get3A_1263 = arith.index_cast %add3A_1214 : i32 to index
        %get3A_1264 = arith.constant 32 : index
        %get3A_1265 = tpu.vector_load %arg8[%get3A_1262, %get3A_1263, %get3A_1264] {strides = array<i32>} : memref<2x64x128xf32, #tpu.memory_space<vmem>>, vector<1x1x16xf32>,
        %get3A_1266 = vector.shape_cast %get3A_1265 : vector<1x1x16xf32> to vector<16xf32>
        %mul3A_1267 = arith.mulf %get3A_1260, %get3A_1266 : vector<16xf32>
        %swap3A_1268 = arith.constant 0 : i32
        %swap3A_1269 = arith.index_cast %swap3A_1268 : i32 to index
        %swap3A_1270 = arith.index_cast %add3A_1214 : i32 to index
        %swap3A_1271 = arith.constant 32 : index
        %swap3A_1272 = tpu.vector_load %arg9[%swap3A_1269, %swap3A_1270, %swap3A_1271] {strides = array<i32>} : memref<2x64x128xf32, #tpu.memory_space<vmem>>, vector<1x1x16xf32>,
        %swap3A_1273 = vector.shape_cast %swap3A_1272 : vector<1x1x16xf32> to vector<16xf32>
        %swap3A_1274 = vector.shape_cast %mul3A_1267 : vector<16xf32> to vector<1x1x16xf32>
        tpu.vector_store %arg9[%swap3A_1269, %swap3A_1270, %swap3A_1271], %swap3A_1274 {strides = array<i32>} : memref<2x64x128xf32, #tpu.memory_space<vmem>>, vector<1x1x16xf32>,
        %get3A_1275 = arith.constant 0 : i32
        %get3A_1276 = arith.index_cast %get3A_1275 : i32 to index
        %get3A_1277 = arith.index_cast %add3A_1214 : i32 to index
        %get3A_1278 = arith.constant 48 : index
        %get3A_1279 = tpu.vector_load %arg7[%get3A_1276, %get3A_1277, %get3A_1278] {strides = array<i32>} : memref<2x64x128xf32, #tpu.memory_space<vmem>>, vector<1x1x16xf32>,
        %get3A_1280 = vector.shape_cast %get3A_1279 : vector<1x1x16xf32> to vector<16xf32>
        %get3A_1281 = arith.constant 0 : i32
        %get3A_1282 = arith.index_cast %get3A_1281 : i32 to index
        %get3A_1283 = arith.index_cast %add3A_1214 : i32 to index
        %get3A_1284 = arith.constant 48 : index
        %get3A_1285 = tpu.vector_load %arg8[%get3A_1282, %get3A_1283, %get3A_1284] {strides = array<i32>} : memref<2x64x128xf32, #tpu.memory_space<vmem>>, vector<1x1x16xf32>,
        %get3A_1286 = vector.shape_cast %get3A_1285 : vector<1x1x16xf32> to vector<16xf32>
        %mul3A_1287 = arith.mulf %get3A_1280, %get3A_1286 : vector<16xf32>
        %swap3A_1288 = arith.constant 0 : i32
        %swap3A_1289 = arith.index_cast %swap3A_1288 : i32 to index
        %swap3A_1290 = arith.index_cast %add3A_1214 : i32 to index
        %swap3A_1291 = arith.constant 48 : index
        %swap3A_1292 = tpu.vector_load %arg9[%swap3A_1289, %swap3A_1290, %swap3A_1291] {strides = array<i32>} : memref<2x64x128xf32, #tpu.memory_space<vmem>>, vector<1x1x16xf32>,
        %swap3A_1293 = vector.shape_cast %swap3A_1292 : vector<1x1x16xf32> to vector<16xf32>
        %swap3A_1294 = vector.shape_cast %mul3A_1287 : vector<16xf32> to vector<1x1x16xf32>
        tpu.vector_store %arg9[%swap3A_1289, %swap3A_1290, %swap3A_1291], %swap3A_1294 {strides = array<i32>} : memref<2x64x128xf32, #tpu.memory_space<vmem>>, vector<1x1x16xf32>,
        %get3A_1295 = arith.constant 0 : i32
        %get3A_1296 = arith.index_cast %get3A_1295 : i32 to index
        %get3A_1297 = arith.index_cast %add3A_1214 : i32 to index
        %get3A_1298 = arith.constant 64 : index
        %get3A_1299 = tpu.vector_load %arg7[%get3A_1296, %get3A_1297, %get3A_1298] {strides = array<i32>} : memref<2x64x128xf32, #tpu.memory_space<vmem>>, vector<1x1x16xf32>,
        %get3A_1300 = vector.shape_cast %get3A_1299 : vector<1x1x16xf32> to vector<16xf32>
        %get3A_1301 = arith.constant 0 : i32
        %get3A_1302 = arith.index_cast %get3A_1301 : i32 to index
        %get3A_1303 = arith.index_cast %add3A_1214 : i32 to index
        %get3A_1304 = arith.constant 64 : index
        %get3A_1305 = tpu.vector_load %arg8[%get3A_1302, %get3A_1303, %get3A_1304] {strides = array<i32>} : memref<2x64x128xf32, #tpu.memory_space<vmem>>, vector<1x1x16xf32>,
        %get3A_1306 = vector.shape_cast %get3A_1305 : vector<1x1x16xf32> to vector<16xf32>
        %mul3A_1307 = arith.mulf %get3A_1300, %get3A_1306 : vector<16xf32>
        %swap3A_1308 = arith.constant 0 : i32
        %swap3A_1309 = arith.index_cast %swap3A_1308 : i32 to index
        %swap3A_1310 = arith.index_cast %add3A_1214 : i32 to index
        %swap3A_1311 = arith.constant 64 : index
        %swap3A_1312 = tpu.vector_load %arg9[%swap3A_1309, %swap3A_1310, %swap3A_1311] {strides = array<i32>} : memref<2x64x128xf32, #tpu.memory_space<vmem>>, vector<1x1x16xf32>,
        %swap3A_1313 = vector.shape_cast %swap3A_1312 : vector<1x1x16xf32> to vector<16xf32>
        %swap3A_1314 = vector.shape_cast %mul3A_1307 : vector<16xf32> to vector<1x1x16xf32>
        tpu.vector_store %arg9[%swap3A_1309, %swap3A_1310, %swap3A_1311], %swap3A_1314 {strides = array<i32>} : memref<2x64x128xf32, #tpu.memory_space<vmem>>, vector<1x1x16xf32>,
        %get3A_1315 = arith.constant 0 : i32
        %get3A_1316 = arith.index_cast %get3A_1315 : i32 to index
        %get3A_1317 = arith.index_cast %add3A_1214 : i32 to index
        %get3A_1318 = arith.constant 80 : index
        %get3A_1319 = tpu.vector_load %arg7[%get3A_1316, %get3A_1317, %get3A_1318] {strides = array<i32>} : memref<2x64x128xf32, #tpu.memory_space<vmem>>, vector<1x1x16xf32>,
        %get3A_1320 = vector.shape_cast %get3A_1319 : vector<1x1x16xf32> to vector<16xf32>
        %get3A_1321 = arith.constant 0 : i32
        %get3A_1322 = arith.index_cast %get3A_1321 : i32 to index
        %get3A_1323 = arith.index_cast %add3A_1214 : i32 to index
        %get3A_1324 = arith.constant 80 : index
        %get3A_1325 = tpu.vector_load %arg8[%get3A_1322, %get3A_1323, %get3A_1324] {strides = array<i32>} : memref<2x64x128xf32, #tpu.memory_space<vmem>>, vector<1x1x16xf32>,
        %get3A_1326 = vector.shape_cast %get3A_1325 : vector<1x1x16xf32> to vector<16xf32>
        %mul3A_1327 = arith.mulf %get3A_1320, %get3A_1326 : vector<16xf32>
        %swap3A_1328 = arith.constant 0 : i32
        %swap3A_1329 = arith.index_cast %swap3A_1328 : i32 to index
        %swap3A_1330 = arith.index_cast %add3A_1214 : i32 to index
        %swap3A_1331 = arith.constant 80 : index
        %swap3A_1332 = tpu.vector_load %arg9[%swap3A_1329, %swap3A_1330, %swap3A_1331] {strides = array<i32>} : memref<2x64x128xf32, #tpu.memory_space<vmem>>, vector<1x1x16xf32>,
        %swap3A_1333 = vector.shape_cast %swap3A_1332 : vector<1x1x16xf32> to vector<16xf32>
        %swap3A_1334 = vector.shape_cast %mul3A_1327 : vector<16xf32> to vector<1x1x16xf32>
        tpu.vector_store %arg9[%swap3A_1329, %swap3A_1330, %swap3A_1331], %swap3A_1334 {strides = array<i32>} : memref<2x64x128xf32, #tpu.memory_space<vmem>>, vector<1x1x16xf32>,
        %get3A_1335 = arith.constant 0 : i32
        %get3A_1336 = arith.index_cast %get3A_1335 : i32 to index
        %get3A_1337 = arith.index_cast %add3A_1214 : i32 to index
        %get3A_1338 = arith.constant 96 : index
        %get3A_1339 = tpu.vector_load %arg7[%get3A_1336, %get3A_1337, %get3A_1338] {strides = array<i32>} : memref<2x64x128xf32, #tpu.memory_space<vmem>>, vector<1x1x16xf32>,
        %get3A_1340 = vector.shape_cast %get3A_1339 : vector<1x1x16xf32> to vector<16xf32>
        %get3A_1341 = arith.constant 0 : i32
        %get3A_1342 = arith.index_cast %get3A_1341 : i32 to index
        %get3A_1343 = arith.index_cast %add3A_1214 : i32 to index
        %get3A_1344 = arith.constant 96 : index
        %get3A_1345 = tpu.vector_load %arg8[%get3A_1342, %get3A_1343, %get3A_1344] {strides = array<i32>} : memref<2x64x128xf32, #tpu.memory_space<vmem>>, vector<1x1x16xf32>,
        %get3A_1346 = vector.shape_cast %get3A_1345 : vector<1x1x16xf32> to vector<16xf32>
        %mul3A_1347 = arith.mulf %get3A_1340, %get3A_1346 : vector<16xf32>
        %swap3A_1348 = arith.constant 0 : i32
        %swap3A_1349 = arith.index_cast %swap3A_1348 : i32 to index
        %swap3A_1350 = arith.index_cast %add3A_1214 : i32 to index
        %swap3A_1351 = arith.constant 96 : index
        %swap3A_1352 = tpu.vector_load %arg9[%swap3A_1349, %swap3A_1350, %swap3A_1351] {strides = array<i32>} : memref<2x64x128xf32, #tpu.memory_space<vmem>>, vector<1x1x16xf32>,
        %swap3A_1353 = vector.shape_cast %swap3A_1352 : vector<1x1x16xf32> to vector<16xf32>
        %swap3A_1354 = vector.shape_cast %mul3A_1347 : vector<16xf32> to vector<1x1x16xf32>
        tpu.vector_store %arg9[%swap3A_1349, %swap3A_1350, %swap3A_1351], %swap3A_1354 {strides = array<i32>} : memref<2x64x128xf32, #tpu.memory_space<vmem>>, vector<1x1x16xf32>,
        %get3A_1355 = arith.constant 0 : i32
        %get3A_1356 = arith.index_cast %get3A_1355 : i32 to index
        %get3A_1357 = arith.index_cast %add3A_1214 : i32 to index
        %get3A_1358 = arith.constant 112 : index
        %get3A_1359 = tpu.vector_load %arg7[%get3A_1356, %get3A_1357, %get3A_1358] {strides = array<i32>} : memref<2x64x128xf32, #tpu.memory_space<vmem>>, vector<1x1x16xf32>,
        %get3A_1360 = vector.shape_cast %get3A_1359 : vector<1x1x16xf32> to vector<16xf32>
        %get3A_1361 = arith.constant 0 : i32
        %get3A_1362 = arith.index_cast %get3A_1361 : i32 to index
        %get3A_1363 = arith.index_cast %add3A_1214 : i32 to index
        %get3A_1364 = arith.constant 112 : index
        %get3A_1365 = tpu.vector_load %arg8[%get3A_1362, %get3A_1363, %get3A_1364] {strides = array<i32>} : memref<2x64x128xf32, #tpu.memory_space<vmem>>, vector<1x1x16xf32>,
        %get3A_1366 = vector.shape_cast %get3A_1365 : vector<1x1x16xf32> to vector<16xf32>
        %mul3A_1367 = arith.mulf %get3A_1360, %get3A_1366 : vector<16xf32>
        %swap3A_1368 = arith.constant 0 : i32
        %swap3A_1369 = arith.index_cast %swap3A_1368 : i32 to index
        %swap3A_1370 = arith.index_cast %add3A_1214 : i32 to index
        %swap3A_1371 = arith.constant 112 : index
        %swap3A_1372 = tpu.vector_load %arg9[%swap3A_1369, %swap3A_1370, %swap3A_1371] {strides = array<i32>} : memref<2x64x128xf32, #tpu.memory_space<vmem>>, vector<1x1x16xf32>,
        %swap3A_1373 = vector.shape_cast %swap3A_1372 : vector<1x1x16xf32> to vector<16xf32>
        %swap3A_1374 = vector.shape_cast %mul3A_1367 : vector<16xf32> to vector<1x1x16xf32>
        tpu.vector_store %arg9[%swap3A_1369, %swap3A_1370, %swap3A_1371], %swap3A_1374 {strides = array<i32>} : memref<2x64x128xf32, #tpu.memory_space<vmem>>, vector<1x1x16xf32>,
        %scan3A_1375 = arith.constant 0 : i32
        scf.yield %scan3A_1375 : i32
      }
      %scan3A_848 = arith.constant 32 : i32
      %dma_start3A_849 = arith.constant 0 : i32
      %dma_start3A_850 = arith.constant 0 : i32
      %dma_start3A_851 = arith.constant 0 : i32
      %dma_start3A_852 = arith.constant 0 : i32
      %dma_start3A_853 = tpu.memref_slice %arg9[%dma_start3A_849, %dma_start3A_851, %dma_start3A_852] : memref<2x64x128xf32, #tpu.memory_space<vmem>> -> memref<1x64x128xf32, #tpu.memory_space<vmem>>
      %dma_start3A_854 = tpu.memref_squeeze %dma_start3A_853 : memref<1x64x128xf32, #tpu.memory_space<vmem>> -> memref<64x128xf32, #tpu.memory_space<vmem>>
      %dma_start3A_855 = arith.constant 0 : i32
      %dma_start3A_856 = tpu.memref_slice %arg10[%dma_start3A_850, %dma_start3A_855] : memref<2x64xi32, #tpu.memory_space<vmem>> -> memref<1x64xi32, #tpu.memory_space<vmem>>
      %dma_start3A_857 = tpu.memref_squeeze %dma_start3A_856 : memref<1x64xi32, #tpu.memory_space<vmem>> -> memref<64xi32, #tpu.memory_space<vmem>>
      %dma_start3A_858 = arith.constant 0 : i32
      %dma_start3A_859 = arith.constant 0 : i32
      %dma_start3A_860 = tpu.memref_slice %arg11[%dma_start3A_858, %dma_start3A_859] : memref<10112x128xf32, #tpu.memory_space<vmem_shared>> -> memref<10112x128xf32, #tpu.memory_space<vmem_shared>>
      tpu.enqueue_indirect_dma source(%dma_start3A_854 : memref<64x128xf32, #tpu.memory_space<vmem>>) target(%dma_start3A_860 : memref<10112x128xf32, #tpu.memory_space<vmem_shared>>) offsets(%dma_start3A_857 : memref<64xi32, #tpu.memory_space<vmem>>) semaphore(%arg18 : memref<!tpu.dma_semaphore, #tpu.memory_space<semaphore_mem>>) {add = true}
      %mul3A_861 = arith.constant 2 : i32
      %mul3A_862 = arith.muli %mul3A_861, %scan3A_678 : i32
      %add3A_863 = arith.constant 1 : i32
      %add3A_864 = arith.addi %mul3A_862, %add3A_863 : i32
      %dma_wait3A_865 = arith.constant 0 : i32
      %dma_wait3A_866 = arith.constant 0 : i32
      %dma_wait3A_867 = arith.constant 0 : i32
      %dma_wait3A_868 = tpu.memref_slice %arg6[%dma_wait3A_865, %dma_wait3A_866, %dma_wait3A_867] : memref<2x2x64xi32, #tpu.memory_space<vmem>> -> memref<1x2x64xi32, #tpu.memory_space<vmem>>
      %dma_wait3A_869 = tpu.memref_squeeze %dma_wait3A_868 : memref<1x2x64xi32, #tpu.memory_space<vmem>> -> memref<2x64xi32, #tpu.memory_space<vmem>>
      %dma_wait3A_870 = arith.constant 0 : i32
      %dma_wait3A_871 = arith.constant 0 : i32
      %dma_wait3A_872 = tpu.memref_slice %arg3[%mul3A_2, %dma_wait3A_870, %dma_wait3A_871] : memref<5056x2x64xi32, #tpu.memory_space<hbm>> -> memref<1x2x64xi32, #tpu.memory_space<hbm>>
      %dma_wait3A_873 = tpu.memref_squeeze %dma_wait3A_872 : memref<1x2x64xi32, #tpu.memory_space<hbm>> -> memref<2x64xi32, #tpu.memory_space<hbm>>
      %dma_wait3A_874 = arith.constant 0 : i32
      %dma_wait3A_875 = arith.constant 0 : i32
      %dma_wait3A_876 = tpu.memref_slice %arg6[%dma_wait3A_865, %dma_wait3A_874, %dma_wait3A_875] : memref<2x2x64xi32, #tpu.memory_space<vmem>> -> memref<1x2x64xi32, #tpu.memory_space<vmem>>
      %dma_wait3A_877 = tpu.memref_squeeze %dma_wait3A_876 : memref<1x2x64xi32, #tpu.memory_space<vmem>> -> memref<2x64xi32, #tpu.memory_space<vmem>>
      %dma_wait3A_878 = arith.constant 0 : i32
      %dma_wait3A_879 = arith.constant 0 : i32
      %dma_wait3A_880 = tpu.memref_slice %arg3[%mul3A_2, %dma_wait3A_878, %dma_wait3A_879] : memref<5056x2x64xi32, #tpu.memory_space<hbm>> -> memref<1x2x64xi32, #tpu.memory_space<hbm>>
      %dma_wait3A_881 = tpu.memref_squeeze %dma_wait3A_880 : memref<1x2x64xi32, #tpu.memory_space<hbm>> -> memref<2x64xi32, #tpu.memory_space<hbm>>
      tpu.wait_dma2 semaphore(%arg12 : memref<!tpu.dma_semaphore, #tpu.memory_space<semaphore_mem>>) src(%dma_wait3A_881 : memref<2x64xi32, #tpu.memory_space<hbm>>) dst(%dma_wait3A_877 : memref<2x64xi32, #tpu.memory_space<vmem>>)
      %add3A_882 = arith.constant 1 : i32
      %add3A_883 = arith.addi %add3A_864, %add3A_882 : i32
      %dma_start3A_884 = arith.constant 0 : i32
      %dma_start3A_885 = arith.constant 0 : i32
      %dma_start3A_886 = arith.constant 0 : i32
      %dma_start3A_887 = arith.constant 0 : i32
      %dma_start3A_888 = arith.constant 0 : i32
      %dma_start3A_889 = tpu.memref_slice %arg7[%dma_start3A_886, %dma_start3A_887, %dma_start3A_888] : memref<2x64x128xf32, #tpu.memory_space<vmem>> -> memref<1x64x128xf32, #tpu.memory_space<vmem>>
      %dma_start3A_890 = tpu.memref_squeeze %dma_start3A_889 : memref<1x64x128xf32, #tpu.memory_space<vmem>> -> memref<64x128xf32, #tpu.memory_space<vmem>>
      %dma_start3A_891 = arith.constant 0 : i32
      %dma_start3A_892 = tpu.memref_slice %arg6[%dma_start3A_884, %dma_start3A_885, %dma_start3A_891] : memref<2x2x64xi32, #tpu.memory_space<vmem>> -> memref<1x1x64xi32, #tpu.memory_space<vmem>>
      %dma_start3A_893 = tpu.memref_squeeze %dma_start3A_892 : memref<1x1x64xi32, #tpu.memory_space<vmem>> -> memref<64xi32, #tpu.memory_space<vmem>>
      %dma_start3A_894 = arith.constant 0 : i32
      %dma_start3A_895 = arith.constant 0 : i32
      %dma_start3A_896 = tpu.memref_slice %arg2[%dma_start3A_894, %dma_start3A_895] : memref<10000x128xf32, #tpu.memory_space<hbm>> -> memref<10000x128xf32, #tpu.memory_space<hbm>>
      tpu.enqueue_indirect_dma source(%dma_start3A_896 : memref<10000x128xf32, #tpu.memory_space<hbm>>) target(%dma_start3A_890 : memref<64x128xf32, #tpu.memory_space<vmem>>) offsets(%dma_start3A_893 : memref<64xi32, #tpu.memory_space<vmem>>) semaphore(%arg14 : memref<!tpu.dma_semaphore, #tpu.memory_space<semaphore_mem>>)
      %add3A_897 = arith.addi %mul3A_2, %add3A_883 : i32
      %mul3A_898 = arith.constant 64 : i32
      %mul3A_899 = arith.muli %add3A_897, %mul3A_898 : i32
      %dma_start3A_900 = arith.constant 0 : i32
      %dma_start3A_901 = arith.constant 0 : i32
      %dma_start3A_902 = arith.constant 0 : i32
      %dma_start3A_903 = tpu.memref_slice %arg8[%dma_start3A_900, %dma_start3A_901, %dma_start3A_902] : memref<2x64x128xf32, #tpu.memory_space<vmem>> -> memref<1x64x128xf32, #tpu.memory_space<vmem>>
      %dma_start3A_904 = tpu.memref_squeeze %dma_start3A_903 : memref<1x64x128xf32, #tpu.memory_space<vmem>> -> memref<64x128xf32, #tpu.memory_space<vmem>>
      %dma_start3A_905 = arith.constant 0 : i32
      %dma_start3A_906 = tpu.memref_slice %arg4[%mul3A_899, %dma_start3A_905] : memref<323584x128xf32, #tpu.memory_space<hbm>> -> memref<64x128xf32, #tpu.memory_space<hbm>>
      %dma_start3A_907 = arith.constant 0 : i32
      %dma_start3A_908 = arith.constant 0 : i32
      %dma_start3A_909 = tpu.memref_slice %arg8[%dma_start3A_900, %dma_start3A_907, %dma_start3A_908] : memref<2x64x128xf32, #tpu.memory_space<vmem>> -> memref<1x64x128xf32, #tpu.memory_space<vmem>>
      %dma_start3A_910 = tpu.memref_squeeze %dma_start3A_909 : memref<1x64x128xf32, #tpu.memory_space<vmem>> -> memref<64x128xf32, #tpu.memory_space<vmem>>
      %dma_start3A_911 = arith.constant 0 : i32
      %dma_start3A_912 = tpu.memref_slice %arg4[%mul3A_899, %dma_start3A_911] : memref<323584x128xf32, #tpu.memory_space<hbm>> -> memref<64x128xf32, #tpu.memory_space<hbm>>
      tpu.enqueue_dma source(%dma_start3A_912 : memref<64x128xf32, #tpu.memory_space<hbm>>) target(%dma_start3A_910 : memref<64x128xf32, #tpu.memory_space<vmem>>) target_semaphore(%arg16 : memref<!tpu.dma_semaphore, #tpu.memory_space<semaphore_mem>>)
      %dma_wait3A_913 = arith.constant 1 : i32
      %dma_wait3A_914 = arith.constant 0 : i32
      %dma_wait3A_915 = arith.constant 1 : i32
      %dma_wait3A_916 = arith.constant 0 : i32
      %dma_wait3A_917 = arith.constant 0 : i32
      %dma_wait3A_918 = tpu.memref_slice %arg7[%dma_wait3A_915, %dma_wait3A_916, %dma_wait3A_917] : memref<2x64x128xf32, #tpu.memory_space<vmem>> -> memref<1x64x128xf32, #tpu.memory_space<vmem>>
      %dma_wait3A_919 = tpu.memref_squeeze %dma_wait3A_918 : memref<1x64x128xf32, #tpu.memory_space<vmem>> -> memref<64x128xf32, #tpu.memory_space<vmem>>
      %dma_wait3A_920 = arith.constant 0 : i32
      %dma_wait3A_921 = tpu.memref_slice %arg6[%dma_wait3A_913, %dma_wait3A_914, %dma_wait3A_920] : memref<2x2x64xi32, #tpu.memory_space<vmem>> -> memref<1x1x64xi32, #tpu.memory_space<vmem>>
      %dma_wait3A_922 = tpu.memref_squeeze %dma_wait3A_921 : memref<1x1x64xi32, #tpu.memory_space<vmem>> -> memref<64xi32, #tpu.memory_space<vmem>>
      %dma_wait3A_923 = arith.constant 0 : i32
      %dma_wait3A_924 = arith.constant 0 : i32
      %dma_wait3A_925 = tpu.memref_slice %arg2[%dma_wait3A_923, %dma_wait3A_924] : memref<10000x128xf32, #tpu.memory_space<hbm>> -> memref<10000x128xf32, #tpu.memory_space<hbm>>
      tpu.wait_indirect_dma semaphore(%arg15 : memref<!tpu.dma_semaphore, #tpu.memory_space<semaphore_mem>>) src(%dma_wait3A_925 : memref<10000x128xf32, #tpu.memory_space<hbm>>) dst(%dma_wait3A_919 : memref<64x128xf32, #tpu.memory_space<vmem>>)
      %dma_wait3A_926 = arith.constant 1 : i32
      %dma_wait3A_927 = arith.constant 0 : i32
      %dma_wait3A_928 = arith.constant 0 : i32
      %dma_wait3A_929 = tpu.memref_slice %arg8[%dma_wait3A_926, %dma_wait3A_927, %dma_wait3A_928] : memref<2x64x128xf32, #tpu.memory_space<vmem>> -> memref<1x64x128xf32, #tpu.memory_space<vmem>>
      %dma_wait3A_930 = tpu.memref_squeeze %dma_wait3A_929 : memref<1x64x128xf32, #tpu.memory_space<vmem>> -> memref<64x128xf32, #tpu.memory_space<vmem>>
      %dma_wait3A_931 = arith.constant 0 : i32
      %dma_wait3A_932 = arith.constant 0 : i32
      %dma_wait3A_933 = tpu.memref_slice %arg4[%dma_wait3A_931, %dma_wait3A_932] : memref<323584x128xf32, #tpu.memory_space<hbm>> -> memref<64x128xf32, #tpu.memory_space<hbm>>
      %dma_wait3A_934 = arith.constant 0 : i32
      %dma_wait3A_935 = arith.constant 0 : i32
      %dma_wait3A_936 = tpu.memref_slice %arg8[%dma_wait3A_926, %dma_wait3A_934, %dma_wait3A_935] : memref<2x64x128xf32, #tpu.memory_space<vmem>> -> memref<1x64x128xf32, #tpu.memory_space<vmem>>
      %dma_wait3A_937 = tpu.memref_squeeze %dma_wait3A_936 : memref<1x64x128xf32, #tpu.memory_space<vmem>> -> memref<64x128xf32, #tpu.memory_space<vmem>>
      %dma_wait3A_938 = arith.constant 0 : i32
      %dma_wait3A_939 = arith.constant 0 : i32
      %dma_wait3A_940 = tpu.memref_slice %arg4[%dma_wait3A_938, %dma_wait3A_939] : memref<323584x128xf32, #tpu.memory_space<hbm>> -> memref<64x128xf32, #tpu.memory_space<hbm>>
      tpu.wait_dma2 semaphore(%arg17 : memref<!tpu.dma_semaphore, #tpu.memory_space<semaphore_mem>>) src(%dma_wait3A_940 : memref<64x128xf32, #tpu.memory_space<hbm>>) dst(%dma_wait3A_937 : memref<64x128xf32, #tpu.memory_space<vmem>>)
      %dma_wait3A_941 = arith.constant 1 : i32
      %dma_wait3A_942 = arith.constant 1 : i32
      %dma_wait3A_943 = arith.constant 0 : i32
      %dma_wait3A_944 = arith.constant 0 : i32
      %dma_wait3A_945 = tpu.memref_slice %arg9[%dma_wait3A_941, %dma_wait3A_943, %dma_wait3A_944] : memref<2x64x128xf32, #tpu.memory_space<vmem>> -> memref<1x64x128xf32, #tpu.memory_space<vmem>>
      %dma_wait3A_946 = tpu.memref_squeeze %dma_wait3A_945 : memref<1x64x128xf32, #tpu.memory_space<vmem>> -> memref<64x128xf32, #tpu.memory_space<vmem>>
      %dma_wait3A_947 = arith.constant 0 : i32
      %dma_wait3A_948 = tpu.memref_slice %arg10[%dma_wait3A_942, %dma_wait3A_947] : memref<2x64xi32, #tpu.memory_space<vmem>> -> memref<1x64xi32, #tpu.memory_space<vmem>>
      %dma_wait3A_949 = tpu.memref_squeeze %dma_wait3A_948 : memref<1x64xi32, #tpu.memory_space<vmem>> -> memref<64xi32, #tpu.memory_space<vmem>>
      %dma_wait3A_950 = arith.constant 0 : i32
      %dma_wait3A_951 = arith.constant 0 : i32
      %dma_wait3A_952 = tpu.memref_slice %arg11[%dma_wait3A_950, %dma_wait3A_951] : memref<10112x128xf32, #tpu.memory_space<vmem_shared>> -> memref<10112x128xf32, #tpu.memory_space<vmem_shared>>
      tpu.wait_indirect_dma semaphore(%arg19 : memref<!tpu.dma_semaphore, #tpu.memory_space<semaphore_mem>>) src(%dma_wait3A_946 : memref<64x128xf32, #tpu.memory_space<vmem>>) dst(%dma_wait3A_952 : memref<10112x128xf32, #tpu.memory_space<vmem_shared>>)
      %get3A_953 = arith.constant 1 : i32
      %get3A_954 = arith.constant 1 : i32
      %get3A_955 = arith.index_cast %get3A_953 : i32 to index
      %get3A_956 = arith.index_cast %get3A_954 : i32 to index
      %get3A_957 = arith.constant 0 : index
      %get3A_958 = tpu.vector_load %arg6[%get3A_955, %get3A_956, %get3A_957] {strides = array<i32>} : memref<2x2x64xi32, #tpu.memory_space<vmem>>, vector<1x1x16xi32>,
      %get3A_959 = vector.shape_cast %get3A_958 : vector<1x1x16xi32> to vector<16xi32>
      %swap3A_960 = arith.constant 1 : i32
      %swap3A_961 = arith.index_cast %swap3A_960 : i32 to index
      %swap3A_962 = arith.constant 0 : index
      %swap3A_963 = tpu.vector_load %arg10[%swap3A_961, %swap3A_962] {strides = array<i32>} : memref<2x64xi32, #tpu.memory_space<vmem>>, vector<1x16xi32>,
      %swap3A_964 = vector.shape_cast %swap3A_963 : vector<1x16xi32> to vector<16xi32>
      %swap3A_965 = vector.shape_cast %get3A_959 : vector<16xi32> to vector<1x16xi32>
      tpu.vector_store %arg10[%swap3A_961, %swap3A_962], %swap3A_965 {strides = array<i32>} : memref<2x64xi32, #tpu.memory_space<vmem>>, vector<1x16xi32>,
      %get3A_966 = arith.constant 1 : i32
      %get3A_967 = arith.constant 1 : i32
      %get3A_968 = arith.index_cast %get3A_966 : i32 to index
      %get3A_969 = arith.index_cast %get3A_967 : i32 to index
      %get3A_970 = arith.constant 16 : index
      %get3A_971 = tpu.vector_load %arg6[%get3A_968, %get3A_969, %get3A_970] {strides = array<i32>} : memref<2x2x64xi32, #tpu.memory_space<vmem>>, vector<1x1x16xi32>,
      %get3A_972 = vector.shape_cast %get3A_971 : vector<1x1x16xi32> to vector<16xi32>
      %swap3A_973 = arith.constant 1 : i32
      %swap3A_974 = arith.index_cast %swap3A_973 : i32 to index
      %swap3A_975 = arith.constant 16 : index
      %swap3A_976 = tpu.vector_load %arg10[%swap3A_974, %swap3A_975] {strides = array<i32>} : memref<2x64xi32, #tpu.memory_space<vmem>>, vector<1x16xi32>,
      %swap3A_977 = vector.shape_cast %swap3A_976 : vector<1x16xi32> to vector<16xi32>
      %swap3A_978 = vector.shape_cast %get3A_972 : vector<16xi32> to vector<1x16xi32>
      tpu.vector_store %arg10[%swap3A_974, %swap3A_975], %swap3A_978 {strides = array<i32>} : memref<2x64xi32, #tpu.memory_space<vmem>>, vector<1x16xi32>,
      %get3A_979 = arith.constant 1 : i32
      %get3A_980 = arith.constant 1 : i32
      %get3A_981 = arith.index_cast %get3A_979 : i32 to index
      %get3A_982 = arith.index_cast %get3A_980 : i32 to index
      %get3A_983 = arith.constant 32 : index
      %get3A_984 = tpu.vector_load %arg6[%get3A_981, %get3A_982, %get3A_983] {strides = array<i32>} : memref<2x2x64xi32, #tpu.memory_space<vmem>>, vector<1x1x16xi32>,
      %get3A_985 = vector.shape_cast %get3A_984 : vector<1x1x16xi32> to vector<16xi32>
      %swap3A_986 = arith.constant 1 : i32
      %swap3A_987 = arith.index_cast %swap3A_986 : i32 to index
      %swap3A_988 = arith.constant 32 : index
      %swap3A_989 = tpu.vector_load %arg10[%swap3A_987, %swap3A_988] {strides = array<i32>} : memref<2x64xi32, #tpu.memory_space<vmem>>, vector<1x16xi32>,
      %swap3A_990 = vector.shape_cast %swap3A_989 : vector<1x16xi32> to vector<16xi32>
      %swap3A_991 = vector.shape_cast %get3A_985 : vector<16xi32> to vector<1x16xi32>
      tpu.vector_store %arg10[%swap3A_987, %swap3A_988], %swap3A_991 {strides = array<i32>} : memref<2x64xi32, #tpu.memory_space<vmem>>, vector<1x16xi32>,
      %get3A_992 = arith.constant 1 : i32
      %get3A_993 = arith.constant 1 : i32
      %get3A_994 = arith.index_cast %get3A_992 : i32 to index
      %get3A_995 = arith.index_cast %get3A_993 : i32 to index
      %get3A_996 = arith.constant 48 : index
      %get3A_997 = tpu.vector_load %arg6[%get3A_994, %get3A_995, %get3A_996] {strides = array<i32>} : memref<2x2x64xi32, #tpu.memory_space<vmem>>, vector<1x1x16xi32>,
      %get3A_998 = vector.shape_cast %get3A_997 : vector<1x1x16xi32> to vector<16xi32>
      %swap3A_999 = arith.constant 1 : i32
      %swap3A_1000 = arith.index_cast %swap3A_999 : i32 to index
      %swap3A_1001 = arith.constant 48 : index
      %swap3A_1002 = tpu.vector_load %arg10[%swap3A_1000, %swap3A_1001] {strides = array<i32>} : memref<2x64xi32, #tpu.memory_space<vmem>>, vector<1x16xi32>,
      %swap3A_1003 = vector.shape_cast %swap3A_1002 : vector<1x16xi32> to vector<16xi32>
      %swap3A_1004 = vector.shape_cast %get3A_998 : vector<16xi32> to vector<1x16xi32>
      tpu.vector_store %arg10[%swap3A_1000, %swap3A_1001], %swap3A_1004 {strides = array<i32>} : memref<2x64xi32, #tpu.memory_space<vmem>>, vector<1x16xi32>,
      %add3A_1005 = arith.addi %mul3A_2, %add3A_864 : i32
      %add3A_1006 = arith.constant 2 : i32
      %add3A_1007 = arith.addi %add3A_1005, %add3A_1006 : i32
      %dma_start3A_1008 = arith.constant 1 : i32
      %dma_start3A_1009 = arith.constant 0 : i32
      %dma_start3A_1010 = arith.constant 0 : i32
      %dma_start3A_1011 = tpu.memref_slice %arg6[%dma_start3A_1008, %dma_start3A_1009, %dma_start3A_1010] : memref<2x2x64xi32, #tpu.memory_space<vmem>> -> memref<1x2x64xi32, #tpu.memory_space<vmem>>
      %dma_start3A_1012 = tpu.memref_squeeze %dma_start3A_1011 : memref<1x2x64xi32, #tpu.memory_space<vmem>> -> memref<2x64xi32, #tpu.memory_space<vmem>>
      %dma_start3A_1013 = arith.constant 0 : i32
      %dma_start3A_1014 = arith.constant 0 : i32
      %dma_start3A_1015 = tpu.memref_slice %arg3[%add3A_1007, %dma_start3A_1013, %dma_start3A_1014] : memref<5056x2x64xi32, #tpu.memory_space<hbm>> -> memref<1x2x64xi32, #tpu.memory_space<hbm>>
      %dma_start3A_1016 = tpu.memref_squeeze %dma_start3A_1015 : memref<1x2x64xi32, #tpu.memory_space<hbm>> -> memref<2x64xi32, #tpu.memory_space<hbm>>
      %dma_start3A_1017 = arith.constant 0 : i32
      %dma_start3A_1018 = arith.constant 0 : i32
      %dma_start3A_1019 = tpu.memref_slice %arg6[%dma_start3A_1008, %dma_start3A_1017, %dma_start3A_1018] : memref<2x2x64xi32, #tpu.memory_space<vmem>> -> memref<1x2x64xi32, #tpu.memory_space<vmem>>
      %dma_start3A_1020 = tpu.memref_squeeze %dma_start3A_1019 : memref<1x2x64xi32, #tpu.memory_space<vmem>> -> memref<2x64xi32, #tpu.memory_space<vmem>>
      %dma_start3A_1021 = arith.constant 0 : i32
      %dma_start3A_1022 = arith.constant 0 : i32
      %dma_start3A_1023 = tpu.memref_slice %arg3[%add3A_1007, %dma_start3A_1021, %dma_start3A_1022] : memref<5056x2x64xi32, #tpu.memory_space<hbm>> -> memref<1x2x64xi32, #tpu.memory_space<hbm>>
      %dma_start3A_1024 = tpu.memref_squeeze %dma_start3A_1023 : memref<1x2x64xi32, #tpu.memory_space<hbm>> -> memref<2x64xi32, #tpu.memory_space<hbm>>
      tpu.enqueue_dma source(%dma_start3A_1024 : memref<2x64xi32, #tpu.memory_space<hbm>>) target(%dma_start3A_1020 : memref<2x64xi32, #tpu.memory_space<vmem>>) target_semaphore(%arg13 : memref<!tpu.dma_semaphore, #tpu.memory_space<semaphore_mem>>)
      %scan3A_1025 = arith.constant 0 : i32
      %scan3A_1026 = arith.constant 0 : i32
      %scan3A_1027 = arith.constant 32 : i32
      %scan3A_1028 = arith.addi %scan3A_1026, %scan3A_1027 : i32
      %scan3A_1029 = arith.constant 1 : i32
      %scan3A_1030 = scf.for %scan3A_1045 = %scan3A_1026 to %scan3A_1028 step %scan3A_1029 iter_args(%scan3A_1046 = %scan3A_1025) -> (i32)  : i32 {
        %mul3A_1047 = arith.constant 2 : i32
        %mul3A_1048 = arith.muli %mul3A_1047, %scan3A_1045 : i32
        %add3A_1049 = arith.constant 0 : i32
        %add3A_1050 = arith.addi %mul3A_1048, %add3A_1049 : i32
        %get3A_1051 = arith.constant 1 : i32
        %get3A_1052 = arith.index_cast %get3A_1051 : i32 to index
        %get3A_1053 = arith.index_cast %add3A_1050 : i32 to index
        %get3A_1054 = arith.constant 0 : index
        %get3A_1055 = tpu.vector_load %arg7[%get3A_1052, %get3A_1053, %get3A_1054] {strides = array<i32>} : memref<2x64x128xf32, #tpu.memory_space<vmem>>, vector<1x1x16xf32>,
        %get3A_1056 = vector.shape_cast %get3A_1055 : vector<1x1x16xf32> to vector<16xf32>
        %get3A_1057 = arith.constant 1 : i32
        %get3A_1058 = arith.index_cast %get3A_1057 : i32 to index
        %get3A_1059 = arith.index_cast %add3A_1050 : i32 to index
        %get3A_1060 = arith.constant 0 : index
        %get3A_1061 = tpu.vector_load %arg8[%get3A_1058, %get3A_1059, %get3A_1060] {strides = array<i32>} : memref<2x64x128xf32, #tpu.memory_space<vmem>>, vector<1x1x16xf32>,
        %get3A_1062 = vector.shape_cast %get3A_1061 : vector<1x1x16xf32> to vector<16xf32>
        %mul3A_1063 = arith.mulf %get3A_1056, %get3A_1062 : vector<16xf32>
        %swap3A_1064 = arith.constant 1 : i32
        %swap3A_1065 = arith.index_cast %swap3A_1064 : i32 to index
        %swap3A_1066 = arith.index_cast %add3A_1050 : i32 to index
        %swap3A_1067 = arith.constant 0 : index
        %swap3A_1068 = tpu.vector_load %arg9[%swap3A_1065, %swap3A_1066, %swap3A_1067] {strides = array<i32>} : memref<2x64x128xf32, #tpu.memory_space<vmem>>, vector<1x1x16xf32>,
        %swap3A_1069 = vector.shape_cast %swap3A_1068 : vector<1x1x16xf32> to vector<16xf32>
        %swap3A_1070 = vector.shape_cast %mul3A_1063 : vector<16xf32> to vector<1x1x16xf32>
        tpu.vector_store %arg9[%swap3A_1065, %swap3A_1066, %swap3A_1067], %swap3A_1070 {strides = array<i32>} : memref<2x64x128xf32, #tpu.memory_space<vmem>>, vector<1x1x16xf32>,
        %get3A_1071 = arith.constant 1 : i32
        %get3A_1072 = arith.index_cast %get3A_1071 : i32 to index
        %get3A_1073 = arith.index_cast %add3A_1050 : i32 to index
        %get3A_1074 = arith.constant 16 : index
        %get3A_1075 = tpu.vector_load %arg7[%get3A_1072, %get3A_1073, %get3A_1074] {strides = array<i32>} : memref<2x64x128xf32, #tpu.memory_space<vmem>>, vector<1x1x16xf32>,
        %get3A_1076 = vector.shape_cast %get3A_1075 : vector<1x1x16xf32> to vector<16xf32>
        %get3A_1077 = arith.constant 1 : i32
        %get3A_1078 = arith.index_cast %get3A_1077 : i32 to index
        %get3A_1079 = arith.index_cast %add3A_1050 : i32 to index
        %get3A_1080 = arith.constant 16 : index
        %get3A_1081 = tpu.vector_load %arg8[%get3A_1078, %get3A_1079, %get3A_1080] {strides = array<i32>} : memref<2x64x128xf32, #tpu.memory_space<vmem>>, vector<1x1x16xf32>,
        %get3A_1082 = vector.shape_cast %get3A_1081 : vector<1x1x16xf32> to vector<16xf32>
        %mul3A_1083 = arith.mulf %get3A_1076, %get3A_1082 : vector<16xf32>
        %swap3A_1084 = arith.constant 1 : i32
        %swap3A_1085 = arith.index_cast %swap3A_1084 : i32 to index
        %swap3A_1086 = arith.index_cast %add3A_1050 : i32 to index
        %swap3A_1087 = arith.constant 16 : index
        %swap3A_1088 = tpu.vector_load %arg9[%swap3A_1085, %swap3A_1086, %swap3A_1087] {strides = array<i32>} : memref<2x64x128xf32, #tpu.memory_space<vmem>>, vector<1x1x16xf32>,
        %swap3A_1089 = vector.shape_cast %swap3A_1088 : vector<1x1x16xf32> to vector<16xf32>
        %swap3A_1090 = vector.shape_cast %mul3A_1083 : vector<16xf32> to vector<1x1x16xf32>
        tpu.vector_store %arg9[%swap3A_1085, %swap3A_1086, %swap3A_1087], %swap3A_1090 {strides = array<i32>} : memref<2x64x128xf32, #tpu.memory_space<vmem>>, vector<1x1x16xf32>,
        %get3A_1091 = arith.constant 1 : i32
        %get3A_1092 = arith.index_cast %get3A_1091 : i32 to index
        %get3A_1093 = arith.index_cast %add3A_1050 : i32 to index
        %get3A_1094 = arith.constant 32 : index
        %get3A_1095 = tpu.vector_load %arg7[%get3A_1092, %get3A_1093, %get3A_1094] {strides = array<i32>} : memref<2x64x128xf32, #tpu.memory_space<vmem>>, vector<1x1x16xf32>,
        %get3A_1096 = vector.shape_cast %get3A_1095 : vector<1x1x16xf32> to vector<16xf32>
        %get3A_1097 = arith.constant 1 : i32
        %get3A_1098 = arith.index_cast %get3A_1097 : i32 to index
        %get3A_1099 = arith.index_cast %add3A_1050 : i32 to index
        %get3A_1100 = arith.constant 32 : index
        %get3A_1101 = tpu.vector_load %arg8[%get3A_1098, %get3A_1099, %get3A_1100] {strides = array<i32>} : memref<2x64x128xf32, #tpu.memory_space<vmem>>, vector<1x1x16xf32>,
        %get3A_1102 = vector.shape_cast %get3A_1101 : vector<1x1x16xf32> to vector<16xf32>
        %mul3A_1103 = arith.mulf %get3A_1096, %get3A_1102 : vector<16xf32>
        %swap3A_1104 = arith.constant 1 : i32
        %swap3A_1105 = arith.index_cast %swap3A_1104 : i32 to index
        %swap3A_1106 = arith.index_cast %add3A_1050 : i32 to index
        %swap3A_1107 = arith.constant 32 : index
        %swap3A_1108 = tpu.vector_load %arg9[%swap3A_1105, %swap3A_1106, %swap3A_1107] {strides = array<i32>} : memref<2x64x128xf32, #tpu.memory_space<vmem>>, vector<1x1x16xf32>,
        %swap3A_1109 = vector.shape_cast %swap3A_1108 : vector<1x1x16xf32> to vector<16xf32>
        %swap3A_1110 = vector.shape_cast %mul3A_1103 : vector<16xf32> to vector<1x1x16xf32>
        tpu.vector_store %arg9[%swap3A_1105, %swap3A_1106, %swap3A_1107], %swap3A_1110 {strides = array<i32>} : memref<2x64x128xf32, #tpu.memory_space<vmem>>, vector<1x1x16xf32>,
        %get3A_1111 = arith.constant 1 : i32
        %get3A_1112 = arith.index_cast %get3A_1111 : i32 to index
        %get3A_1113 = arith.index_cast %add3A_1050 : i32 to index
        %get3A_1114 = arith.constant 48 : index
        %get3A_1115 = tpu.vector_load %arg7[%get3A_1112, %get3A_1113, %get3A_1114] {strides = array<i32>} : memref<2x64x128xf32, #tpu.memory_space<vmem>>, vector<1x1x16xf32>,
        %get3A_1116 = vector.shape_cast %get3A_1115 : vector<1x1x16xf32> to vector<16xf32>
        %get3A_1117 = arith.constant 1 : i32
        %get3A_1118 = arith.index_cast %get3A_1117 : i32 to index
        %get3A_1119 = arith.index_cast %add3A_1050 : i32 to index
        %get3A_1120 = arith.constant 48 : index
        %get3A_1121 = tpu.vector_load %arg8[%get3A_1118, %get3A_1119, %get3A_1120] {strides = array<i32>} : memref<2x64x128xf32, #tpu.memory_space<vmem>>, vector<1x1x16xf32>,
        %get3A_1122 = vector.shape_cast %get3A_1121 : vector<1x1x16xf32> to vector<16xf32>
        %mul3A_1123 = arith.mulf %get3A_1116, %get3A_1122 : vector<16xf32>
        %swap3A_1124 = arith.constant 1 : i32
        %swap3A_1125 = arith.index_cast %swap3A_1124 : i32 to index
        %swap3A_1126 = arith.index_cast %add3A_1050 : i32 to index
        %swap3A_1127 = arith.constant 48 : index
        %swap3A_1128 = tpu.vector_load %arg9[%swap3A_1125, %swap3A_1126, %swap3A_1127] {strides = array<i32>} : memref<2x64x128xf32, #tpu.memory_space<vmem>>, vector<1x1x16xf32>,
        %swap3A_1129 = vector.shape_cast %swap3A_1128 : vector<1x1x16xf32> to vector<16xf32>
        %swap3A_1130 = vector.shape_cast %mul3A_1123 : vector<16xf32> to vector<1x1x16xf32>
        tpu.vector_store %arg9[%swap3A_1125, %swap3A_1126, %swap3A_1127], %swap3A_1130 {strides = array<i32>} : memref<2x64x128xf32, #tpu.memory_space<vmem>>, vector<1x1x16xf32>,
        %get3A_1131 = arith.constant 1 : i32
        %get3A_1132 = arith.index_cast %get3A_1131 : i32 to index
        %get3A_1133 = arith.index_cast %add3A_1050 : i32 to index
        %get3A_1134 = arith.constant 64 : index
        %get3A_1135 = tpu.vector_load %arg7[%get3A_1132, %get3A_1133, %get3A_1134] {strides = array<i32>} : memref<2x64x128xf32, #tpu.memory_space<vmem>>, vector<1x1x16xf32>,
        %get3A_1136 = vector.shape_cast %get3A_1135 : vector<1x1x16xf32> to vector<16xf32>
        %get3A_1137 = arith.constant 1 : i32
        %get3A_1138 = arith.index_cast %get3A_1137 : i32 to index
        %get3A_1139 = arith.index_cast %add3A_1050 : i32 to index
        %get3A_1140 = arith.constant 64 : index
        %get3A_1141 = tpu.vector_load %arg8[%get3A_1138, %get3A_1139, %get3A_1140] {strides = array<i32>} : memref<2x64x128xf32, #tpu.memory_space<vmem>>, vector<1x1x16xf32>,
        %get3A_1142 = vector.shape_cast %get3A_1141 : vector<1x1x16xf32> to vector<16xf32>
        %mul3A_1143 = arith.mulf %get3A_1136, %get3A_1142 : vector<16xf32>
        %swap3A_1144 = arith.constant 1 : i32
        %swap3A_1145 = arith.index_cast %swap3A_1144 : i32 to index
        %swap3A_1146 = arith.index_cast %add3A_1050 : i32 to index
        %swap3A_1147 = arith.constant 64 : index
        %swap3A_1148 = tpu.vector_load %arg9[%swap3A_1145, %swap3A_1146, %swap3A_1147] {strides = array<i32>} : memref<2x64x128xf32, #tpu.memory_space<vmem>>, vector<1x1x16xf32>,
        %swap3A_1149 = vector.shape_cast %swap3A_1148 : vector<1x1x16xf32> to vector<16xf32>
        %swap3A_1150 = vector.shape_cast %mul3A_1143 : vector<16xf32> to vector<1x1x16xf32>
        tpu.vector_store %arg9[%swap3A_1145, %swap3A_1146, %swap3A_1147], %swap3A_1150 {strides = array<i32>} : memref<2x64x128xf32, #tpu.memory_space<vmem>>, vector<1x1x16xf32>,
        %get3A_1151 = arith.constant 1 : i32
        %get3A_1152 = arith.index_cast %get3A_1151 : i32 to index
        %get3A_1153 = arith.index_cast %add3A_1050 : i32 to index
        %get3A_1154 = arith.constant 80 : index
        %get3A_1155 = tpu.vector_load %arg7[%get3A_1152, %get3A_1153, %get3A_1154] {strides = array<i32>} : memref<2x64x128xf32, #tpu.memory_space<vmem>>, vector<1x1x16xf32>,
        %get3A_1156 = vector.shape_cast %get3A_1155 : vector<1x1x16xf32> to vector<16xf32>
        %get3A_1157 = arith.constant 1 : i32
        %get3A_1158 = arith.index_cast %get3A_1157 : i32 to index
        %get3A_1159 = arith.index_cast %add3A_1050 : i32 to index
        %get3A_1160 = arith.constant 80 : index
        %get3A_1161 = tpu.vector_load %arg8[%get3A_1158, %get3A_1159, %get3A_1160] {strides = array<i32>} : memref<2x64x128xf32, #tpu.memory_space<vmem>>, vector<1x1x16xf32>,
        %get3A_1162 = vector.shape_cast %get3A_1161 : vector<1x1x16xf32> to vector<16xf32>
        %mul3A_1163 = arith.mulf %get3A_1156, %get3A_1162 : vector<16xf32>
        %swap3A_1164 = arith.constant 1 : i32
        %swap3A_1165 = arith.index_cast %swap3A_1164 : i32 to index
        %swap3A_1166 = arith.index_cast %add3A_1050 : i32 to index
        %swap3A_1167 = arith.constant 80 : index
        %swap3A_1168 = tpu.vector_load %arg9[%swap3A_1165, %swap3A_1166, %swap3A_1167] {strides = array<i32>} : memref<2x64x128xf32, #tpu.memory_space<vmem>>, vector<1x1x16xf32>,
        %swap3A_1169 = vector.shape_cast %swap3A_1168 : vector<1x1x16xf32> to vector<16xf32>
        %swap3A_1170 = vector.shape_cast %mul3A_1163 : vector<16xf32> to vector<1x1x16xf32>
        tpu.vector_store %arg9[%swap3A_1165, %swap3A_1166, %swap3A_1167], %swap3A_1170 {strides = array<i32>} : memref<2x64x128xf32, #tpu.memory_space<vmem>>, vector<1x1x16xf32>,
        %get3A_1171 = arith.constant 1 : i32
        %get3A_1172 = arith.index_cast %get3A_1171 : i32 to index
        %get3A_1173 = arith.index_cast %add3A_1050 : i32 to index
        %get3A_1174 = arith.constant 96 : index
        %get3A_1175 = tpu.vector_load %arg7[%get3A_1172, %get3A_1173, %get3A_1174] {strides = array<i32>} : memref<2x64x128xf32, #tpu.memory_space<vmem>>, vector<1x1x16xf32>,
        %get3A_1176 = vector.shape_cast %get3A_1175 : vector<1x1x16xf32> to vector<16xf32>
        %get3A_1177 = arith.constant 1 : i32
        %get3A_1178 = arith.index_cast %get3A_1177 : i32 to index
        %get3A_1179 = arith.index_cast %add3A_1050 : i32 to index
        %get3A_1180 = arith.constant 96 : index
        %get3A_1181 = tpu.vector_load %arg8[%get3A_1178, %get3A_1179, %get3A_1180] {strides = array<i32>} : memref<2x64x128xf32, #tpu.memory_space<vmem>>, vector<1x1x16xf32>,
        %get3A_1182 = vector.shape_cast %get3A_1181 : vector<1x1x16xf32> to vector<16xf32>
        %mul3A_1183 = arith.mulf %get3A_1176, %get3A_1182 : vector<16xf32>
        %swap3A_1184 = arith.constant 1 : i32
        %swap3A_1185 = arith.index_cast %swap3A_1184 : i32 to index
        %swap3A_1186 = arith.index_cast %add3A_1050 : i32 to index
        %swap3A_1187 = arith.constant 96 : index
        %swap3A_1188 = tpu.vector_load %arg9[%swap3A_1185, %swap3A_1186, %swap3A_1187] {strides = array<i32>} : memref<2x64x128xf32, #tpu.memory_space<vmem>>, vector<1x1x16xf32>,
        %swap3A_1189 = vector.shape_cast %swap3A_1188 : vector<1x1x16xf32> to vector<16xf32>
        %swap3A_1190 = vector.shape_cast %mul3A_1183 : vector<16xf32> to vector<1x1x16xf32>
        tpu.vector_store %arg9[%swap3A_1185, %swap3A_1186, %swap3A_1187], %swap3A_1190 {strides = array<i32>} : memref<2x64x128xf32, #tpu.memory_space<vmem>>, vector<1x1x16xf32>,
        %get3A_1191 = arith.constant 1 : i32
        %get3A_1192 = arith.index_cast %get3A_1191 : i32 to index
        %get3A_1193 = arith.index_cast %add3A_1050 : i32 to index
        %get3A_1194 = arith.constant 112 : index
        %get3A_1195 = tpu.vector_load %arg7[%get3A_1192, %get3A_1193, %get3A_1194] {strides = array<i32>} : memref<2x64x128xf32, #tpu.memory_space<vmem>>, vector<1x1x16xf32>,
        %get3A_1196 = vector.shape_cast %get3A_1195 : vector<1x1x16xf32> to vector<16xf32>
        %get3A_1197 = arith.constant 1 : i32
        %get3A_1198 = arith.index_cast %get3A_1197 : i32 to index
        %get3A_1199 = arith.index_cast %add3A_1050 : i32 to index
        %get3A_1200 = arith.constant 112 : index
        %get3A_1201 = tpu.vector_load %arg8[%get3A_1198, %get3A_1199, %get3A_1200] {strides = array<i32>} : memref<2x64x128xf32, #tpu.memory_space<vmem>>, vector<1x1x16xf32>,
        %get3A_1202 = vector.shape_cast %get3A_1201 : vector<1x1x16xf32> to vector<16xf32>
        %mul3A_1203 = arith.mulf %get3A_1196, %get3A_1202 : vector<16xf32>
        %swap3A_1204 = arith.constant 1 : i32
        %swap3A_1205 = arith.index_cast %swap3A_1204 : i32 to index
        %swap3A_1206 = arith.index_cast %add3A_1050 : i32 to index
        %swap3A_1207 = arith.constant 112 : index
        %swap3A_1208 = tpu.vector_load %arg9[%swap3A_1205, %swap3A_1206, %swap3A_1207] {strides = array<i32>} : memref<2x64x128xf32, #tpu.memory_space<vmem>>, vector<1x1x16xf32>,
        %swap3A_1209 = vector.shape_cast %swap3A_1208 : vector<1x1x16xf32> to vector<16xf32>
        %swap3A_1210 = vector.shape_cast %mul3A_1203 : vector<16xf32> to vector<1x1x16xf32>
        tpu.vector_store %arg9[%swap3A_1205, %swap3A_1206, %swap3A_1207], %swap3A_1210 {strides = array<i32>} : memref<2x64x128xf32, #tpu.memory_space<vmem>>, vector<1x1x16xf32>,
        %mul3A_1211 = arith.constant 2 : i32
        %mul3A_1212 = arith.muli %mul3A_1211, %scan3A_1045 : i32
        %add3A_1213 = arith.constant 1 : i32
        %add3A_1214 = arith.addi %mul3A_1212, %add3A_1213 : i32
        %get3A_1215 = arith.constant 1 : i32
        %get3A_1216 = arith.index_cast %get3A_1215 : i32 to index
        %get3A_1217 = arith.index_cast %add3A_1214 : i32 to index
        %get3A_1218 = arith.constant 0 : index
        %get3A_1219 = tpu.vector_load %arg7[%get3A_1216, %get3A_1217, %get3A_1218] {strides = array<i32>} : memref<2x64x128xf32, #tpu.memory_space<vmem>>, vector<1x1x16xf32>,
        %get3A_1220 = vector.shape_cast %get3A_1219 : vector<1x1x16xf32> to vector<16xf32>
        %get3A_1221 = arith.constant 1 : i32
        %get3A_1222 = arith.index_cast %get3A_1221 : i32 to index
        %get3A_1223 = arith.index_cast %add3A_1214 : i32 to index
        %get3A_1224 = arith.constant 0 : index
        %get3A_1225 = tpu.vector_load %arg8[%get3A_1222, %get3A_1223, %get3A_1224] {strides = array<i32>} : memref<2x64x128xf32, #tpu.memory_space<vmem>>, vector<1x1x16xf32>,
        %get3A_1226 = vector.shape_cast %get3A_1225 : vector<1x1x16xf32> to vector<16xf32>
        %mul3A_1227 = arith.mulf %get3A_1220, %get3A_1226 : vector<16xf32>
        %swap3A_1228 = arith.constant 1 : i32
        %swap3A_1229 = arith.index_cast %swap3A_1228 : i32 to index
        %swap3A_1230 = arith.index_cast %add3A_1214 : i32 to index
        %swap3A_1231 = arith.constant 0 : index
        %swap3A_1232 = tpu.vector_load %arg9[%swap3A_1229, %swap3A_1230, %swap3A_1231] {strides = array<i32>} : memref<2x64x128xf32, #tpu.memory_space<vmem>>, vector<1x1x16xf32>,
        %swap3A_1233 = vector.shape_cast %swap3A_1232 : vector<1x1x16xf32> to vector<16xf32>
        %swap3A_1234 = vector.shape_cast %mul3A_1227 : vector<16xf32> to vector<1x1x16xf32>
        tpu.vector_store %arg9[%swap3A_1229, %swap3A_1230, %swap3A_1231], %swap3A_1234 {strides = array<i32>} : memref<2x64x128xf32, #tpu.memory_space<vmem>>, vector<1x1x16xf32>,
        %get3A_1235 = arith.constant 1 : i32
        %get3A_1236 = arith.index_cast %get3A_1235 : i32 to index
        %get3A_1237 = arith.index_cast %add3A_1214 : i32 to index
        %get3A_1238 = arith.constant 16 : index
        %get3A_1239 = tpu.vector_load %arg7[%get3A_1236, %get3A_1237, %get3A_1238] {strides = array<i32>} : memref<2x64x128xf32, #tpu.memory_space<vmem>>, vector<1x1x16xf32>,
        %get3A_1240 = vector.shape_cast %get3A_1239 : vector<1x1x16xf32> to vector<16xf32>
        %get3A_1241 = arith.constant 1 : i32
        %get3A_1242 = arith.index_cast %get3A_1241 : i32 to index
        %get3A_1243 = arith.index_cast %add3A_1214 : i32 to index
        %get3A_1244 = arith.constant 16 : index
        %get3A_1245 = tpu.vector_load %arg8[%get3A_1242, %get3A_1243, %get3A_1244] {strides = array<i32>} : memref<2x64x128xf32, #tpu.memory_space<vmem>>, vector<1x1x16xf32>,
        %get3A_1246 = vector.shape_cast %get3A_1245 : vector<1x1x16xf32> to vector<16xf32>
        %mul3A_1247 = arith.mulf %get3A_1240, %get3A_1246 : vector<16xf32>
        %swap3A_1248 = arith.constant 1 : i32
        %swap3A_1249 = arith.index_cast %swap3A_1248 : i32 to index
        %swap3A_1250 = arith.index_cast %add3A_1214 : i32 to index
        %swap3A_1251 = arith.constant 16 : index
        %swap3A_1252 = tpu.vector_load %arg9[%swap3A_1249, %swap3A_1250, %swap3A_1251] {strides = array<i32>} : memref<2x64x128xf32, #tpu.memory_space<vmem>>, vector<1x1x16xf32>,
        %swap3A_1253 = vector.shape_cast %swap3A_1252 : vector<1x1x16xf32> to vector<16xf32>
        %swap3A_1254 = vector.shape_cast %mul3A_1247 : vector<16xf32> to vector<1x1x16xf32>
        tpu.vector_store %arg9[%swap3A_1249, %swap3A_1250, %swap3A_1251], %swap3A_1254 {strides = array<i32>} : memref<2x64x128xf32, #tpu.memory_space<vmem>>, vector<1x1x16xf32>,
        %get3A_1255 = arith.constant 1 : i32
        %get3A_1256 = arith.index_cast %get3A_1255 : i32 to index
        %get3A_1257 = arith.index_cast %add3A_1214 : i32 to index
        %get3A_1258 = arith.constant 32 : index
        %get3A_1259 = tpu.vector_load %arg7[%get3A_1256, %get3A_1257, %get3A_1258] {strides = array<i32>} : memref<2x64x128xf32, #tpu.memory_space<vmem>>, vector<1x1x16xf32>,
        %get3A_1260 = vector.shape_cast %get3A_1259 : vector<1x1x16xf32> to vector<16xf32>
        %get3A_1261 = arith.constant 1 : i32
        %get3A_1262 = arith.index_cast %get3A_1261 : i32 to index
        %get3A_1263 = arith.index_cast %add3A_1214 : i32 to index
        %get3A_1264 = arith.constant 32 : index
        %get3A_1265 = tpu.vector_load %arg8[%get3A_1262, %get3A_1263, %get3A_1264] {strides = array<i32>} : memref<2x64x128xf32, #tpu.memory_space<vmem>>, vector<1x1x16xf32>,
        %get3A_1266 = vector.shape_cast %get3A_1265 : vector<1x1x16xf32> to vector<16xf32>
        %mul3A_1267 = arith.mulf %get3A_1260, %get3A_1266 : vector<16xf32>
        %swap3A_1268 = arith.constant 1 : i32
        %swap3A_1269 = arith.index_cast %swap3A_1268 : i32 to index
        %swap3A_1270 = arith.index_cast %add3A_1214 : i32 to index
        %swap3A_1271 = arith.constant 32 : index
        %swap3A_1272 = tpu.vector_load %arg9[%swap3A_1269, %swap3A_1270, %swap3A_1271] {strides = array<i32>} : memref<2x64x128xf32, #tpu.memory_space<vmem>>, vector<1x1x16xf32>,
        %swap3A_1273 = vector.shape_cast %swap3A_1272 : vector<1x1x16xf32> to vector<16xf32>
        %swap3A_1274 = vector.shape_cast %mul3A_1267 : vector<16xf32> to vector<1x1x16xf32>
        tpu.vector_store %arg9[%swap3A_1269, %swap3A_1270, %swap3A_1271], %swap3A_1274 {strides = array<i32>} : memref<2x64x128xf32, #tpu.memory_space<vmem>>, vector<1x1x16xf32>,
        %get3A_1275 = arith.constant 1 : i32
        %get3A_1276 = arith.index_cast %get3A_1275 : i32 to index
        %get3A_1277 = arith.index_cast %add3A_1214 : i32 to index
        %get3A_1278 = arith.constant 48 : index
        %get3A_1279 = tpu.vector_load %arg7[%get3A_1276, %get3A_1277, %get3A_1278] {strides = array<i32>} : memref<2x64x128xf32, #tpu.memory_space<vmem>>, vector<1x1x16xf32>,
        %get3A_1280 = vector.shape_cast %get3A_1279 : vector<1x1x16xf32> to vector<16xf32>
        %get3A_1281 = arith.constant 1 : i32
        %get3A_1282 = arith.index_cast %get3A_1281 : i32 to index
        %get3A_1283 = arith.index_cast %add3A_1214 : i32 to index
        %get3A_1284 = arith.constant 48 : index
        %get3A_1285 = tpu.vector_load %arg8[%get3A_1282, %get3A_1283, %get3A_1284] {strides = array<i32>} : memref<2x64x128xf32, #tpu.memory_space<vmem>>, vector<1x1x16xf32>,
        %get3A_1286 = vector.shape_cast %get3A_1285 : vector<1x1x16xf32> to vector<16xf32>
        %mul3A_1287 = arith.mulf %get3A_1280, %get3A_1286 : vector<16xf32>
        %swap3A_1288 = arith.constant 1 : i32
        %swap3A_1289 = arith.index_cast %swap3A_1288 : i32 to index
        %swap3A_1290 = arith.index_cast %add3A_1214 : i32 to index
        %swap3A_1291 = arith.constant 48 : index
        %swap3A_1292 = tpu.vector_load %arg9[%swap3A_1289, %swap3A_1290, %swap3A_1291] {strides = array<i32>} : memref<2x64x128xf32, #tpu.memory_space<vmem>>, vector<1x1x16xf32>,
        %swap3A_1293 = vector.shape_cast %swap3A_1292 : vector<1x1x16xf32> to vector<16xf32>
        %swap3A_1294 = vector.shape_cast %mul3A_1287 : vector<16xf32> to vector<1x1x16xf32>
        tpu.vector_store %arg9[%swap3A_1289, %swap3A_1290, %swap3A_1291], %swap3A_1294 {strides = array<i32>} : memref<2x64x128xf32, #tpu.memory_space<vmem>>, vector<1x1x16xf32>,
        %get3A_1295 = arith.constant 1 : i32
        %get3A_1296 = arith.index_cast %get3A_1295 : i32 to index
        %get3A_1297 = arith.index_cast %add3A_1214 : i32 to index
        %get3A_1298 = arith.constant 64 : index
        %get3A_1299 = tpu.vector_load %arg7[%get3A_1296, %get3A_1297, %get3A_1298] {strides = array<i32>} : memref<2x64x128xf32, #tpu.memory_space<vmem>>, vector<1x1x16xf32>,
        %get3A_1300 = vector.shape_cast %get3A_1299 : vector<1x1x16xf32> to vector<16xf32>
        %get3A_1301 = arith.constant 1 : i32
        %get3A_1302 = arith.index_cast %get3A_1301 : i32 to index
        %get3A_1303 = arith.index_cast %add3A_1214 : i32 to index
        %get3A_1304 = arith.constant 64 : index
        %get3A_1305 = tpu.vector_load %arg8[%get3A_1302, %get3A_1303, %get3A_1304] {strides = array<i32>} : memref<2x64x128xf32, #tpu.memory_space<vmem>>, vector<1x1x16xf32>,
        %get3A_1306 = vector.shape_cast %get3A_1305 : vector<1x1x16xf32> to vector<16xf32>
        %mul3A_1307 = arith.mulf %get3A_1300, %get3A_1306 : vector<16xf32>
        %swap3A_1308 = arith.constant 1 : i32
        %swap3A_1309 = arith.index_cast %swap3A_1308 : i32 to index
        %swap3A_1310 = arith.index_cast %add3A_1214 : i32 to index
        %swap3A_1311 = arith.constant 64 : index
        %swap3A_1312 = tpu.vector_load %arg9[%swap3A_1309, %swap3A_1310, %swap3A_1311] {strides = array<i32>} : memref<2x64x128xf32, #tpu.memory_space<vmem>>, vector<1x1x16xf32>,
        %swap3A_1313 = vector.shape_cast %swap3A_1312 : vector<1x1x16xf32> to vector<16xf32>
        %swap3A_1314 = vector.shape_cast %mul3A_1307 : vector<16xf32> to vector<1x1x16xf32>
        tpu.vector_store %arg9[%swap3A_1309, %swap3A_1310, %swap3A_1311], %swap3A_1314 {strides = array<i32>} : memref<2x64x128xf32, #tpu.memory_space<vmem>>, vector<1x1x16xf32>,
        %get3A_1315 = arith.constant 1 : i32
        %get3A_1316 = arith.index_cast %get3A_1315 : i32 to index
        %get3A_1317 = arith.index_cast %add3A_1214 : i32 to index
        %get3A_1318 = arith.constant 80 : index
        %get3A_1319 = tpu.vector_load %arg7[%get3A_1316, %get3A_1317, %get3A_1318] {strides = array<i32>} : memref<2x64x128xf32, #tpu.memory_space<vmem>>, vector<1x1x16xf32>,
        %get3A_1320 = vector.shape_cast %get3A_1319 : vector<1x1x16xf32> to vector<16xf32>
        %get3A_1321 = arith.constant 1 : i32
        %get3A_1322 = arith.index_cast %get3A_1321 : i32 to index
        %get3A_1323 = arith.index_cast %add3A_1214 : i32 to index
        %get3A_1324 = arith.constant 80 : index
        %get3A_1325 = tpu.vector_load %arg8[%get3A_1322, %get3A_1323, %get3A_1324] {strides = array<i32>} : memref<2x64x128xf32, #tpu.memory_space<vmem>>, vector<1x1x16xf32>,
        %get3A_1326 = vector.shape_cast %get3A_1325 : vector<1x1x16xf32> to vector<16xf32>
        %mul3A_1327 = arith.mulf %get3A_1320, %get3A_1326 : vector<16xf32>
        %swap3A_1328 = arith.constant 1 : i32
        %swap3A_1329 = arith.index_cast %swap3A_1328 : i32 to index
        %swap3A_1330 = arith.index_cast %add3A_1214 : i32 to index
        %swap3A_1331 = arith.constant 80 : index
        %swap3A_1332 = tpu.vector_load %arg9[%swap3A_1329, %swap3A_1330, %swap3A_1331] {strides = array<i32>} : memref<2x64x128xf32, #tpu.memory_space<vmem>>, vector<1x1x16xf32>,
        %swap3A_1333 = vector.shape_cast %swap3A_1332 : vector<1x1x16xf32> to vector<16xf32>
        %swap3A_1334 = vector.shape_cast %mul3A_1327 : vector<16xf32> to vector<1x1x16xf32>
        tpu.vector_store %arg9[%swap3A_1329, %swap3A_1330, %swap3A_1331], %swap3A_1334 {strides = array<i32>} : memref<2x64x128xf32, #tpu.memory_space<vmem>>, vector<1x1x16xf32>,
        %get3A_1335 = arith.constant 1 : i32
        %get3A_1336 = arith.index_cast %get3A_1335 : i32 to index
        %get3A_1337 = arith.index_cast %add3A_1214 : i32 to index
        %get3A_1338 = arith.constant 96 : index
        %get3A_1339 = tpu.vector_load %arg7[%get3A_1336, %get3A_1337, %get3A_1338] {strides = array<i32>} : memref<2x64x128xf32, #tpu.memory_space<vmem>>, vector<1x1x16xf32>,
        %get3A_1340 = vector.shape_cast %get3A_1339 : vector<1x1x16xf32> to vector<16xf32>
        %get3A_1341 = arith.constant 1 : i32
        %get3A_1342 = arith.index_cast %get3A_1341 : i32 to index
        %get3A_1343 = arith.index_cast %add3A_1214 : i32 to index
        %get3A_1344 = arith.constant 96 : index
        %get3A_1345 = tpu.vector_load %arg8[%get3A_1342, %get3A_1343, %get3A_1344] {strides = array<i32>} : memref<2x64x128xf32, #tpu.memory_space<vmem>>, vector<1x1x16xf32>,
        %get3A_1346 = vector.shape_cast %get3A_1345 : vector<1x1x16xf32> to vector<16xf32>
        %mul3A_1347 = arith.mulf %get3A_1340, %get3A_1346 : vector<16xf32>
        %swap3A_1348 = arith.constant 1 : i32
        %swap3A_1349 = arith.index_cast %swap3A_1348 : i32 to index
        %swap3A_1350 = arith.index_cast %add3A_1214 : i32 to index
        %swap3A_1351 = arith.constant 96 : index
        %swap3A_1352 = tpu.vector_load %arg9[%swap3A_1349, %swap3A_1350, %swap3A_1351] {strides = array<i32>} : memref<2x64x128xf32, #tpu.memory_space<vmem>>, vector<1x1x16xf32>,
        %swap3A_1353 = vector.shape_cast %swap3A_1352 : vector<1x1x16xf32> to vector<16xf32>
        %swap3A_1354 = vector.shape_cast %mul3A_1347 : vector<16xf32> to vector<1x1x16xf32>
        tpu.vector_store %arg9[%swap3A_1349, %swap3A_1350, %swap3A_1351], %swap3A_1354 {strides = array<i32>} : memref<2x64x128xf32, #tpu.memory_space<vmem>>, vector<1x1x16xf32>,
        %get3A_1355 = arith.constant 1 : i32
        %get3A_1356 = arith.index_cast %get3A_1355 : i32 to index
        %get3A_1357 = arith.index_cast %add3A_1214 : i32 to index
        %get3A_1358 = arith.constant 112 : index
        %get3A_1359 = tpu.vector_load %arg7[%get3A_1356, %get3A_1357, %get3A_1358] {strides = array<i32>} : memref<2x64x128xf32, #tpu.memory_space<vmem>>, vector<1x1x16xf32>,
        %get3A_1360 = vector.shape_cast %get3A_1359 : vector<1x1x16xf32> to vector<16xf32>
        %get3A_1361 = arith.constant 1 : i32
        %get3A_1362 = arith.index_cast %get3A_1361 : i32 to index
        %get3A_1363 = arith.index_cast %add3A_1214 : i32 to index
        %get3A_1364 = arith.constant 112 : index
        %get3A_1365 = tpu.vector_load %arg8[%get3A_1362, %get3A_1363, %get3A_1364] {strides = array<i32>} : memref<2x64x128xf32, #tpu.memory_space<vmem>>, vector<1x1x16xf32>,
        %get3A_1366 = vector.shape_cast %get3A_1365 : vector<1x1x16xf32> to vector<16xf32>
        %mul3A_1367 = arith.mulf %get3A_1360, %get3A_1366 : vector<16xf32>
        %swap3A_1368 = arith.constant 1 : i32
        %swap3A_1369 = arith.index_cast %swap3A_1368 : i32 to index
        %swap3A_1370 = arith.index_cast %add3A_1214 : i32 to index
        %swap3A_1371 = arith.constant 112 : index
        %swap3A_1372 = tpu.vector_load %arg9[%swap3A_1369, %swap3A_1370, %swap3A_1371] {strides = array<i32>} : memref<2x64x128xf32, #tpu.memory_space<vmem>>, vector<1x1x16xf32>,
        %swap3A_1373 = vector.shape_cast %swap3A_1372 : vector<1x1x16xf32> to vector<16xf32>
        %swap3A_1374 = vector.shape_cast %mul3A_1367 : vector<16xf32> to vector<1x1x16xf32>
        tpu.vector_store %arg9[%swap3A_1369, %swap3A_1370, %swap3A_1371], %swap3A_1374 {strides = array<i32>} : memref<2x64x128xf32, #tpu.memory_space<vmem>>, vector<1x1x16xf32>,
        %scan3A_1375 = arith.constant 0 : i32
        scf.yield %scan3A_1375 : i32
      }
      %scan3A_1031 = arith.constant 32 : i32
      %dma_start3A_1032 = arith.constant 1 : i32
      %dma_start3A_1033 = arith.constant 1 : i32
      %dma_start3A_1034 = arith.constant 0 : i32
      %dma_start3A_1035 = arith.constant 0 : i32
      %dma_start3A_1036 = tpu.memref_slice %arg9[%dma_start3A_1032, %dma_start3A_1034, %dma_start3A_1035] : memref<2x64x128xf32, #tpu.memory_space<vmem>> -> memref<1x64x128xf32, #tpu.memory_space<vmem>>
      %dma_start3A_1037 = tpu.memref_squeeze %dma_start3A_1036 : memref<1x64x128xf32, #tpu.memory_space<vmem>> -> memref<64x128xf32, #tpu.memory_space<vmem>>
      %dma_start3A_1038 = arith.constant 0 : i32
      %dma_start3A_1039 = tpu.memref_slice %arg10[%dma_start3A_1033, %dma_start3A_1038] : memref<2x64xi32, #tpu.memory_space<vmem>> -> memref<1x64xi32, #tpu.memory_space<vmem>>
      %dma_start3A_1040 = tpu.memref_squeeze %dma_start3A_1039 : memref<1x64xi32, #tpu.memory_space<vmem>> -> memref<64xi32, #tpu.memory_space<vmem>>
      %dma_start3A_1041 = arith.constant 0 : i32
      %dma_start3A_1042 = arith.constant 0 : i32
      %dma_start3A_1043 = tpu.memref_slice %arg11[%dma_start3A_1041, %dma_start3A_1042] : memref<10112x128xf32, #tpu.memory_space<vmem_shared>> -> memref<10112x128xf32, #tpu.memory_space<vmem_shared>>
      tpu.enqueue_indirect_dma source(%dma_start3A_1037 : memref<64x128xf32, #tpu.memory_space<vmem>>) target(%dma_start3A_1043 : memref<10112x128xf32, #tpu.memory_space<vmem_shared>>) offsets(%dma_start3A_1040 : memref<64xi32, #tpu.memory_space<vmem>>) semaphore(%arg19 : memref<!tpu.dma_semaphore, #tpu.memory_space<semaphore_mem>>) {add = true}
      %scan3A_1044 = arith.constant 0 : i32
      scf.yield %scan3A_1044 : i32
    }
    %scan3A_427 = arith.constant 77 : i32
    %dma_wait3A_428 = arith.constant 0 : i32
    %dma_wait3A_429 = arith.constant 0 : i32
    %dma_wait3A_430 = arith.constant 0 : i32
    %dma_wait3A_431 = arith.constant 0 : i32
    %dma_wait3A_432 = arith.constant 0 : i32
    %dma_wait3A_433 = tpu.memref_slice %arg7[%dma_wait3A_430, %dma_wait3A_431, %dma_wait3A_432] : memref<2x64x128xf32, #tpu.memory_space<vmem>> -> memref<1x64x128xf32, #tpu.memory_space<vmem>>
    %dma_wait3A_434 = tpu.memref_squeeze %dma_wait3A_433 : memref<1x64x128xf32, #tpu.memory_space<vmem>> -> memref<64x128xf32, #tpu.memory_space<vmem>>
    %dma_wait3A_435 = arith.constant 0 : i32
    %dma_wait3A_436 = tpu.memref_slice %arg6[%dma_wait3A_428, %dma_wait3A_429, %dma_wait3A_435] : memref<2x2x64xi32, #tpu.memory_space<vmem>> -> memref<1x1x64xi32, #tpu.memory_space<vmem>>
    %dma_wait3A_437 = tpu.memref_squeeze %dma_wait3A_436 : memref<1x1x64xi32, #tpu.memory_space<vmem>> -> memref<64xi32, #tpu.memory_space<vmem>>
    %dma_wait3A_438 = arith.constant 0 : i32
    %dma_wait3A_439 = arith.constant 0 : i32
    %dma_wait3A_440 = tpu.memref_slice %arg2[%dma_wait3A_438, %dma_wait3A_439] : memref<10000x128xf32, #tpu.memory_space<hbm>> -> memref<10000x128xf32, #tpu.memory_space<hbm>>
    tpu.wait_indirect_dma semaphore(%arg14 : memref<!tpu.dma_semaphore, #tpu.memory_space<semaphore_mem>>) src(%dma_wait3A_440 : memref<10000x128xf32, #tpu.memory_space<hbm>>) dst(%dma_wait3A_434 : memref<64x128xf32, #tpu.memory_space<vmem>>)
    %dma_wait3A_441 = arith.constant 0 : i32
    %dma_wait3A_442 = arith.constant 0 : i32
    %dma_wait3A_443 = arith.constant 0 : i32
    %dma_wait3A_444 = tpu.memref_slice %arg8[%dma_wait3A_441, %dma_wait3A_442, %dma_wait3A_443] : memref<2x64x128xf32, #tpu.memory_space<vmem>> -> memref<1x64x128xf32, #tpu.memory_space<vmem>>
    %dma_wait3A_445 = tpu.memref_squeeze %dma_wait3A_444 : memref<1x64x128xf32, #tpu.memory_space<vmem>> -> memref<64x128xf32, #tpu.memory_space<vmem>>
    %dma_wait3A_446 = arith.constant 0 : i32
    %dma_wait3A_447 = arith.constant 0 : i32
    %dma_wait3A_448 = tpu.memref_slice %arg4[%dma_wait3A_446, %dma_wait3A_447] : memref<323584x128xf32, #tpu.memory_space<hbm>> -> memref<64x128xf32, #tpu.memory_space<hbm>>
    %dma_wait3A_449 = arith.constant 0 : i32
    %dma_wait3A_450 = arith.constant 0 : i32
    %dma_wait3A_451 = tpu.memref_slice %arg8[%dma_wait3A_441, %dma_wait3A_449, %dma_wait3A_450] : memref<2x64x128xf32, #tpu.memory_space<vmem>> -> memref<1x64x128xf32, #tpu.memory_space<vmem>>
    %dma_wait3A_452 = tpu.memref_squeeze %dma_wait3A_451 : memref<1x64x128xf32, #tpu.memory_space<vmem>> -> memref<64x128xf32, #tpu.memory_space<vmem>>
    %dma_wait3A_453 = arith.constant 0 : i32
    %dma_wait3A_454 = arith.constant 0 : i32
    %dma_wait3A_455 = tpu.memref_slice %arg4[%dma_wait3A_453, %dma_wait3A_454] : memref<323584x128xf32, #tpu.memory_space<hbm>> -> memref<64x128xf32, #tpu.memory_space<hbm>>
    tpu.wait_dma2 semaphore(%arg16 : memref<!tpu.dma_semaphore, #tpu.memory_space<semaphore_mem>>) src(%dma_wait3A_455 : memref<64x128xf32, #tpu.memory_space<hbm>>) dst(%dma_wait3A_452 : memref<64x128xf32, #tpu.memory_space<vmem>>)
    %dma_wait3A_456 = arith.constant 0 : i32
    %dma_wait3A_457 = arith.constant 0 : i32
    %dma_wait3A_458 = arith.constant 0 : i32
    %dma_wait3A_459 = arith.constant 0 : i32
    %dma_wait3A_460 = tpu.memref_slice %arg9[%dma_wait3A_456, %dma_wait3A_458, %dma_wait3A_459] : memref<2x64x128xf32, #tpu.memory_space<vmem>> -> memref<1x64x128xf32, #tpu.memory_space<vmem>>
    %dma_wait3A_461 = tpu.memref_squeeze %dma_wait3A_460 : memref<1x64x128xf32, #tpu.memory_space<vmem>> -> memref<64x128xf32, #tpu.memory_space<vmem>>
    %dma_wait3A_462 = arith.constant 0 : i32
    %dma_wait3A_463 = tpu.memref_slice %arg10[%dma_wait3A_457, %dma_wait3A_462] : memref<2x64xi32, #tpu.memory_space<vmem>> -> memref<1x64xi32, #tpu.memory_space<vmem>>
    %dma_wait3A_464 = tpu.memref_squeeze %dma_wait3A_463 : memref<1x64xi32, #tpu.memory_space<vmem>> -> memref<64xi32, #tpu.memory_space<vmem>>
    %dma_wait3A_465 = arith.constant 0 : i32
    %dma_wait3A_466 = arith.constant 0 : i32
    %dma_wait3A_467 = tpu.memref_slice %arg11[%dma_wait3A_465, %dma_wait3A_466] : memref<10112x128xf32, #tpu.memory_space<vmem_shared>> -> memref<10112x128xf32, #tpu.memory_space<vmem_shared>>
    tpu.wait_indirect_dma semaphore(%arg18 : memref<!tpu.dma_semaphore, #tpu.memory_space<semaphore_mem>>) src(%dma_wait3A_461 : memref<64x128xf32, #tpu.memory_space<vmem>>) dst(%dma_wait3A_467 : memref<10112x128xf32, #tpu.memory_space<vmem_shared>>)
    %get3A_468 = arith.constant 0 : i32
    %get3A_469 = arith.constant 1 : i32
    %get3A_470 = arith.index_cast %get3A_468 : i32 to index
    %get3A_471 = arith.index_cast %get3A_469 : i32 to index
    %get3A_472 = arith.constant 0 : index
    %get3A_473 = tpu.vector_load %arg6[%get3A_470, %get3A_471, %get3A_472] {strides = array<i32>} : memref<2x2x64xi32, #tpu.memory_space<vmem>>, vector<1x1x16xi32>,
    %get3A_474 = vector.shape_cast %get3A_473 : vector<1x1x16xi32> to vector<16xi32>
    %swap3A_475 = arith.constant 0 : i32
    %swap3A_476 = arith.index_cast %swap3A_475 : i32 to index
    %swap3A_477 = arith.constant 0 : index
    %swap3A_478 = tpu.vector_load %arg10[%swap3A_476, %swap3A_477] {strides = array<i32>} : memref<2x64xi32, #tpu.memory_space<vmem>>, vector<1x16xi32>,
    %swap3A_479 = vector.shape_cast %swap3A_478 : vector<1x16xi32> to vector<16xi32>
    %swap3A_480 = vector.shape_cast %get3A_474 : vector<16xi32> to vector<1x16xi32>
    tpu.vector_store %arg10[%swap3A_476, %swap3A_477], %swap3A_480 {strides = array<i32>} : memref<2x64xi32, #tpu.memory_space<vmem>>, vector<1x16xi32>,
    %get3A_481 = arith.constant 0 : i32
    %get3A_482 = arith.constant 1 : i32
    %get3A_483 = arith.index_cast %get3A_481 : i32 to index
    %get3A_484 = arith.index_cast %get3A_482 : i32 to index
    %get3A_485 = arith.constant 16 : index
    %get3A_486 = tpu.vector_load %arg6[%get3A_483, %get3A_484, %get3A_485] {strides = array<i32>} : memref<2x2x64xi32, #tpu.memory_space<vmem>>, vector<1x1x16xi32>,
    %get3A_487 = vector.shape_cast %get3A_486 : vector<1x1x16xi32> to vector<16xi32>
    %swap3A_488 = arith.constant 0 : i32
    %swap3A_489 = arith.index_cast %swap3A_488 : i32 to index
    %swap3A_490 = arith.constant 16 : index
    %swap3A_491 = tpu.vector_load %arg10[%swap3A_489, %swap3A_490] {strides = array<i32>} : memref<2x64xi32, #tpu.memory_space<vmem>>, vector<1x16xi32>,
    %swap3A_492 = vector.shape_cast %swap3A_491 : vector<1x16xi32> to vector<16xi32>
    %swap3A_493 = vector.shape_cast %get3A_487 : vector<16xi32> to vector<1x16xi32>
    tpu.vector_store %arg10[%swap3A_489, %swap3A_490], %swap3A_493 {strides = array<i32>} : memref<2x64xi32, #tpu.memory_space<vmem>>, vector<1x16xi32>,
    %get3A_494 = arith.constant 0 : i32
    %get3A_495 = arith.constant 1 : i32
    %get3A_496 = arith.index_cast %get3A_494 : i32 to index
    %get3A_497 = arith.index_cast %get3A_495 : i32 to index
    %get3A_498 = arith.constant 32 : index
    %get3A_499 = tpu.vector_load %arg6[%get3A_496, %get3A_497, %get3A_498] {strides = array<i32>} : memref<2x2x64xi32, #tpu.memory_space<vmem>>, vector<1x1x16xi32>,
    %get3A_500 = vector.shape_cast %get3A_499 : vector<1x1x16xi32> to vector<16xi32>
    %swap3A_501 = arith.constant 0 : i32
    %swap3A_502 = arith.index_cast %swap3A_501 : i32 to index
    %swap3A_503 = arith.constant 32 : index
    %swap3A_504 = tpu.vector_load %arg10[%swap3A_502, %swap3A_503] {strides = array<i32>} : memref<2x64xi32, #tpu.memory_space<vmem>>, vector<1x16xi32>,
    %swap3A_505 = vector.shape_cast %swap3A_504 : vector<1x16xi32> to vector<16xi32>
    %swap3A_506 = vector.shape_cast %get3A_500 : vector<16xi32> to vector<1x16xi32>
    tpu.vector_store %arg10[%swap3A_502, %swap3A_503], %swap3A_506 {strides = array<i32>} : memref<2x64xi32, #tpu.memory_space<vmem>>, vector<1x16xi32>,
    %get3A_507 = arith.constant 0 : i32
    %get3A_508 = arith.constant 1 : i32
    %get3A_509 = arith.index_cast %get3A_507 : i32 to index
    %get3A_510 = arith.index_cast %get3A_508 : i32 to index
    %get3A_511 = arith.constant 48 : index
    %get3A_512 = tpu.vector_load %arg6[%get3A_509, %get3A_510, %get3A_511] {strides = array<i32>} : memref<2x2x64xi32, #tpu.memory_space<vmem>>, vector<1x1x16xi32>,
    %get3A_513 = vector.shape_cast %get3A_512 : vector<1x1x16xi32> to vector<16xi32>
    %swap3A_514 = arith.constant 0 : i32
    %swap3A_515 = arith.index_cast %swap3A_514 : i32 to index
    %swap3A_516 = arith.constant 48 : index
    %swap3A_517 = tpu.vector_load %arg10[%swap3A_515, %swap3A_516] {strides = array<i32>} : memref<2x64xi32, #tpu.memory_space<vmem>>, vector<1x16xi32>,
    %swap3A_518 = vector.shape_cast %swap3A_517 : vector<1x16xi32> to vector<16xi32>
    %swap3A_519 = vector.shape_cast %get3A_513 : vector<16xi32> to vector<1x16xi32>
    tpu.vector_store %arg10[%swap3A_515, %swap3A_516], %swap3A_519 {strides = array<i32>} : memref<2x64xi32, #tpu.memory_space<vmem>>, vector<1x16xi32>,
    %scan3A_520 = arith.constant 0 : i32
    %scan3A_521 = arith.constant 0 : i32
    %scan3A_522 = arith.constant 32 : i32
    %scan3A_523 = arith.addi %scan3A_521, %scan3A_522 : i32
    %scan3A_524 = arith.constant 1 : i32
    %scan3A_525 = scf.for %scan3A_678 = %scan3A_521 to %scan3A_523 step %scan3A_524 iter_args(%scan3A_679 = %scan3A_520) -> (i32)  : i32 {
      %mul3A_680 = arith.constant 2 : i32
      %mul3A_681 = arith.muli %mul3A_680, %scan3A_678 : i32
      %add3A_682 = arith.constant 0 : i32
      %add3A_683 = arith.addi %mul3A_681, %add3A_682 : i32
      %get3A_684 = arith.constant 0 : i32
      %get3A_685 = arith.index_cast %get3A_684 : i32 to index
      %get3A_686 = arith.index_cast %add3A_683 : i32 to index
      %get3A_687 = arith.constant 0 : index
      %get3A_688 = tpu.vector_load %arg7[%get3A_685, %get3A_686, %get3A_687] {strides = array<i32>} : memref<2x64x128xf32, #tpu.memory_space<vmem>>, vector<1x1x16xf32>,
      %get3A_689 = vector.shape_cast %get3A_688 : vector<1x1x16xf32> to vector<16xf32>
      %get3A_690 = arith.constant 0 : i32
      %get3A_691 = arith.index_cast %get3A_690 : i32 to index
      %get3A_692 = arith.index_cast %add3A_683 : i32 to index
      %get3A_693 = arith.constant 0 : index
      %get3A_694 = tpu.vector_load %arg8[%get3A_691, %get3A_692, %get3A_693] {strides = array<i32>} : memref<2x64x128xf32, #tpu.memory_space<vmem>>, vector<1x1x16xf32>,
      %get3A_695 = vector.shape_cast %get3A_694 : vector<1x1x16xf32> to vector<16xf32>
      %mul3A_696 = arith.mulf %get3A_689, %get3A_695 : vector<16xf32>
      %swap3A_697 = arith.constant 0 : i32
      %swap3A_698 = arith.index_cast %swap3A_697 : i32 to index
      %swap3A_699 = arith.index_cast %add3A_683 : i32 to index
      %swap3A_700 = arith.constant 0 : index
      %swap3A_701 = tpu.vector_load %arg9[%swap3A_698, %swap3A_699, %swap3A_700] {strides = array<i32>} : memref<2x64x128xf32, #tpu.memory_space<vmem>>, vector<1x1x16xf32>,
      %swap3A_702 = vector.shape_cast %swap3A_701 : vector<1x1x16xf32> to vector<16xf32>
      %swap3A_703 = vector.shape_cast %mul3A_696 : vector<16xf32> to vector<1x1x16xf32>
      tpu.vector_store %arg9[%swap3A_698, %swap3A_699, %swap3A_700], %swap3A_703 {strides = array<i32>} : memref<2x64x128xf32, #tpu.memory_space<vmem>>, vector<1x1x16xf32>,
      %get3A_704 = arith.constant 0 : i32
      %get3A_705 = arith.index_cast %get3A_704 : i32 to index
      %get3A_706 = arith.index_cast %add3A_683 : i32 to index
      %get3A_707 = arith.constant 16 : index
      %get3A_708 = tpu.vector_load %arg7[%get3A_705, %get3A_706, %get3A_707] {strides = array<i32>} : memref<2x64x128xf32, #tpu.memory_space<vmem>>, vector<1x1x16xf32>,
      %get3A_709 = vector.shape_cast %get3A_708 : vector<1x1x16xf32> to vector<16xf32>
      %get3A_710 = arith.constant 0 : i32
      %get3A_711 = arith.index_cast %get3A_710 : i32 to index
      %get3A_712 = arith.index_cast %add3A_683 : i32 to index
      %get3A_713 = arith.constant 16 : index
      %get3A_714 = tpu.vector_load %arg8[%get3A_711, %get3A_712, %get3A_713] {strides = array<i32>} : memref<2x64x128xf32, #tpu.memory_space<vmem>>, vector<1x1x16xf32>,
      %get3A_715 = vector.shape_cast %get3A_714 : vector<1x1x16xf32> to vector<16xf32>
      %mul3A_716 = arith.mulf %get3A_709, %get3A_715 : vector<16xf32>
      %swap3A_717 = arith.constant 0 : i32
      %swap3A_718 = arith.index_cast %swap3A_717 : i32 to index
      %swap3A_719 = arith.index_cast %add3A_683 : i32 to index
      %swap3A_720 = arith.constant 16 : index
      %swap3A_721 = tpu.vector_load %arg9[%swap3A_718, %swap3A_719, %swap3A_720] {strides = array<i32>} : memref<2x64x128xf32, #tpu.memory_space<vmem>>, vector<1x1x16xf32>,
      %swap3A_722 = vector.shape_cast %swap3A_721 : vector<1x1x16xf32> to vector<16xf32>
      %swap3A_723 = vector.shape_cast %mul3A_716 : vector<16xf32> to vector<1x1x16xf32>
      tpu.vector_store %arg9[%swap3A_718, %swap3A_719, %swap3A_720], %swap3A_723 {strides = array<i32>} : memref<2x64x128xf32, #tpu.memory_space<vmem>>, vector<1x1x16xf32>,
      %get3A_724 = arith.constant 0 : i32
      %get3A_725 = arith.index_cast %get3A_724 : i32 to index
      %get3A_726 = arith.index_cast %add3A_683 : i32 to index
      %get3A_727 = arith.constant 32 : index
      %get3A_728 = tpu.vector_load %arg7[%get3A_725, %get3A_726, %get3A_727] {strides = array<i32>} : memref<2x64x128xf32, #tpu.memory_space<vmem>>, vector<1x1x16xf32>,
      %get3A_729 = vector.shape_cast %get3A_728 : vector<1x1x16xf32> to vector<16xf32>
      %get3A_730 = arith.constant 0 : i32
      %get3A_731 = arith.index_cast %get3A_730 : i32 to index
      %get3A_732 = arith.index_cast %add3A_683 : i32 to index
      %get3A_733 = arith.constant 32 : index
      %get3A_734 = tpu.vector_load %arg8[%get3A_731, %get3A_732, %get3A_733] {strides = array<i32>} : memref<2x64x128xf32, #tpu.memory_space<vmem>>, vector<1x1x16xf32>,
      %get3A_735 = vector.shape_cast %get3A_734 : vector<1x1x16xf32> to vector<16xf32>
      %mul3A_736 = arith.mulf %get3A_729, %get3A_735 : vector<16xf32>
      %swap3A_737 = arith.constant 0 : i32
      %swap3A_738 = arith.index_cast %swap3A_737 : i32 to index
      %swap3A_739 = arith.index_cast %add3A_683 : i32 to index
      %swap3A_740 = arith.constant 32 : index
      %swap3A_741 = tpu.vector_load %arg9[%swap3A_738, %swap3A_739, %swap3A_740] {strides = array<i32>} : memref<2x64x128xf32, #tpu.memory_space<vmem>>, vector<1x1x16xf32>,
      %swap3A_742 = vector.shape_cast %swap3A_741 : vector<1x1x16xf32> to vector<16xf32>
      %swap3A_743 = vector.shape_cast %mul3A_736 : vector<16xf32> to vector<1x1x16xf32>
      tpu.vector_store %arg9[%swap3A_738, %swap3A_739, %swap3A_740], %swap3A_743 {strides = array<i32>} : memref<2x64x128xf32, #tpu.memory_space<vmem>>, vector<1x1x16xf32>,
      %get3A_744 = arith.constant 0 : i32
      %get3A_745 = arith.index_cast %get3A_744 : i32 to index
      %get3A_746 = arith.index_cast %add3A_683 : i32 to index
      %get3A_747 = arith.constant 48 : index
      %get3A_748 = tpu.vector_load %arg7[%get3A_745, %get3A_746, %get3A_747] {strides = array<i32>} : memref<2x64x128xf32, #tpu.memory_space<vmem>>, vector<1x1x16xf32>,
      %get3A_749 = vector.shape_cast %get3A_748 : vector<1x1x16xf32> to vector<16xf32>
      %get3A_750 = arith.constant 0 : i32
      %get3A_751 = arith.index_cast %get3A_750 : i32 to index
      %get3A_752 = arith.index_cast %add3A_683 : i32 to index
      %get3A_753 = arith.constant 48 : index
      %get3A_754 = tpu.vector_load %arg8[%get3A_751, %get3A_752, %get3A_753] {strides = array<i32>} : memref<2x64x128xf32, #tpu.memory_space<vmem>>, vector<1x1x16xf32>,
      %get3A_755 = vector.shape_cast %get3A_754 : vector<1x1x16xf32> to vector<16xf32>
      %mul3A_756 = arith.mulf %get3A_749, %get3A_755 : vector<16xf32>
      %swap3A_757 = arith.constant 0 : i32
      %swap3A_758 = arith.index_cast %swap3A_757 : i32 to index
      %swap3A_759 = arith.index_cast %add3A_683 : i32 to index
      %swap3A_760 = arith.constant 48 : index
      %swap3A_761 = tpu.vector_load %arg9[%swap3A_758, %swap3A_759, %swap3A_760] {strides = array<i32>} : memref<2x64x128xf32, #tpu.memory_space<vmem>>, vector<1x1x16xf32>,
      %swap3A_762 = vector.shape_cast %swap3A_761 : vector<1x1x16xf32> to vector<16xf32>
      %swap3A_763 = vector.shape_cast %mul3A_756 : vector<16xf32> to vector<1x1x16xf32>
      tpu.vector_store %arg9[%swap3A_758, %swap3A_759, %swap3A_760], %swap3A_763 {strides = array<i32>} : memref<2x64x128xf32, #tpu.memory_space<vmem>>, vector<1x1x16xf32>,
      %get3A_764 = arith.constant 0 : i32
      %get3A_765 = arith.index_cast %get3A_764 : i32 to index
      %get3A_766 = arith.index_cast %add3A_683 : i32 to index
      %get3A_767 = arith.constant 64 : index
      %get3A_768 = tpu.vector_load %arg7[%get3A_765, %get3A_766, %get3A_767] {strides = array<i32>} : memref<2x64x128xf32, #tpu.memory_space<vmem>>, vector<1x1x16xf32>,
      %get3A_769 = vector.shape_cast %get3A_768 : vector<1x1x16xf32> to vector<16xf32>
      %get3A_770 = arith.constant 0 : i32
      %get3A_771 = arith.index_cast %get3A_770 : i32 to index
      %get3A_772 = arith.index_cast %add3A_683 : i32 to index
      %get3A_773 = arith.constant 64 : index
      %get3A_774 = tpu.vector_load %arg8[%get3A_771, %get3A_772, %get3A_773] {strides = array<i32>} : memref<2x64x128xf32, #tpu.memory_space<vmem>>, vector<1x1x16xf32>,
      %get3A_775 = vector.shape_cast %get3A_774 : vector<1x1x16xf32> to vector<16xf32>
      %mul3A_776 = arith.mulf %get3A_769, %get3A_775 : vector<16xf32>
      %swap3A_777 = arith.constant 0 : i32
      %swap3A_778 = arith.index_cast %swap3A_777 : i32 to index
      %swap3A_779 = arith.index_cast %add3A_683 : i32 to index
      %swap3A_780 = arith.constant 64 : index
      %swap3A_781 = tpu.vector_load %arg9[%swap3A_778, %swap3A_779, %swap3A_780] {strides = array<i32>} : memref<2x64x128xf32, #tpu.memory_space<vmem>>, vector<1x1x16xf32>,
      %swap3A_782 = vector.shape_cast %swap3A_781 : vector<1x1x16xf32> to vector<16xf32>
      %swap3A_783 = vector.shape_cast %mul3A_776 : vector<16xf32> to vector<1x1x16xf32>
      tpu.vector_store %arg9[%swap3A_778, %swap3A_779, %swap3A_780], %swap3A_783 {strides = array<i32>} : memref<2x64x128xf32, #tpu.memory_space<vmem>>, vector<1x1x16xf32>,
      %get3A_784 = arith.constant 0 : i32
      %get3A_785 = arith.index_cast %get3A_784 : i32 to index
      %get3A_786 = arith.index_cast %add3A_683 : i32 to index
      %get3A_787 = arith.constant 80 : index
      %get3A_788 = tpu.vector_load %arg7[%get3A_785, %get3A_786, %get3A_787] {strides = array<i32>} : memref<2x64x128xf32, #tpu.memory_space<vmem>>, vector<1x1x16xf32>,
      %get3A_789 = vector.shape_cast %get3A_788 : vector<1x1x16xf32> to vector<16xf32>
      %get3A_790 = arith.constant 0 : i32
      %get3A_791 = arith.index_cast %get3A_790 : i32 to index
      %get3A_792 = arith.index_cast %add3A_683 : i32 to index
      %get3A_793 = arith.constant 80 : index
      %get3A_794 = tpu.vector_load %arg8[%get3A_791, %get3A_792, %get3A_793] {strides = array<i32>} : memref<2x64x128xf32, #tpu.memory_space<vmem>>, vector<1x1x16xf32>,
      %get3A_795 = vector.shape_cast %get3A_794 : vector<1x1x16xf32> to vector<16xf32>
      %mul3A_796 = arith.mulf %get3A_789, %get3A_795 : vector<16xf32>
      %swap3A_797 = arith.constant 0 : i32
      %swap3A_798 = arith.index_cast %swap3A_797 : i32 to index
      %swap3A_799 = arith.index_cast %add3A_683 : i32 to index
      %swap3A_800 = arith.constant 80 : index
      %swap3A_801 = tpu.vector_load %arg9[%swap3A_798, %swap3A_799, %swap3A_800] {strides = array<i32>} : memref<2x64x128xf32, #tpu.memory_space<vmem>>, vector<1x1x16xf32>,
      %swap3A_802 = vector.shape_cast %swap3A_801 : vector<1x1x16xf32> to vector<16xf32>
      %swap3A_803 = vector.shape_cast %mul3A_796 : vector<16xf32> to vector<1x1x16xf32>
      tpu.vector_store %arg9[%swap3A_798, %swap3A_799, %swap3A_800], %swap3A_803 {strides = array<i32>} : memref<2x64x128xf32, #tpu.memory_space<vmem>>, vector<1x1x16xf32>,
      %get3A_804 = arith.constant 0 : i32
      %get3A_805 = arith.index_cast %get3A_804 : i32 to index
      %get3A_806 = arith.index_cast %add3A_683 : i32 to index
      %get3A_807 = arith.constant 96 : index
      %get3A_808 = tpu.vector_load %arg7[%get3A_805, %get3A_806, %get3A_807] {strides = array<i32>} : memref<2x64x128xf32, #tpu.memory_space<vmem>>, vector<1x1x16xf32>,
      %get3A_809 = vector.shape_cast %get3A_808 : vector<1x1x16xf32> to vector<16xf32>
      %get3A_810 = arith.constant 0 : i32
      %get3A_811 = arith.index_cast %get3A_810 : i32 to index
      %get3A_812 = arith.index_cast %add3A_683 : i32 to index
      %get3A_813 = arith.constant 96 : index
      %get3A_814 = tpu.vector_load %arg8[%get3A_811, %get3A_812, %get3A_813] {strides = array<i32>} : memref<2x64x128xf32, #tpu.memory_space<vmem>>, vector<1x1x16xf32>,
      %get3A_815 = vector.shape_cast %get3A_814 : vector<1x1x16xf32> to vector<16xf32>
      %mul3A_816 = arith.mulf %get3A_809, %get3A_815 : vector<16xf32>
      %swap3A_817 = arith.constant 0 : i32
      %swap3A_818 = arith.index_cast %swap3A_817 : i32 to index
      %swap3A_819 = arith.index_cast %add3A_683 : i32 to index
      %swap3A_820 = arith.constant 96 : index
      %swap3A_821 = tpu.vector_load %arg9[%swap3A_818, %swap3A_819, %swap3A_820] {strides = array<i32>} : memref<2x64x128xf32, #tpu.memory_space<vmem>>, vector<1x1x16xf32>,
      %swap3A_822 = vector.shape_cast %swap3A_821 : vector<1x1x16xf32> to vector<16xf32>
      %swap3A_823 = vector.shape_cast %mul3A_816 : vector<16xf32> to vector<1x1x16xf32>
      tpu.vector_store %arg9[%swap3A_818, %swap3A_819, %swap3A_820], %swap3A_823 {strides = array<i32>} : memref<2x64x128xf32, #tpu.memory_space<vmem>>, vector<1x1x16xf32>,
      %get3A_824 = arith.constant 0 : i32
      %get3A_825 = arith.index_cast %get3A_824 : i32 to index
      %get3A_826 = arith.index_cast %add3A_683 : i32 to index
      %get3A_827 = arith.constant 112 : index
      %get3A_828 = tpu.vector_load %arg7[%get3A_825, %get3A_826, %get3A_827] {strides = array<i32>} : memref<2x64x128xf32, #tpu.memory_space<vmem>>, vector<1x1x16xf32>,
      %get3A_829 = vector.shape_cast %get3A_828 : vector<1x1x16xf32> to vector<16xf32>
      %get3A_830 = arith.constant 0 : i32
      %get3A_831 = arith.index_cast %get3A_830 : i32 to index
      %get3A_832 = arith.index_cast %add3A_683 : i32 to index
      %get3A_833 = arith.constant 112 : index
      %get3A_834 = tpu.vector_load %arg8[%get3A_831, %get3A_832, %get3A_833] {strides = array<i32>} : memref<2x64x128xf32, #tpu.memory_space<vmem>>, vector<1x1x16xf32>,
      %get3A_835 = vector.shape_cast %get3A_834 : vector<1x1x16xf32> to vector<16xf32>
      %mul3A_836 = arith.mulf %get3A_829, %get3A_835 : vector<16xf32>
      %swap3A_837 = arith.constant 0 : i32
      %swap3A_838 = arith.index_cast %swap3A_837 : i32 to index
      %swap3A_839 = arith.index_cast %add3A_683 : i32 to index
      %swap3A_840 = arith.constant 112 : index
      %swap3A_841 = tpu.vector_load %arg9[%swap3A_838, %swap3A_839, %swap3A_840] {strides = array<i32>} : memref<2x64x128xf32, #tpu.memory_space<vmem>>, vector<1x1x16xf32>,
      %swap3A_842 = vector.shape_cast %swap3A_841 : vector<1x1x16xf32> to vector<16xf32>
      %swap3A_843 = vector.shape_cast %mul3A_836 : vector<16xf32> to vector<1x1x16xf32>
      tpu.vector_store %arg9[%swap3A_838, %swap3A_839, %swap3A_840], %swap3A_843 {strides = array<i32>} : memref<2x64x128xf32, #tpu.memory_space<vmem>>, vector<1x1x16xf32>,
      %mul3A_844 = arith.constant 2 : i32
      %mul3A_845 = arith.muli %mul3A_844, %scan3A_678 : i32
      %add3A_846 = arith.constant 1 : i32
      %add3A_847 = arith.addi %mul3A_845, %add3A_846 : i32
      %get3A_848 = arith.constant 0 : i32
      %get3A_849 = arith.index_cast %get3A_848 : i32 to index
      %get3A_850 = arith.index_cast %add3A_847 : i32 to index
      %get3A_851 = arith.constant 0 : index
      %get3A_852 = tpu.vector_load %arg7[%get3A_849, %get3A_850, %get3A_851] {strides = array<i32>} : memref<2x64x128xf32, #tpu.memory_space<vmem>>, vector<1x1x16xf32>,
      %get3A_853 = vector.shape_cast %get3A_852 : vector<1x1x16xf32> to vector<16xf32>
      %get3A_854 = arith.constant 0 : i32
      %get3A_855 = arith.index_cast %get3A_854 : i32 to index
      %get3A_856 = arith.index_cast %add3A_847 : i32 to index
      %get3A_857 = arith.constant 0 : index
      %get3A_858 = tpu.vector_load %arg8[%get3A_855, %get3A_856, %get3A_857] {strides = array<i32>} : memref<2x64x128xf32, #tpu.memory_space<vmem>>, vector<1x1x16xf32>,
      %get3A_859 = vector.shape_cast %get3A_858 : vector<1x1x16xf32> to vector<16xf32>
      %mul3A_860 = arith.mulf %get3A_853, %get3A_859 : vector<16xf32>
      %swap3A_861 = arith.constant 0 : i32
      %swap3A_862 = arith.index_cast %swap3A_861 : i32 to index
      %swap3A_863 = arith.index_cast %add3A_847 : i32 to index
      %swap3A_864 = arith.constant 0 : index
      %swap3A_865 = tpu.vector_load %arg9[%swap3A_862, %swap3A_863, %swap3A_864] {strides = array<i32>} : memref<2x64x128xf32, #tpu.memory_space<vmem>>, vector<1x1x16xf32>,
      %swap3A_866 = vector.shape_cast %swap3A_865 : vector<1x1x16xf32> to vector<16xf32>
      %swap3A_867 = vector.shape_cast %mul3A_860 : vector<16xf32> to vector<1x1x16xf32>
      tpu.vector_store %arg9[%swap3A_862, %swap3A_863, %swap3A_864], %swap3A_867 {strides = array<i32>} : memref<2x64x128xf32, #tpu.memory_space<vmem>>, vector<1x1x16xf32>,
      %get3A_868 = arith.constant 0 : i32
      %get3A_869 = arith.index_cast %get3A_868 : i32 to index
      %get3A_870 = arith.index_cast %add3A_847 : i32 to index
      %get3A_871 = arith.constant 16 : index
      %get3A_872 = tpu.vector_load %arg7[%get3A_869, %get3A_870, %get3A_871] {strides = array<i32>} : memref<2x64x128xf32, #tpu.memory_space<vmem>>, vector<1x1x16xf32>,
      %get3A_873 = vector.shape_cast %get3A_872 : vector<1x1x16xf32> to vector<16xf32>
      %get3A_874 = arith.constant 0 : i32
      %get3A_875 = arith.index_cast %get3A_874 : i32 to index
      %get3A_876 = arith.index_cast %add3A_847 : i32 to index
      %get3A_877 = arith.constant 16 : index
      %get3A_878 = tpu.vector_load %arg8[%get3A_875, %get3A_876, %get3A_877] {strides = array<i32>} : memref<2x64x128xf32, #tpu.memory_space<vmem>>, vector<1x1x16xf32>,
      %get3A_879 = vector.shape_cast %get3A_878 : vector<1x1x16xf32> to vector<16xf32>
      %mul3A_880 = arith.mulf %get3A_873, %get3A_879 : vector<16xf32>
      %swap3A_881 = arith.constant 0 : i32
      %swap3A_882 = arith.index_cast %swap3A_881 : i32 to index
      %swap3A_883 = arith.index_cast %add3A_847 : i32 to index
      %swap3A_884 = arith.constant 16 : index
      %swap3A_885 = tpu.vector_load %arg9[%swap3A_882, %swap3A_883, %swap3A_884] {strides = array<i32>} : memref<2x64x128xf32, #tpu.memory_space<vmem>>, vector<1x1x16xf32>,
      %swap3A_886 = vector.shape_cast %swap3A_885 : vector<1x1x16xf32> to vector<16xf32>
      %swap3A_887 = vector.shape_cast %mul3A_880 : vector<16xf32> to vector<1x1x16xf32>
      tpu.vector_store %arg9[%swap3A_882, %swap3A_883, %swap3A_884], %swap3A_887 {strides = array<i32>} : memref<2x64x128xf32, #tpu.memory_space<vmem>>, vector<1x1x16xf32>,
      %get3A_888 = arith.constant 0 : i32
      %get3A_889 = arith.index_cast %get3A_888 : i32 to index
      %get3A_890 = arith.index_cast %add3A_847 : i32 to index
      %get3A_891 = arith.constant 32 : index
      %get3A_892 = tpu.vector_load %arg7[%get3A_889, %get3A_890, %get3A_891] {strides = array<i32>} : memref<2x64x128xf32, #tpu.memory_space<vmem>>, vector<1x1x16xf32>,
      %get3A_893 = vector.shape_cast %get3A_892 : vector<1x1x16xf32> to vector<16xf32>
      %get3A_894 = arith.constant 0 : i32
      %get3A_895 = arith.index_cast %get3A_894 : i32 to index
      %get3A_896 = arith.index_cast %add3A_847 : i32 to index
      %get3A_897 = arith.constant 32 : index
      %get3A_898 = tpu.vector_load %arg8[%get3A_895, %get3A_896, %get3A_897] {strides = array<i32>} : memref<2x64x128xf32, #tpu.memory_space<vmem>>, vector<1x1x16xf32>,
      %get3A_899 = vector.shape_cast %get3A_898 : vector<1x1x16xf32> to vector<16xf32>
      %mul3A_900 = arith.mulf %get3A_893, %get3A_899 : vector<16xf32>
      %swap3A_901 = arith.constant 0 : i32
      %swap3A_902 = arith.index_cast %swap3A_901 : i32 to index
      %swap3A_903 = arith.index_cast %add3A_847 : i32 to index
      %swap3A_904 = arith.constant 32 : index
      %swap3A_905 = tpu.vector_load %arg9[%swap3A_902, %swap3A_903, %swap3A_904] {strides = array<i32>} : memref<2x64x128xf32, #tpu.memory_space<vmem>>, vector<1x1x16xf32>,
      %swap3A_906 = vector.shape_cast %swap3A_905 : vector<1x1x16xf32> to vector<16xf32>
      %swap3A_907 = vector.shape_cast %mul3A_900 : vector<16xf32> to vector<1x1x16xf32>
      tpu.vector_store %arg9[%swap3A_902, %swap3A_903, %swap3A_904], %swap3A_907 {strides = array<i32>} : memref<2x64x128xf32, #tpu.memory_space<vmem>>, vector<1x1x16xf32>,
      %get3A_908 = arith.constant 0 : i32
      %get3A_909 = arith.index_cast %get3A_908 : i32 to index
      %get3A_910 = arith.index_cast %add3A_847 : i32 to index
      %get3A_911 = arith.constant 48 : index
      %get3A_912 = tpu.vector_load %arg7[%get3A_909, %get3A_910, %get3A_911] {strides = array<i32>} : memref<2x64x128xf32, #tpu.memory_space<vmem>>, vector<1x1x16xf32>,
      %get3A_913 = vector.shape_cast %get3A_912 : vector<1x1x16xf32> to vector<16xf32>
      %get3A_914 = arith.constant 0 : i32
      %get3A_915 = arith.index_cast %get3A_914 : i32 to index
      %get3A_916 = arith.index_cast %add3A_847 : i32 to index
      %get3A_917 = arith.constant 48 : index
      %get3A_918 = tpu.vector_load %arg8[%get3A_915, %get3A_916, %get3A_917] {strides = array<i32>} : memref<2x64x128xf32, #tpu.memory_space<vmem>>, vector<1x1x16xf32>,
      %get3A_919 = vector.shape_cast %get3A_918 : vector<1x1x16xf32> to vector<16xf32>
      %mul3A_920 = arith.mulf %get3A_913, %get3A_919 : vector<16xf32>
      %swap3A_921 = arith.constant 0 : i32
      %swap3A_922 = arith.index_cast %swap3A_921 : i32 to index
      %swap3A_923 = arith.index_cast %add3A_847 : i32 to index
      %swap3A_924 = arith.constant 48 : index
      %swap3A_925 = tpu.vector_load %arg9[%swap3A_922, %swap3A_923, %swap3A_924] {strides = array<i32>} : memref<2x64x128xf32, #tpu.memory_space<vmem>>, vector<1x1x16xf32>,
      %swap3A_926 = vector.shape_cast %swap3A_925 : vector<1x1x16xf32> to vector<16xf32>
      %swap3A_927 = vector.shape_cast %mul3A_920 : vector<16xf32> to vector<1x1x16xf32>
      tpu.vector_store %arg9[%swap3A_922, %swap3A_923, %swap3A_924], %swap3A_927 {strides = array<i32>} : memref<2x64x128xf32, #tpu.memory_space<vmem>>, vector<1x1x16xf32>,
      %get3A_928 = arith.constant 0 : i32
      %get3A_929 = arith.index_cast %get3A_928 : i32 to index
      %get3A_930 = arith.index_cast %add3A_847 : i32 to index
      %get3A_931 = arith.constant 64 : index
      %get3A_932 = tpu.vector_load %arg7[%get3A_929, %get3A_930, %get3A_931] {strides = array<i32>} : memref<2x64x128xf32, #tpu.memory_space<vmem>>, vector<1x1x16xf32>,
      %get3A_933 = vector.shape_cast %get3A_932 : vector<1x1x16xf32> to vector<16xf32>
      %get3A_934 = arith.constant 0 : i32
      %get3A_935 = arith.index_cast %get3A_934 : i32 to index
      %get3A_936 = arith.index_cast %add3A_847 : i32 to index
      %get3A_937 = arith.constant 64 : index
      %get3A_938 = tpu.vector_load %arg8[%get3A_935, %get3A_936, %get3A_937] {strides = array<i32>} : memref<2x64x128xf32, #tpu.memory_space<vmem>>, vector<1x1x16xf32>,
      %get3A_939 = vector.shape_cast %get3A_938 : vector<1x1x16xf32> to vector<16xf32>
      %mul3A_940 = arith.mulf %get3A_933, %get3A_939 : vector<16xf32>
      %swap3A_941 = arith.constant 0 : i32
      %swap3A_942 = arith.index_cast %swap3A_941 : i32 to index
      %swap3A_943 = arith.index_cast %add3A_847 : i32 to index
      %swap3A_944 = arith.constant 64 : index
      %swap3A_945 = tpu.vector_load %arg9[%swap3A_942, %swap3A_943, %swap3A_944] {strides = array<i32>} : memref<2x64x128xf32, #tpu.memory_space<vmem>>, vector<1x1x16xf32>,
      %swap3A_946 = vector.shape_cast %swap3A_945 : vector<1x1x16xf32> to vector<16xf32>
      %swap3A_947 = vector.shape_cast %mul3A_940 : vector<16xf32> to vector<1x1x16xf32>
      tpu.vector_store %arg9[%swap3A_942, %swap3A_943, %swap3A_944], %swap3A_947 {strides = array<i32>} : memref<2x64x128xf32, #tpu.memory_space<vmem>>, vector<1x1x16xf32>,
      %get3A_948 = arith.constant 0 : i32
      %get3A_949 = arith.index_cast %get3A_948 : i32 to index
      %get3A_950 = arith.index_cast %add3A_847 : i32 to index
      %get3A_951 = arith.constant 80 : index
      %get3A_952 = tpu.vector_load %arg7[%get3A_949, %get3A_950, %get3A_951] {strides = array<i32>} : memref<2x64x128xf32, #tpu.memory_space<vmem>>, vector<1x1x16xf32>,
      %get3A_953 = vector.shape_cast %get3A_952 : vector<1x1x16xf32> to vector<16xf32>
      %get3A_954 = arith.constant 0 : i32
      %get3A_955 = arith.index_cast %get3A_954 : i32 to index
      %get3A_956 = arith.index_cast %add3A_847 : i32 to index
      %get3A_957 = arith.constant 80 : index
      %get3A_958 = tpu.vector_load %arg8[%get3A_955, %get3A_956, %get3A_957] {strides = array<i32>} : memref<2x64x128xf32, #tpu.memory_space<vmem>>, vector<1x1x16xf32>,
      %get3A_959 = vector.shape_cast %get3A_958 : vector<1x1x16xf32> to vector<16xf32>
      %mul3A_960 = arith.mulf %get3A_953, %get3A_959 : vector<16xf32>
      %swap3A_961 = arith.constant 0 : i32
      %swap3A_962 = arith.index_cast %swap3A_961 : i32 to index
      %swap3A_963 = arith.index_cast %add3A_847 : i32 to index
      %swap3A_964 = arith.constant 80 : index
      %swap3A_965 = tpu.vector_load %arg9[%swap3A_962, %swap3A_963, %swap3A_964] {strides = array<i32>} : memref<2x64x128xf32, #tpu.memory_space<vmem>>, vector<1x1x16xf32>,
      %swap3A_966 = vector.shape_cast %swap3A_965 : vector<1x1x16xf32> to vector<16xf32>
      %swap3A_967 = vector.shape_cast %mul3A_960 : vector<16xf32> to vector<1x1x16xf32>
      tpu.vector_store %arg9[%swap3A_962, %swap3A_963, %swap3A_964], %swap3A_967 {strides = array<i32>} : memref<2x64x128xf32, #tpu.memory_space<vmem>>, vector<1x1x16xf32>,
      %get3A_968 = arith.constant 0 : i32
      %get3A_969 = arith.index_cast %get3A_968 : i32 to index
      %get3A_970 = arith.index_cast %add3A_847 : i32 to index
      %get3A_971 = arith.constant 96 : index
      %get3A_972 = tpu.vector_load %arg7[%get3A_969, %get3A_970, %get3A_971] {strides = array<i32>} : memref<2x64x128xf32, #tpu.memory_space<vmem>>, vector<1x1x16xf32>,
      %get3A_973 = vector.shape_cast %get3A_972 : vector<1x1x16xf32> to vector<16xf32>
      %get3A_974 = arith.constant 0 : i32
      %get3A_975 = arith.index_cast %get3A_974 : i32 to index
      %get3A_976 = arith.index_cast %add3A_847 : i32 to index
      %get3A_977 = arith.constant 96 : index
      %get3A_978 = tpu.vector_load %arg8[%get3A_975, %get3A_976, %get3A_977] {strides = array<i32>} : memref<2x64x128xf32, #tpu.memory_space<vmem>>, vector<1x1x16xf32>,
      %get3A_979 = vector.shape_cast %get3A_978 : vector<1x1x16xf32> to vector<16xf32>
      %mul3A_980 = arith.mulf %get3A_973, %get3A_979 : vector<16xf32>
      %swap3A_981 = arith.constant 0 : i32
      %swap3A_982 = arith.index_cast %swap3A_981 : i32 to index
      %swap3A_983 = arith.index_cast %add3A_847 : i32 to index
      %swap3A_984 = arith.constant 96 : index
      %swap3A_985 = tpu.vector_load %arg9[%swap3A_982, %swap3A_983, %swap3A_984] {strides = array<i32>} : memref<2x64x128xf32, #tpu.memory_space<vmem>>, vector<1x1x16xf32>,
      %swap3A_986 = vector.shape_cast %swap3A_985 : vector<1x1x16xf32> to vector<16xf32>
      %swap3A_987 = vector.shape_cast %mul3A_980 : vector<16xf32> to vector<1x1x16xf32>
      tpu.vector_store %arg9[%swap3A_982, %swap3A_983, %swap3A_984], %swap3A_987 {strides = array<i32>} : memref<2x64x128xf32, #tpu.memory_space<vmem>>, vector<1x1x16xf32>,
      %get3A_988 = arith.constant 0 : i32
      %get3A_989 = arith.index_cast %get3A_988 : i32 to index
      %get3A_990 = arith.index_cast %add3A_847 : i32 to index
      %get3A_991 = arith.constant 112 : index
      %get3A_992 = tpu.vector_load %arg7[%get3A_989, %get3A_990, %get3A_991] {strides = array<i32>} : memref<2x64x128xf32, #tpu.memory_space<vmem>>, vector<1x1x16xf32>,
      %get3A_993 = vector.shape_cast %get3A_992 : vector<1x1x16xf32> to vector<16xf32>
      %get3A_994 = arith.constant 0 : i32
      %get3A_995 = arith.index_cast %get3A_994 : i32 to index
      %get3A_996 = arith.index_cast %add3A_847 : i32 to index
      %get3A_997 = arith.constant 112 : index
      %get3A_998 = tpu.vector_load %arg8[%get3A_995, %get3A_996, %get3A_997] {strides = array<i32>} : memref<2x64x128xf32, #tpu.memory_space<vmem>>, vector<1x1x16xf32>,
      %get3A_999 = vector.shape_cast %get3A_998 : vector<1x1x16xf32> to vector<16xf32>
      %mul3A_1000 = arith.mulf %get3A_993, %get3A_999 : vector<16xf32>
      %swap3A_1001 = arith.constant 0 : i32
      %swap3A_1002 = arith.index_cast %swap3A_1001 : i32 to index
      %swap3A_1003 = arith.index_cast %add3A_847 : i32 to index
      %swap3A_1004 = arith.constant 112 : index
      %swap3A_1005 = tpu.vector_load %arg9[%swap3A_1002, %swap3A_1003, %swap3A_1004] {strides = array<i32>} : memref<2x64x128xf32, #tpu.memory_space<vmem>>, vector<1x1x16xf32>,
      %swap3A_1006 = vector.shape_cast %swap3A_1005 : vector<1x1x16xf32> to vector<16xf32>
      %swap3A_1007 = vector.shape_cast %mul3A_1000 : vector<16xf32> to vector<1x1x16xf32>
      tpu.vector_store %arg9[%swap3A_1002, %swap3A_1003, %swap3A_1004], %swap3A_1007 {strides = array<i32>} : memref<2x64x128xf32, #tpu.memory_space<vmem>>, vector<1x1x16xf32>,
      %scan3A_1008 = arith.constant 0 : i32
      scf.yield %scan3A_1008 : i32
    }
    %scan3A_526 = arith.constant 32 : i32
    %run_scoped3A_527 = arith.constant 0 : i32
    %run_scoped3A_528 = arith.constant 0 : i32
    "tpu.region"() ({
      %run_scoped3A_678 = tpu.sem_alloc : memref<!tpu.dma_semaphore, #tpu.memory_space<semaphore_mem>>
      %dma_start3A_679 = arith.constant 0 : i32
      %dma_start3A_680 = arith.constant 0 : i32
      %dma_start3A_681 = tpu.memref_slice %arg9[%run_scoped3A_527, %dma_start3A_679, %dma_start3A_680] : memref<2x64x128xf32, #tpu.memory_space<vmem>> -> memref<1x64x128xf32, #tpu.memory_space<vmem>>
      %dma_start3A_682 = tpu.memref_squeeze %dma_start3A_681 : memref<1x64x128xf32, #tpu.memory_space<vmem>> -> memref<64x128xf32, #tpu.memory_space<vmem>>
      %dma_start3A_683 = arith.constant 0 : i32
      %dma_start3A_684 = tpu.memref_slice %arg10[%run_scoped3A_528, %dma_start3A_683] : memref<2x64xi32, #tpu.memory_space<vmem>> -> memref<1x64xi32, #tpu.memory_space<vmem>>
      %dma_start3A_685 = tpu.memref_squeeze %dma_start3A_684 : memref<1x64xi32, #tpu.memory_space<vmem>> -> memref<64xi32, #tpu.memory_space<vmem>>
      %dma_start3A_686 = arith.constant 0 : i32
      %dma_start3A_687 = arith.constant 0 : i32
      %dma_start3A_688 = tpu.memref_slice %arg11[%dma_start3A_686, %dma_start3A_687] : memref<10112x128xf32, #tpu.memory_space<vmem_shared>> -> memref<10112x128xf32, #tpu.memory_space<vmem_shared>>
      tpu.enqueue_indirect_dma source(%dma_start3A_682 : memref<64x128xf32, #tpu.memory_space<vmem>>) target(%dma_start3A_688 : memref<10112x128xf32, #tpu.memory_space<vmem_shared>>) offsets(%dma_start3A_685 : memref<64xi32, #tpu.memory_space<vmem>>) semaphore(%run_scoped3A_678 : memref<!tpu.dma_semaphore, #tpu.memory_space<semaphore_mem>>) {add = true}
      %dma_wait3A_689 = arith.constant 0 : i32
      %dma_wait3A_690 = arith.constant 0 : i32
      %dma_wait3A_691 = tpu.memref_slice %arg9[%run_scoped3A_527, %dma_wait3A_689, %dma_wait3A_690] : memref<2x64x128xf32, #tpu.memory_space<vmem>> -> memref<1x64x128xf32, #tpu.memory_space<vmem>>
      %dma_wait3A_692 = tpu.memref_squeeze %dma_wait3A_691 : memref<1x64x128xf32, #tpu.memory_space<vmem>> -> memref<64x128xf32, #tpu.memory_space<vmem>>
      %dma_wait3A_693 = arith.constant 0 : i32
      %dma_wait3A_694 = tpu.memref_slice %arg10[%run_scoped3A_528, %dma_wait3A_693] : memref<2x64xi32, #tpu.memory_space<vmem>> -> memref<1x64xi32, #tpu.memory_space<vmem>>
      %dma_wait3A_695 = tpu.memref_squeeze %dma_wait3A_694 : memref<1x64xi32, #tpu.memory_space<vmem>> -> memref<64xi32, #tpu.memory_space<vmem>>
      %dma_wait3A_696 = arith.constant 0 : i32
      %dma_wait3A_697 = arith.constant 0 : i32
      %dma_wait3A_698 = tpu.memref_slice %arg11[%dma_wait3A_696, %dma_wait3A_697] : memref<10112x128xf32, #tpu.memory_space<vmem_shared>> -> memref<10112x128xf32, #tpu.memory_space<vmem_shared>>
      tpu.wait_indirect_dma semaphore(%run_scoped3A_678 : memref<!tpu.dma_semaphore, #tpu.memory_space<semaphore_mem>>) src(%dma_wait3A_692 : memref<64x128xf32, #tpu.memory_space<vmem>>) dst(%dma_wait3A_698 : memref<10112x128xf32, #tpu.memory_space<vmem_shared>>)
      tpu.yield
    }) : () -> ()
    %dma_wait3A_529 = arith.constant 1 : i32
    %dma_wait3A_530 = arith.constant 0 : i32
    %dma_wait3A_531 = arith.constant 0 : i32
    %dma_wait3A_532 = tpu.memref_slice %arg6[%dma_wait3A_529, %dma_wait3A_530, %dma_wait3A_531] : memref<2x2x64xi32, #tpu.memory_space<vmem>> -> memref<1x2x64xi32, #tpu.memory_space<vmem>>
    %dma_wait3A_533 = tpu.memref_squeeze %dma_wait3A_532 : memref<1x2x64xi32, #tpu.memory_space<vmem>> -> memref<2x64xi32, #tpu.memory_space<vmem>>
    %dma_wait3A_534 = arith.constant 0 : i32
    %dma_wait3A_535 = arith.constant 0 : i32
    %dma_wait3A_536 = tpu.memref_slice %arg3[%mul3A_2, %dma_wait3A_534, %dma_wait3A_535] : memref<5056x2x64xi32, #tpu.memory_space<hbm>> -> memref<1x2x64xi32, #tpu.memory_space<hbm>>
    %dma_wait3A_537 = tpu.memref_squeeze %dma_wait3A_536 : memref<1x2x64xi32, #tpu.memory_space<hbm>> -> memref<2x64xi32, #tpu.memory_space<hbm>>
    %dma_wait3A_538 = arith.constant 0 : i32
    %dma_wait3A_539 = arith.constant 0 : i32
    %dma_wait3A_540 = tpu.memref_slice %arg6[%dma_wait3A_529, %dma_wait3A_538, %dma_wait3A_539] : memref<2x2x64xi32, #tpu.memory_space<vmem>> -> memref<1x2x64xi32, #tpu.memory_space<vmem>>
    %dma_wait3A_541 = tpu.memref_squeeze %dma_wait3A_540 : memref<1x2x64xi32, #tpu.memory_space<vmem>> -> memref<2x64xi32, #tpu.memory_space<vmem>>
    %dma_wait3A_542 = arith.constant 0 : i32
    %dma_wait3A_543 = arith.constant 0 : i32
    %dma_wait3A_544 = tpu.memref_slice %arg3[%mul3A_2, %dma_wait3A_542, %dma_wait3A_543] : memref<5056x2x64xi32, #tpu.memory_space<hbm>> -> memref<1x2x64xi32, #tpu.memory_space<hbm>>
    %dma_wait3A_545 = tpu.memref_squeeze %dma_wait3A_544 : memref<1x2x64xi32, #tpu.memory_space<hbm>> -> memref<2x64xi32, #tpu.memory_space<hbm>>
    tpu.wait_dma2 semaphore(%arg13 : memref<!tpu.dma_semaphore, #tpu.memory_space<semaphore_mem>>) src(%dma_wait3A_545 : memref<2x64xi32, #tpu.memory_space<hbm>>) dst(%dma_wait3A_541 : memref<2x64xi32, #tpu.memory_space<vmem>>)
    %dma_start3A_546 = arith.constant 1 : i32
    %dma_start3A_547 = arith.constant 0 : i32
    %dma_start3A_548 = arith.constant 1 : i32
    %dma_start3A_549 = arith.constant 0 : i32
    %dma_start3A_550 = arith.constant 0 : i32
    %dma_start3A_551 = tpu.memref_slice %arg7[%dma_start3A_548, %dma_start3A_549, %dma_start3A_550] : memref<2x64x128xf32, #tpu.memory_space<vmem>> -> memref<1x64x128xf32, #tpu.memory_space<vmem>>
    %dma_start3A_552 = tpu.memref_squeeze %dma_start3A_551 : memref<1x64x128xf32, #tpu.memory_space<vmem>> -> memref<64x128xf32, #tpu.memory_space<vmem>>
    %dma_start3A_553 = arith.constant 0 : i32
    %dma_start3A_554 = tpu.memref_slice %arg6[%dma_start3A_546, %dma_start3A_547, %dma_start3A_553] : memref<2x2x64xi32, #tpu.memory_space<vmem>> -> memref<1x1x64xi32, #tpu.memory_space<vmem>>
    %dma_start3A_555 = tpu.memref_squeeze %dma_start3A_554 : memref<1x1x64xi32, #tpu.memory_space<vmem>> -> memref<64xi32, #tpu.memory_space<vmem>>
    %dma_start3A_556 = arith.constant 0 : i32
    %dma_start3A_557 = arith.constant 0 : i32
    %dma_start3A_558 = tpu.memref_slice %arg2[%dma_start3A_556, %dma_start3A_557] : memref<10000x128xf32, #tpu.memory_space<hbm>> -> memref<10000x128xf32, #tpu.memory_space<hbm>>
    tpu.enqueue_indirect_dma source(%dma_start3A_558 : memref<10000x128xf32, #tpu.memory_space<hbm>>) target(%dma_start3A_552 : memref<64x128xf32, #tpu.memory_space<vmem>>) offsets(%dma_start3A_555 : memref<64xi32, #tpu.memory_space<vmem>>) semaphore(%arg15 : memref<!tpu.dma_semaphore, #tpu.memory_space<semaphore_mem>>)
    %add3A_559 = arith.constant 157 : i32
    %add3A_560 = arith.addi %mul3A_2, %add3A_559 : i32
    %mul3A_561 = arith.constant 64 : i32
    %mul3A_562 = arith.muli %add3A_560, %mul3A_561 : i32
    %dma_start3A_563 = arith.constant 1 : i32
    %dma_start3A_564 = arith.constant 0 : i32
    %dma_start3A_565 = arith.constant 0 : i32
    %dma_start3A_566 = tpu.memref_slice %arg8[%dma_start3A_563, %dma_start3A_564, %dma_start3A_565] : memref<2x64x128xf32, #tpu.memory_space<vmem>> -> memref<1x64x128xf32, #tpu.memory_space<vmem>>
    %dma_start3A_567 = tpu.memref_squeeze %dma_start3A_566 : memref<1x64x128xf32, #tpu.memory_space<vmem>> -> memref<64x128xf32, #tpu.memory_space<vmem>>
    %dma_start3A_568 = arith.constant 0 : i32
    %dma_start3A_569 = tpu.memref_slice %arg4[%mul3A_562, %dma_start3A_568] : memref<323584x128xf32, #tpu.memory_space<hbm>> -> memref<64x128xf32, #tpu.memory_space<hbm>>
    %dma_start3A_570 = arith.constant 0 : i32
    %dma_start3A_571 = arith.constant 0 : i32
    %dma_start3A_572 = tpu.memref_slice %arg8[%dma_start3A_563, %dma_start3A_570, %dma_start3A_571] : memref<2x64x128xf32, #tpu.memory_space<vmem>> -> memref<1x64x128xf32, #tpu.memory_space<vmem>>
    %dma_start3A_573 = tpu.memref_squeeze %dma_start3A_572 : memref<1x64x128xf32, #tpu.memory_space<vmem>> -> memref<64x128xf32, #tpu.memory_space<vmem>>
    %dma_start3A_574 = arith.constant 0 : i32
    %dma_start3A_575 = tpu.memref_slice %arg4[%mul3A_562, %dma_start3A_574] : memref<323584x128xf32, #tpu.memory_space<hbm>> -> memref<64x128xf32, #tpu.memory_space<hbm>>
    tpu.enqueue_dma source(%dma_start3A_575 : memref<64x128xf32, #tpu.memory_space<hbm>>) target(%dma_start3A_573 : memref<64x128xf32, #tpu.memory_space<vmem>>) target_semaphore(%arg17 : memref<!tpu.dma_semaphore, #tpu.memory_space<semaphore_mem>>)
    %dma_wait3A_576 = arith.constant 1 : i32
    %dma_wait3A_577 = arith.constant 0 : i32
    %dma_wait3A_578 = arith.constant 1 : i32
    %dma_wait3A_579 = arith.constant 0 : i32
    %dma_wait3A_580 = arith.constant 0 : i32
    %dma_wait3A_581 = tpu.memref_slice %arg7[%dma_wait3A_578, %dma_wait3A_579, %dma_wait3A_580] : memref<2x64x128xf32, #tpu.memory_space<vmem>> -> memref<1x64x128xf32, #tpu.memory_space<vmem>>
    %dma_wait3A_582 = tpu.memref_squeeze %dma_wait3A_581 : memref<1x64x128xf32, #tpu.memory_space<vmem>> -> memref<64x128xf32, #tpu.memory_space<vmem>>
    %dma_wait3A_583 = arith.constant 0 : i32
    %dma_wait3A_584 = tpu.memref_slice %arg6[%dma_wait3A_576, %dma_wait3A_577, %dma_wait3A_583] : memref<2x2x64xi32, #tpu.memory_space<vmem>> -> memref<1x1x64xi32, #tpu.memory_space<vmem>>
    %dma_wait3A_585 = tpu.memref_squeeze %dma_wait3A_584 : memref<1x1x64xi32, #tpu.memory_space<vmem>> -> memref<64xi32, #tpu.memory_space<vmem>>
    %dma_wait3A_586 = arith.constant 0 : i32
    %dma_wait3A_587 = arith.constant 0 : i32
    %dma_wait3A_588 = tpu.memref_slice %arg2[%dma_wait3A_586, %dma_wait3A_587] : memref<10000x128xf32, #tpu.memory_space<hbm>> -> memref<10000x128xf32, #tpu.memory_space<hbm>>
    tpu.wait_indirect_dma semaphore(%arg15 : memref<!tpu.dma_semaphore, #tpu.memory_space<semaphore_mem>>) src(%dma_wait3A_588 : memref<10000x128xf32, #tpu.memory_space<hbm>>) dst(%dma_wait3A_582 : memref<64x128xf32, #tpu.memory_space<vmem>>)
    %dma_wait3A_589 = arith.constant 1 : i32
    %dma_wait3A_590 = arith.constant 0 : i32
    %dma_wait3A_591 = arith.constant 0 : i32
    %dma_wait3A_592 = tpu.memref_slice %arg8[%dma_wait3A_589, %dma_wait3A_590, %dma_wait3A_591] : memref<2x64x128xf32, #tpu.memory_space<vmem>> -> memref<1x64x128xf32, #tpu.memory_space<vmem>>
    %dma_wait3A_593 = tpu.memref_squeeze %dma_wait3A_592 : memref<1x64x128xf32, #tpu.memory_space<vmem>> -> memref<64x128xf32, #tpu.memory_space<vmem>>
    %dma_wait3A_594 = arith.constant 0 : i32
    %dma_wait3A_595 = arith.constant 0 : i32
    %dma_wait3A_596 = tpu.memref_slice %arg4[%dma_wait3A_594, %dma_wait3A_595] : memref<323584x128xf32, #tpu.memory_space<hbm>> -> memref<64x128xf32, #tpu.memory_space<hbm>>
    %dma_wait3A_597 = arith.constant 0 : i32
    %dma_wait3A_598 = arith.constant 0 : i32
    %dma_wait3A_599 = tpu.memref_slice %arg8[%dma_wait3A_589, %dma_wait3A_597, %dma_wait3A_598] : memref<2x64x128xf32, #tpu.memory_space<vmem>> -> memref<1x64x128xf32, #tpu.memory_space<vmem>>
    %dma_wait3A_600 = tpu.memref_squeeze %dma_wait3A_599 : memref<1x64x128xf32, #tpu.memory_space<vmem>> -> memref<64x128xf32, #tpu.memory_space<vmem>>
    %dma_wait3A_601 = arith.constant 0 : i32
    %dma_wait3A_602 = arith.constant 0 : i32
    %dma_wait3A_603 = tpu.memref_slice %arg4[%dma_wait3A_601, %dma_wait3A_602] : memref<323584x128xf32, #tpu.memory_space<hbm>> -> memref<64x128xf32, #tpu.memory_space<hbm>>
    tpu.wait_dma2 semaphore(%arg17 : memref<!tpu.dma_semaphore, #tpu.memory_space<semaphore_mem>>) src(%dma_wait3A_603 : memref<64x128xf32, #tpu.memory_space<hbm>>) dst(%dma_wait3A_600 : memref<64x128xf32, #tpu.memory_space<vmem>>)
    %dma_wait3A_604 = arith.constant 1 : i32
    %dma_wait3A_605 = arith.constant 1 : i32
    %dma_wait3A_606 = arith.constant 0 : i32
    %dma_wait3A_607 = arith.constant 0 : i32
    %dma_wait3A_608 = tpu.memref_slice %arg9[%dma_wait3A_604, %dma_wait3A_606, %dma_wait3A_607] : memref<2x64x128xf32, #tpu.memory_space<vmem>> -> memref<1x64x128xf32, #tpu.memory_space<vmem>>
    %dma_wait3A_609 = tpu.memref_squeeze %dma_wait3A_608 : memref<1x64x128xf32, #tpu.memory_space<vmem>> -> memref<64x128xf32, #tpu.memory_space<vmem>>
    %dma_wait3A_610 = arith.constant 0 : i32
    %dma_wait3A_611 = tpu.memref_slice %arg10[%dma_wait3A_605, %dma_wait3A_610] : memref<2x64xi32, #tpu.memory_space<vmem>> -> memref<1x64xi32, #tpu.memory_space<vmem>>
    %dma_wait3A_612 = tpu.memref_squeeze %dma_wait3A_611 : memref<1x64xi32, #tpu.memory_space<vmem>> -> memref<64xi32, #tpu.memory_space<vmem>>
    %dma_wait3A_613 = arith.constant 0 : i32
    %dma_wait3A_614 = arith.constant 0 : i32
    %dma_wait3A_615 = tpu.memref_slice %arg11[%dma_wait3A_613, %dma_wait3A_614] : memref<10112x128xf32, #tpu.memory_space<vmem_shared>> -> memref<10112x128xf32, #tpu.memory_space<vmem_shared>>
    tpu.wait_indirect_dma semaphore(%arg19 : memref<!tpu.dma_semaphore, #tpu.memory_space<semaphore_mem>>) src(%dma_wait3A_609 : memref<64x128xf32, #tpu.memory_space<vmem>>) dst(%dma_wait3A_615 : memref<10112x128xf32, #tpu.memory_space<vmem_shared>>)
    %get3A_616 = arith.constant 1 : i32
    %get3A_617 = arith.constant 1 : i32
    %get3A_618 = arith.index_cast %get3A_616 : i32 to index
    %get3A_619 = arith.index_cast %get3A_617 : i32 to index
    %get3A_620 = arith.constant 0 : index
    %get3A_621 = tpu.vector_load %arg6[%get3A_618, %get3A_619, %get3A_620] {strides = array<i32>} : memref<2x2x64xi32, #tpu.memory_space<vmem>>, vector<1x1x16xi32>,
    %get3A_622 = vector.shape_cast %get3A_621 : vector<1x1x16xi32> to vector<16xi32>
    %swap3A_623 = arith.constant 1 : i32
    %swap3A_624 = arith.index_cast %swap3A_623 : i32 to index
    %swap3A_625 = arith.constant 0 : index
    %swap3A_626 = tpu.vector_load %arg10[%swap3A_624, %swap3A_625] {strides = array<i32>} : memref<2x64xi32, #tpu.memory_space<vmem>>, vector<1x16xi32>,
    %swap3A_627 = vector.shape_cast %swap3A_626 : vector<1x16xi32> to vector<16xi32>
    %swap3A_628 = vector.shape_cast %get3A_622 : vector<16xi32> to vector<1x16xi32>
    tpu.vector_store %arg10[%swap3A_624, %swap3A_625], %swap3A_628 {strides = array<i32>} : memref<2x64xi32, #tpu.memory_space<vmem>>, vector<1x16xi32>,
    %get3A_629 = arith.constant 1 : i32
    %get3A_630 = arith.constant 1 : i32
    %get3A_631 = arith.index_cast %get3A_629 : i32 to index
    %get3A_632 = arith.index_cast %get3A_630 : i32 to index
    %get3A_633 = arith.constant 16 : index
    %get3A_634 = tpu.vector_load %arg6[%get3A_631, %get3A_632, %get3A_633] {strides = array<i32>} : memref<2x2x64xi32, #tpu.memory_space<vmem>>, vector<1x1x16xi32>,
    %get3A_635 = vector.shape_cast %get3A_634 : vector<1x1x16xi32> to vector<16xi32>
    %swap3A_636 = arith.constant 1 : i32
    %swap3A_637 = arith.index_cast %swap3A_636 : i32 to index
    %swap3A_638 = arith.constant 16 : index
    %swap3A_639 = tpu.vector_load %arg10[%swap3A_637, %swap3A_638] {strides = array<i32>} : memref<2x64xi32, #tpu.memory_space<vmem>>, vector<1x16xi32>,
    %swap3A_640 = vector.shape_cast %swap3A_639 : vector<1x16xi32> to vector<16xi32>
    %swap3A_641 = vector.shape_cast %get3A_635 : vector<16xi32> to vector<1x16xi32>
    tpu.vector_store %arg10[%swap3A_637, %swap3A_638], %swap3A_641 {strides = array<i32>} : memref<2x64xi32, #tpu.memory_space<vmem>>, vector<1x16xi32>,
    %get3A_642 = arith.constant 1 : i32
    %get3A_643 = arith.constant 1 : i32
    %get3A_644 = arith.index_cast %get3A_642 : i32 to index
    %get3A_645 = arith.index_cast %get3A_643 : i32 to index
    %get3A_646 = arith.constant 32 : index
    %get3A_647 = tpu.vector_load %arg6[%get3A_644, %get3A_645, %get3A_646] {strides = array<i32>} : memref<2x2x64xi32, #tpu.memory_space<vmem>>, vector<1x1x16xi32>,
    %get3A_648 = vector.shape_cast %get3A_647 : vector<1x1x16xi32> to vector<16xi32>
    %swap3A_649 = arith.constant 1 : i32
    %swap3A_650 = arith.index_cast %swap3A_649 : i32 to index
    %swap3A_651 = arith.constant 32 : index
    %swap3A_652 = tpu.vector_load %arg10[%swap3A_650, %swap3A_651] {strides = array<i32>} : memref<2x64xi32, #tpu.memory_space<vmem>>, vector<1x16xi32>,
    %swap3A_653 = vector.shape_cast %swap3A_652 : vector<1x16xi32> to vector<16xi32>
    %swap3A_654 = vector.shape_cast %get3A_648 : vector<16xi32> to vector<1x16xi32>
    tpu.vector_store %arg10[%swap3A_650, %swap3A_651], %swap3A_654 {strides = array<i32>} : memref<2x64xi32, #tpu.memory_space<vmem>>, vector<1x16xi32>,
    %get3A_655 = arith.constant 1 : i32
    %get3A_656 = arith.constant 1 : i32
    %get3A_657 = arith.index_cast %get3A_655 : i32 to index
    %get3A_658 = arith.index_cast %get3A_656 : i32 to index
    %get3A_659 = arith.constant 48 : index
    %get3A_660 = tpu.vector_load %arg6[%get3A_657, %get3A_658, %get3A_659] {strides = array<i32>} : memref<2x2x64xi32, #tpu.memory_space<vmem>>, vector<1x1x16xi32>,
    %get3A_661 = vector.shape_cast %get3A_660 : vector<1x1x16xi32> to vector<16xi32>
    %swap3A_662 = arith.constant 1 : i32
    %swap3A_663 = arith.index_cast %swap3A_662 : i32 to index
    %swap3A_664 = arith.constant 48 : index
    %swap3A_665 = tpu.vector_load %arg10[%swap3A_663, %swap3A_664] {strides = array<i32>} : memref<2x64xi32, #tpu.memory_space<vmem>>, vector<1x16xi32>,
    %swap3A_666 = vector.shape_cast %swap3A_665 : vector<1x16xi32> to vector<16xi32>
    %swap3A_667 = vector.shape_cast %get3A_661 : vector<16xi32> to vector<1x16xi32>
    tpu.vector_store %arg10[%swap3A_663, %swap3A_664], %swap3A_667 {strides = array<i32>} : memref<2x64xi32, #tpu.memory_space<vmem>>, vector<1x16xi32>,
    %scan3A_668 = arith.constant 0 : i32
    %scan3A_669 = arith.constant 0 : i32
    %scan3A_670 = arith.constant 32 : i32
    %scan3A_671 = arith.addi %scan3A_669, %scan3A_670 : i32
    %scan3A_672 = arith.constant 1 : i32
    %scan3A_673 = scf.for %scan3A_678 = %scan3A_669 to %scan3A_671 step %scan3A_672 iter_args(%scan3A_679 = %scan3A_668) -> (i32)  : i32 {
      %mul3A_680 = arith.constant 2 : i32
      %mul3A_681 = arith.muli %mul3A_680, %scan3A_678 : i32
      %add3A_682 = arith.constant 0 : i32
      %add3A_683 = arith.addi %mul3A_681, %add3A_682 : i32
      %get3A_684 = arith.constant 1 : i32
      %get3A_685 = arith.index_cast %get3A_684 : i32 to index
      %get3A_686 = arith.index_cast %add3A_683 : i32 to index
      %get3A_687 = arith.constant 0 : index
      %get3A_688 = tpu.vector_load %arg7[%get3A_685, %get3A_686, %get3A_687] {strides = array<i32>} : memref<2x64x128xf32, #tpu.memory_space<vmem>>, vector<1x1x16xf32>,
      %get3A_689 = vector.shape_cast %get3A_688 : vector<1x1x16xf32> to vector<16xf32>
      %get3A_690 = arith.constant 1 : i32
      %get3A_691 = arith.index_cast %get3A_690 : i32 to index
      %get3A_692 = arith.index_cast %add3A_683 : i32 to index
      %get3A_693 = arith.constant 0 : index
      %get3A_694 = tpu.vector_load %arg8[%get3A_691, %get3A_692, %get3A_693] {strides = array<i32>} : memref<2x64x128xf32, #tpu.memory_space<vmem>>, vector<1x1x16xf32>,
      %get3A_695 = vector.shape_cast %get3A_694 : vector<1x1x16xf32> to vector<16xf32>
      %mul3A_696 = arith.mulf %get3A_689, %get3A_695 : vector<16xf32>
      %swap3A_697 = arith.constant 1 : i32
      %swap3A_698 = arith.index_cast %swap3A_697 : i32 to index
      %swap3A_699 = arith.index_cast %add3A_683 : i32 to index
      %swap3A_700 = arith.constant 0 : index
      %swap3A_701 = tpu.vector_load %arg9[%swap3A_698, %swap3A_699, %swap3A_700] {strides = array<i32>} : memref<2x64x128xf32, #tpu.memory_space<vmem>>, vector<1x1x16xf32>,
      %swap3A_702 = vector.shape_cast %swap3A_701 : vector<1x1x16xf32> to vector<16xf32>
      %swap3A_703 = vector.shape_cast %mul3A_696 : vector<16xf32> to vector<1x1x16xf32>
      tpu.vector_store %arg9[%swap3A_698, %swap3A_699, %swap3A_700], %swap3A_703 {strides = array<i32>} : memref<2x64x128xf32, #tpu.memory_space<vmem>>, vector<1x1x16xf32>,
      %get3A_704 = arith.constant 1 : i32
      %get3A_705 = arith.index_cast %get3A_704 : i32 to index
      %get3A_706 = arith.index_cast %add3A_683 : i32 to index
      %get3A_707 = arith.constant 16 : index
      %get3A_708 = tpu.vector_load %arg7[%get3A_705, %get3A_706, %get3A_707] {strides = array<i32>} : memref<2x64x128xf32, #tpu.memory_space<vmem>>, vector<1x1x16xf32>,
      %get3A_709 = vector.shape_cast %get3A_708 : vector<1x1x16xf32> to vector<16xf32>
      %get3A_710 = arith.constant 1 : i32
      %get3A_711 = arith.index_cast %get3A_710 : i32 to index
      %get3A_712 = arith.index_cast %add3A_683 : i32 to index
      %get3A_713 = arith.constant 16 : index
      %get3A_714 = tpu.vector_load %arg8[%get3A_711, %get3A_712, %get3A_713] {strides = array<i32>} : memref<2x64x128xf32, #tpu.memory_space<vmem>>, vector<1x1x16xf32>,
      %get3A_715 = vector.shape_cast %get3A_714 : vector<1x1x16xf32> to vector<16xf32>
      %mul3A_716 = arith.mulf %get3A_709, %get3A_715 : vector<16xf32>
      %swap3A_717 = arith.constant 1 : i32
      %swap3A_718 = arith.index_cast %swap3A_717 : i32 to index
      %swap3A_719 = arith.index_cast %add3A_683 : i32 to index
      %swap3A_720 = arith.constant 16 : index
      %swap3A_721 = tpu.vector_load %arg9[%swap3A_718, %swap3A_719, %swap3A_720] {strides = array<i32>} : memref<2x64x128xf32, #tpu.memory_space<vmem>>, vector<1x1x16xf32>,
      %swap3A_722 = vector.shape_cast %swap3A_721 : vector<1x1x16xf32> to vector<16xf32>
      %swap3A_723 = vector.shape_cast %mul3A_716 : vector<16xf32> to vector<1x1x16xf32>
      tpu.vector_store %arg9[%swap3A_718, %swap3A_719, %swap3A_720], %swap3A_723 {strides = array<i32>} : memref<2x64x128xf32, #tpu.memory_space<vmem>>, vector<1x1x16xf32>,
      %get3A_724 = arith.constant 1 : i32
      %get3A_725 = arith.index_cast %get3A_724 : i32 to index
      %get3A_726 = arith.index_cast %add3A_683 : i32 to index
      %get3A_727 = arith.constant 32 : index
      %get3A_728 = tpu.vector_load %arg7[%get3A_725, %get3A_726, %get3A_727] {strides = array<i32>} : memref<2x64x128xf32, #tpu.memory_space<vmem>>, vector<1x1x16xf32>,
      %get3A_729 = vector.shape_cast %get3A_728 : vector<1x1x16xf32> to vector<16xf32>
      %get3A_730 = arith.constant 1 : i32
      %get3A_731 = arith.index_cast %get3A_730 : i32 to index
      %get3A_732 = arith.index_cast %add3A_683 : i32 to index
      %get3A_733 = arith.constant 32 : index
      %get3A_734 = tpu.vector_load %arg8[%get3A_731, %get3A_732, %get3A_733] {strides = array<i32>} : memref<2x64x128xf32, #tpu.memory_space<vmem>>, vector<1x1x16xf32>,
      %get3A_735 = vector.shape_cast %get3A_734 : vector<1x1x16xf32> to vector<16xf32>
      %mul3A_736 = arith.mulf %get3A_729, %get3A_735 : vector<16xf32>
      %swap3A_737 = arith.constant 1 : i32
      %swap3A_738 = arith.index_cast %swap3A_737 : i32 to index
      %swap3A_739 = arith.index_cast %add3A_683 : i32 to index
      %swap3A_740 = arith.constant 32 : index
      %swap3A_741 = tpu.vector_load %arg9[%swap3A_738, %swap3A_739, %swap3A_740] {strides = array<i32>} : memref<2x64x128xf32, #tpu.memory_space<vmem>>, vector<1x1x16xf32>,
      %swap3A_742 = vector.shape_cast %swap3A_741 : vector<1x1x16xf32> to vector<16xf32>
      %swap3A_743 = vector.shape_cast %mul3A_736 : vector<16xf32> to vector<1x1x16xf32>
      tpu.vector_store %arg9[%swap3A_738, %swap3A_739, %swap3A_740], %swap3A_743 {strides = array<i32>} : memref<2x64x128xf32, #tpu.memory_space<vmem>>, vector<1x1x16xf32>,
      %get3A_744 = arith.constant 1 : i32
      %get3A_745 = arith.index_cast %get3A_744 : i32 to index
      %get3A_746 = arith.index_cast %add3A_683 : i32 to index
      %get3A_747 = arith.constant 48 : index
      %get3A_748 = tpu.vector_load %arg7[%get3A_745, %get3A_746, %get3A_747] {strides = array<i32>} : memref<2x64x128xf32, #tpu.memory_space<vmem>>, vector<1x1x16xf32>,
      %get3A_749 = vector.shape_cast %get3A_748 : vector<1x1x16xf32> to vector<16xf32>
      %get3A_750 = arith.constant 1 : i32
      %get3A_751 = arith.index_cast %get3A_750 : i32 to index
      %get3A_752 = arith.index_cast %add3A_683 : i32 to index
      %get3A_753 = arith.constant 48 : index
      %get3A_754 = tpu.vector_load %arg8[%get3A_751, %get3A_752, %get3A_753] {strides = array<i32>} : memref<2x64x128xf32, #tpu.memory_space<vmem>>, vector<1x1x16xf32>,
      %get3A_755 = vector.shape_cast %get3A_754 : vector<1x1x16xf32> to vector<16xf32>
      %mul3A_756 = arith.mulf %get3A_749, %get3A_755 : vector<16xf32>
      %swap3A_757 = arith.constant 1 : i32
      %swap3A_758 = arith.index_cast %swap3A_757 : i32 to index
      %swap3A_759 = arith.index_cast %add3A_683 : i32 to index
      %swap3A_760 = arith.constant 48 : index
      %swap3A_761 = tpu.vector_load %arg9[%swap3A_758, %swap3A_759, %swap3A_760] {strides = array<i32>} : memref<2x64x128xf32, #tpu.memory_space<vmem>>, vector<1x1x16xf32>,
      %swap3A_762 = vector.shape_cast %swap3A_761 : vector<1x1x16xf32> to vector<16xf32>
      %swap3A_763 = vector.shape_cast %mul3A_756 : vector<16xf32> to vector<1x1x16xf32>
      tpu.vector_store %arg9[%swap3A_758, %swap3A_759, %swap3A_760], %swap3A_763 {strides = array<i32>} : memref<2x64x128xf32, #tpu.memory_space<vmem>>, vector<1x1x16xf32>,
      %get3A_764 = arith.constant 1 : i32
      %get3A_765 = arith.index_cast %get3A_764 : i32 to index
      %get3A_766 = arith.index_cast %add3A_683 : i32 to index
      %get3A_767 = arith.constant 64 : index
      %get3A_768 = tpu.vector_load %arg7[%get3A_765, %get3A_766, %get3A_767] {strides = array<i32>} : memref<2x64x128xf32, #tpu.memory_space<vmem>>, vector<1x1x16xf32>,
      %get3A_769 = vector.shape_cast %get3A_768 : vector<1x1x16xf32> to vector<16xf32>
      %get3A_770 = arith.constant 1 : i32
      %get3A_771 = arith.index_cast %get3A_770 : i32 to index
      %get3A_772 = arith.index_cast %add3A_683 : i32 to index
      %get3A_773 = arith.constant 64 : index
      %get3A_774 = tpu.vector_load %arg8[%get3A_771, %get3A_772, %get3A_773] {strides = array<i32>} : memref<2x64x128xf32, #tpu.memory_space<vmem>>, vector<1x1x16xf32>,
      %get3A_775 = vector.shape_cast %get3A_774 : vector<1x1x16xf32> to vector<16xf32>
      %mul3A_776 = arith.mulf %get3A_769, %get3A_775 : vector<16xf32>
      %swap3A_777 = arith.constant 1 : i32
      %swap3A_778 = arith.index_cast %swap3A_777 : i32 to index
      %swap3A_779 = arith.index_cast %add3A_683 : i32 to index
      %swap3A_780 = arith.constant 64 : index
      %swap3A_781 = tpu.vector_load %arg9[%swap3A_778, %swap3A_779, %swap3A_780] {strides = array<i32>} : memref<2x64x128xf32, #tpu.memory_space<vmem>>, vector<1x1x16xf32>,
      %swap3A_782 = vector.shape_cast %swap3A_781 : vector<1x1x16xf32> to vector<16xf32>
      %swap3A_783 = vector.shape_cast %mul3A_776 : vector<16xf32> to vector<1x1x16xf32>
      tpu.vector_store %arg9[%swap3A_778, %swap3A_779, %swap3A_780], %swap3A_783 {strides = array<i32>} : memref<2x64x128xf32, #tpu.memory_space<vmem>>, vector<1x1x16xf32>,
      %get3A_784 = arith.constant 1 : i32
      %get3A_785 = arith.index_cast %get3A_784 : i32 to index
      %get3A_786 = arith.index_cast %add3A_683 : i32 to index
      %get3A_787 = arith.constant 80 : index
      %get3A_788 = tpu.vector_load %arg7[%get3A_785, %get3A_786, %get3A_787] {strides = array<i32>} : memref<2x64x128xf32, #tpu.memory_space<vmem>>, vector<1x1x16xf32>,
      %get3A_789 = vector.shape_cast %get3A_788 : vector<1x1x16xf32> to vector<16xf32>
      %get3A_790 = arith.constant 1 : i32
      %get3A_791 = arith.index_cast %get3A_790 : i32 to index
      %get3A_792 = arith.index_cast %add3A_683 : i32 to index
      %get3A_793 = arith.constant 80 : index
      %get3A_794 = tpu.vector_load %arg8[%get3A_791, %get3A_792, %get3A_793] {strides = array<i32>} : memref<2x64x128xf32, #tpu.memory_space<vmem>>, vector<1x1x16xf32>,
      %get3A_795 = vector.shape_cast %get3A_794 : vector<1x1x16xf32> to vector<16xf32>
      %mul3A_796 = arith.mulf %get3A_789, %get3A_795 : vector<16xf32>
      %swap3A_797 = arith.constant 1 : i32
      %swap3A_798 = arith.index_cast %swap3A_797 : i32 to index
      %swap3A_799 = arith.index_cast %add3A_683 : i32 to index
      %swap3A_800 = arith.constant 80 : index
      %swap3A_801 = tpu.vector_load %arg9[%swap3A_798, %swap3A_799, %swap3A_800] {strides = array<i32>} : memref<2x64x128xf32, #tpu.memory_space<vmem>>, vector<1x1x16xf32>,
      %swap3A_802 = vector.shape_cast %swap3A_801 : vector<1x1x16xf32> to vector<16xf32>
      %swap3A_803 = vector.shape_cast %mul3A_796 : vector<16xf32> to vector<1x1x16xf32>
      tpu.vector_store %arg9[%swap3A_798, %swap3A_799, %swap3A_800], %swap3A_803 {strides = array<i32>} : memref<2x64x128xf32, #tpu.memory_space<vmem>>, vector<1x1x16xf32>,
      %get3A_804 = arith.constant 1 : i32
      %get3A_805 = arith.index_cast %get3A_804 : i32 to index
      %get3A_806 = arith.index_cast %add3A_683 : i32 to index
      %get3A_807 = arith.constant 96 : index
      %get3A_808 = tpu.vector_load %arg7[%get3A_805, %get3A_806, %get3A_807] {strides = array<i32>} : memref<2x64x128xf32, #tpu.memory_space<vmem>>, vector<1x1x16xf32>,
      %get3A_809 = vector.shape_cast %get3A_808 : vector<1x1x16xf32> to vector<16xf32>
      %get3A_810 = arith.constant 1 : i32
      %get3A_811 = arith.index_cast %get3A_810 : i32 to index
      %get3A_812 = arith.index_cast %add3A_683 : i32 to index
      %get3A_813 = arith.constant 96 : index
      %get3A_814 = tpu.vector_load %arg8[%get3A_811, %get3A_812, %get3A_813] {strides = array<i32>} : memref<2x64x128xf32, #tpu.memory_space<vmem>>, vector<1x1x16xf32>,
      %get3A_815 = vector.shape_cast %get3A_814 : vector<1x1x16xf32> to vector<16xf32>
      %mul3A_816 = arith.mulf %get3A_809, %get3A_815 : vector<16xf32>
      %swap3A_817 = arith.constant 1 : i32
      %swap3A_818 = arith.index_cast %swap3A_817 : i32 to index
      %swap3A_819 = arith.index_cast %add3A_683 : i32 to index
      %swap3A_820 = arith.constant 96 : index
      %swap3A_821 = tpu.vector_load %arg9[%swap3A_818, %swap3A_819, %swap3A_820] {strides = array<i32>} : memref<2x64x128xf32, #tpu.memory_space<vmem>>, vector<1x1x16xf32>,
      %swap3A_822 = vector.shape_cast %swap3A_821 : vector<1x1x16xf32> to vector<16xf32>
      %swap3A_823 = vector.shape_cast %mul3A_816 : vector<16xf32> to vector<1x1x16xf32>
      tpu.vector_store %arg9[%swap3A_818, %swap3A_819, %swap3A_820], %swap3A_823 {strides = array<i32>} : memref<2x64x128xf32, #tpu.memory_space<vmem>>, vector<1x1x16xf32>,
      %get3A_824 = arith.constant 1 : i32
      %get3A_825 = arith.index_cast %get3A_824 : i32 to index
      %get3A_826 = arith.index_cast %add3A_683 : i32 to index
      %get3A_827 = arith.constant 112 : index
      %get3A_828 = tpu.vector_load %arg7[%get3A_825, %get3A_826, %get3A_827] {strides = array<i32>} : memref<2x64x128xf32, #tpu.memory_space<vmem>>, vector<1x1x16xf32>,
      %get3A_829 = vector.shape_cast %get3A_828 : vector<1x1x16xf32> to vector<16xf32>
      %get3A_830 = arith.constant 1 : i32
      %get3A_831 = arith.index_cast %get3A_830 : i32 to index
      %get3A_832 = arith.index_cast %add3A_683 : i32 to index
      %get3A_833 = arith.constant 112 : index
      %get3A_834 = tpu.vector_load %arg8[%get3A_831, %get3A_832, %get3A_833] {strides = array<i32>} : memref<2x64x128xf32, #tpu.memory_space<vmem>>, vector<1x1x16xf32>,
      %get3A_835 = vector.shape_cast %get3A_834 : vector<1x1x16xf32> to vector<16xf32>
      %mul3A_836 = arith.mulf %get3A_829, %get3A_835 : vector<16xf32>
      %swap3A_837 = arith.constant 1 : i32
      %swap3A_838 = arith.index_cast %swap3A_837 : i32 to index
      %swap3A_839 = arith.index_cast %add3A_683 : i32 to index
      %swap3A_840 = arith.constant 112 : index
      %swap3A_841 = tpu.vector_load %arg9[%swap3A_838, %swap3A_839, %swap3A_840] {strides = array<i32>} : memref<2x64x128xf32, #tpu.memory_space<vmem>>, vector<1x1x16xf32>,
      %swap3A_842 = vector.shape_cast %swap3A_841 : vector<1x1x16xf32> to vector<16xf32>
      %swap3A_843 = vector.shape_cast %mul3A_836 : vector<16xf32> to vector<1x1x16xf32>
      tpu.vector_store %arg9[%swap3A_838, %swap3A_839, %swap3A_840], %swap3A_843 {strides = array<i32>} : memref<2x64x128xf32, #tpu.memory_space<vmem>>, vector<1x1x16xf32>,
      %mul3A_844 = arith.constant 2 : i32
      %mul3A_845 = arith.muli %mul3A_844, %scan3A_678 : i32
      %add3A_846 = arith.constant 1 : i32
      %add3A_847 = arith.addi %mul3A_845, %add3A_846 : i32
      %get3A_848 = arith.constant 1 : i32
      %get3A_849 = arith.index_cast %get3A_848 : i32 to index
      %get3A_850 = arith.index_cast %add3A_847 : i32 to index
      %get3A_851 = arith.constant 0 : index
      %get3A_852 = tpu.vector_load %arg7[%get3A_849, %get3A_850, %get3A_851] {strides = array<i32>} : memref<2x64x128xf32, #tpu.memory_space<vmem>>, vector<1x1x16xf32>,
      %get3A_853 = vector.shape_cast %get3A_852 : vector<1x1x16xf32> to vector<16xf32>
      %get3A_854 = arith.constant 1 : i32
      %get3A_855 = arith.index_cast %get3A_854 : i32 to index
      %get3A_856 = arith.index_cast %add3A_847 : i32 to index
      %get3A_857 = arith.constant 0 : index
      %get3A_858 = tpu.vector_load %arg8[%get3A_855, %get3A_856, %get3A_857] {strides = array<i32>} : memref<2x64x128xf32, #tpu.memory_space<vmem>>, vector<1x1x16xf32>,
      %get3A_859 = vector.shape_cast %get3A_858 : vector<1x1x16xf32> to vector<16xf32>
      %mul3A_860 = arith.mulf %get3A_853, %get3A_859 : vector<16xf32>
      %swap3A_861 = arith.constant 1 : i32
      %swap3A_862 = arith.index_cast %swap3A_861 : i32 to index
      %swap3A_863 = arith.index_cast %add3A_847 : i32 to index
      %swap3A_864 = arith.constant 0 : index
      %swap3A_865 = tpu.vector_load %arg9[%swap3A_862, %swap3A_863, %swap3A_864] {strides = array<i32>} : memref<2x64x128xf32, #tpu.memory_space<vmem>>, vector<1x1x16xf32>,
      %swap3A_866 = vector.shape_cast %swap3A_865 : vector<1x1x16xf32> to vector<16xf32>
      %swap3A_867 = vector.shape_cast %mul3A_860 : vector<16xf32> to vector<1x1x16xf32>
      tpu.vector_store %arg9[%swap3A_862, %swap3A_863, %swap3A_864], %swap3A_867 {strides = array<i32>} : memref<2x64x128xf32, #tpu.memory_space<vmem>>, vector<1x1x16xf32>,
      %get3A_868 = arith.constant 1 : i32
      %get3A_869 = arith.index_cast %get3A_868 : i32 to index
      %get3A_870 = arith.index_cast %add3A_847 : i32 to index
      %get3A_871 = arith.constant 16 : index
      %get3A_872 = tpu.vector_load %arg7[%get3A_869, %get3A_870, %get3A_871] {strides = array<i32>} : memref<2x64x128xf32, #tpu.memory_space<vmem>>, vector<1x1x16xf32>,
      %get3A_873 = vector.shape_cast %get3A_872 : vector<1x1x16xf32> to vector<16xf32>
      %get3A_874 = arith.constant 1 : i32
      %get3A_875 = arith.index_cast %get3A_874 : i32 to index
      %get3A_876 = arith.index_cast %add3A_847 : i32 to index
      %get3A_877 = arith.constant 16 : index
      %get3A_878 = tpu.vector_load %arg8[%get3A_875, %get3A_876, %get3A_877] {strides = array<i32>} : memref<2x64x128xf32, #tpu.memory_space<vmem>>, vector<1x1x16xf32>,
      %get3A_879 = vector.shape_cast %get3A_878 : vector<1x1x16xf32> to vector<16xf32>
      %mul3A_880 = arith.mulf %get3A_873, %get3A_879 : vector<16xf32>
      %swap3A_881 = arith.constant 1 : i32
      %swap3A_882 = arith.index_cast %swap3A_881 : i32 to index
      %swap3A_883 = arith.index_cast %add3A_847 : i32 to index
      %swap3A_884 = arith.constant 16 : index
      %swap3A_885 = tpu.vector_load %arg9[%swap3A_882, %swap3A_883, %swap3A_884] {strides = array<i32>} : memref<2x64x128xf32, #tpu.memory_space<vmem>>, vector<1x1x16xf32>,
      %swap3A_886 = vector.shape_cast %swap3A_885 : vector<1x1x16xf32> to vector<16xf32>
      %swap3A_887 = vector.shape_cast %mul3A_880 : vector<16xf32> to vector<1x1x16xf32>
      tpu.vector_store %arg9[%swap3A_882, %swap3A_883, %swap3A_884], %swap3A_887 {strides = array<i32>} : memref<2x64x128xf32, #tpu.memory_space<vmem>>, vector<1x1x16xf32>,
      %get3A_888 = arith.constant 1 : i32
      %get3A_889 = arith.index_cast %get3A_888 : i32 to index
      %get3A_890 = arith.index_cast %add3A_847 : i32 to index
      %get3A_891 = arith.constant 32 : index
      %get3A_892 = tpu.vector_load %arg7[%get3A_889, %get3A_890, %get3A_891] {strides = array<i32>} : memref<2x64x128xf32, #tpu.memory_space<vmem>>, vector<1x1x16xf32>,
      %get3A_893 = vector.shape_cast %get3A_892 : vector<1x1x16xf32> to vector<16xf32>
      %get3A_894 = arith.constant 1 : i32
      %get3A_895 = arith.index_cast %get3A_894 : i32 to index
      %get3A_896 = arith.index_cast %add3A_847 : i32 to index
      %get3A_897 = arith.constant 32 : index
      %get3A_898 = tpu.vector_load %arg8[%get3A_895, %get3A_896, %get3A_897] {strides = array<i32>} : memref<2x64x128xf32, #tpu.memory_space<vmem>>, vector<1x1x16xf32>,
      %get3A_899 = vector.shape_cast %get3A_898 : vector<1x1x16xf32> to vector<16xf32>
      %mul3A_900 = arith.mulf %get3A_893, %get3A_899 : vector<16xf32>
      %swap3A_901 = arith.constant 1 : i32
      %swap3A_902 = arith.index_cast %swap3A_901 : i32 to index
      %swap3A_903 = arith.index_cast %add3A_847 : i32 to index
      %swap3A_904 = arith.constant 32 : index
      %swap3A_905 = tpu.vector_load %arg9[%swap3A_902, %swap3A_903, %swap3A_904] {strides = array<i32>} : memref<2x64x128xf32, #tpu.memory_space<vmem>>, vector<1x1x16xf32>,
      %swap3A_906 = vector.shape_cast %swap3A_905 : vector<1x1x16xf32> to vector<16xf32>
      %swap3A_907 = vector.shape_cast %mul3A_900 : vector<16xf32> to vector<1x1x16xf32>
      tpu.vector_store %arg9[%swap3A_902, %swap3A_903, %swap3A_904], %swap3A_907 {strides = array<i32>} : memref<2x64x128xf32, #tpu.memory_space<vmem>>, vector<1x1x16xf32>,
      %get3A_908 = arith.constant 1 : i32
      %get3A_909 = arith.index_cast %get3A_908 : i32 to index
      %get3A_910 = arith.index_cast %add3A_847 : i32 to index
      %get3A_911 = arith.constant 48 : index
      %get3A_912 = tpu.vector_load %arg7[%get3A_909, %get3A_910, %get3A_911] {strides = array<i32>} : memref<2x64x128xf32, #tpu.memory_space<vmem>>, vector<1x1x16xf32>,
      %get3A_913 = vector.shape_cast %get3A_912 : vector<1x1x16xf32> to vector<16xf32>
      %get3A_914 = arith.constant 1 : i32
      %get3A_915 = arith.index_cast %get3A_914 : i32 to index
      %get3A_916 = arith.index_cast %add3A_847 : i32 to index
      %get3A_917 = arith.constant 48 : index
      %get3A_918 = tpu.vector_load %arg8[%get3A_915, %get3A_916, %get3A_917] {strides = array<i32>} : memref<2x64x128xf32, #tpu.memory_space<vmem>>, vector<1x1x16xf32>,
      %get3A_919 = vector.shape_cast %get3A_918 : vector<1x1x16xf32> to vector<16xf32>
      %mul3A_920 = arith.mulf %get3A_913, %get3A_919 : vector<16xf32>
      %swap3A_921 = arith.constant 1 : i32
      %swap3A_922 = arith.index_cast %swap3A_921 : i32 to index
      %swap3A_923 = arith.index_cast %add3A_847 : i32 to index
      %swap3A_924 = arith.constant 48 : index
      %swap3A_925 = tpu.vector_load %arg9[%swap3A_922, %swap3A_923, %swap3A_924] {strides = array<i32>} : memref<2x64x128xf32, #tpu.memory_space<vmem>>, vector<1x1x16xf32>,
      %swap3A_926 = vector.shape_cast %swap3A_925 : vector<1x1x16xf32> to vector<16xf32>
      %swap3A_927 = vector.shape_cast %mul3A_920 : vector<16xf32> to vector<1x1x16xf32>
      tpu.vector_store %arg9[%swap3A_922, %swap3A_923, %swap3A_924], %swap3A_927 {strides = array<i32>} : memref<2x64x128xf32, #tpu.memory_space<vmem>>, vector<1x1x16xf32>,
      %get3A_928 = arith.constant 1 : i32
      %get3A_929 = arith.index_cast %get3A_928 : i32 to index
      %get3A_930 = arith.index_cast %add3A_847 : i32 to index
      %get3A_931 = arith.constant 64 : index
      %get3A_932 = tpu.vector_load %arg7[%get3A_929, %get3A_930, %get3A_931] {strides = array<i32>} : memref<2x64x128xf32, #tpu.memory_space<vmem>>, vector<1x1x16xf32>,
      %get3A_933 = vector.shape_cast %get3A_932 : vector<1x1x16xf32> to vector<16xf32>
      %get3A_934 = arith.constant 1 : i32
      %get3A_935 = arith.index_cast %get3A_934 : i32 to index
      %get3A_936 = arith.index_cast %add3A_847 : i32 to index
      %get3A_937 = arith.constant 64 : index
      %get3A_938 = tpu.vector_load %arg8[%get3A_935, %get3A_936, %get3A_937] {strides = array<i32>} : memref<2x64x128xf32, #tpu.memory_space<vmem>>, vector<1x1x16xf32>,
      %get3A_939 = vector.shape_cast %get3A_938 : vector<1x1x16xf32> to vector<16xf32>
      %mul3A_940 = arith.mulf %get3A_933, %get3A_939 : vector<16xf32>
      %swap3A_941 = arith.constant 1 : i32
      %swap3A_942 = arith.index_cast %swap3A_941 : i32 to index
      %swap3A_943 = arith.index_cast %add3A_847 : i32 to index
      %swap3A_944 = arith.constant 64 : index
      %swap3A_945 = tpu.vector_load %arg9[%swap3A_942, %swap3A_943, %swap3A_944] {strides = array<i32>} : memref<2x64x128xf32, #tpu.memory_space<vmem>>, vector<1x1x16xf32>,
      %swap3A_946 = vector.shape_cast %swap3A_945 : vector<1x1x16xf32> to vector<16xf32>
      %swap3A_947 = vector.shape_cast %mul3A_940 : vector<16xf32> to vector<1x1x16xf32>
      tpu.vector_store %arg9[%swap3A_942, %swap3A_943, %swap3A_944], %swap3A_947 {strides = array<i32>} : memref<2x64x128xf32, #tpu.memory_space<vmem>>, vector<1x1x16xf32>,
      %get3A_948 = arith.constant 1 : i32
      %get3A_949 = arith.index_cast %get3A_948 : i32 to index
      %get3A_950 = arith.index_cast %add3A_847 : i32 to index
      %get3A_951 = arith.constant 80 : index
      %get3A_952 = tpu.vector_load %arg7[%get3A_949, %get3A_950, %get3A_951] {strides = array<i32>} : memref<2x64x128xf32, #tpu.memory_space<vmem>>, vector<1x1x16xf32>,
      %get3A_953 = vector.shape_cast %get3A_952 : vector<1x1x16xf32> to vector<16xf32>
      %get3A_954 = arith.constant 1 : i32
      %get3A_955 = arith.index_cast %get3A_954 : i32 to index
      %get3A_956 = arith.index_cast %add3A_847 : i32 to index
      %get3A_957 = arith.constant 80 : index
      %get3A_958 = tpu.vector_load %arg8[%get3A_955, %get3A_956, %get3A_957] {strides = array<i32>} : memref<2x64x128xf32, #tpu.memory_space<vmem>>, vector<1x1x16xf32>,
      %get3A_959 = vector.shape_cast %get3A_958 : vector<1x1x16xf32> to vector<16xf32>
      %mul3A_960 = arith.mulf %get3A_953, %get3A_959 : vector<16xf32>
      %swap3A_961 = arith.constant 1 : i32
      %swap3A_962 = arith.index_cast %swap3A_961 : i32 to index
      %swap3A_963 = arith.index_cast %add3A_847 : i32 to index
      %swap3A_964 = arith.constant 80 : index
      %swap3A_965 = tpu.vector_load %arg9[%swap3A_962, %swap3A_963, %swap3A_964] {strides = array<i32>} : memref<2x64x128xf32, #tpu.memory_space<vmem>>, vector<1x1x16xf32>,
      %swap3A_966 = vector.shape_cast %swap3A_965 : vector<1x1x16xf32> to vector<16xf32>
      %swap3A_967 = vector.shape_cast %mul3A_960 : vector<16xf32> to vector<1x1x16xf32>
      tpu.vector_store %arg9[%swap3A_962, %swap3A_963, %swap3A_964], %swap3A_967 {strides = array<i32>} : memref<2x64x128xf32, #tpu.memory_space<vmem>>, vector<1x1x16xf32>,
      %get3A_968 = arith.constant 1 : i32
      %get3A_969 = arith.index_cast %get3A_968 : i32 to index
      %get3A_970 = arith.index_cast %add3A_847 : i32 to index
      %get3A_971 = arith.constant 96 : index
      %get3A_972 = tpu.vector_load %arg7[%get3A_969, %get3A_970, %get3A_971] {strides = array<i32>} : memref<2x64x128xf32, #tpu.memory_space<vmem>>, vector<1x1x16xf32>,
      %get3A_973 = vector.shape_cast %get3A_972 : vector<1x1x16xf32> to vector<16xf32>
      %get3A_974 = arith.constant 1 : i32
      %get3A_975 = arith.index_cast %get3A_974 : i32 to index
      %get3A_976 = arith.index_cast %add3A_847 : i32 to index
      %get3A_977 = arith.constant 96 : index
      %get3A_978 = tpu.vector_load %arg8[%get3A_975, %get3A_976, %get3A_977] {strides = array<i32>} : memref<2x64x128xf32, #tpu.memory_space<vmem>>, vector<1x1x16xf32>,
      %get3A_979 = vector.shape_cast %get3A_978 : vector<1x1x16xf32> to vector<16xf32>
      %mul3A_980 = arith.mulf %get3A_973, %get3A_979 : vector<16xf32>
      %swap3A_981 = arith.constant 1 : i32
      %swap3A_982 = arith.index_cast %swap3A_981 : i32 to index
      %swap3A_983 = arith.index_cast %add3A_847 : i32 to index
      %swap3A_984 = arith.constant 96 : index
      %swap3A_985 = tpu.vector_load %arg9[%swap3A_982, %swap3A_983, %swap3A_984] {strides = array<i32>} : memref<2x64x128xf32, #tpu.memory_space<vmem>>, vector<1x1x16xf32>,
      %swap3A_986 = vector.shape_cast %swap3A_985 : vector<1x1x16xf32> to vector<16xf32>
      %swap3A_987 = vector.shape_cast %mul3A_980 : vector<16xf32> to vector<1x1x16xf32>
      tpu.vector_store %arg9[%swap3A_982, %swap3A_983, %swap3A_984], %swap3A_987 {strides = array<i32>} : memref<2x64x128xf32, #tpu.memory_space<vmem>>, vector<1x1x16xf32>,
      %get3A_988 = arith.constant 1 : i32
      %get3A_989 = arith.index_cast %get3A_988 : i32 to index
      %get3A_990 = arith.index_cast %add3A_847 : i32 to index
      %get3A_991 = arith.constant 112 : index
      %get3A_992 = tpu.vector_load %arg7[%get3A_989, %get3A_990, %get3A_991] {strides = array<i32>} : memref<2x64x128xf32, #tpu.memory_space<vmem>>, vector<1x1x16xf32>,
      %get3A_993 = vector.shape_cast %get3A_992 : vector<1x1x16xf32> to vector<16xf32>
      %get3A_994 = arith.constant 1 : i32
      %get3A_995 = arith.index_cast %get3A_994 : i32 to index
      %get3A_996 = arith.index_cast %add3A_847 : i32 to index
      %get3A_997 = arith.constant 112 : index
      %get3A_998 = tpu.vector_load %arg8[%get3A_995, %get3A_996, %get3A_997] {strides = array<i32>} : memref<2x64x128xf32, #tpu.memory_space<vmem>>, vector<1x1x16xf32>,
      %get3A_999 = vector.shape_cast %get3A_998 : vector<1x1x16xf32> to vector<16xf32>
      %mul3A_1000 = arith.mulf %get3A_993, %get3A_999 : vector<16xf32>
      %swap3A_1001 = arith.constant 1 : i32
      %swap3A_1002 = arith.index_cast %swap3A_1001 : i32 to index
      %swap3A_1003 = arith.index_cast %add3A_847 : i32 to index
      %swap3A_1004 = arith.constant 112 : index
      %swap3A_1005 = tpu.vector_load %arg9[%swap3A_1002, %swap3A_1003, %swap3A_1004] {strides = array<i32>} : memref<2x64x128xf32, #tpu.memory_space<vmem>>, vector<1x1x16xf32>,
      %swap3A_1006 = vector.shape_cast %swap3A_1005 : vector<1x1x16xf32> to vector<16xf32>
      %swap3A_1007 = vector.shape_cast %mul3A_1000 : vector<16xf32> to vector<1x1x16xf32>
      tpu.vector_store %arg9[%swap3A_1002, %swap3A_1003, %swap3A_1004], %swap3A_1007 {strides = array<i32>} : memref<2x64x128xf32, #tpu.memory_space<vmem>>, vector<1x1x16xf32>,
      %scan3A_1008 = arith.constant 0 : i32
      scf.yield %scan3A_1008 : i32
    }
    %scan3A_674 = arith.constant 32 : i32
    %run_scoped3A_675 = arith.constant 1 : i32
    %run_scoped3A_676 = arith.constant 1 : i32
    "tpu.region"() ({
      %run_scoped3A_678 = tpu.sem_alloc : memref<!tpu.dma_semaphore, #tpu.memory_space<semaphore_mem>>
      %dma_start3A_679 = arith.constant 0 : i32
      %dma_start3A_680 = arith.constant 0 : i32
      %dma_start3A_681 = tpu.memref_slice %arg9[%run_scoped3A_675, %dma_start3A_679, %dma_start3A_680] : memref<2x64x128xf32, #tpu.memory_space<vmem>> -> memref<1x64x128xf32, #tpu.memory_space<vmem>>
      %dma_start3A_682 = tpu.memref_squeeze %dma_start3A_681 : memref<1x64x128xf32, #tpu.memory_space<vmem>> -> memref<64x128xf32, #tpu.memory_space<vmem>>
      %dma_start3A_683 = arith.constant 0 : i32
      %dma_start3A_684 = tpu.memref_slice %arg10[%run_scoped3A_676, %dma_start3A_683] : memref<2x64xi32, #tpu.memory_space<vmem>> -> memref<1x64xi32, #tpu.memory_space<vmem>>
      %dma_start3A_685 = tpu.memref_squeeze %dma_start3A_684 : memref<1x64xi32, #tpu.memory_space<vmem>> -> memref<64xi32, #tpu.memory_space<vmem>>
      %dma_start3A_686 = arith.constant 0 : i32
      %dma_start3A_687 = arith.constant 0 : i32
      %dma_start3A_688 = tpu.memref_slice %arg11[%dma_start3A_686, %dma_start3A_687] : memref<10112x128xf32, #tpu.memory_space<vmem_shared>> -> memref<10112x128xf32, #tpu.memory_space<vmem_shared>>
      tpu.enqueue_indirect_dma source(%dma_start3A_682 : memref<64x128xf32, #tpu.memory_space<vmem>>) target(%dma_start3A_688 : memref<10112x128xf32, #tpu.memory_space<vmem_shared>>) offsets(%dma_start3A_685 : memref<64xi32, #tpu.memory_space<vmem>>) semaphore(%run_scoped3A_678 : memref<!tpu.dma_semaphore, #tpu.memory_space<semaphore_mem>>) {add = true}
      %dma_wait3A_689 = arith.constant 0 : i32
      %dma_wait3A_690 = arith.constant 0 : i32
      %dma_wait3A_691 = tpu.memref_slice %arg9[%run_scoped3A_675, %dma_wait3A_689, %dma_wait3A_690] : memref<2x64x128xf32, #tpu.memory_space<vmem>> -> memref<1x64x128xf32, #tpu.memory_space<vmem>>
      %dma_wait3A_692 = tpu.memref_squeeze %dma_wait3A_691 : memref<1x64x128xf32, #tpu.memory_space<vmem>> -> memref<64x128xf32, #tpu.memory_space<vmem>>
      %dma_wait3A_693 = arith.constant 0 : i32
      %dma_wait3A_694 = tpu.memref_slice %arg10[%run_scoped3A_676, %dma_wait3A_693] : memref<2x64xi32, #tpu.memory_space<vmem>> -> memref<1x64xi32, #tpu.memory_space<vmem>>
      %dma_wait3A_695 = tpu.memref_squeeze %dma_wait3A_694 : memref<1x64xi32, #tpu.memory_space<vmem>> -> memref<64xi32, #tpu.memory_space<vmem>>
      %dma_wait3A_696 = arith.constant 0 : i32
      %dma_wait3A_697 = arith.constant 0 : i32
      %dma_wait3A_698 = tpu.memref_slice %arg11[%dma_wait3A_696, %dma_wait3A_697] : memref<10112x128xf32, #tpu.memory_space<vmem_shared>> -> memref<10112x128xf32, #tpu.memory_space<vmem_shared>>
      tpu.wait_indirect_dma semaphore(%run_scoped3A_678 : memref<!tpu.dma_semaphore, #tpu.memory_space<semaphore_mem>>) src(%dma_wait3A_692 : memref<64x128xf32, #tpu.memory_space<vmem>>) dst(%dma_wait3A_698 : memref<10112x128xf32, #tpu.memory_space<vmem_shared>>)
      tpu.yield
    }) : () -> ()
    %barrier3A_677 = arith.constant 0 : index
    tpu.barrier barrier_id(%barrier3A_677)
    "tpu.region"() ({
      %run_scoped3A_678 = tpu.sem_alloc : memref<!tpu.dma_semaphore, #tpu.memory_space<semaphore_mem>>
      %dma_start3A_679 = arith.constant 0 : i32
      %dma_start3A_680 = tpu.memref_slice %arg5[%arg0, %mul3A_11, %dma_start3A_679] : memref<2x10112x128xf32, #tpu.memory_space<hbm>> -> memref<1x632x128xf32, #tpu.memory_space<hbm>>
      %dma_start3A_681 = tpu.memref_squeeze %dma_start3A_680 : memref<1x632x128xf32, #tpu.memory_space<hbm>> -> memref<632x128xf32, #tpu.memory_space<hbm>>
      %dma_start3A_682 = arith.constant 0 : i32
      %dma_start3A_683 = tpu.memref_slice %arg11[%mul3A_11, %dma_start3A_682] : memref<10112x128xf32, #tpu.memory_space<vmem_shared>> -> memref<632x128xf32, #tpu.memory_space<vmem_shared>>
      tpu.enqueue_dma source(%dma_start3A_683 : memref<632x128xf32, #tpu.memory_space<vmem_shared>>) target(%dma_start3A_681 : memref<632x128xf32, #tpu.memory_space<hbm>>) target_semaphore(%run_scoped3A_678 : memref<!tpu.dma_semaphore, #tpu.memory_space<semaphore_mem>>)
      %dma_wait3A_684 = arith.constant 0 : i32
      %dma_wait3A_685 = tpu.memref_slice %arg5[%arg0, %mul3A_11, %dma_wait3A_684] : memref<2x10112x128xf32, #tpu.memory_space<hbm>> -> memref<1x632x128xf32, #tpu.memory_space<hbm>>
      %dma_wait3A_686 = tpu.memref_squeeze %dma_wait3A_685 : memref<1x632x128xf32, #tpu.memory_space<hbm>> -> memref<632x128xf32, #tpu.memory_space<hbm>>
      %dma_wait3A_687 = arith.constant 0 : i32
      %dma_wait3A_688 = tpu.memref_slice %arg11[%mul3A_11, %dma_wait3A_687] : memref<10112x128xf32, #tpu.memory_space<vmem_shared>> -> memref<632x128xf32, #tpu.memory_space<vmem_shared>>
      tpu.wait_dma2 semaphore(%run_scoped3A_678 : memref<!tpu.dma_semaphore, #tpu.memory_space<semaphore_mem>>) src(%dma_wait3A_688 : memref<632x128xf32, #tpu.memory_space<vmem_shared>>) dst(%dma_wait3A_686 : memref<632x128xf32, #tpu.memory_space<hbm>>)
      tpu.yield
    }) : () -> ()
    return
  }
}

module attributes {stable_mosaic.version = 14 : i64} {
  func.func @_edge_mlp_body(%arg0: i32, %arg1: memref<1280x17xf32, #tpu.memory_space<vmem>>, %arg2: memref<17x128xbf16, #tpu.memory_space<vmem>>, %arg3: memref<1x128xf32, #tpu.memory_space<vmem>>, %arg4: memref<128x128xbf16, #tpu.memory_space<vmem>>, %arg5: memref<1x128xf32, #tpu.memory_space<vmem>>, %arg6: memref<1280x128xf32, #tpu.memory_space<vmem>>) attributes {dimension_semantics = [#tpu.dimension_semantics<arbitrary>], iteration_bounds = array<i64: 250>, scalar_prefetch = 0 : i64, scratch_operands = 0 : i64, tpu.core_type = #tpu.core_type<tc>, window_params = [{transform_indices = @transform_0, window_bounds = array<i64: 1280, 17>}, {pipeline_mode = #tpu.pipeline_mode<synchronous>, transform_indices = @transform_1, window_bounds = array<i64: 17, 128>}, {pipeline_mode = #tpu.pipeline_mode<synchronous>, transform_indices = @transform_2, window_bounds = array<i64: 1, 128>}, {pipeline_mode = #tpu.pipeline_mode<synchronous>, transform_indices = @transform_3, window_bounds = array<i64: 128, 128>}, {pipeline_mode = #tpu.pipeline_mode<synchronous>, transform_indices = @transform_4, window_bounds = array<i64: 1, 128>}, {transform_indices = @transform_5, window_bounds = array<i64: 1280, 128>}]} {
    %get3A = arith.constant 0 : index
    %get3A_0 = arith.constant 0 : index
    %get3A_1 = vector.load %arg1[%get3A, %get3A_0] : memref<1280x17xf32, #tpu.memory_space<vmem>>, vector<1280x17xf32>
    %convert_element_type3A = arith.truncf %get3A_1 : vector<1280x17xf32> to vector<1280x17xbf16>
    %get3A_2 = arith.constant 0 : index
    %get3A_3 = arith.constant 0 : index
    %get3A_4 = vector.load %arg2[%get3A_2, %get3A_3] : memref<17x128xbf16, #tpu.memory_space<vmem>>, vector<17x128xbf16>
    %dot_general3A = arith.constant dense<0.000000e+00> : vector<1280x128xf32>
    %dot_general3A_5 = tpu.matmul %convert_element_type3A, %get3A_4, %dot_general3A {dimension_numbers = #tpu.dot_dimension_numbers<[1], [0], [0], [1], [0, 0, 1, 1], [], []>, transpose_lhs_hint = false} : vector<1280x17xbf16>, vector<17x128xbf16>, vector<1280x128xf32> -> vector<1280x128xf32>
    %get3A_6 = arith.constant 0 : index
    %get3A_7 = arith.constant 0 : index
    %get3A_8 = vector.load %arg3[%get3A_6, %get3A_7] : memref<1x128xf32, #tpu.memory_space<vmem>>, vector<1x128xf32>
    %add3A = vector.broadcast %get3A_8 : vector<1x128xf32> to vector<1280x128xf32>
    %add3A_9 = arith.addf %dot_general3A_5, %add3A : vector<1280x128xf32>
    %max3A = arith.constant 0.000000e+00 : f32
    %max3A_10 = vector.broadcast %max3A : f32 to vector<1280x128xf32>
    %max3A_11 = arith.maximumf %add3A_9, %max3A_10 : vector<1280x128xf32>
    %convert_element_type3A_12 = arith.truncf %max3A_11 : vector<1280x128xf32> to vector<1280x128xbf16>
    %get3A_13 = arith.constant 0 : index
    %get3A_14 = arith.constant 0 : index
    %get3A_15 = vector.load %arg4[%get3A_13, %get3A_14] : memref<128x128xbf16, #tpu.memory_space<vmem>>, vector<128x128xbf16>
    %dot_general3A_16 = arith.constant dense<0.000000e+00> : vector<1280x128xf32>
    %dot_general3A_17 = tpu.matmul %convert_element_type3A_12, %get3A_15, %dot_general3A_16 {dimension_numbers = #tpu.dot_dimension_numbers<[1], [0], [0], [1], [0, 0, 1, 1], [], []>, transpose_lhs_hint = false} : vector<1280x128xbf16>, vector<128x128xbf16>, vector<1280x128xf32> -> vector<1280x128xf32>
    %get3A_18 = arith.constant 0 : index
    %get3A_19 = arith.constant 0 : index
    %get3A_20 = vector.load %arg5[%get3A_18, %get3A_19] : memref<1x128xf32, #tpu.memory_space<vmem>>, vector<1x128xf32>
    %add3A_21 = vector.broadcast %get3A_20 : vector<1x128xf32> to vector<1280x128xf32>
    %add3A_22 = arith.addf %dot_general3A_17, %add3A_21 : vector<1280x128xf32>
    %swap3A = arith.constant 0 : index
    %swap3A_23 = arith.constant 0 : index
    %swap3A_24 = vector.load %arg6[%swap3A, %swap3A_23] : memref<1280x128xf32, #tpu.memory_space<vmem>>, vector<1280x128xf32>
    tpu.vector_store %arg6[%swap3A, %swap3A_23], %add3A_22 {strides = array<i32>} : memref<1280x128xf32, #tpu.memory_space<vmem>>, vector<1280x128xf32>,
    return
  }
  func.func @transform_0(%arg0: i32) -> (i32, i32) {
    %c0_i32 = arith.constant 0 : i32
    %c0_i32_0 = arith.constant 0 : i32
    return %arg0, %c0_i32 : i32, i32
  }
  func.func @transform_1(%arg0: i32) -> (i32, i32) {
    %c0_i32 = arith.constant 0 : i32
    %c0_i32_0 = arith.constant 0 : i32
    %c0_i32_1 = arith.constant 0 : i32
    return %c0_i32, %c0_i32_0 : i32, i32
  }
  func.func @transform_2(%arg0: i32) -> (i32, i32) {
    %c0_i32 = arith.constant 0 : i32
    %c0_i32_0 = arith.constant 0 : i32
    %c0_i32_1 = arith.constant 0 : i32
    return %c0_i32, %c0_i32_0 : i32, i32
  }
  func.func @transform_3(%arg0: i32) -> (i32, i32) {
    %c0_i32 = arith.constant 0 : i32
    %c0_i32_0 = arith.constant 0 : i32
    %c0_i32_1 = arith.constant 0 : i32
    return %c0_i32, %c0_i32_0 : i32, i32
  }
  func.func @transform_4(%arg0: i32) -> (i32, i32) {
    %c0_i32 = arith.constant 0 : i32
    %c0_i32_0 = arith.constant 0 : i32
    %c0_i32_1 = arith.constant 0 : i32
    return %c0_i32, %c0_i32_0 : i32, i32
  }
  func.func @transform_5(%arg0: i32) -> (i32, i32) {
    %c0_i32 = arith.constant 0 : i32
    %c0_i32_0 = arith.constant 0 : i32
    return %arg0, %c0_i32 : i32, i32
  }
}

module attributes {stable_mosaic.version = 14 : i64} {
  func.func @_out_body(%arg0: i32, %arg1: memref<1000x128xf32, #tpu.memory_space<vmem>>, %arg2: memref<2x1000x128xf32, #tpu.memory_space<vmem>>, %arg3: memref<128x128xf32, #tpu.memory_space<vmem>>, %arg4: memref<128x128xf32, #tpu.memory_space<vmem>>, %arg5: memref<1x128xf32, #tpu.memory_space<vmem>>, %arg6: memref<1x128xf32, #tpu.memory_space<vmem>>, %arg7: memref<1000x128xf32, #tpu.memory_space<vmem>>) attributes {dimension_semantics = [#tpu.dimension_semantics<arbitrary>], iteration_bounds = array<i64: 10>, scalar_prefetch = 0 : i64, scratch_operands = 0 : i64, tpu.core_type = #tpu.core_type<tc>, window_params = [{transform_indices = @transform_0, window_bounds = array<i64: 1000, 128>}, {transform_indices = @transform_1, window_bounds = array<i64: 2, 1000, 128>}, {pipeline_mode = #tpu.pipeline_mode<synchronous>, transform_indices = @transform_2, window_bounds = array<i64: 128, 128>}, {pipeline_mode = #tpu.pipeline_mode<synchronous>, transform_indices = @transform_3, window_bounds = array<i64: 128, 128>}, {pipeline_mode = #tpu.pipeline_mode<synchronous>, transform_indices = @transform_4, window_bounds = array<i64: 1, 128>}, {pipeline_mode = #tpu.pipeline_mode<synchronous>, transform_indices = @transform_5, window_bounds = array<i64: 1, 128>}, {transform_indices = @transform_6, window_bounds = array<i64: 1000, 128>}]} {
    %get3A = arith.constant 0 : index
    %get3A_0 = arith.constant 0 : index
    %get3A_1 = arith.constant 0 : index
    %get3A_2 = vector.load %arg2[%get3A, %get3A_0, %get3A_1] : memref<2x1000x128xf32, #tpu.memory_space<vmem>>, vector<1x1000x128xf32>
    %get3A_3 = vector.shape_cast %get3A_2 : vector<1x1000x128xf32> to vector<1000x128xf32>
    %get3A_4 = arith.constant 1 : index
    %get3A_5 = arith.constant 0 : index
    %get3A_6 = arith.constant 0 : index
    %get3A_7 = vector.load %arg2[%get3A_4, %get3A_5, %get3A_6] : memref<2x1000x128xf32, #tpu.memory_space<vmem>>, vector<1x1000x128xf32>
    %get3A_8 = vector.shape_cast %get3A_7 : vector<1x1000x128xf32> to vector<1000x128xf32>
    %add3A = arith.addf %get3A_3, %get3A_8 : vector<1000x128xf32>
    %get3A_9 = arith.constant 0 : index
    %get3A_10 = arith.constant 0 : index
    %get3A_11 = vector.load %arg1[%get3A_9, %get3A_10] : memref<1000x128xf32, #tpu.memory_space<vmem>>, vector<1000x128xf32>
    %get3A_12 = arith.constant 0 : index
    %get3A_13 = arith.constant 0 : index
    %get3A_14 = vector.load %arg3[%get3A_12, %get3A_13] : memref<128x128xf32, #tpu.memory_space<vmem>>, vector<128x128xf32>
    %dot_general3A = arith.constant dense<0.000000e+00> : vector<1000x128xf32>
    %dot_general3A_15 = tpu.matmul %get3A_11, %get3A_14, %dot_general3A {dimension_numbers = #tpu.dot_dimension_numbers<[1], [0], [0], [1], [0, 0, 1, 1], [], []>, transpose_lhs_hint = false} : vector<1000x128xf32>, vector<128x128xf32>, vector<1000x128xf32> -> vector<1000x128xf32>
    %get3A_16 = arith.constant 0 : index
    %get3A_17 = arith.constant 0 : index
    %get3A_18 = vector.load %arg4[%get3A_16, %get3A_17] : memref<128x128xf32, #tpu.memory_space<vmem>>, vector<128x128xf32>
    %dot_general3A_19 = arith.constant dense<0.000000e+00> : vector<1000x128xf32>
    %dot_general3A_20 = tpu.matmul %add3A, %get3A_18, %dot_general3A_19 {dimension_numbers = #tpu.dot_dimension_numbers<[1], [0], [0], [1], [0, 0, 1, 1], [], []>, transpose_lhs_hint = false} : vector<1000x128xf32>, vector<128x128xf32>, vector<1000x128xf32> -> vector<1000x128xf32>
    %add3A_21 = arith.addf %dot_general3A_15, %dot_general3A_20 : vector<1000x128xf32>
    %get3A_22 = arith.constant 0 : index
    %get3A_23 = arith.constant 0 : index
    %get3A_24 = vector.load %arg5[%get3A_22, %get3A_23] : memref<1x128xf32, #tpu.memory_space<vmem>>, vector<1x128xf32>
    %add3A_25 = vector.broadcast %get3A_24 : vector<1x128xf32> to vector<1000x128xf32>
    %add3A_26 = arith.addf %add3A_21, %add3A_25 : vector<1000x128xf32>
    %get3A_27 = arith.constant 0 : index
    %get3A_28 = arith.constant 0 : index
    %get3A_29 = vector.load %arg6[%get3A_27, %get3A_28] : memref<1x128xf32, #tpu.memory_space<vmem>>, vector<1x128xf32>
    %add3A_30 = vector.broadcast %get3A_29 : vector<1x128xf32> to vector<1000x128xf32>
    %add3A_31 = arith.addf %add3A_26, %add3A_30 : vector<1000x128xf32>
    %max3A = arith.constant 0.000000e+00 : f32
    %max3A_32 = vector.broadcast %max3A : f32 to vector<1000x128xf32>
    %max3A_33 = arith.maximumf %add3A_31, %max3A_32 : vector<1000x128xf32>
    %swap3A = arith.constant 0 : index
    %swap3A_34 = arith.constant 0 : index
    %swap3A_35 = vector.load %arg7[%swap3A, %swap3A_34] : memref<1000x128xf32, #tpu.memory_space<vmem>>, vector<1000x128xf32>
    tpu.vector_store %arg7[%swap3A, %swap3A_34], %max3A_33 {strides = array<i32>} : memref<1000x128xf32, #tpu.memory_space<vmem>>, vector<1000x128xf32>,
    return
  }
  func.func @transform_0(%arg0: i32) -> (i32, i32) {
    %c0_i32 = arith.constant 0 : i32
    %c0_i32_0 = arith.constant 0 : i32
    return %arg0, %c0_i32 : i32, i32
  }
  func.func @transform_1(%arg0: i32) -> (i32, i32, i32) {
    %c0_i32 = arith.constant 0 : i32
    %c0_i32_0 = arith.constant 0 : i32
    %c0_i32_1 = arith.constant 0 : i32
    return %c0_i32, %arg0, %c0_i32_0 : i32, i32, i32
  }
  func.func @transform_2(%arg0: i32) -> (i32, i32) {
    %c0_i32 = arith.constant 0 : i32
    %c0_i32_0 = arith.constant 0 : i32
    %c0_i32_1 = arith.constant 0 : i32
    return %c0_i32, %c0_i32_0 : i32, i32
  }
  func.func @transform_3(%arg0: i32) -> (i32, i32) {
    %c0_i32 = arith.constant 0 : i32
    %c0_i32_0 = arith.constant 0 : i32
    %c0_i32_1 = arith.constant 0 : i32
    return %c0_i32, %c0_i32_0 : i32, i32
  }
  func.func @transform_4(%arg0: i32) -> (i32, i32) {
    %c0_i32 = arith.constant 0 : i32
    %c0_i32_0 = arith.constant 0 : i32
    %c0_i32_1 = arith.constant 0 : i32
    return %c0_i32, %c0_i32_0 : i32, i32
  }
  func.func @transform_5(%arg0: i32) -> (i32, i32) {
    %c0_i32 = arith.constant 0 : i32
    %c0_i32_0 = arith.constant 0 : i32
    %c0_i32_1 = arith.constant 0 : i32
    return %c0_i32, %c0_i32_0 : i32, i32
  }
  func.func @transform_6(%arg0: i32) -> (i32, i32) {
    %c0_i32 = arith.constant 0 : i32
    %c0_i32_0 = arith.constant 0 : i32
    return %arg0, %c0_i32 : i32, i32
  }
}

</mosaic_0001>

<sc_bundles>
// kernel: kernel.5.cloned.1.call-start
scs
__scs_entry_jumppad:
0x0: {  	(pc) =	sbr.rel $0x88, $3  }
0x1: {  	(tag) =	ssettag $0x0;
	lr =	simm.s32 $0x1  }
0x2: {  	[smem:$0x3F96] =	sst lr;
	_ =	strace $0xD0000000  }
0x3: {  	_ = 	snop  }
0x4: {  	_ = 	snop  }
0x5: {  	_ = 	snop  }
0x6: {  	_ = 	snop  }
0x7: {  	_ = 	snop  }
__scs_overlays_trampoline_lowered:
0x8: {  	[smem:$0x3FA5] =	sst s0  }
0x9: {  	[smem:$0x3FA6] =	sst s1  }
0xa: {  	[smem:$0x3FA7] =	sst s2  }
0xb: {  	[smem:$0x3FA8] =	sst s3  }
0xc: {  	[smem:$0x3FA9] =	sst s4  }
0xd: {  	[smem:$0x3FAA] =	sst s5  }
0xe: {  	[smem:$0x3FAB] =	sst s6  }
0xf: {  	[smem:$0x3FAC] =	sst s7  }
0x10: {  	[smem:$0x3FAD] =	sst s8  }
0x11: {  	[smem:$0x3FAE] =	sst s9;
	s0 =	simm.s32 @!p0 $0x0  }
0x12: {  	s1 =	sld [smem:$0x3F94];
	s0 =	simm.s32 @p0 $0x1  }
0x13: {  	[smem:$0x3FAF] =	sst s0;
	s0 =	simm.s32 @!p1 $0x0  }
0x14: {  	s2 =	sld [smem:$0x3F93];
	s0 =	simm.s32 @p1 $0x1  }
0x15: {  	[smem:$0x3FB0] =	sst s0;
	s0 =	simm.s32 @!p2 $0x0  }
0x16: {  	s3 =	sld [smem:$0x3FDB];
	s0 =	simm.s32 @p2 $0x1  }
0x17: {  	s4 =	simm.s32 $0x1BF5;
	[smem:$0x3FB2] =	sst s0  }
0x18: {  	s0 =	sld [smem:$0x3F95];
	_ =	swait.ge [sflag:s4], $0x0  }
0x19: {  	s7 =	sld [smem:$0x3F96]  }
0x1a: {  	s8 =	sadd.s32 $0xFFFFE003, lr  }
0x1b: {  	s9 =	sadd.s32 $0xFFFFFEF7, lr;
	s5 =	simm.s32 $0xFFFFFFFF;
	p2 =	slt.u32 s8, $0xFFFFF086  }
0x1c: {  	p1 =	slt.u32 s9, $0xF7A;
	s5 =	simm.s32 @!p2 $0x0  }
0x1d: {  	s5 =	simm.s32 @p1 $0x1;
	p0 =	seq.s32 s7, s2  }
0x1e: {  	s7 =	smul.u32 @!p0 $0xF7A, s2;
	p2 =	seq.s32 @!p0 s5, $0x0  }
0x1f: {  	s9 =	smul.u32 $0xF7A, s1;
	s8 =	simm.s32 @!p0 $0x1BF5;
	p2 =	por !p2, p0  }
0x20: {  	[sflag:s8] =	ssyncset.s32 @!p0 $0xFFFFF086;
	s6 =	sadd.s32 @!p0 s3, s7;
	s7 =	simm.s32 @!p0 $0x108  }
0x21: {  	s3 =	sadd.s32 s3, s9;
	s6 =	sadd.s32 @!p0 $0x88, s6;
	s7 =	simm.s32 @p2 $0x1082  }
0x22: {  	[simem:s7], [sflag:s8] =	dma.local @!p0 [hbm:s6], $0xF7A  }
0x23: {  	s9 =	sor.u32 $0xD0000000, s2;
	s6 =	simm.s32 $0x108;
	_ =	swait.ge @!p0 [sflag:s8], $0x0  }
0x24: {  	s3 =	sadd.s32 $0x88, s3;
	s6 =	simm.s32 @!p1 $0x1082;
	[sflag:s4] =	ssyncset.s32 $0xFFFFF086  }
0x25: {  	[simem:s6], [sflag:s4] =	dma.local [hbm:s3], $0xF7A  }
0x26: {  	[smem:$0x3F96] =	sst s1;
	(tag) =	ssettag s2;
	_ =	strace s9  }
0x27: {  	s1 =	sld [smem:$0x3FA6]  }
0x28: {  	s2 =	sld [smem:$0x3FA7]  }
0x29: {  	s4 =	sld [smem:$0x3FA9]  }
0x2a: {  	p0 =	seq.s32 s5, $0x0;
	s5 =	sld [smem:$0x3FAA]  }
0x2b: {  	s6 =	sld [smem:$0x3FAB]  }
0x2c: {  	s7 =	sld [smem:$0x3FAC]  }
0x2d: {  	s3 =	simm.s32 $0x108;
	s8 =	sld [smem:$0x3FAD]  }
0x2e: {  	s3 =	simm.s32 @!p0 $0x1082;
	s9 =	sld [smem:$0x3FAE]  }
0x2f: {  	lr =	sadd.s32 s0, s3;
	s0 =	sld [smem:$0x3FA5]  }
0x30: {  	s3 =	sld [smem:$0x3FA8]  }
0x31: {  	[smem:$0x3FB1] =	sst s10  }
0x32: {  	s10 =	sld [smem:$0x3FAF];
	_ =	sdelay $0x3  }
0x33: {  	p0 =	seq.s32 s10, $0x1;
	s10 =	sld [smem:$0x3FB1];
	_ =	sdelay $0x3  }
0x34: {  	[smem:$0x3FB1] =	sst s10  }
0x35: {  	s10 =	sld [smem:$0x3FB0];
	_ =	sdelay $0x3  }
0x36: {  	p1 =	seq.s32 s10, $0x1;
	s10 =	sld [smem:$0x3FB1];
	_ =	sdelay $0x3  }
0x37: {  	[smem:$0x3FB1] =	sst s10  }
0x38: {  	s10 =	sld [smem:$0x3FB2]  }
0x39: {  	_ = 	snop;
	(pc) =	sbr.ind lr, $3  }
0x3a: {  	_ = 	snop  }
0x3b: {  	_ = 	snop  }
0x3c: {  	p2 =	seq.s32 s10, $0x1;
	s10 =	sld [smem:$0x3FB1]  }
0x3d: {  	_ =	shalt  }
0x3e: {  	_ =	shalt  }
0x3f: {  	_ =	shalt  }
0x40: {  	_ =	shalt  }
0x41: {  	_ =	shalt  }
0x42: {  	_ =	shalt  }
0x43: {  	_ =	shalt  }
0x44: {  	_ =	shalt  }
0x45: {  	_ =	shalt  }
0x46: {  	_ =	shalt  }
0x47: {  	_ =	shalt  }
0x48: {  	_ =	shalt  }
0x49: {  	_ =	shalt  }
0x4a: {  	_ =	shalt  }
0x4b: {  	_ =	shalt  }
0x4c: {  	_ =	shalt  }
0x4d: {  	_ =	shalt  }
0x4e: {  	_ =	shalt  }
0x4f: {  	_ =	shalt  }
0x50: {  	_ =	shalt  }
0x51: {  	_ =	shalt  }
0x52: {  	_ =	shalt  }
0x53: {  	_ =	shalt  }
0x54: {  	_ =	shalt  }
0x55: {  	_ =	shalt  }
0x56: {  	_ =	shalt  }
0x57: {  	_ =	shalt  }
0x58: {  	_ =	shalt  }
0x59: {  	_ =	shalt  }
0x5a: {  	_ =	shalt  }
0x5b: {  	_ =	shalt  }
0x5c: {  	_ =	shalt  }
0x5d: {  	_ =	shalt  }
0x5e: {  	_ =	shalt  }
0x5f: {  	_ =	shalt  }
0x60: {  	_ =	shalt  }
0x61: {  	_ =	shalt  }
0x62: {  	_ =	shalt  }
0x63: {  	_ =	shalt  }
0x64: {  	_ =	shalt  }
0x65: {  	_ =	shalt  }
0x66: {  	_ =	shalt  }
0x67: {  	_ =	shalt  }
0x68: {  	_ =	shalt  }
0x69: {  	_ =	shalt  }
0x6a: {  	_ =	shalt  }
0x6b: {  	_ =	shalt  }
0x6c: {  	_ =	shalt  }
0x6d: {  	_ =	shalt  }
0x6e: {  	_ =	shalt  }
0x6f: {  	_ =	shalt  }
0x70: {  	_ =	shalt  }
0x71: {  	_ =	shalt  }
0x72: {  	_ =	shalt  }
0x73: {  	_ =	shalt  }
0x74: {  	_ =	shalt  }
0x75: {  	_ =	shalt  }
0x76: {  	_ =	shalt  }
0x77: {  	_ =	shalt  }
0x78: {  	_ =	shalt  }
0x79: {  	_ =	shalt  }
0x7a: {  	_ =	shalt  }
0x7b: {  	_ =	shalt  }
0x7c: {  	_ =	shalt  }
0x7d: {  	_ =	shalt  }
0x7e: {  	_ =	shalt  }
0x7f: {  	_ =	shalt  }
0x80: {  	_ =	shalt  }
0x81: {  	_ =	shalt  }
0x82: {  	_ =	shalt  }
0x83: {  	_ =	shalt  }
0x84: {  	_ =	shalt  }
0x85: {  	_ =	shalt  }
0x86: {  	_ =	shalt  }
0x87: {  	_ =	shalt  }
.Lfunc_end0:
.L_simem_size_0:
called_computation_lowered:
.L_overlay_start_0:
0x88: {  	s2 =	sld [smem:$0x3FD9]  }
0x89: {  	s3 =	sld [smem:$0x3FFE];
	_ =	sdelay $0x1  }
0x8a: {  	s1 =	srdreg.scid  }
0x8b: {  	s0 =	sand.u32 $0x1, s1  }
0x8c: {  	s17 =	sshll.u32 s0, $0xA;
	s2 =	sadd.s32 s3, s2  }
0x8d: {  	s2 =	sadd.s32 s2, s17  }
0x8e: {  	[smem:$0x3FBD] =	sst s2  }
0x8f: {  	_ = 	snop  }
0x90: {  	s2 =	sld [smem:$0x3FC9];
	(tm) =	ssettm $0x1  }
0x91: {  	s18 =	sld [smem:$0x3FFB];
	_ =	sdelay $0x3  }
0x92: {  	_ =	strace s18  }
0x93: {  	s3 =	sld [smem:$0x3FFC];
	_ =	sdelay $0x3  }
0x94: {  	_ =	strace s3  }
0x95: {  	s3 =	sld [smem:$0x3FFD];
	_ =	sdelay $0x3  }
0x96: {  	_ =	strace s3  }
0x97: {  	_ =	strace $0x8FFFFFFF  }
0x98: {  	s19 =	sld [smem:$0x3FDB];
	_ =	sdelay $0x1  }
0x99: {  	s4 =	simm.s32 $_scs_section_size  }
0x9a: {  	s5 =	simm.s32 $_size__tile_overlayer_lowered;
	s6 =	simm.s32 $_tile_overlayer_lowered  }
0x9b: {  	s22 =	simm.s32 $0x1BFF;
	s21 =	sshll.u32 s6, $0x1;
	s3 =	sadd.s32 s4, s19  }
0x9c: {  	s7 =	simm.s32 $0x0;
	s20 =	sshll.u32 s5, $0x1;
	s5 =	sadd.s32 s21, s3  }
0x9d: {  	[timem:s7], [sflag:s22] =	dma.local [hbm:s5], s20  }
0x9e: {  	_ =	swait.ge [sflag:s22], s20  }
0x9f: {  	s4 =	ssub.s32 $0x0, s20;
	[sflag:s22] =	ssyncset.done $0x0  }
0xa0: {  	[sflag:s22] =	ssyncadd.s32 s4;
	_ =	sdelay $0x1  }
0xa1: {  	s23 =	simm.s32 $0x1B8B  }
0xa2: {  	_ =	swait.ge [sflag:s23], $0x1  }
0xa3: {  	[sflag:s23] =	ssyncset.done $0x0  }
0xa4: {  	s25 =	simm.s32 $0x1B8E;
	s24 =	sld [smem:$0x3FFE];
	[sflag:s23] =	ssyncadd.s32 $0xFFFFFFFF  }
0xa5: {  	s26 =	simm.s32 $execute0_lowered;
	[smem:$0x3FD2] =	sst s25  }
0xa6: {  	s5 =	sshll.u32 s26, $0x1;
	_ =	strace $0x80000046;
	[dreg:$0x1] =	wrdreg $0xFFFFFFFF  }
0xa7: {  	s28 =	simm.s32 $_size_execute0_lowered;
	s3 =	sadd.s32 s3, s5;
	[dreg:$0x0] =	wrdreg $0x0  }
0xa8: {  	s5 =	sshll.u32 s28, $0x1;
	[dreg:$0x2] =	wrdreg s3  }
0xa9: {  	[dreg:$0x3] =	wrdreg s5  }
0xaa: {  	[dreg:$0x4] =	wrdreg $0xC0  }
0xab: {  	_ =	task [dreg:s7], $0x5FFFF  }
0xac: {  	[dreg:$0x1] =	wrdreg $0xFFFFFFFF  }
0xad: {  	[dreg:$0x0] =	wrdreg $0x60  }
0xae: {  	[dreg:$0x2] =	wrdreg s2  }
0xaf: {  	[dreg:$0x3] =	wrdreg s24  }
0xb0: {  	[dreg:$0x4] =	wrdreg $0xC3000  }
0xb1: {  	[dreg:$0x5] =	wrdreg $0x9  }
0xb2: {  	_ =	task.clear_ibuf [dreg:s7], $0x6FFFF;
	_ =	strace $0x90000046  }
0xb3: {  	s29 =	simm.s32 $0x9;
	_ =	strace $0x80000048  }
0xb4: {  	_ =	swait.ge [sflag:s29], $0x1  }
0xb5: {  	[sflag:s29] =	ssyncadd.s32 $0xFFFFFFFF  }
0xb6: {  	_ =	strace $0x90000048  }
0xb7: {  	_ =	sfence  }
0xb8: {  	s30 =	sld [smem:$0x0];
	_ =	sdelay $0x2  }
0xb9: {  	s31 =	sshll.u32 s1, $0xD;
	s1 =	sshrl.u32 s1, $0x2  }
0xba: {  	s3 =	sand.u32 $0x4000, s31;
	s1 =	sadd.s32 s1, s30  }
0xbb: {  	s0 =	sor.u32 s3, s0;
	s1 =	sshll.u32 s1, $0x11  }
0xbc: {  	s0 =	sor.u32 s1, s0  }
0xbd: {  	s0 =	sadd.s32 $0x8F2B, s0  }
0xbe: {  	[sflag:s0] =	ssyncadd.remote.s32 $0x1  }
0xbf: {  	_ =	sfence.sel $0xFFFF  }
0xc0: {  	[dreg:$0x0] =	wrdreg $0xFFFFFFFF;
	(pc) =	sbr.abs _section_cstart, $3  }
0xc1: {  	[dreg:$0x1] =	wrdreg $0xFFFFFFFF  }
0xc2: {  	_ =	task.clear_ibuf [dreg:s7], $0x2FFFF;
	_ =	strace $0x9FFFFFFF  }
0xc3: {  	(tm) =	ssettm $0x7FFFFFFF  }
tec
execute0_lowered:
.L_overlay_start_1:
0x0: {  	(tag) =	ssettag $0x1  }
0x1: {  	s0 =	rddreg [dreg:$0x0]  }
0x2: {  	s1 =	rddreg [dreg:$0x1];
	s2 =	srdreg.scid  }
0x3: {  	s3 =	rddreg [dreg:$0x2];
	s10 =	stileid.u32  }
0x4: {  	s25 =	simm.s32 $0x0;
	s30 =	simm.s32 $0x8200;
	s2 =	sand.u32 $0x1, s2  }
0x5: {  	s5 =	smul.u32 $0x13C00, s10;
	[smem:$0x7FF] =	sst s25;
	s6 =	sadd.s32 $0x4E2E00, s1  }
0x6: {  	s7 =	smul.u32 $0x4F000, s10;
	s10 =	sshll.u32 s10, $0x1;
	s22 =	sadd.s32 $0x4E2E40, s1  }
0x7: {  	s4 =	smul.u32 $0x13C000, s2;
	s8 =	ssub.s32 $0x2, s2;
	s2 =	sor.u32 s2, s10  }
0x8: {  	s31 =	simm.s32 $0x9;
	_ =	strace $0x80000047;
	s12 =	smul.u32 $0x13C0, s2  }
0x9: {  	s9 =	sshrl.u32 s8, $0x1;
	s7 =	sshrl.u32 s7, $0x2;
	s17 =	smul.u32 $0x9E00, s2  }
0xa: {  	s4 =	sadd.s32 s5, s4;
	s5 =	sadd.s32 $0x50A600, s1;
	s26 =	sadd.s32 s7, s3  }
0xb: {  	s8 =	ssub.s32 s8, s9;
	s28 =	sadd.s32 $0x2000, s26;
	[dreg:$0x5] =	wrdreg s26  }
0xc: {  	s7 =	smul.u32 $0x9E, s2;
	s29 =	sadd.s32 $0x4000, s26;
	[dreg:$0x6] =	wrdreg s28  }
0xd: {  	s4 =	sshrl.u32 s4, $0x3;
	s10 =	sadd.s32 $0x6000, s26;
	[dreg:$0x7] =	wrdreg s29  }
0xe: {  	s11 =	sadd.s32 $0x8000, s26;
	s13 =	sadd.s32 $0xA000, s26;
	[dreg:$0x8] =	wrdreg s10  }
0xf: {  	s14 =	sadd.s32 $0xC000, s26;
	s9 =	sadd.s32 s6, s12;
	[dreg:$0x9] =	wrdreg s11  }
0x10: {  	s23 =	smax.u32 s8, $0x1;
	s24 =	sadd.s32 $0xE000, s26;
	[dreg:$0xa] =	wrdreg s13  }
0x11: {  	s8 =	simm.s32 $0x200;
	s12 =	simm.s32 $0x6200;
	[dreg:$0xb] =	wrdreg s14  }
0x12: {  	s4 =	sadd.s32 s4, s1;
	[dreg:$0xc] =	wrdreg s9;
	s11 =	smul.u32 $0x27800, s2  }
0x13: {  	s15 =	sor.u32 $0x1, s7;
	s2 =	smul.u32 $0x13C000, s2;
	[dreg:$0x15] =	wrdreg s23  }
0x14: {  	[dreg:$0x16] =	wrdreg s24;
	s28 =	sadd.s32 $0x10000, s26;
	s29 =	sadd.s32 $0x12000, s26  }
0x15: {  	s1 =	simm.s32 $0x100;
	s13 =	simm.s32 $0x3;
	s14 =	simm.s32 $0x5  }
0x16: {  	s23 =	simm.s32 $0x7;
	s24 =	simm.s32 $0x8;
	s16 =	sshll.u32 s15, $0x5  }
0x17: {  	s10 =	sshll.u32 s15, $0xA;
	s21 =	sadd.s32 $0xE00, s4;
	[dreg:$0x17] =	wrdreg s28  }
0x18: {  	[dreg:$0x18] =	wrdreg s29;
	s15 =	simm.s32 $0xC200;
	s9 =	sadd.s32 s6, s16  }
0x19: {  	s16 =	sadd.s32 $0x2, s7;
	s11 =	sadd.s32 s5, s11;
	[dreg:$0x14] =	wrdreg s21  }
0x1a: {  	s2 =	sshrl.u32 s2, $0x3;
	s10 =	sadd.s32 s5, s10;
	[dreg:$0xd] =	wrdreg s9  }
0x1b: {  	s21 =	simm.s32 $0xA200;
	[dreg:$0xe] =	wrdreg s11;
	s18 =	sshll.u32 s16, $0x5  }
0x1c: {  	s9 =	sshrl.u32 s17, $0x3;
	s19 =	sshll.u32 s16, $0xA;
	[dreg:$0x10] =	wrdreg s10  }
0x1d: {  	s2 =	sadd.s32 s5, s2;
	s10 =	simm.s32 $0x2;
	s17 =	simm.s32 $0x1  }
0x1e: {  	s11 =	sadd.s32 s6, s18;
	s6 =	sadd.s32 s6, s9;
	s9 =	sadd.s32 s5, s19  }
0x1f: {  	s20 =	sadd.s32 $0x27400, s2;
	s2 =	simm.s32 $0x40;
	[dreg:$0xf] =	wrdreg s11  }
0x20: {  	s18 =	simm.s32 $0x4;
	s19 =	simm.s32 $0x6;
	[dreg:$0x11] =	wrdreg s9  }
0x21: {  	s6 =	sadd.s32 $0x60, s6;
	[dreg:$0x13] =	wrdreg s20;
	s9 =	simm.s32 $0x4200  }
0x22: {  	v0 =	vimm.f32 $0.0e+00;
	s11 =	simm.s32 $0x2200;
	s20 =	simm.s32 $0xC280;
	[dreg:$0x12] =	wrdreg s6  }
.LBB2_1:
0x23: {  	[dreg:$0x4] =	wrdreg s25;
	s4 =	simm.s32 $0x0;
	s6 =	simm.s32 $0x200  }
.LBB2_2:
0x24: {  	p0 =	sne.s32 s6, $0x7E00;
	[tilespmem:s4+$0x8270] =	vst v0  }
0x25: {  	[tilespmem:s4+$0x8200] =	vst v0  }
0x26: {  	[tilespmem:s4+$0x8210] =	vst v0  }
.Ltmp0:
0x27: {  	[tilespmem:s4+$0x8220] =	vst v0;
	(pc) =	sbr.rel @p0 .LBB2_2-.Ltmp0, $4  }
0x28: {  	[tilespmem:s4+$0x8230] =	vst v0  }
0x29: {  	[tilespmem:s4+$0x8240] =	vst v0  }
0x2a: {  	[tilespmem:s4+$0x8250] =	vst v0  }
0x2b: {  	[tilespmem:s4+$0x8260] =	vst v0;
	s4 =	sshra.s32 s6, $0x2;
	s6 =	sadd.s32 $0x200, s6  }
0x2c: {  	[tilespmem:s4+$0x8270] =	vst v0  }
0x2d: {  	[tilespmem:s4+$0x8200] =	vst v0  }
0x2e: {  	[tilespmem:s4+$0x8210] =	vst v0  }
0x2f: {  	[tilespmem:s4+$0x8220] =	vst v0  }
0x30: {  	[tilespmem:s4+$0x8230] =	vst v0  }
0x31: {  	[tilespmem:s4+$0x8240] =	vst v0  }
0x32: {  	[tilespmem:s4+$0x8250] =	vst v0  }
0x33: {  	[tilespmem:s4+$0x8260] =	vst v0  }
0x34: {  	[spmem:s26] =	stream.linear.scatter [tilespmem:s30], [sflag:$0x9], $0x2000, $0x38;
	[tilespmem:$0x1FF00] =	vst v63  }
0x35: {  	_ =	swait.ge [sflag:s31], $0x2000  }
0x36: {  	[sflag:s31] =	ssyncset.done $0x0  }
0x37: {  	s26 =	rddreg [dreg:$0x6];
	[sflag:s31] =	ssyncadd.s32 $0xFFFFE000  }
0x38: {  	[spmem:s26] =	stream.linear.scatter [tilespmem:s30], [sflag:$0x9], $0x2000, $0x38;
	[tilespmem:$0x1FF00] =	vst v63  }
0x39: {  	_ =	swait.ge [sflag:s31], $0x2000  }
0x3a: {  	[sflag:s31] =	ssyncset.done $0x0  }
0x3b: {  	s28 =	rddreg [dreg:$0x7];
	[sflag:s31] =	ssyncadd.s32 $0xFFFFE000  }
0x3c: {  	[spmem:s28] =	stream.linear.scatter [tilespmem:s30], [sflag:$0x9], $0x2000, $0x38;
	[tilespmem:$0x1FF00] =	vst v63  }
0x3d: {  	_ =	swait.ge [sflag:s31], $0x2000  }
0x3e: {  	[sflag:s31] =	ssyncset.done $0x0  }
0x3f: {  	s29 =	rddreg [dreg:$0x8];
	[sflag:s31] =	ssyncadd.s32 $0xFFFFE000  }
0x40: {  	[spmem:s29] =	stream.linear.scatter [tilespmem:s30], [sflag:$0x9], $0x2000, $0x38;
	[tilespmem:$0x1FF00] =	vst v63  }
0x41: {  	_ =	swait.ge [sflag:s31], $0x2000  }
0x42: {  	[sflag:s31] =	ssyncset.done $0x0  }
0x43: {  	s6 =	rddreg [dreg:$0x9];
	[sflag:s31] =	ssyncadd.s32 $0xFFFFE000  }
0x44: {  	[spmem:s6] =	stream.linear.scatter [tilespmem:s30], [sflag:$0x9], $0x2000, $0x38;
	[tilespmem:$0x1FF00] =	vst v63  }
0x45: {  	_ =	swait.ge [sflag:s31], $0x2000  }
0x46: {  	[sflag:s31] =	ssyncset.done $0x0  }
0x47: {  	s25 =	rddreg [dreg:$0xa];
	[sflag:s31] =	ssyncadd.s32 $0xFFFFE000  }
0x48: {  	[spmem:s25] =	stream.linear.scatter [tilespmem:s30], [sflag:$0x9], $0x2000, $0x38;
	[tilespmem:$0x1FF00] =	vst v63  }
0x49: {  	_ =	swait.ge [sflag:s31], $0x2000  }
0x4a: {  	[sflag:s31] =	ssyncset.done $0x0  }
0x4b: {  	s26 =	rddreg [dreg:$0xb];
	[sflag:s31] =	ssyncadd.s32 $0xFFFFE000  }
0x4c: {  	[spmem:s26] =	stream.linear.scatter [tilespmem:s30], [sflag:$0x9], $0x2000, $0x38;
	[tilespmem:$0x1FF00] =	vst v63  }
0x4d: {  	_ =	swait.ge [sflag:s31], $0x2000  }
0x4e: {  	[sflag:s31] =	ssyncset.done $0x0  }
0x4f: {  	s28 =	rddreg [dreg:$0x16];
	[sflag:s31] =	ssyncadd.s32 $0xFFFFE000  }
0x50: {  	[spmem:s28] =	stream.linear.scatter [tilespmem:s30], [sflag:$0x9], $0x2000, $0x38;
	[tilespmem:$0x1FF00] =	vst v63  }
0x51: {  	_ =	swait.ge [sflag:s31], $0x2000  }
0x52: {  	[sflag:s31] =	ssyncset.done $0x0  }
0x53: {  	s29 =	rddreg [dreg:$0x17];
	[sflag:s31] =	ssyncadd.s32 $0xFFFFE000  }
0x54: {  	[spmem:s29] =	stream.linear.scatter [tilespmem:s30], [sflag:$0x9], $0x2000, $0x38;
	[tilespmem:$0x1FF00] =	vst v63  }
0x55: {  	_ =	swait.ge [sflag:s31], $0x2000  }
0x56: {  	[sflag:s31] =	ssyncset.done $0x0  }
0x57: {  	s6 =	rddreg [dreg:$0x18];
	[sflag:s31] =	ssyncadd.s32 $0xFFFFE000  }
0x58: {  	[spmem:s6] =	stream.linear.scatter [tilespmem:s30], [sflag:$0x9], $0x1C00, $0x38;
	[tilespmem:$0x1FF00] =	vst v63  }
0x59: {  	_ =	swait.ge [sflag:s31], $0x1C00  }
0x5a: {  	[sflag:s31] =	ssyncset.done $0x0  }
0x5b: {  	[sflag:s31] =	ssyncadd.s32 $0xFFFFE400  }
0x5c: {  	[bflag:$0x0] =	sbarrier.arrive $0xFFFF  }
0x5d: {  	s4 =	simm.s32 $0x0;
	s6 =	rddreg [dreg:$0xc]  }
0x5e: {  	[tilespmem:s4], [sflag:$0x9] =	stream.linear.gather [hbm4b:s6+s4], $0x100, $0x38;
	[tilespmem:$0x1FF00] =	vst v63  }
0x5f: {  	_ =	swait.ge [sflag:s31], $0x100  }
0x60: {  	[sflag:s31] =	ssyncset.done $0x0  }
0x61: {  	s25 =	rddreg [dreg:$0xd];
	[sflag:s31] =	ssyncadd.s32 $0xFFFFFF00  }
0x62: {  	[tilespmem:s1], [sflag:$0x2] =	stream.linear.gather [hbm4b:s25+s4], $0x100, $0x38;
	[tilespmem:$0x1FF00] =	vst v63  }
0x63: {  	_ = 	snop  }
0x64: {  	[tilespmem:s8], [sflag:$0x3] =	stream.indirect.gather [hbm4b:s0+s2], $0x80, s4, s2, $0xb8;
	[tilespmem:$0x1FF00] =	vst v63  }
0x65: {  	s26 =	rddreg [dreg:$0xe]  }
0x66: {  	[tilespmem:s9], [sflag:$0x5] =	stream.linear.gather [hbm4b:s26+s4], $0x2000, $0x38;
	[tilespmem:$0x1FF00] =	vst v63  }
0x67: {  	_ =	swait.ge [sflag:s10], $0x100  }
0x68: {  	[sflag:s10] =	ssyncset.done $0x0  }
0x69: {  	[sflag:s10] =	ssyncadd.s32 $0xFFFFFF00  }
0x6a: {  	[tilespmem:s11], [sflag:$0x4] =	stream.indirect.gather [hbm4b:s0+s2], $0x80, s1, s2, $0xb8;
	[tilespmem:$0x1FF00] =	vst v63  }
0x6b: {  	s28 =	rddreg [dreg:$0x10]  }
0x6c: {  	[tilespmem:s12], [sflag:$0x6] =	stream.linear.gather [hbm4b:s28+s4], $0x2000, $0x38;
	[tilespmem:$0x1FF00] =	vst v63  }
0x6d: {  	_ =	swait.ge [sflag:s13], $0x2000  }
0x6e: {  	[sflag:s13] =	ssyncset.done $0x0  }
0x6f: {  	[sflag:s13] =	ssyncadd.s32 $0xFFFFE000  }
0x70: {  	_ =	swait.ge [sflag:s14], $0x2000  }
0x71: {  	[sflag:s14] =	ssyncset.done $0x0  }
0x72: {  	[sflag:s14] =	ssyncadd.s32 $0xFFFFE000  }
0x73: {  	v1 =	vld [tilespmem:$0x80]  }
0x74: {  	v2 =	vld [tilespmem:$0x90]  }
0x75: {  	v3 =	vld [tilespmem:$0xA0]  }
0x76: {  	v4 =	vld [tilespmem:$0xB0];
	_ =	sdelay $0x1  }
0x77: {  	[tilespmem:$0xC200] =	vst v1  }
0x78: {  	[tilespmem:$0xC210] =	vst v2  }
0x79: {  	[tilespmem:$0xC220] =	vst v3  }
0x7a: {  	s25 =	simm.s32 $0x0;
	s29 =	rddreg [dreg:$0xf];
	[tilespmem:$0xC230] =	vst v4  }
0x7b: {  	[tilespmem:s4], [sflag:$0x1] =	stream.linear.gather [hbm4b:s29+s4], $0x100, $0x38;
	[tilespmem:$0x1FF00] =	vst v63  }
0x7c: {  	v1 =	vld [tilespmem:s25+$0x2F0]  }
0x7d: {  	v2 =	vld [tilespmem:s25+$0x42F0]  }
0x7e: {  	v3 =	vld [tilespmem:s25+$0x200]  }
0x7f: {  	v4 =	vld [tilespmem:s25+$0x4200]  }
0x80: {  	v5 =	vld [tilespmem:s25+$0x210]  }
0x81: {  	v6 =	vld [tilespmem:s25+$0x4210]  }
0x82: {  	v7 =	vld [tilespmem:s25+$0x220]  }
0x83: {  	v8 =	vld [tilespmem:s25+$0x230]  }
0x84: {  	v1 =	vmul.f32 v2, v1;
	v2 =	vld [tilespmem:s25+$0x4220]  }
0x85: {  	v3 =	vmul.f32 v4, v3;
	v4 =	vld [tilespmem:s25+$0x240]  }
0x86: {  	[tilespmem:s25+$0x82F0] =	vst v1;
	v1 =	vld [tilespmem:s25+$0x4230]  }
0x87: {  	[tilespmem:s25+$0x8200] =	vst v3;
	v3 =	vmul.f32 v6, v5;
	v5 =	vld [tilespmem:s25+$0x4240]  }
0x88: {  	v6 =	vld [tilespmem:s25+$0x4250]  }
0x89: {  	[tilespmem:s25+$0x8210] =	vst v3;
	v3 =	vld [tilespmem:s25+$0x250];
	v2 =	vmul.f32 v2, v7  }
0x8a: {  	v7 =	vld [tilespmem:s25+$0x4260]  }
0x8b: {  	[tilespmem:s25+$0x8220] =	vst v2;
	v1 =	vmul.f32 v1, v8;
	v2 =	vld [tilespmem:s25+$0x260]  }
0x8c: {  	v8 =	vld [tilespmem:s25+$0x42B0]  }
0x8d: {  	[tilespmem:s25+$0x8230] =	vst v1;
	v1 =	vmul.f32 v5, v4;
	v4 =	vld [tilespmem:s25+$0x270]  }
0x8e: {  	v5 =	vld [tilespmem:s25+$0x4270]  }
0x8f: {  	[tilespmem:s25+$0x8240] =	vst v1;
	v1 =	vmul.f32 v6, v3;
	v3 =	vld [tilespmem:s25+$0x280]  }
0x90: {  	v6 =	vld [tilespmem:s25+$0x4280]  }
0x91: {  	[tilespmem:s25+$0x8250] =	vst v1;
	v1 =	vmul.f32 v7, v2;
	v2 =	vld [tilespmem:s25+$0x290]  }
0x92: {  	v7 =	vld [tilespmem:s25+$0x4290]  }
0x93: {  	[tilespmem:s25+$0x8260] =	vst v1;
	v1 =	vmul.f32 v5, v4;
	v4 =	vld [tilespmem:s25+$0x2A0]  }
0x94: {  	v5 =	vld [tilespmem:s25+$0x42A0]  }
0x95: {  	[tilespmem:s25+$0x8270] =	vst v1;
	v1 =	vmul.f32 v6, v3;
	v6 =	vld [tilespmem:s25+$0x2B0]  }
0x96: {  	v9 =	vld [tilespmem:s25+$0x42C0]  }
0x97: {  	[tilespmem:s25+$0x8280] =	vst v1;
	v1 =	vmul.f32 v7, v2;
	v7 =	vld [tilespmem:s25+$0x2C0]  }
0x98: {  	v3 =	vld [tilespmem:s25+$0x2D0]  }
0x99: {  	[tilespmem:s25+$0x8290] =	vst v1;
	v1 =	vmul.f32 v5, v4;
	v4 =	vld [tilespmem:s25+$0x42D0]  }
0x9a: {  	v5 =	vld [tilespmem:s25+$0x42E0];
	v6 =	vmul.f32 v8, v6  }
0x9b: {  	s6 =	simm.s32 $0x100;
	[tilespmem:s25+$0x82A0] =	vst v1;
	v1 =	vld [tilespmem:s25+$0x2E0]  }
0x9c: {  	s26 =	simm.s32 $0x800;
	v2 =	vld [tilespmem:s6+$0x2F0];
	[tilespmem:s25+$0x82B0] =	vst v6;
	v6 =	vmul.f32 v9, v7  }
.LBB2_4:
0x9d: {  	p0 =	sne.s32 s26, $0x7C00;
	v7 =	vld [tilespmem:s6+$0x42F0]  }
0x9e: {  	v8 =	vld [tilespmem:s6+$0x200];
	[tilespmem:s25+$0x82C0] =	vst v6;
	v3 =	vmul.f32 v4, v3  }
0x9f: {  	v4 =	vld [tilespmem:s6+$0x4200]  }
0xa0: {  	v6 =	vld [tilespmem:s6+$0x210];
	[tilespmem:s25+$0x82D0] =	vst v3;
	v1 =	vmul.f32 v5, v1  }
0xa1: {  	v3 =	vld [tilespmem:s6+$0x4210]  }
0xa2: {  	v5 =	vld [tilespmem:s6+$0x220];
	v2 =	vmul.f32 v7, v2;
	[tilespmem:s25+$0x82E0] =	vst v1;
	s25 =	smov.u32 s6  }
0xa3: {  	v1 =	vld [tilespmem:s25+$0x4220]  }
0xa4: {  	v4 =	vmul.f32 v4, v8;
	v7 =	vld [tilespmem:s25+$0x230];
	[tilespmem:s25+$0x82F0] =	vst v2  }
0xa5: {  	v2 =	vld [tilespmem:s25+$0x4230]  }
0xa6: {  	[tilespmem:s25+$0x8200] =	vst v4;
	v3 =	vmul.f32 v3, v6;
	v4 =	vld [tilespmem:s25+$0x240]  }
0xa7: {  	v6 =	vld [tilespmem:s25+$0x4240]  }
0xa8: {  	[tilespmem:s25+$0x8210] =	vst v3;
	v1 =	vmul.f32 v1, v5;
	v3 =	vld [tilespmem:s25+$0x250]  }
0xa9: {  	v5 =	vld [tilespmem:s25+$0x4250]  }
0xaa: {  	[tilespmem:s25+$0x8220] =	vst v1;
	v1 =	vmul.f32 v2, v7;
	v2 =	vld [tilespmem:s25+$0x260]  }
0xab: {  	v7 =	vld [tilespmem:s25+$0x4260]  }
0xac: {  	[tilespmem:s25+$0x8230] =	vst v1;
	v1 =	vmul.f32 v6, v4;
	v4 =	vld [tilespmem:s25+$0x270]  }
0xad: {  	v6 =	vld [tilespmem:s25+$0x4270]  }
0xae: {  	[tilespmem:s25+$0x8240] =	vst v1;
	v1 =	vmul.f32 v5, v3;
	v3 =	vld [tilespmem:s25+$0x280]  }
0xaf: {  	v5 =	vld [tilespmem:s25+$0x4280]  }
0xb0: {  	[tilespmem:s25+$0x8250] =	vst v1;
	v1 =	vmul.f32 v7, v2;
	v2 =	vld [tilespmem:s25+$0x290]  }
0xb1: {  	v7 =	vld [tilespmem:s25+$0x4290]  }
0xb2: {  	[tilespmem:s25+$0x8260] =	vst v1;
	v1 =	vmul.f32 v6, v4;
	v4 =	vld [tilespmem:s25+$0x2A0]  }
0xb3: {  	v6 =	vld [tilespmem:s25+$0x42A0]  }
0xb4: {  	[tilespmem:s25+$0x8270] =	vst v1;
	v1 =	vmul.f32 v5, v3;
	v5 =	vld [tilespmem:s25+$0x2B0]  }
0xb5: {  	v8 =	vld [tilespmem:s25+$0x42B0]  }
0xb6: {  	[tilespmem:s25+$0x8280] =	vst v1;
	v1 =	vmul.f32 v7, v2;
	v7 =	vld [tilespmem:s25+$0x2C0]  }
0xb7: {  	v9 =	vld [tilespmem:s25+$0x42C0]  }
.Ltmp1:
0xb8: {  	[tilespmem:s25+$0x8290] =	vst v1;
	v1 =	vmul.f32 v6, v4;
	v3 =	vld [tilespmem:s25+$0x2D0];
	(pc) =	sbr.rel @p0 .LBB2_4-.Ltmp1, $4  }
0xb9: {  	v4 =	vld [tilespmem:s25+$0x42D0]  }
0xba: {  	[tilespmem:s25+$0x82A0] =	vst v1;
	v6 =	vmul.f32 v8, v5;
	v1 =	vld [tilespmem:s25+$0x2E0]  }
0xbb: {  	s6 =	sshra.s32 s26, $0x2;
	v5 =	vld [tilespmem:s25+$0x42E0]  }
0xbc: {  	s26 =	sadd.s32 $0x400, s26;
	v2 =	vld [tilespmem:s6+$0x2F0];
	[tilespmem:s25+$0x82B0] =	vst v6;
	v6 =	vmul.f32 v9, v7  }
0xbd: {  	v7 =	vld [tilespmem:s6+$0x42F0]  }
0xbe: {  	v8 =	vld [tilespmem:s6+$0x200];
	[tilespmem:s25+$0x82C0] =	vst v6;
	v3 =	vmul.f32 v4, v3  }
0xbf: {  	v4 =	vld [tilespmem:s6+$0x4200]  }
0xc0: {  	v6 =	vld [tilespmem:s6+$0x210];
	[tilespmem:s25+$0x82D0] =	vst v3;
	v1 =	vmul.f32 v5, v1  }
0xc1: {  	v3 =	vld [tilespmem:s6+$0x4210]  }
0xc2: {  	v5 =	vld [tilespmem:s6+$0x220];
	[tilespmem:s25+$0x82E0] =	vst v1  }
0xc3: {  	v1 =	vmul.f32 v7, v2;
	v2 =	vld [tilespmem:s6+$0x4220]  }
0xc4: {  	v7 =	vld [tilespmem:s6+$0x230]  }
0xc5: {  	v4 =	vmul.f32 v4, v8;
	[tilespmem:s6+$0x82F0] =	vst v1;
	v1 =	vld [tilespmem:s6+$0x4230]  }
0xc6: {  	v8 =	vld [tilespmem:s6+$0x42E0]  }
0xc7: {  	[tilespmem:s6+$0x8200] =	vst v4;
	v3 =	vmul.f32 v3, v6;
	v4 =	vld [tilespmem:s6+$0x240]  }
0xc8: {  	v6 =	vld [tilespmem:s6+$0x4240]  }
0xc9: {  	[tilespmem:s6+$0x8210] =	vst v3;
	v3 =	vld [tilespmem:s6+$0x250]  }
0xca: {  	v2 =	vmul.f32 v2, v5;
	v5 =	vld [tilespmem:s6+$0x4250]  }
0xcb: {  	v1 =	vmul.f32 v1, v7;
	v7 =	vld [tilespmem:s6+$0x4260]  }
0xcc: {  	[tilespmem:s6+$0x8220] =	vst v2;
	v2 =	vld [tilespmem:s6+$0x260]  }
0xcd: {  	[tilespmem:s6+$0x8230] =	vst v1;
	v1 =	vmul.f32 v6, v4;
	v4 =	vld [tilespmem:s6+$0x270]  }
0xce: {  	v6 =	vld [tilespmem:s6+$0x4270]  }
0xcf: {  	[tilespmem:s6+$0x8240] =	vst v1;
	v1 =	vmul.f32 v5, v3;
	v3 =	vld [tilespmem:s6+$0x280]  }
0xd0: {  	v5 =	vld [tilespmem:s6+$0x4280]  }
0xd1: {  	[tilespmem:s6+$0x8250] =	vst v1;
	v1 =	vmul.f32 v7, v2;
	v2 =	vld [tilespmem:s6+$0x290]  }
0xd2: {  	v7 =	vld [tilespmem:s6+$0x4290]  }
0xd3: {  	[tilespmem:s6+$0x8260] =	vst v1;
	v1 =	vmul.f32 v6, v4;
	v4 =	vld [tilespmem:s6+$0x2A0]  }
0xd4: {  	v6 =	vld [tilespmem:s6+$0x42A0]  }
0xd5: {  	[tilespmem:s6+$0x8270] =	vst v1;
	v1 =	vmul.f32 v5, v3;
	v3 =	vld [tilespmem:s6+$0x2B0]  }
0xd6: {  	v5 =	vld [tilespmem:s6+$0x42B0]  }
0xd7: {  	[tilespmem:s6+$0x8280] =	vst v1;
	v1 =	vmul.f32 v7, v2;
	v2 =	vld [tilespmem:s6+$0x2C0]  }
0xd8: {  	v7 =	vld [tilespmem:s6+$0x42C0]  }
0xd9: {  	[tilespmem:s6+$0x8290] =	vst v1;
	v1 =	vmul.f32 v6, v4;
	v4 =	vld [tilespmem:s6+$0x2D0]  }
0xda: {  	v6 =	vld [tilespmem:s6+$0x42D0]  }
0xdb: {  	[tilespmem:s6+$0x82A0] =	vst v1;
	v1 =	vld [tilespmem:s6+$0x2E0];
	_ =	sdelay $0x1  }
0xdc: {  	v3 =	vmul.f32 v5, v3  }
0xdd: {  	v2 =	vmul.f32 v7, v2  }
0xde: {  	[tilespmem:s6+$0x82B0] =	vst v3;
	v3 =	vmul.f32 v6, v4  }
0xdf: {  	[tilespmem:s6+$0x82C0] =	vst v2;
	v1 =	vmul.f32 v8, v1  }
0xe0: {  	[tilespmem:s6+$0x82D0] =	vst v3  }
0xe1: {  	[tilespmem:s6+$0x82E0] =	vst v1  }
0xe2: {  	[spmem:s3] =	stream.indirect.scatter.add.f32 [tilespmem:s30], [sflag:$0x7], $0x80, s15, s2, $0xb8;
	[tilespmem:$0x1FF00] =	vst v63  }
0xe3: {  	_ =	swait.ge [sflag:s17], $0x100  }
0xe4: {  	[sflag:s17] =	ssyncset.done $0x0  }
0xe5: {  	s4 =	simm.s32 $0x0;
	[sflag:s17] =	ssyncadd.s32 $0xFFFFFF00  }
0xe6: {  	[tilespmem:s8], [sflag:$0x3] =	stream.indirect.gather [hbm4b:s0+s2], $0x80, s4, s2, $0xb8;
	[tilespmem:$0x1FF00] =	vst v63  }
0xe7: {  	s28 =	rddreg [dreg:$0x11]  }
0xe8: {  	[tilespmem:s9], [sflag:$0x5] =	stream.linear.gather [hbm4b:s28+s4], $0x2000, $0x38;
	[tilespmem:$0x1FF00] =	vst v63  }
0xe9: {  	_ =	swait.ge [sflag:s18], $0x2000  }
0xea: {  	[sflag:s18] =	ssyncset.done $0x0  }
0xeb: {  	[sflag:s18] =	ssyncadd.s32 $0xFFFFE000  }
0xec: {  	_ =	swait.ge [sflag:s19], $0x2000  }
0xed: {  	[sflag:s19] =	ssyncset.done $0x0  }
0xee: {  	[sflag:s19] =	ssyncadd.s32 $0xFFFFE000  }
0xef: {  	v1 =	vld [tilespmem:$0x180]  }
0xf0: {  	v2 =	vld [tilespmem:$0x190]  }
0xf1: {  	v3 =	vld [tilespmem:$0x1A0]  }
0xf2: {  	v4 =	vld [tilespmem:$0x1B0];
	_ =	sdelay $0x1  }
0xf3: {  	[tilespmem:$0xC280] =	vst v1  }
0xf4: {  	[tilespmem:$0xC290] =	vst v2  }
0xf5: {  	[tilespmem:$0xC2A0] =	vst v3  }
0xf6: {  	s25 =	simm.s32 $0x0;
	s29 =	rddreg [dreg:$0x12];
	[tilespmem:$0xC2B0] =	vst v4  }
0xf7: {  	[tilespmem:s1], [sflag:$0x2] =	stream.linear.gather [hbm4b:s29+s4], $0x100, $0x38;
	[tilespmem:$0x1FF00] =	vst v63  }
0xf8: {  	v1 =	vld [tilespmem:s25+$0x22F0]  }
0xf9: {  	v2 =	vld [tilespmem:s25+$0x62F0]  }
0xfa: {  	v3 =	vld [tilespmem:s25+$0x2200]  }
0xfb: {  	v4 =	vld [tilespmem:s25+$0x6200]  }
0xfc: {  	v5 =	vld [tilespmem:s25+$0x2210]  }
0xfd: {  	v6 =	vld [tilespmem:s25+$0x6210]  }
0xfe: {  	v7 =	vld [tilespmem:s25+$0x2220]  }
0xff: {  	v8 =	vld [tilespmem:s25+$0x2230]  }
0x100: {  	v1 =	vmul.f32 v2, v1;
	v2 =	vld [tilespmem:s25+$0x6220]  }
0x101: {  	v3 =	vmul.f32 v4, v3;
	v4 =	vld [tilespmem:s25+$0x2240]  }
0x102: {  	[tilespmem:s25+$0xA2F0] =	vst v1;
	v1 =	vld [tilespmem:s25+$0x6230]  }
0x103: {  	[tilespmem:s25+$0xA200] =	vst v3;
	v3 =	vmul.f32 v6, v5;
	v5 =	vld [tilespmem:s25+$0x6240]  }
0x104: {  	v6 =	vld [tilespmem:s25+$0x6250]  }
0x105: {  	[tilespmem:s25+$0xA210] =	vst v3;
	v3 =	vld [tilespmem:s25+$0x2250];
	v2 =	vmul.f32 v2, v7  }
0x106: {  	v7 =	vld [tilespmem:s25+$0x6260]  }
0x107: {  	[tilespmem:s25+$0xA220] =	vst v2;
	v1 =	vmul.f32 v1, v8;
	v2 =	vld [tilespmem:s25+$0x2260]  }
0x108: {  	v8 =	vld [tilespmem:s25+$0x62B0]  }
0x109: {  	[tilespmem:s25+$0xA230] =	vst v1;
	v1 =	vmul.f32 v5, v4;
	v4 =	vld [tilespmem:s25+$0x2270]  }
0x10a: {  	v5 =	vld [tilespmem:s25+$0x6270]  }
0x10b: {  	[tilespmem:s25+$0xA240] =	vst v1;
	v1 =	vmul.f32 v6, v3;
	v3 =	vld [tilespmem:s25+$0x2280]  }
0x10c: {  	v6 =	vld [tilespmem:s25+$0x6280]  }
0x10d: {  	[tilespmem:s25+$0xA250] =	vst v1;
	v1 =	vmul.f32 v7, v2;
	v2 =	vld [tilespmem:s25+$0x2290]  }
0x10e: {  	v7 =	vld [tilespmem:s25+$0x6290]  }
0x10f: {  	[tilespmem:s25+$0xA260] =	vst v1;
	v1 =	vmul.f32 v5, v4;
	v4 =	vld [tilespmem:s25+$0x22A0]  }
0x110: {  	v5 =	vld [tilespmem:s25+$0x62A0]  }
0x111: {  	[tilespmem:s25+$0xA270] =	vst v1;
	v1 =	vmul.f32 v6, v3;
	v6 =	vld [tilespmem:s25+$0x22B0]  }
0x112: {  	v9 =	vld [tilespmem:s25+$0x62C0]  }
0x113: {  	[tilespmem:s25+$0xA280] =	vst v1;
	v1 =	vmul.f32 v7, v2;
	v7 =	vld [tilespmem:s25+$0x22C0]  }
0x114: {  	v3 =	vld [tilespmem:s25+$0x22D0]  }
0x115: {  	[tilespmem:s25+$0xA290] =	vst v1;
	v1 =	vmul.f32 v5, v4;
	v4 =	vld [tilespmem:s25+$0x62D0]  }
0x116: {  	v5 =	vld [tilespmem:s25+$0x62E0];
	v6 =	vmul.f32 v8, v6  }
0x117: {  	s6 =	simm.s32 $0x100;
	[tilespmem:s25+$0xA2A0] =	vst v1;
	v1 =	vld [tilespmem:s25+$0x22E0]  }
0x118: {  	s26 =	simm.s32 $0x800;
	v2 =	vld [tilespmem:s6+$0x22F0];
	[tilespmem:s25+$0xA2B0] =	vst v6;
	v6 =	vmul.f32 v9, v7  }
.LBB2_6:
0x119: {  	p0 =	sne.s32 s26, $0x7C00;
	v7 =	vld [tilespmem:s6+$0x62F0]  }
0x11a: {  	v8 =	vld [tilespmem:s6+$0x2200];
	[tilespmem:s25+$0xA2C0] =	vst v6;
	v3 =	vmul.f32 v4, v3  }
0x11b: {  	v4 =	vld [tilespmem:s6+$0x6200]  }
0x11c: {  	v6 =	vld [tilespmem:s6+$0x2210];
	[tilespmem:s25+$0xA2D0] =	vst v3;
	v1 =	vmul.f32 v5, v1  }
0x11d: {  	v3 =	vld [tilespmem:s6+$0x6210]  }
0x11e: {  	v5 =	vld [tilespmem:s6+$0x2220];
	v2 =	vmul.f32 v7, v2;
	[tilespmem:s25+$0xA2E0] =	vst v1;
	s25 =	smov.u32 s6  }
0x11f: {  	v1 =	vld [tilespmem:s25+$0x6220]  }
0x120: {  	v4 =	vmul.f32 v4, v8;
	v7 =	vld [tilespmem:s25+$0x2230];
	[tilespmem:s25+$0xA2F0] =	vst v2  }
0x121: {  	v2 =	vld [tilespmem:s25+$0x6230]  }
0x122: {  	[tilespmem:s25+$0xA200] =	vst v4;
	v3 =	vmul.f32 v3, v6;
	v4 =	vld [tilespmem:s25+$0x2240]  }
0x123: {  	v6 =	vld [tilespmem:s25+$0x6240]  }
0x124: {  	[tilespmem:s25+$0xA210] =	vst v3;
	v1 =	vmul.f32 v1, v5;
	v3 =	vld [tilespmem:s25+$0x2250]  }
0x125: {  	v5 =	vld [tilespmem:s25+$0x6250]  }
0x126: {  	[tilespmem:s25+$0xA220] =	vst v1;
	v1 =	vmul.f32 v2, v7;
	v2 =	vld [tilespmem:s25+$0x2260]  }
0x127: {  	v7 =	vld [tilespmem:s25+$0x6260]  }
0x128: {  	[tilespmem:s25+$0xA230] =	vst v1;
	v1 =	vmul.f32 v6, v4;
	v4 =	vld [tilespmem:s25+$0x2270]  }
0x129: {  	v6 =	vld [tilespmem:s25+$0x6270]  }
0x12a: {  	[tilespmem:s25+$0xA240] =	vst v1;
	v1 =	vmul.f32 v5, v3;
	v3 =	vld [tilespmem:s25+$0x2280]  }
0x12b: {  	v5 =	vld [tilespmem:s25+$0x6280]  }
0x12c: {  	[tilespmem:s25+$0xA250] =	vst v1;
	v1 =	vmul.f32 v7, v2;
	v2 =	vld [tilespmem:s25+$0x2290]  }
0x12d: {  	v7 =	vld [tilespmem:s25+$0x6290]  }
0x12e: {  	[tilespmem:s25+$0xA260] =	vst v1;
	v1 =	vmul.f32 v6, v4;
	v4 =	vld [tilespmem:s25+$0x22A0]  }
0x12f: {  	v6 =	vld [tilespmem:s25+$0x62A0]  }
0x130: {  	[tilespmem:s25+$0xA270] =	vst v1;
	v1 =	vmul.f32 v5, v3;
	v5 =	vld [tilespmem:s25+$0x22B0]  }
0x131: {  	v8 =	vld [tilespmem:s25+$0x62B0]  }
0x132: {  	[tilespmem:s25+$0xA280] =	vst v1;
	v1 =	vmul.f32 v7, v2;
	v7 =	vld [tilespmem:s25+$0x22C0]  }
0x133: {  	v9 =	vld [tilespmem:s25+$0x62C0]  }
.Ltmp2:
0x134: {  	[tilespmem:s25+$0xA290] =	vst v1;
	v1 =	vmul.f32 v6, v4;
	v3 =	vld [tilespmem:s25+$0x22D0];
	(pc) =	sbr.rel @p0 .LBB2_6-.Ltmp2, $4  }
0x135: {  	v4 =	vld [tilespmem:s25+$0x62D0]  }
0x136: {  	[tilespmem:s25+$0xA2A0] =	vst v1;
	v6 =	vmul.f32 v8, v5;
	v1 =	vld [tilespmem:s25+$0x22E0]  }
0x137: {  	s6 =	sshra.s32 s26, $0x2;
	v5 =	vld [tilespmem:s25+$0x62E0]  }
0x138: {  	s26 =	sadd.s32 $0x400, s26;
	v2 =	vld [tilespmem:s6+$0x22F0];
	[tilespmem:s25+$0xA2B0] =	vst v6;
	v6 =	vmul.f32 v9, v7  }
0x139: {  	v7 =	vld [tilespmem:s6+$0x62F0]  }
0x13a: {  	v8 =	vld [tilespmem:s6+$0x2200];
	[tilespmem:s25+$0xA2C0] =	vst v6;
	v3 =	vmul.f32 v4, v3  }
0x13b: {  	v46 =	vld [tilespmem:s6+$0x6200]  }
0x13c: {  	v6 =	vld [tilespmem:s6+$0x2210];
	[tilespmem:s25+$0xA2D0] =	vst v3;
	v1 =	vmul.f32 v5, v1  }
0x13d: {  	v3 =	vld [tilespmem:s6+$0x6210]  }
0x13e: {  	v47 =	vld [tilespmem:s6+$0x2220];
	[tilespmem:s25+$0xA2E0] =	vst v1  }
0x13f: {  	v1 =	vmul.f32 v7, v2;
	v2 =	vld [tilespmem:s6+$0x6220]  }
0x140: {  	v48 =	vld [tilespmem:s6+$0x2230]  }
0x141: {  	v49 =	vld [tilespmem:s6+$0x2240]  }
0x142: {  	[tilespmem:s6+$0xA2F0] =	vst v1;
	v1 =	vld [tilespmem:s6+$0x6230]  }
0x143: {  	v50 =	vld [tilespmem:s6+$0x6240]  }
0x144: {  	v51 =	vld [tilespmem:s6+$0x6250];
	v3 =	vmul.f32 v3, v6  }
0x145: {  	v52 =	vld [tilespmem:s6+$0x6260]  }
0x146: {  	[tilespmem:s6+$0xA210] =	vst v3;
	v2 =	vmul.f32 v2, v47;
	v3 =	vld [tilespmem:s6+$0x2250]  }
0x147: {  	v53 =	vld [tilespmem:s6+$0x2270];
	v1 =	vmul.f32 v1, v48  }
0x148: {  	[tilespmem:s6+$0xA220] =	vst v2;
	v2 =	vld [tilespmem:s6+$0x2260]  }
0x149: {  	v54 =	vld [tilespmem:s6+$0x6270];
	[tilespmem:s6+$0xA230] =	vst v1;
	v1 =	vmul.f32 v50, v49  }
0x14a: {  	v55 =	vld [tilespmem:s6+$0x6280]  }
0x14b: {  	v56 =	vld [tilespmem:s6+$0x6290];
	[tilespmem:s6+$0xA240] =	vst v1;
	v1 =	vmul.f32 v51, v3  }
0x14c: {  	v3 =	vld [tilespmem:s6+$0x2280]  }
0x14d: {  	v57 =	vld [tilespmem:s6+$0x22A0];
	[tilespmem:s6+$0xA250] =	vst v1;
	v1 =	vmul.f32 v52, v2  }
0x14e: {  	v2 =	vld [tilespmem:s6+$0x2290]  }
0x14f: {  	v58 =	vld [tilespmem:s6+$0x62A0];
	[tilespmem:s6+$0xA260] =	vst v1;
	v1 =	vmul.f32 v54, v53  }
0x150: {  	v59 =	vld [tilespmem:s6+$0x62B0]  }
0x151: {  	v60 =	vld [tilespmem:s6+$0x62C0];
	[tilespmem:s6+$0xA270] =	vst v1;
	v1 =	vmul.f32 v55, v3  }
0x152: {  	v61 =	vld [tilespmem:s6+$0x22D0]  }
0x153: {  	v62 =	vld [tilespmem:s6+$0x62D0];
	[tilespmem:s6+$0xA280] =	vst v1;
	v1 =	vmul.f32 v56, v2  }
0x154: {  	v3 =	vld [tilespmem:s6+$0x22B0]  }
0x155: {  	v2 =	vld [tilespmem:s6+$0x22C0];
	[tilespmem:s6+$0xA290] =	vst v1;
	v1 =	vmul.f32 v58, v57  }
0x156: {  	v63 =	vld [tilespmem:s6+$0x62E0]  }
0x157: {  	[tilespmem:s6+$0xA2A0] =	vst v1;
	v1 =	vld [tilespmem:s6+$0x22E0]  }
0x158: {  	v4 =	vmul.f32 v46, v8  }
0x159: {  	v3 =	vmul.f32 v59, v3  }
0x15a: {  	[tilespmem:s6+$0xA200] =	vst v4;
	v2 =	vmul.f32 v60, v2  }
0x15b: {  	[tilespmem:s6+$0xA2B0] =	vst v3;
	v3 =	vmul.f32 v62, v61  }
0x15c: {  	[tilespmem:s6+$0xA2C0] =	vst v2;
	v1 =	vmul.f32 v63, v1  }
0x15d: {  	[tilespmem:s6+$0xA2D0] =	vst v3  }
0x15e: {  	s25 =	simm.s32 $0x1;
	[tilespmem:s6+$0xA2E0] =	vst v1  }
0x15f: {  	[spmem:s3] =	stream.indirect.scatter.add.f32 [tilespmem:s21], [sflag:$0x8], $0x80, s20, s2, $0xb8;
	[tilespmem:$0x1FF00] =	vst v63  }
.LBB2_8:
0x160: {  	_ =	swait.ge [sflag:s10], $0x100;
	s28 =	sshll.u32 s25, $0x1  }
0x161: {  	[sflag:s10] =	ssyncset.done $0x0;
	s4 =	sadd.s32 s7, s28  }
0x162: {  	[sflag:s10] =	ssyncadd.s32 $0xFFFFFF00;
	s26 =	sadd.s32 $0x1, s4  }
0x163: {  	[tilespmem:s11], [sflag:$0x4] =	stream.indirect.gather [hbm4b:s0+s2], $0x80, s1, s2, $0xb8;
	[tilespmem:$0x1FF00] =	vst v63  }
0x164: {  	s6 =	sshll.u32 s26, $0xA  }
0x165: {  	s6 =	sand.u32 $0x1FFFFC00, s6  }
0x166: {  	s29 =	simm.s32 $0x0;
	s6 =	sadd.s32 s5, s6  }
0x167: {  	[tilespmem:s12], [sflag:$0x6] =	stream.linear.gather [hbm4b:s6+s29], $0x2000, $0x38;
	[tilespmem:$0x1FF00] =	vst v63  }
0x168: {  	_ =	swait.ge [sflag:s13], $0x2000  }
0x169: {  	[sflag:s13] =	ssyncset.done $0x0  }
0x16a: {  	[sflag:s13] =	ssyncadd.s32 $0xFFFFE000  }
0x16b: {  	_ =	swait.ge [sflag:s14], $0x2000  }
0x16c: {  	[sflag:s14] =	ssyncset.done $0x0  }
0x16d: {  	[sflag:s14] =	ssyncadd.s32 $0xFFFFE000  }
0x16e: {  	_ =	swait.ge [sflag:s23], $0x2000  }
0x16f: {  	[sflag:s23] =	ssyncset.done $0x0  }
0x170: {  	[sflag:s23] =	ssyncadd.s32 $0xFFFFE000  }
0x171: {  	v1 =	vld [tilespmem:$0x80]  }
0x172: {  	v2 =	vld [tilespmem:$0x90]  }
0x173: {  	v3 =	vld [tilespmem:$0xA0]  }
0x174: {  	v4 =	vld [tilespmem:$0xB0];
	_ =	sdelay $0x1  }
0x175: {  	[tilespmem:$0xC200] =	vst v1  }
0x176: {  	[tilespmem:$0xC210] =	vst v2  }
0x177: {  	s4 =	sshll.u32 s4, $0x5;
	[tilespmem:$0xC220] =	vst v3  }
0x178: {  	s4 =	sadd.s32 s4, s22;
	[tilespmem:$0xC230] =	vst v4  }
0x179: {  	[tilespmem:s29], [sflag:$0x1] =	stream.linear.gather [hbm4b:s4+s29], $0x100, $0x38;
	[tilespmem:$0x1FF00] =	vst v63  }
0x17a: {  	s29 =	simm.s32 $0x0  }
0x17b: {  	v1 =	vld [tilespmem:s29+$0x2F0]  }
0x17c: {  	v2 =	vld [tilespmem:s29+$0x42F0]  }
0x17d: {  	v3 =	vld [tilespmem:s29+$0x200]  }
0x17e: {  	v4 =	vld [tilespmem:s29+$0x4200]  }
0x17f: {  	v5 =	vld [tilespmem:s29+$0x210]  }
0x180: {  	v6 =	vld [tilespmem:s29+$0x4210]  }
0x181: {  	v7 =	vld [tilespmem:s29+$0x220]  }
0x182: {  	v8 =	vld [tilespmem:s29+$0x230]  }
0x183: {  	v1 =	vmul.f32 v2, v1;
	v2 =	vld [tilespmem:s29+$0x4220]  }
0x184: {  	v3 =	vmul.f32 v4, v3;
	v4 =	vld [tilespmem:s29+$0x240]  }
0x185: {  	[tilespmem:s29+$0x82F0] =	vst v1;
	v1 =	vld [tilespmem:s29+$0x4230]  }
0x186: {  	[tilespmem:s29+$0x8200] =	vst v3;
	v3 =	vmul.f32 v6, v5;
	v5 =	vld [tilespmem:s29+$0x4240]  }
0x187: {  	v6 =	vld [tilespmem:s29+$0x4250]  }
0x188: {  	[tilespmem:s29+$0x8210] =	vst v3;
	v3 =	vld [tilespmem:s29+$0x250];
	v2 =	vmul.f32 v2, v7  }
0x189: {  	v7 =	vld [tilespmem:s29+$0x4260]  }
0x18a: {  	[tilespmem:s29+$0x8220] =	vst v2;
	v1 =	vmul.f32 v1, v8;
	v2 =	vld [tilespmem:s29+$0x260]  }
0x18b: {  	v8 =	vld [tilespmem:s29+$0x42B0]  }
0x18c: {  	[tilespmem:s29+$0x8230] =	vst v1;
	v1 =	vmul.f32 v5, v4;
	v4 =	vld [tilespmem:s29+$0x270]  }
0x18d: {  	v5 =	vld [tilespmem:s29+$0x4270]  }
0x18e: {  	[tilespmem:s29+$0x8240] =	vst v1;
	v1 =	vmul.f32 v6, v3;
	v3 =	vld [tilespmem:s29+$0x280]  }
0x18f: {  	v6 =	vld [tilespmem:s29+$0x4280]  }
0x190: {  	[tilespmem:s29+$0x8250] =	vst v1;
	v1 =	vmul.f32 v7, v2;
	v2 =	vld [tilespmem:s29+$0x290]  }
0x191: {  	v7 =	vld [tilespmem:s29+$0x4290]  }
0x192: {  	[tilespmem:s29+$0x8260] =	vst v1;
	v1 =	vmul.f32 v5, v4;
	v4 =	vld [tilespmem:s29+$0x2A0]  }
0x193: {  	v5 =	vld [tilespmem:s29+$0x42A0]  }
0x194: {  	[tilespmem:s29+$0x8270] =	vst v1;
	v1 =	vmul.f32 v6, v3;
	v6 =	vld [tilespmem:s29+$0x2B0]  }
0x195: {  	v9 =	vld [tilespmem:s29+$0x42C0]  }
0x196: {  	[tilespmem:s29+$0x8280] =	vst v1;
	v1 =	vmul.f32 v7, v2;
	v7 =	vld [tilespmem:s29+$0x2C0]  }
0x197: {  	v3 =	vld [tilespmem:s29+$0x2D0]  }
0x198: {  	[tilespmem:s29+$0x8290] =	vst v1;
	v1 =	vmul.f32 v5, v4;
	v4 =	vld [tilespmem:s29+$0x42D0]  }
0x199: {  	v5 =	vld [tilespmem:s29+$0x42E0];
	v6 =	vmul.f32 v8, v6  }
0x19a: {  	s4 =	simm.s32 $0x100;
	[tilespmem:s29+$0x82A0] =	vst v1;
	v1 =	vld [tilespmem:s29+$0x2E0]  }
0x19b: {  	s6 =	simm.s32 $0x800;
	v2 =	vld [tilespmem:s4+$0x2F0];
	[tilespmem:s29+$0x82B0] =	vst v6;
	v6 =	vmul.f32 v9, v7  }
.LBB2_9:
0x19c: {  	p0 =	sne.s32 s6, $0x7C00;
	v7 =	vld [tilespmem:s4+$0x42F0]  }
0x19d: {  	v8 =	vld [tilespmem:s4+$0x200];
	[tilespmem:s29+$0x82C0] =	vst v6;
	v3 =	vmul.f32 v4, v3  }
0x19e: {  	v4 =	vld [tilespmem:s4+$0x4200]  }
0x19f: {  	v6 =	vld [tilespmem:s4+$0x210];
	[tilespmem:s29+$0x82D0] =	vst v3;
	v1 =	vmul.f32 v5, v1  }
0x1a0: {  	v3 =	vld [tilespmem:s4+$0x4210]  }
0x1a1: {  	v5 =	vld [tilespmem:s4+$0x220];
	v2 =	vmul.f32 v7, v2;
	[tilespmem:s29+$0x82E0] =	vst v1;
	s29 =	smov.u32 s4  }
0x1a2: {  	v1 =	vld [tilespmem:s29+$0x4220]  }
0x1a3: {  	v4 =	vmul.f32 v4, v8;
	v7 =	vld [tilespmem:s29+$0x230];
	[tilespmem:s29+$0x82F0] =	vst v2  }
0x1a4: {  	v2 =	vld [tilespmem:s29+$0x4230]  }
0x1a5: {  	[tilespmem:s29+$0x8200] =	vst v4;
	v3 =	vmul.f32 v3, v6;
	v4 =	vld [tilespmem:s29+$0x240]  }
0x1a6: {  	v6 =	vld [tilespmem:s29+$0x4240]  }
0x1a7: {  	[tilespmem:s29+$0x8210] =	vst v3;
	v1 =	vmul.f32 v1, v5;
	v3 =	vld [tilespmem:s29+$0x250]  }
0x1a8: {  	v5 =	vld [tilespmem:s29+$0x4250]  }
0x1a9: {  	[tilespmem:s29+$0x8220] =	vst v1;
	v1 =	vmul.f32 v2, v7;
	v2 =	vld [tilespmem:s29+$0x260]  }
0x1aa: {  	v7 =	vld [tilespmem:s29+$0x4260]  }
0x1ab: {  	[tilespmem:s29+$0x8230] =	vst v1;
	v1 =	vmul.f32 v6, v4;
	v4 =	vld [tilespmem:s29+$0x270]  }
0x1ac: {  	v6 =	vld [tilespmem:s29+$0x4270]  }
0x1ad: {  	[tilespmem:s29+$0x8240] =	vst v1;
	v1 =	vmul.f32 v5, v3;
	v3 =	vld [tilespmem:s29+$0x280]  }
0x1ae: {  	v5 =	vld [tilespmem:s29+$0x4280]  }
0x1af: {  	[tilespmem:s29+$0x8250] =	vst v1;
	v1 =	vmul.f32 v7, v2;
	v2 =	vld [tilespmem:s29+$0x290]  }
0x1b0: {  	v7 =	vld [tilespmem:s29+$0x4290]  }
0x1b1: {  	[tilespmem:s29+$0x8260] =	vst v1;
	v1 =	vmul.f32 v6, v4;
	v4 =	vld [tilespmem:s29+$0x2A0]  }
0x1b2: {  	v6 =	vld [tilespmem:s29+$0x42A0]  }
0x1b3: {  	[tilespmem:s29+$0x8270] =	vst v1;
	v1 =	vmul.f32 v5, v3;
	v5 =	vld [tilespmem:s29+$0x2B0]  }
0x1b4: {  	v8 =	vld [tilespmem:s29+$0x42B0]  }
0x1b5: {  	[tilespmem:s29+$0x8280] =	vst v1;
	v1 =	vmul.f32 v7, v2;
	v7 =	vld [tilespmem:s29+$0x2C0]  }
0x1b6: {  	v9 =	vld [tilespmem:s29+$0x42C0]  }
.Ltmp3:
0x1b7: {  	[tilespmem:s29+$0x8290] =	vst v1;
	v1 =	vmul.f32 v6, v4;
	v3 =	vld [tilespmem:s29+$0x2D0];
	(pc) =	sbr.rel @p0 .LBB2_9-.Ltmp3, $4  }
0x1b8: {  	v4 =	vld [tilespmem:s29+$0x42D0]  }
0x1b9: {  	[tilespmem:s29+$0x82A0] =	vst v1;
	v6 =	vmul.f32 v8, v5;
	v1 =	vld [tilespmem:s29+$0x2E0]  }
0x1ba: {  	s4 =	sshra.s32 s6, $0x2;
	v5 =	vld [tilespmem:s29+$0x42E0]  }
0x1bb: {  	s6 =	sadd.s32 $0x400, s6;
	v2 =	vld [tilespmem:s4+$0x2F0];
	[tilespmem:s29+$0x82B0] =	vst v6;
	v6 =	vmul.f32 v9, v7  }
0x1bc: {  	v7 =	vld [tilespmem:s4+$0x42F0]  }
0x1bd: {  	v8 =	vld [tilespmem:s4+$0x200];
	[tilespmem:s29+$0x82C0] =	vst v6;
	v3 =	vmul.f32 v4, v3  }
0x1be: {  	v4 =	vld [tilespmem:s4+$0x4200]  }
0x1bf: {  	v6 =	vld [tilespmem:s4+$0x210];
	[tilespmem:s29+$0x82D0] =	vst v3;
	v1 =	vmul.f32 v5, v1  }
0x1c0: {  	v3 =	vld [tilespmem:s4+$0x4210]  }
0x1c1: {  	v5 =	vld [tilespmem:s4+$0x220];
	[tilespmem:s29+$0x82E0] =	vst v1  }
0x1c2: {  	v1 =	vmul.f32 v7, v2;
	v2 =	vld [tilespmem:s4+$0x4220]  }
0x1c3: {  	v7 =	vld [tilespmem:s4+$0x230]  }
0x1c4: {  	v4 =	vmul.f32 v4, v8;
	[tilespmem:s4+$0x82F0] =	vst v1;
	v1 =	vld [tilespmem:s4+$0x4230]  }
0x1c5: {  	v8 =	vld [tilespmem:s4+$0x42E0]  }
0x1c6: {  	[tilespmem:s4+$0x8200] =	vst v4;
	v3 =	vmul.f32 v3, v6;
	v4 =	vld [tilespmem:s4+$0x240]  }
0x1c7: {  	v6 =	vld [tilespmem:s4+$0x4240]  }
0x1c8: {  	[tilespmem:s4+$0x8210] =	vst v3;
	v3 =	vld [tilespmem:s4+$0x250]  }
0x1c9: {  	v2 =	vmul.f32 v2, v5;
	v5 =	vld [tilespmem:s4+$0x4250]  }
0x1ca: {  	v1 =	vmul.f32 v1, v7;
	v7 =	vld [tilespmem:s4+$0x4260]  }
0x1cb: {  	[tilespmem:s4+$0x8220] =	vst v2;
	v2 =	vld [tilespmem:s4+$0x260]  }
0x1cc: {  	[tilespmem:s4+$0x8230] =	vst v1;
	v1 =	vmul.f32 v6, v4;
	v4 =	vld [tilespmem:s4+$0x270]  }
0x1cd: {  	v6 =	vld [tilespmem:s4+$0x4270]  }
0x1ce: {  	[tilespmem:s4+$0x8240] =	vst v1;
	v1 =	vmul.f32 v5, v3;
	v3 =	vld [tilespmem:s4+$0x280]  }
0x1cf: {  	v5 =	vld [tilespmem:s4+$0x4280]  }
0x1d0: {  	[tilespmem:s4+$0x8250] =	vst v1;
	v1 =	vmul.f32 v7, v2;
	v2 =	vld [tilespmem:s4+$0x290]  }
0x1d1: {  	v7 =	vld [tilespmem:s4+$0x4290]  }
0x1d2: {  	[tilespmem:s4+$0x8260] =	vst v1;
	v1 =	vmul.f32 v6, v4;
	v4 =	vld [tilespmem:s4+$0x2A0]  }
0x1d3: {  	v6 =	vld [tilespmem:s4+$0x42A0]  }
0x1d4: {  	[tilespmem:s4+$0x8270] =	vst v1;
	v1 =	vmul.f32 v5, v3;
	v3 =	vld [tilespmem:s4+$0x2B0]  }
0x1d5: {  	v5 =	vld [tilespmem:s4+$0x42B0]  }
0x1d6: {  	[tilespmem:s4+$0x8280] =	vst v1;
	v1 =	vmul.f32 v7, v2;
	v2 =	vld [tilespmem:s4+$0x2C0]  }
0x1d7: {  	v7 =	vld [tilespmem:s4+$0x42C0]  }
0x1d8: {  	[tilespmem:s4+$0x8290] =	vst v1;
	v1 =	vmul.f32 v6, v4;
	v4 =	vld [tilespmem:s4+$0x2D0]  }
0x1d9: {  	v6 =	vld [tilespmem:s4+$0x42D0]  }
0x1da: {  	[tilespmem:s4+$0x82A0] =	vst v1;
	v1 =	vld [tilespmem:s4+$0x2E0];
	_ =	sdelay $0x1  }
0x1db: {  	v3 =	vmul.f32 v5, v3  }
0x1dc: {  	v2 =	vmul.f32 v7, v2  }
0x1dd: {  	[tilespmem:s4+$0x82B0] =	vst v3;
	v3 =	vmul.f32 v6, v4  }
0x1de: {  	[tilespmem:s4+$0x82C0] =	vst v2;
	v1 =	vmul.f32 v8, v1  }
0x1df: {  	[tilespmem:s4+$0x82D0] =	vst v3  }
0x1e0: {  	[tilespmem:s4+$0x82E0] =	vst v1  }
0x1e1: {  	[spmem:s3] =	stream.indirect.scatter.add.f32 [tilespmem:s30], [sflag:$0x7], $0x80, s15, s2, $0xb8;
	[tilespmem:$0x1FF00] =	vst v63  }
0x1e2: {  	s6 =	sadd.s32 s28, s16;
	_ =	swait.ge [sflag:s17], $0x100  }
0x1e3: {  	s6 =	sshll.u32 s6, $0xA;
	[sflag:s17] =	ssyncset.done $0x0  }
0x1e4: {  	s6 =	sand.u32 $0x1FFFF800, s6;
	s4 =	simm.s32 $0x0;
	[sflag:s17] =	ssyncadd.s32 $0xFFFFFF00  }
0x1e5: {  	[tilespmem:s8], [sflag:$0x3] =	stream.indirect.gather [hbm4b:s0+s2], $0x80, s4, s2, $0xb8;
	[tilespmem:$0x1FF00] =	vst v63  }
0x1e6: {  	s6 =	sadd.s32 s5, s6  }
0x1e7: {  	[tilespmem:s9], [sflag:$0x5] =	stream.linear.gather [hbm4b:s6+s4], $0x2000, $0x38;
	[tilespmem:$0x1FF00] =	vst v63  }
0x1e8: {  	_ =	swait.ge [sflag:s18], $0x2000  }
0x1e9: {  	[sflag:s18] =	ssyncset.done $0x0  }
0x1ea: {  	[sflag:s18] =	ssyncadd.s32 $0xFFFFE000  }
0x1eb: {  	_ =	swait.ge [sflag:s19], $0x2000  }
0x1ec: {  	[sflag:s19] =	ssyncset.done $0x0  }
0x1ed: {  	[sflag:s19] =	ssyncadd.s32 $0xFFFFE000  }
0x1ee: {  	_ =	swait.ge [sflag:s24], $0x2000  }
0x1ef: {  	[sflag:s24] =	ssyncset.done $0x0  }
0x1f0: {  	[sflag:s24] =	ssyncadd.s32 $0xFFFFE000  }
0x1f1: {  	v1 =	vld [tilespmem:$0x180]  }
0x1f2: {  	v2 =	vld [tilespmem:$0x190]  }
0x1f3: {  	v3 =	vld [tilespmem:$0x1A0]  }
0x1f4: {  	v4 =	vld [tilespmem:$0x1B0];
	_ =	sdelay $0x1  }
0x1f5: {  	[tilespmem:$0xC280] =	vst v1  }
0x1f6: {  	[tilespmem:$0xC290] =	vst v2  }
0x1f7: {  	s29 =	sshll.u32 s26, $0x5;
	[tilespmem:$0xC2A0] =	vst v3  }
0x1f8: {  	s26 =	simm.s32 $0x0;
	s6 =	sadd.s32 s29, s22;
	[tilespmem:$0xC2B0] =	vst v4  }
0x1f9: {  	[tilespmem:s1], [sflag:$0x2] =	stream.linear.gather [hbm4b:s6+s4], $0x100, $0x38;
	[tilespmem:$0x1FF00] =	vst v63  }
0x1fa: {  	v1 =	vld [tilespmem:s26+$0x22F0]  }
0x1fb: {  	v2 =	vld [tilespmem:s26+$0x62F0]  }
0x1fc: {  	v3 =	vld [tilespmem:s26+$0x2200]  }
0x1fd: {  	v4 =	vld [tilespmem:s26+$0x6200]  }
0x1fe: {  	v5 =	vld [tilespmem:s26+$0x2210]  }
0x1ff: {  	v6 =	vld [tilespmem:s26+$0x6210]  }
0x200: {  	v7 =	vld [tilespmem:s26+$0x2220]  }
0x201: {  	v8 =	vld [tilespmem:s26+$0x2230]  }
0x202: {  	v1 =	vmul.f32 v2, v1;
	v2 =	vld [tilespmem:s26+$0x6220]  }
0x203: {  	v3 =	vmul.f32 v4, v3;
	v4 =	vld [tilespmem:s26+$0x2240]  }
0x204: {  	[tilespmem:s26+$0xA2F0] =	vst v1;
	v1 =	vld [tilespmem:s26+$0x6230]  }
0x205: {  	[tilespmem:s26+$0xA200] =	vst v3;
	v3 =	vmul.f32 v6, v5;
	v5 =	vld [tilespmem:s26+$0x6240]  }
0x206: {  	v6 =	vld [tilespmem:s26+$0x6250]  }
0x207: {  	[tilespmem:s26+$0xA210] =	vst v3;
	v3 =	vld [tilespmem:s26+$0x2250];
	v2 =	vmul.f32 v2, v7  }
0x208: {  	v7 =	vld [tilespmem:s26+$0x6260]  }
0x209: {  	[tilespmem:s26+$0xA220] =	vst v2;
	v1 =	vmul.f32 v1, v8;
	v2 =	vld [tilespmem:s26+$0x2260]  }
0x20a: {  	v8 =	vld [tilespmem:s26+$0x62B0]  }
0x20b: {  	[tilespmem:s26+$0xA230] =	vst v1;
	v1 =	vmul.f32 v5, v4;
	v4 =	vld [tilespmem:s26+$0x2270]  }
0x20c: {  	v5 =	vld [tilespmem:s26+$0x6270]  }
0x20d: {  	[tilespmem:s26+$0xA240] =	vst v1;
	v1 =	vmul.f32 v6, v3;
	v3 =	vld [tilespmem:s26+$0x2280]  }
0x20e: {  	v6 =	vld [tilespmem:s26+$0x6280]  }
0x20f: {  	[tilespmem:s26+$0xA250] =	vst v1;
	v1 =	vmul.f32 v7, v2;
	v2 =	vld [tilespmem:s26+$0x2290]  }
0x210: {  	v7 =	vld [tilespmem:s26+$0x6290]  }
0x211: {  	[tilespmem:s26+$0xA260] =	vst v1;
	v1 =	vmul.f32 v5, v4;
	v4 =	vld [tilespmem:s26+$0x22A0]  }
0x212: {  	v5 =	vld [tilespmem:s26+$0x62A0]  }
0x213: {  	[tilespmem:s26+$0xA270] =	vst v1;
	v1 =	vmul.f32 v6, v3;
	v6 =	vld [tilespmem:s26+$0x22B0]  }
0x214: {  	v9 =	vld [tilespmem:s26+$0x62C0]  }
0x215: {  	[tilespmem:s26+$0xA280] =	vst v1;
	v1 =	vmul.f32 v7, v2;
	v7 =	vld [tilespmem:s26+$0x22C0]  }
0x216: {  	v3 =	vld [tilespmem:s26+$0x22D0]  }
0x217: {  	[tilespmem:s26+$0xA290] =	vst v1;
	v1 =	vmul.f32 v5, v4;
	v4 =	vld [tilespmem:s26+$0x62D0]  }
0x218: {  	v5 =	vld [tilespmem:s26+$0x62E0];
	v6 =	vmul.f32 v8, v6  }
0x219: {  	s4 =	simm.s32 $0x100;
	[tilespmem:s26+$0xA2A0] =	vst v1;
	v1 =	vld [tilespmem:s26+$0x22E0]  }
0x21a: {  	s6 =	simm.s32 $0x800;
	v2 =	vld [tilespmem:s4+$0x22F0];
	[tilespmem:s26+$0xA2B0] =	vst v6;
	v6 =	vmul.f32 v9, v7  }
.LBB2_11:
0x21b: {  	p0 =	sne.s32 s6, $0x7C00;
	v7 =	vld [tilespmem:s4+$0x62F0]  }
0x21c: {  	v8 =	vld [tilespmem:s4+$0x2200];
	[tilespmem:s26+$0xA2C0] =	vst v6;
	v3 =	vmul.f32 v4, v3  }
0x21d: {  	v4 =	vld [tilespmem:s4+$0x6200]  }
0x21e: {  	v6 =	vld [tilespmem:s4+$0x2210];
	[tilespmem:s26+$0xA2D0] =	vst v3;
	v1 =	vmul.f32 v5, v1  }
0x21f: {  	v3 =	vld [tilespmem:s4+$0x6210]  }
0x220: {  	v5 =	vld [tilespmem:s4+$0x2220];
	v2 =	vmul.f32 v7, v2;
	[tilespmem:s26+$0xA2E0] =	vst v1;
	s26 =	smov.u32 s4  }
0x221: {  	v1 =	vld [tilespmem:s26+$0x6220]  }
0x222: {  	v4 =	vmul.f32 v4, v8;
	v7 =	vld [tilespmem:s26+$0x2230];
	[tilespmem:s26+$0xA2F0] =	vst v2  }
0x223: {  	v2 =	vld [tilespmem:s26+$0x6230]  }
0x224: {  	[tilespmem:s26+$0xA200] =	vst v4;
	v3 =	vmul.f32 v3, v6;
	v4 =	vld [tilespmem:s26+$0x2240]  }
0x225: {  	v6 =	vld [tilespmem:s26+$0x6240]  }
0x226: {  	[tilespmem:s26+$0xA210] =	vst v3;
	v1 =	vmul.f32 v1, v5;
	v3 =	vld [tilespmem:s26+$0x2250]  }
0x227: {  	v5 =	vld [tilespmem:s26+$0x6250]  }
0x228: {  	[tilespmem:s26+$0xA220] =	vst v1;
	v1 =	vmul.f32 v2, v7;
	v2 =	vld [tilespmem:s26+$0x2260]  }
0x229: {  	v7 =	vld [tilespmem:s26+$0x6260]  }
0x22a: {  	[tilespmem:s26+$0xA230] =	vst v1;
	v1 =	vmul.f32 v6, v4;
	v4 =	vld [tilespmem:s26+$0x2270]  }
0x22b: {  	v6 =	vld [tilespmem:s26+$0x6270]  }
0x22c: {  	[tilespmem:s26+$0xA240] =	vst v1;
	v1 =	vmul.f32 v5, v3;
	v3 =	vld [tilespmem:s26+$0x2280]  }
0x22d: {  	v5 =	vld [tilespmem:s26+$0x6280]  }
0x22e: {  	[tilespmem:s26+$0xA250] =	vst v1;
	v1 =	vmul.f32 v7, v2;
	v2 =	vld [tilespmem:s26+$0x2290]  }
0x22f: {  	v7 =	vld [tilespmem:s26+$0x6290]  }
0x230: {  	[tilespmem:s26+$0xA260] =	vst v1;
	v1 =	vmul.f32 v6, v4;
	v4 =	vld [tilespmem:s26+$0x22A0]  }
0x231: {  	v6 =	vld [tilespmem:s26+$0x62A0]  }
0x232: {  	[tilespmem:s26+$0xA270] =	vst v1;
	v1 =	vmul.f32 v5, v3;
	v5 =	vld [tilespmem:s26+$0x22B0]  }
0x233: {  	v8 =	vld [tilespmem:s26+$0x62B0]  }
0x234: {  	[tilespmem:s26+$0xA280] =	vst v1;
	v1 =	vmul.f32 v7, v2;
	v7 =	vld [tilespmem:s26+$0x22C0]  }
0x235: {  	v9 =	vld [tilespmem:s26+$0x62C0]  }
.Ltmp4:
0x236: {  	[tilespmem:s26+$0xA290] =	vst v1;
	v1 =	vmul.f32 v6, v4;
	v3 =	vld [tilespmem:s26+$0x22D0];
	(pc) =	sbr.rel @p0 .LBB2_11-.Ltmp4, $4  }
0x237: {  	v4 =	vld [tilespmem:s26+$0x62D0]  }
0x238: {  	[tilespmem:s26+$0xA2A0] =	vst v1;
	v6 =	vmul.f32 v8, v5;
	v1 =	vld [tilespmem:s26+$0x22E0]  }
0x239: {  	s4 =	sshra.s32 s6, $0x2;
	v5 =	vld [tilespmem:s26+$0x62E0]  }
0x23a: {  	s6 =	sadd.s32 $0x400, s6;
	v2 =	vld [tilespmem:s4+$0x22F0];
	[tilespmem:s26+$0xA2B0] =	vst v6;
	v6 =	vmul.f32 v9, v7  }
0x23b: {  	v7 =	vld [tilespmem:s4+$0x62F0]  }
0x23c: {  	v8 =	vld [tilespmem:s4+$0x2200];
	[tilespmem:s26+$0xA2C0] =	vst v6;
	v3 =	vmul.f32 v4, v3  }
0x23d: {  	v46 =	vld [tilespmem:s4+$0x6200]  }
0x23e: {  	v6 =	vld [tilespmem:s4+$0x2210];
	[tilespmem:s26+$0xA2D0] =	vst v3;
	v1 =	vmul.f32 v5, v1  }
0x23f: {  	v3 =	vld [tilespmem:s4+$0x6210]  }
0x240: {  	v47 =	vld [tilespmem:s4+$0x2220];
	[tilespmem:s26+$0xA2E0] =	vst v1  }
0x241: {  	v1 =	vmul.f32 v7, v2;
	v2 =	vld [tilespmem:s4+$0x6220]  }
0x242: {  	v48 =	vld [tilespmem:s4+$0x2230]  }
0x243: {  	v49 =	vld [tilespmem:s4+$0x2240]  }
0x244: {  	[tilespmem:s4+$0xA2F0] =	vst v1;
	v1 =	vld [tilespmem:s4+$0x6230]  }
0x245: {  	v50 =	vld [tilespmem:s4+$0x6240]  }
0x246: {  	v51 =	vld [tilespmem:s4+$0x6250];
	v3 =	vmul.f32 v3, v6  }
0x247: {  	v52 =	vld [tilespmem:s4+$0x6260]  }
0x248: {  	[tilespmem:s4+$0xA210] =	vst v3;
	v2 =	vmul.f32 v2, v47;
	v3 =	vld [tilespmem:s4+$0x2250]  }
0x249: {  	v53 =	vld [tilespmem:s4+$0x2270];
	v1 =	vmul.f32 v1, v48  }
0x24a: {  	[tilespmem:s4+$0xA220] =	vst v2;
	v2 =	vld [tilespmem:s4+$0x2260]  }
0x24b: {  	v54 =	vld [tilespmem:s4+$0x6270];
	[tilespmem:s4+$0xA230] =	vst v1;
	v1 =	vmul.f32 v50, v49  }
0x24c: {  	v55 =	vld [tilespmem:s4+$0x6280]  }
0x24d: {  	v56 =	vld [tilespmem:s4+$0x6290];
	[tilespmem:s4+$0xA240] =	vst v1;
	v1 =	vmul.f32 v51, v3  }
0x24e: {  	v3 =	vld [tilespmem:s4+$0x2280]  }
0x24f: {  	v57 =	vld [tilespmem:s4+$0x22A0];
	[tilespmem:s4+$0xA250] =	vst v1;
	v1 =	vmul.f32 v52, v2  }
0x250: {  	v2 =	vld [tilespmem:s4+$0x2290]  }
0x251: {  	v58 =	vld [tilespmem:s4+$0x62A0];
	[tilespmem:s4+$0xA260] =	vst v1;
	v1 =	vmul.f32 v54, v53  }
0x252: {  	v59 =	vld [tilespmem:s4+$0x62B0]  }
0x253: {  	v60 =	vld [tilespmem:s4+$0x62C0];
	[tilespmem:s4+$0xA270] =	vst v1;
	v1 =	vmul.f32 v55, v3  }
0x254: {  	v61 =	vld [tilespmem:s4+$0x22D0]  }
0x255: {  	v62 =	vld [tilespmem:s4+$0x62D0];
	[tilespmem:s4+$0xA280] =	vst v1;
	v1 =	vmul.f32 v56, v2  }
0x256: {  	v3 =	vld [tilespmem:s4+$0x22B0]  }
0x257: {  	v2 =	vld [tilespmem:s4+$0x22C0];
	[tilespmem:s4+$0xA290] =	vst v1;
	v1 =	vmul.f32 v58, v57  }
0x258: {  	v63 =	vld [tilespmem:s4+$0x62E0]  }
0x259: {  	[tilespmem:s4+$0xA2A0] =	vst v1;
	v1 =	vld [tilespmem:s4+$0x22E0]  }
0x25a: {  	v4 =	vmul.f32 v46, v8  }
0x25b: {  	s25 =	sadd.s32 $0x1, s25;
	v3 =	vmul.f32 v59, v3  }
0x25c: {  	p0 =	sne.s32 s25, $0x4E;
	[tilespmem:s4+$0xA200] =	vst v4;
	v2 =	vmul.f32 v60, v2  }
.Ltmp5:
0x25d: {  	[tilespmem:s4+$0xA2B0] =	vst v3;
	v3 =	vmul.f32 v62, v61;
	(pc) =	sbr.rel @p0 .LBB2_8-.Ltmp5, $4  }
0x25e: {  	[tilespmem:s4+$0xA2C0] =	vst v2;
	v1 =	vmul.f32 v63, v1  }
0x25f: {  	[tilespmem:s4+$0xA2D0] =	vst v3  }
0x260: {  	[tilespmem:s4+$0xA2E0] =	vst v1  }
0x261: {  	[spmem:s3] =	stream.indirect.scatter.add.f32 [tilespmem:s21], [sflag:$0x8], $0x80, s20, s2, $0xb8;
	[tilespmem:$0x1FF00] =	vst v63  }
0x262: {  	_ =	swait.ge [sflag:s13], $0x2000  }
0x263: {  	[sflag:s13] =	ssyncset.done $0x0  }
0x264: {  	[sflag:s13] =	ssyncadd.s32 $0xFFFFE000  }
0x265: {  	_ =	swait.ge [sflag:s14], $0x2000  }
0x266: {  	[sflag:s14] =	ssyncset.done $0x0  }
0x267: {  	[sflag:s14] =	ssyncadd.s32 $0xFFFFE000  }
0x268: {  	_ =	swait.ge [sflag:s23], $0x2000  }
0x269: {  	[sflag:s23] =	ssyncset.done $0x0  }
0x26a: {  	[sflag:s23] =	ssyncadd.s32 $0xFFFFE000  }
0x26b: {  	v1 =	vld [tilespmem:$0x80]  }
0x26c: {  	v2 =	vld [tilespmem:$0x90]  }
0x26d: {  	v3 =	vld [tilespmem:$0xA0]  }
0x26e: {  	v4 =	vld [tilespmem:$0xB0];
	_ =	sdelay $0x1  }
0x26f: {  	[tilespmem:$0xC200] =	vst v1  }
0x270: {  	[tilespmem:$0xC210] =	vst v2  }
0x271: {  	[tilespmem:$0xC220] =	vst v3  }
0x272: {  	s25 =	simm.s32 $0x0;
	[tilespmem:$0xC230] =	vst v4  }
0x273: {  	v1 =	vld [tilespmem:s25+$0x2F0]  }
0x274: {  	v2 =	vld [tilespmem:s25+$0x42F0]  }
0x275: {  	v3 =	vld [tilespmem:s25+$0x200]  }
0x276: {  	v4 =	vld [tilespmem:s25+$0x4200]  }
0x277: {  	v5 =	vld [tilespmem:s25+$0x210]  }
0x278: {  	v6 =	vld [tilespmem:s25+$0x4210]  }
0x279: {  	v7 =	vld [tilespmem:s25+$0x220]  }
0x27a: {  	v8 =	vld [tilespmem:s25+$0x230]  }
0x27b: {  	v1 =	vmul.f32 v2, v1;
	v2 =	vld [tilespmem:s25+$0x4220]  }
0x27c: {  	v3 =	vmul.f32 v4, v3;
	v4 =	vld [tilespmem:s25+$0x240]  }
0x27d: {  	[tilespmem:s25+$0x82F0] =	vst v1;
	v1 =	vld [tilespmem:s25+$0x4230]  }
0x27e: {  	[tilespmem:s25+$0x8200] =	vst v3;
	v3 =	vmul.f32 v6, v5;
	v5 =	vld [tilespmem:s25+$0x4240]  }
0x27f: {  	v6 =	vld [tilespmem:s25+$0x4250]  }
0x280: {  	[tilespmem:s25+$0x8210] =	vst v3;
	v3 =	vld [tilespmem:s25+$0x250];
	v2 =	vmul.f32 v2, v7  }
0x281: {  	v7 =	vld [tilespmem:s25+$0x4260]  }
0x282: {  	[tilespmem:s25+$0x8220] =	vst v2;
	v1 =	vmul.f32 v1, v8;
	v2 =	vld [tilespmem:s25+$0x260]  }
0x283: {  	v8 =	vld [tilespmem:s25+$0x42B0]  }
0x284: {  	[tilespmem:s25+$0x8230] =	vst v1;
	v1 =	vmul.f32 v5, v4;
	v4 =	vld [tilespmem:s25+$0x270]  }
0x285: {  	v5 =	vld [tilespmem:s25+$0x4270]  }
0x286: {  	[tilespmem:s25+$0x8240] =	vst v1;
	v1 =	vmul.f32 v6, v3;
	v3 =	vld [tilespmem:s25+$0x280]  }
0x287: {  	v6 =	vld [tilespmem:s25+$0x4280]  }
0x288: {  	[tilespmem:s25+$0x8250] =	vst v1;
	v1 =	vmul.f32 v7, v2;
	v2 =	vld [tilespmem:s25+$0x290]  }
0x289: {  	v7 =	vld [tilespmem:s25+$0x4290]  }
0x28a: {  	[tilespmem:s25+$0x8260] =	vst v1;
	v1 =	vmul.f32 v5, v4;
	v4 =	vld [tilespmem:s25+$0x2A0]  }
0x28b: {  	v5 =	vld [tilespmem:s25+$0x42A0]  }
0x28c: {  	[tilespmem:s25+$0x8270] =	vst v1;
	v1 =	vmul.f32 v6, v3;
	v6 =	vld [tilespmem:s25+$0x2B0]  }
0x28d: {  	v9 =	vld [tilespmem:s25+$0x42C0]  }
0x28e: {  	[tilespmem:s25+$0x8280] =	vst v1;
	v1 =	vmul.f32 v7, v2;
	v7 =	vld [tilespmem:s25+$0x2C0]  }
0x28f: {  	v3 =	vld [tilespmem:s25+$0x2D0]  }
0x290: {  	[tilespmem:s25+$0x8290] =	vst v1;
	v1 =	vmul.f32 v5, v4;
	v4 =	vld [tilespmem:s25+$0x42D0]  }
0x291: {  	v5 =	vld [tilespmem:s25+$0x42E0];
	v6 =	vmul.f32 v8, v6  }
0x292: {  	s4 =	simm.s32 $0x100;
	[tilespmem:s25+$0x82A0] =	vst v1;
	v1 =	vld [tilespmem:s25+$0x2E0]  }
0x293: {  	s6 =	simm.s32 $0x800;
	v2 =	vld [tilespmem:s4+$0x2F0];
	[tilespmem:s25+$0x82B0] =	vst v6;
	v6 =	vmul.f32 v9, v7  }
.LBB2_14:
0x294: {  	p0 =	sne.s32 s6, $0x7C00;
	v7 =	vld [tilespmem:s4+$0x42F0]  }
0x295: {  	v8 =	vld [tilespmem:s4+$0x200];
	[tilespmem:s25+$0x82C0] =	vst v6;
	v3 =	vmul.f32 v4, v3  }
0x296: {  	v4 =	vld [tilespmem:s4+$0x4200]  }
0x297: {  	v6 =	vld [tilespmem:s4+$0x210];
	[tilespmem:s25+$0x82D0] =	vst v3;
	v1 =	vmul.f32 v5, v1  }
0x298: {  	v3 =	vld [tilespmem:s4+$0x4210]  }
0x299: {  	v5 =	vld [tilespmem:s4+$0x220];
	v2 =	vmul.f32 v7, v2;
	[tilespmem:s25+$0x82E0] =	vst v1;
	s25 =	smov.u32 s4  }
0x29a: {  	v1 =	vld [tilespmem:s25+$0x4220]  }
0x29b: {  	v4 =	vmul.f32 v4, v8;
	v7 =	vld [tilespmem:s25+$0x230];
	[tilespmem:s25+$0x82F0] =	vst v2  }
0x29c: {  	v2 =	vld [tilespmem:s25+$0x4230]  }
0x29d: {  	[tilespmem:s25+$0x8200] =	vst v4;
	v3 =	vmul.f32 v3, v6;
	v4 =	vld [tilespmem:s25+$0x240]  }
0x29e: {  	v6 =	vld [tilespmem:s25+$0x4240]  }
0x29f: {  	[tilespmem:s25+$0x8210] =	vst v3;
	v1 =	vmul.f32 v1, v5;
	v3 =	vld [tilespmem:s25+$0x250]  }
0x2a0: {  	v5 =	vld [tilespmem:s25+$0x4250]  }
0x2a1: {  	[tilespmem:s25+$0x8220] =	vst v1;
	v1 =	vmul.f32 v2, v7;
	v2 =	vld [tilespmem:s25+$0x260]  }
0x2a2: {  	v7 =	vld [tilespmem:s25+$0x4260]  }
0x2a3: {  	[tilespmem:s25+$0x8230] =	vst v1;
	v1 =	vmul.f32 v6, v4;
	v4 =	vld [tilespmem:s25+$0x270]  }
0x2a4: {  	v6 =	vld [tilespmem:s25+$0x4270]  }
0x2a5: {  	[tilespmem:s25+$0x8240] =	vst v1;
	v1 =	vmul.f32 v5, v3;
	v3 =	vld [tilespmem:s25+$0x280]  }
0x2a6: {  	v5 =	vld [tilespmem:s25+$0x4280]  }
0x2a7: {  	[tilespmem:s25+$0x8250] =	vst v1;
	v1 =	vmul.f32 v7, v2;
	v2 =	vld [tilespmem:s25+$0x290]  }
0x2a8: {  	v7 =	vld [tilespmem:s25+$0x4290]  }
0x2a9: {  	[tilespmem:s25+$0x8260] =	vst v1;
	v1 =	vmul.f32 v6, v4;
	v4 =	vld [tilespmem:s25+$0x2A0]  }
0x2aa: {  	v6 =	vld [tilespmem:s25+$0x42A0]  }
0x2ab: {  	[tilespmem:s25+$0x8270] =	vst v1;
	v1 =	vmul.f32 v5, v3;
	v5 =	vld [tilespmem:s25+$0x2B0]  }
0x2ac: {  	v8 =	vld [tilespmem:s25+$0x42B0]  }
0x2ad: {  	[tilespmem:s25+$0x8280] =	vst v1;
	v1 =	vmul.f32 v7, v2;
	v7 =	vld [tilespmem:s25+$0x2C0]  }
0x2ae: {  	v9 =	vld [tilespmem:s25+$0x42C0]  }
.Ltmp6:
0x2af: {  	[tilespmem:s25+$0x8290] =	vst v1;
	v1 =	vmul.f32 v6, v4;
	v3 =	vld [tilespmem:s25+$0x2D0];
	(pc) =	sbr.rel @p0 .LBB2_14-.Ltmp6, $4  }
0x2b0: {  	v4 =	vld [tilespmem:s25+$0x42D0]  }
0x2b1: {  	[tilespmem:s25+$0x82A0] =	vst v1;
	v6 =	vmul.f32 v8, v5;
	v1 =	vld [tilespmem:s25+$0x2E0]  }
0x2b2: {  	s4 =	sshra.s32 s6, $0x2;
	v5 =	vld [tilespmem:s25+$0x42E0]  }
0x2b3: {  	s6 =	sadd.s32 $0x400, s6;
	v2 =	vld [tilespmem:s4+$0x2F0];
	[tilespmem:s25+$0x82B0] =	vst v6;
	v6 =	vmul.f32 v9, v7  }
0x2b4: {  	v7 =	vld [tilespmem:s4+$0x42F0]  }
0x2b5: {  	v8 =	vld [tilespmem:s4+$0x200];
	[tilespmem:s25+$0x82C0] =	vst v6;
	v3 =	vmul.f32 v4, v3  }
0x2b6: {  	v4 =	vld [tilespmem:s4+$0x4200]  }
0x2b7: {  	v6 =	vld [tilespmem:s4+$0x210];
	[tilespmem:s25+$0x82D0] =	vst v3;
	v1 =	vmul.f32 v5, v1  }
0x2b8: {  	v3 =	vld [tilespmem:s4+$0x4210]  }
0x2b9: {  	v5 =	vld [tilespmem:s4+$0x220];
	[tilespmem:s25+$0x82E0] =	vst v1  }
0x2ba: {  	v1 =	vmul.f32 v7, v2;
	v2 =	vld [tilespmem:s4+$0x4220]  }
0x2bb: {  	v7 =	vld [tilespmem:s4+$0x230]  }
0x2bc: {  	v4 =	vmul.f32 v4, v8;
	[tilespmem:s4+$0x82F0] =	vst v1;
	v1 =	vld [tilespmem:s4+$0x4230]  }
0x2bd: {  	v8 =	vld [tilespmem:s4+$0x42E0]  }
0x2be: {  	[tilespmem:s4+$0x8200] =	vst v4;
	v3 =	vmul.f32 v3, v6;
	v4 =	vld [tilespmem:s4+$0x240]  }
0x2bf: {  	v6 =	vld [tilespmem:s4+$0x4240]  }
0x2c0: {  	[tilespmem:s4+$0x8210] =	vst v3;
	v3 =	vld [tilespmem:s4+$0x250]  }
0x2c1: {  	v2 =	vmul.f32 v2, v5;
	v5 =	vld [tilespmem:s4+$0x4250]  }
0x2c2: {  	v1 =	vmul.f32 v1, v7;
	v7 =	vld [tilespmem:s4+$0x4260]  }
0x2c3: {  	[tilespmem:s4+$0x8220] =	vst v2;
	v2 =	vld [tilespmem:s4+$0x260]  }
0x2c4: {  	[tilespmem:s4+$0x8230] =	vst v1;
	v1 =	vmul.f32 v6, v4;
	v4 =	vld [tilespmem:s4+$0x270]  }
0x2c5: {  	v6 =	vld [tilespmem:s4+$0x4270]  }
0x2c6: {  	[tilespmem:s4+$0x8240] =	vst v1;
	v1 =	vmul.f32 v5, v3;
	v3 =	vld [tilespmem:s4+$0x280]  }
0x2c7: {  	v5 =	vld [tilespmem:s4+$0x4280]  }
0x2c8: {  	[tilespmem:s4+$0x8250] =	vst v1;
	v1 =	vmul.f32 v7, v2;
	v2 =	vld [tilespmem:s4+$0x290]  }
0x2c9: {  	v7 =	vld [tilespmem:s4+$0x4290]  }
0x2ca: {  	[tilespmem:s4+$0x8260] =	vst v1;
	v1 =	vmul.f32 v6, v4;
	v4 =	vld [tilespmem:s4+$0x2A0]  }
0x2cb: {  	v6 =	vld [tilespmem:s4+$0x42A0]  }
0x2cc: {  	[tilespmem:s4+$0x8270] =	vst v1;
	v1 =	vmul.f32 v5, v3;
	v3 =	vld [tilespmem:s4+$0x2B0]  }
0x2cd: {  	v5 =	vld [tilespmem:s4+$0x42B0]  }
0x2ce: {  	[tilespmem:s4+$0x8280] =	vst v1;
	v1 =	vmul.f32 v7, v2;
	v2 =	vld [tilespmem:s4+$0x2C0]  }
0x2cf: {  	v7 =	vld [tilespmem:s4+$0x42C0]  }
0x2d0: {  	[tilespmem:s4+$0x8290] =	vst v1;
	v1 =	vmul.f32 v6, v4;
	v4 =	vld [tilespmem:s4+$0x2D0]  }
0x2d1: {  	v6 =	vld [tilespmem:s4+$0x42D0]  }
0x2d2: {  	[tilespmem:s4+$0x82A0] =	vst v1;
	v1 =	vld [tilespmem:s4+$0x2E0];
	_ =	sdelay $0x1  }
0x2d3: {  	v3 =	vmul.f32 v5, v3  }
0x2d4: {  	v2 =	vmul.f32 v7, v2  }
0x2d5: {  	[tilespmem:s4+$0x82B0] =	vst v3;
	v3 =	vmul.f32 v6, v4  }
0x2d6: {  	[tilespmem:s4+$0x82C0] =	vst v2;
	v1 =	vmul.f32 v8, v1  }
0x2d7: {  	[tilespmem:s4+$0x82D0] =	vst v3  }
0x2d8: {  	[tilespmem:s4+$0x82E0] =	vst v1  }
0x2d9: {  	[spmem:s3] =	stream.indirect.scatter.add.f32 [tilespmem:s30], [sflag:$0x9], $0x80, s15, s2, $0xb8;
	[tilespmem:$0x1FF00] =	vst v63  }
0x2da: {  	_ =	swait.ge [sflag:s31], $0x2000  }
0x2db: {  	[sflag:s31] =	ssyncset.done $0x0  }
0x2dc: {  	[sflag:s31] =	ssyncadd.s32 $0xFFFFE000  }
0x2dd: {  	_ =	swait.ge [sflag:s10], $0x100  }
0x2de: {  	[sflag:s10] =	ssyncset.done $0x0  }
0x2df: {  	[sflag:s10] =	ssyncadd.s32 $0xFFFFFF00  }
0x2e0: {  	[tilespmem:s11], [sflag:$0x4] =	stream.indirect.gather [hbm4b:s0+s2], $0x80, s1, s2, $0xb8;
	[tilespmem:$0x1FF00] =	vst v63  }
0x2e1: {  	s29 =	simm.s32 $0x0;
	s6 =	rddreg [dreg:$0x13]  }
0x2e2: {  	[tilespmem:s12], [sflag:$0x6] =	stream.linear.gather [hbm4b:s6+s29], $0x2000, $0x38;
	[tilespmem:$0x1FF00] =	vst v63  }
0x2e3: {  	_ =	swait.ge [sflag:s18], $0x2000  }
0x2e4: {  	[sflag:s18] =	ssyncset.done $0x0  }
0x2e5: {  	[sflag:s18] =	ssyncadd.s32 $0xFFFFE000  }
0x2e6: {  	_ =	swait.ge [sflag:s19], $0x2000  }
0x2e7: {  	[sflag:s19] =	ssyncset.done $0x0  }
0x2e8: {  	[sflag:s19] =	ssyncadd.s32 $0xFFFFE000  }
0x2e9: {  	_ =	swait.ge [sflag:s24], $0x2000  }
0x2ea: {  	[sflag:s24] =	ssyncset.done $0x0  }
0x2eb: {  	[sflag:s24] =	ssyncadd.s32 $0xFFFFE000  }
0x2ec: {  	v1 =	vld [tilespmem:$0x180]  }
0x2ed: {  	v2 =	vld [tilespmem:$0x190]  }
0x2ee: {  	v3 =	vld [tilespmem:$0x1A0]  }
0x2ef: {  	v4 =	vld [tilespmem:$0x1B0];
	_ =	sdelay $0x1  }
0x2f0: {  	[tilespmem:$0xC280] =	vst v1  }
0x2f1: {  	[tilespmem:$0xC290] =	vst v2  }
0x2f2: {  	[tilespmem:$0xC2A0] =	vst v3  }
0x2f3: {  	s25 =	simm.s32 $0x0;
	[tilespmem:$0xC2B0] =	vst v4  }
0x2f4: {  	v1 =	vld [tilespmem:s25+$0x22F0]  }
0x2f5: {  	v2 =	vld [tilespmem:s25+$0x62F0]  }
0x2f6: {  	v3 =	vld [tilespmem:s25+$0x2200]  }
0x2f7: {  	v4 =	vld [tilespmem:s25+$0x6200]  }
0x2f8: {  	v5 =	vld [tilespmem:s25+$0x2210]  }
0x2f9: {  	v6 =	vld [tilespmem:s25+$0x6210]  }
0x2fa: {  	v7 =	vld [tilespmem:s25+$0x2220]  }
0x2fb: {  	v8 =	vld [tilespmem:s25+$0x2230]  }
0x2fc: {  	v1 =	vmul.f32 v2, v1;
	v2 =	vld [tilespmem:s25+$0x6220]  }
0x2fd: {  	v3 =	vmul.f32 v4, v3;
	v4 =	vld [tilespmem:s25+$0x2240]  }
0x2fe: {  	[tilespmem:s25+$0xA2F0] =	vst v1;
	v1 =	vld [tilespmem:s25+$0x6230]  }
0x2ff: {  	[tilespmem:s25+$0xA200] =	vst v3;
	v3 =	vmul.f32 v6, v5;
	v5 =	vld [tilespmem:s25+$0x6240]  }
0x300: {  	v6 =	vld [tilespmem:s25+$0x6250]  }
0x301: {  	[tilespmem:s25+$0xA210] =	vst v3;
	v3 =	vld [tilespmem:s25+$0x2250];
	v2 =	vmul.f32 v2, v7  }
0x302: {  	v7 =	vld [tilespmem:s25+$0x6260]  }
0x303: {  	[tilespmem:s25+$0xA220] =	vst v2;
	v1 =	vmul.f32 v1, v8;
	v2 =	vld [tilespmem:s25+$0x2260]  }
0x304: {  	v8 =	vld [tilespmem:s25+$0x62B0]  }
0x305: {  	[tilespmem:s25+$0xA230] =	vst v1;
	v1 =	vmul.f32 v5, v4;
	v4 =	vld [tilespmem:s25+$0x2270]  }
0x306: {  	v5 =	vld [tilespmem:s25+$0x6270]  }
0x307: {  	[tilespmem:s25+$0xA240] =	vst v1;
	v1 =	vmul.f32 v6, v3;
	v3 =	vld [tilespmem:s25+$0x2280]  }
0x308: {  	v6 =	vld [tilespmem:s25+$0x6280]  }
0x309: {  	[tilespmem:s25+$0xA250] =	vst v1;
	v1 =	vmul.f32 v7, v2;
	v2 =	vld [tilespmem:s25+$0x2290]  }
0x30a: {  	v7 =	vld [tilespmem:s25+$0x6290]  }
0x30b: {  	[tilespmem:s25+$0xA260] =	vst v1;
	v1 =	vmul.f32 v5, v4;
	v4 =	vld [tilespmem:s25+$0x22A0]  }
0x30c: {  	v5 =	vld [tilespmem:s25+$0x62A0]  }
0x30d: {  	[tilespmem:s25+$0xA270] =	vst v1;
	v1 =	vmul.f32 v6, v3;
	v6 =	vld [tilespmem:s25+$0x22B0]  }
0x30e: {  	v9 =	vld [tilespmem:s25+$0x62C0]  }
0x30f: {  	[tilespmem:s25+$0xA280] =	vst v1;
	v1 =	vmul.f32 v7, v2;
	v7 =	vld [tilespmem:s25+$0x22C0]  }
0x310: {  	v3 =	vld [tilespmem:s25+$0x22D0]  }
0x311: {  	[tilespmem:s25+$0xA290] =	vst v1;
	v1 =	vmul.f32 v5, v4;
	v4 =	vld [tilespmem:s25+$0x62D0]  }
0x312: {  	v5 =	vld [tilespmem:s25+$0x62E0];
	v6 =	vmul.f32 v8, v6  }
0x313: {  	s4 =	simm.s32 $0x100;
	[tilespmem:s25+$0xA2A0] =	vst v1;
	v1 =	vld [tilespmem:s25+$0x22E0]  }
0x314: {  	s6 =	simm.s32 $0x800;
	s26 =	rddreg [dreg:$0x5];
	v2 =	vld [tilespmem:s4+$0x22F0];
	[tilespmem:s25+$0xA2B0] =	vst v6;
	v6 =	vmul.f32 v9, v7  }
.LBB2_16:
0x315: {  	p0 =	sne.s32 s6, $0x7C00;
	v7 =	vld [tilespmem:s4+$0x62F0]  }
0x316: {  	v8 =	vld [tilespmem:s4+$0x2200];
	[tilespmem:s25+$0xA2C0] =	vst v6;
	v3 =	vmul.f32 v4, v3  }
0x317: {  	v4 =	vld [tilespmem:s4+$0x6200]  }
0x318: {  	v6 =	vld [tilespmem:s4+$0x2210];
	[tilespmem:s25+$0xA2D0] =	vst v3;
	v1 =	vmul.f32 v5, v1  }
0x319: {  	v3 =	vld [tilespmem:s4+$0x6210]  }
0x31a: {  	v5 =	vld [tilespmem:s4+$0x2220];
	v2 =	vmul.f32 v7, v2;
	[tilespmem:s25+$0xA2E0] =	vst v1;
	s25 =	smov.u32 s4  }
0x31b: {  	v1 =	vld [tilespmem:s25+$0x6220]  }
0x31c: {  	v4 =	vmul.f32 v4, v8;
	v7 =	vld [tilespmem:s25+$0x2230];
	[tilespmem:s25+$0xA2F0] =	vst v2  }
0x31d: {  	v2 =	vld [tilespmem:s25+$0x6230]  }
0x31e: {  	[tilespmem:s25+$0xA200] =	vst v4;
	v3 =	vmul.f32 v3, v6;
	v4 =	vld [tilespmem:s25+$0x2240]  }
0x31f: {  	v6 =	vld [tilespmem:s25+$0x6240]  }
0x320: {  	[tilespmem:s25+$0xA210] =	vst v3;
	v1 =	vmul.f32 v1, v5;
	v3 =	vld [tilespmem:s25+$0x2250]  }
0x321: {  	v5 =	vld [tilespmem:s25+$0x6250]  }
0x322: {  	[tilespmem:s25+$0xA220] =	vst v1;
	v1 =	vmul.f32 v2, v7;
	v2 =	vld [tilespmem:s25+$0x2260]  }
0x323: {  	v7 =	vld [tilespmem:s25+$0x6260]  }
0x324: {  	[tilespmem:s25+$0xA230] =	vst v1;
	v1 =	vmul.f32 v6, v4;
	v4 =	vld [tilespmem:s25+$0x2270]  }
0x325: {  	v6 =	vld [tilespmem:s25+$0x6270]  }
0x326: {  	[tilespmem:s25+$0xA240] =	vst v1;
	v1 =	vmul.f32 v5, v3;
	v3 =	vld [tilespmem:s25+$0x2280]  }
0x327: {  	v5 =	vld [tilespmem:s25+$0x6280]  }
0x328: {  	[tilespmem:s25+$0xA250] =	vst v1;
	v1 =	vmul.f32 v7, v2;
	v2 =	vld [tilespmem:s25+$0x2290]  }
0x329: {  	v7 =	vld [tilespmem:s25+$0x6290]  }
0x32a: {  	[tilespmem:s25+$0xA260] =	vst v1;
	v1 =	vmul.f32 v6, v4;
	v4 =	vld [tilespmem:s25+$0x22A0]  }
0x32b: {  	v6 =	vld [tilespmem:s25+$0x62A0]  }
0x32c: {  	[tilespmem:s25+$0xA270] =	vst v1;
	v1 =	vmul.f32 v5, v3;
	v5 =	vld [tilespmem:s25+$0x22B0]  }
0x32d: {  	v8 =	vld [tilespmem:s25+$0x62B0]  }
0x32e: {  	[tilespmem:s25+$0xA280] =	vst v1;
	v1 =	vmul.f32 v7, v2;
	v7 =	vld [tilespmem:s25+$0x22C0]  }
0x32f: {  	v9 =	vld [tilespmem:s25+$0x62C0]  }
.Ltmp7:
0x330: {  	[tilespmem:s25+$0xA290] =	vst v1;
	v1 =	vmul.f32 v6, v4;
	v3 =	vld [tilespmem:s25+$0x22D0];
	(pc) =	sbr.rel @p0 .LBB2_16-.Ltmp7, $4  }
0x331: {  	v4 =	vld [tilespmem:s25+$0x62D0]  }
0x332: {  	[tilespmem:s25+$0xA2A0] =	vst v1;
	v6 =	vmul.f32 v8, v5;
	v1 =	vld [tilespmem:s25+$0x22E0]  }
0x333: {  	s4 =	sshra.s32 s6, $0x2;
	v5 =	vld [tilespmem:s25+$0x62E0]  }
0x334: {  	s6 =	sadd.s32 $0x400, s6;
	v2 =	vld [tilespmem:s4+$0x22F0];
	[tilespmem:s25+$0xA2B0] =	vst v6;
	v6 =	vmul.f32 v9, v7  }
0x335: {  	v7 =	vld [tilespmem:s4+$0x62F0]  }
0x336: {  	v8 =	vld [tilespmem:s4+$0x2200];
	[tilespmem:s25+$0xA2C0] =	vst v6;
	v3 =	vmul.f32 v4, v3  }
0x337: {  	v46 =	vld [tilespmem:s4+$0x6200]  }
0x338: {  	v6 =	vld [tilespmem:s4+$0x2210];
	[tilespmem:s25+$0xA2D0] =	vst v3;
	v1 =	vmul.f32 v5, v1  }
0x339: {  	v3 =	vld [tilespmem:s4+$0x6210]  }
0x33a: {  	v47 =	vld [tilespmem:s4+$0x2220];
	[tilespmem:s25+$0xA2E0] =	vst v1  }
0x33b: {  	v1 =	vmul.f32 v7, v2;
	v2 =	vld [tilespmem:s4+$0x6220]  }
0x33c: {  	v48 =	vld [tilespmem:s4+$0x2230]  }
0x33d: {  	v49 =	vld [tilespmem:s4+$0x2240]  }
0x33e: {  	[tilespmem:s4+$0xA2F0] =	vst v1;
	v1 =	vld [tilespmem:s4+$0x6230]  }
0x33f: {  	v50 =	vld [tilespmem:s4+$0x6240]  }
0x340: {  	v51 =	vld [tilespmem:s4+$0x6250];
	v3 =	vmul.f32 v3, v6  }
0x341: {  	v52 =	vld [tilespmem:s4+$0x6260]  }
0x342: {  	[tilespmem:s4+$0xA210] =	vst v3;
	v2 =	vmul.f32 v2, v47;
	v3 =	vld [tilespmem:s4+$0x2250]  }
0x343: {  	v53 =	vld [tilespmem:s4+$0x2270];
	v1 =	vmul.f32 v1, v48  }
0x344: {  	[tilespmem:s4+$0xA220] =	vst v2;
	v2 =	vld [tilespmem:s4+$0x2260]  }
0x345: {  	v54 =	vld [tilespmem:s4+$0x6270];
	[tilespmem:s4+$0xA230] =	vst v1;
	v1 =	vmul.f32 v50, v49  }
0x346: {  	v55 =	vld [tilespmem:s4+$0x6280]  }
0x347: {  	v56 =	vld [tilespmem:s4+$0x6290];
	[tilespmem:s4+$0xA240] =	vst v1;
	v1 =	vmul.f32 v51, v3  }
0x348: {  	v3 =	vld [tilespmem:s4+$0x2280]  }
0x349: {  	v57 =	vld [tilespmem:s4+$0x22A0];
	[tilespmem:s4+$0xA250] =	vst v1;
	v1 =	vmul.f32 v52, v2  }
0x34a: {  	v2 =	vld [tilespmem:s4+$0x2290]  }
0x34b: {  	v58 =	vld [tilespmem:s4+$0x62A0];
	[tilespmem:s4+$0xA260] =	vst v1;
	v1 =	vmul.f32 v54, v53  }
0x34c: {  	v59 =	vld [tilespmem:s4+$0x62B0]  }
0x34d: {  	v60 =	vld [tilespmem:s4+$0x62C0];
	[tilespmem:s4+$0xA270] =	vst v1;
	v1 =	vmul.f32 v55, v3  }
0x34e: {  	v61 =	vld [tilespmem:s4+$0x22D0]  }
0x34f: {  	v62 =	vld [tilespmem:s4+$0x62D0];
	[tilespmem:s4+$0xA280] =	vst v1;
	v1 =	vmul.f32 v56, v2  }
0x350: {  	v3 =	vld [tilespmem:s4+$0x22B0]  }
0x351: {  	v2 =	vld [tilespmem:s4+$0x22C0];
	[tilespmem:s4+$0xA290] =	vst v1;
	v1 =	vmul.f32 v58, v57  }
0x352: {  	v63 =	vld [tilespmem:s4+$0x62E0]  }
0x353: {  	[tilespmem:s4+$0xA2A0] =	vst v1;
	v1 =	vld [tilespmem:s4+$0x22E0]  }
0x354: {  	v4 =	vmul.f32 v46, v8  }
0x355: {  	v3 =	vmul.f32 v59, v3  }
0x356: {  	[tilespmem:s4+$0xA200] =	vst v4;
	v2 =	vmul.f32 v60, v2  }
0x357: {  	[tilespmem:s4+$0xA2B0] =	vst v3;
	v3 =	vmul.f32 v62, v61  }
0x358: {  	[tilespmem:s4+$0xA2C0] =	vst v2;
	v1 =	vmul.f32 v63, v1  }
0x359: {  	[tilespmem:s4+$0xA2D0] =	vst v3  }
0x35a: {  	[tilespmem:s4+$0xA2E0] =	vst v1  }
0x35b: {  	[spmem:s3] =	stream.indirect.scatter.add.f32 [tilespmem:s21], [sflag:$0x9], $0x80, s20, s2, $0xb8;
	[tilespmem:$0x1FF00] =	vst v63  }
0x35c: {  	_ =	swait.ge [sflag:s31], $0x2000  }
0x35d: {  	[sflag:s31] =	ssyncset.done $0x0  }
0x35e: {  	s28 =	stileid.u32;
	[sflag:s31] =	ssyncadd.s32 $0xFFFFE000  }
0x35f: {  	s4 =	sshll.u32 s28, $0x6;
	[bflag:$0x0] =	sbarrier.arrive $0xFFFF  }
0x360: {  	s6 =	sshrl.u32 s26, $0x3;
	s4 =	sor.u32 $0x1C09, s4;
	s29 =	rddreg [dreg:$0x14]  }
0x361: {  	[hbm:s29], [sflag:s4] =	dma.local [spmem:s6], $0x2780  }
0x362: {  	_ =	swait.ge [sflag:s31], $0x2780  }
0x363: {  	s28 =	rddreg [dreg:$0x4]  }
0x364: {  	s29 =	rddreg [dreg:$0x15];
	s25 =	sadd.s32 $0x1, s28  }
0x365: {  	p0 =	sne.s32 s25, s29  }
.Ltmp8:
0x366: {  	_ = 	snop;
	(pc) =	sbr.rel @p0 .LBB2_1-.Ltmp8, $3  }
0x367: {  	_ =	sdelay $0x1  }
0x368: {  	[sflag:s31] =	ssyncset.done $0x0  }
0x369: {  	[sflag:s31] =	ssyncadd.s32 $0xFFFFD880  }
0x36a: {  	_ =	sfence.sel $0x180000  }
0x36b: {  	[bflag:$0x0] =	sbarrier.arrive $0xFFFF  }
0x36c: {  	_ =	strace $0x90000047  }
0x36d: {  	s0 =	stileid.u32;
	[bflag:$0x2] =	sbarrier.arrive $0xFFFF  }
0x36e: {  	p0 =	sne.s32 s0, $0x0;
	s0 =	rddreg [dreg:$0x3]  }
0x36f: {  	s0 =	sadd.s32 @!p0 $0x100000, s0  }
0x370: {  	[sflag:s0] =	ssyncadd.tile.s32 @!p0 $0x1;
	_ =	shalt  }
.Lfunc_end2:
_tile_overlayer_lowered:
.L_overlay_start_2:
0x371: {  	(tag) =	ssettag $0x2  }
0x372: {  	s0 =	rddreg [dreg:$0x0];
	s2 =	stileid.u32  }
0x373: {  	s1 =	rddreg [dreg:$0x1];
	p0 =	sne.s32 s2, $0x0  }
0x374: {  	s3 =	rddreg [dreg:$0x2];
	[bflag:$0x3] =	sbarrier.arrive $0xFFFF;
	s2 =	simm.s32 @!p0 $0x1C09  }
0x375: {  	[timem:s3], [sflag:s2] =	dma.local @!p0 [hbm:s0], s1  }
0x376: {  	s0 =	simm.s32 @!p0 $0x9  }
0x377: {  	_ =	swait.ge @!p0 [sflag:s0], s1  }
0x378: {  	s1 =	ssub.s32 @!p0 $0x0, s1;
	[sflag:s0] =	ssyncset.done @!p0 $0x0  }
0x379: {  	[sflag:s0] =	ssyncadd.s32 @!p0 s1  }
0x37a: {  	[bflag:$0x3] =	sbarrier.arrive $0xFFFF  }
0x37b: {  	_ =	shalt  }

</sc_bundles>
